<compile_context>
chip_gen: v7x
topology: tpu7x:2x2x1
jax: 0.10.2.dev20260603
libtpu: 0.0.44.dev20260713+nightly
codegen_flags: <defaults>
</compile_context>

<pallas_src>
import functools

import jax
import jax.numpy as jnp
from jax import lax
from jax.experimental import pallas as pl
from jax.experimental.pallas import tpu as pltpu
from jax.experimental.pallas import tpu_sc as plsc

NUM_DOCS = 256
SEQ = 150
SEQP = 160
E_PER = 2400
EMB = 128
HID = 128
ATT = 128

NC = 2
NS = 16
NW = NC * NS
CHUNKS = 4
ND = NUM_DOCS // CHUNKS
DOCS_PER_W = ND // NW
EGROUPS = E_PER // 16
IDX_HALF = SEQP // 2


def _edge_pass(abuf, edges, val):
    vals = jnp.full((16,), val, jnp.float32)

    def body(g, c):
        s = edges[0, pl.ds(g * 16, 16)]
        t = edges[1, pl.ds(g * 16, 16)]
        plsc.addupdate_scatter(abuf, [t, s], vals)
        return c
    lax.fori_loop(0, EGROUPS, body, 0, unroll=5)


def _sc_body(sents_hbm, adj_hbm, table_hbm, x_hbm, a_hbm,
             idx_all, r0, r1, r2, r3, r4, r5, e0, e1, ab,
             sem_g0, sem_g1, sem_g2, sem_x0, sem_x1, sem_x2,
             sem_e0, sem_e1, sem_a0, sem_a1):
    wid = lax.axis_index("s") * NC + lax.axis_index("c")
    base = wid * DOCS_PER_W
    rows_h = [r0, r1, r2, r3, r4, r5]
    ebuf = [e0, e1]
    sem_g = [sem_g0, sem_g1, sem_g2]
    sem_x = [sem_x0, sem_x1, sem_x2]
    sem_e = [sem_e0, sem_e1]
    sem_a = [sem_a0, sem_a1]
    zeros = jnp.zeros((16,), jnp.float32)

    pltpu.sync_copy(sents_hbm.at[pl.ds(base, DOCS_PER_W)], idx_all)
    h_e = [pltpu.async_copy(adj_hbm.at[base], e0, sem_e0), None]

    IQ = IDX_HALF // 2

    def _gather(k):
        m = k % 3
        hs = []
        for h in range(2):
            for q in range(2):
                hs.append(pltpu.async_copy(
                    table_hbm.at[idx_all.at[k, h, pl.ds(q * IQ, IQ)]],
                    rows_h[2 * m + h].at[pl.ds(q * IQ, IQ)], sem_g[m]))
        return tuple(hs)

    def _xout(k):
        m = k % 3
        doc = base + k
        return (
            pltpu.async_copy(rows_h[2 * m],
                             x_hbm.at[pl.ds(doc * SEQP, IDX_HALF)], sem_x[m]),
            pltpu.async_copy(rows_h[2 * m + 1],
                             x_hbm.at[pl.ds(doc * SEQP + IDX_HALF, IDX_HALF)],
                             sem_x[m]),
        )

    h_g = {0: _gather(0)}
    if DOCS_PER_W > 1:
        h_g[1] = _gather(1)
    h_x = {}

    def zbody(r, c):
        for j in range(SEQP // 16):
            ab[r, pl.ds(j * 16, 16)] = zeros
        return c
    lax.fori_loop(0, SEQP, zbody, 0, unroll=2)

    for k in range(DOCS_PER_W):
        b = k % 2
        ob = 1 - b
        doc = base + k
        if k < DOCS_PER_W - 1:
            h_e[ob] = pltpu.async_copy(adj_hbm.at[doc + 1], ebuf[ob],
                                       sem_e[ob])
        h_e[b].wait()
        _edge_pass(ab, ebuf[b], 1.0)
        h_a = pltpu.async_copy(ab, a_hbm.at[doc], sem_a[k % 2])
        for h in h_g[k]:
            h.wait()
        h_x[k] = _xout(k)
        if k + 2 < DOCS_PER_W:
            if k >= 1:
                h_x[k - 1][0].wait()
                h_x[k - 1][1].wait()
            h_g[k + 2] = _gather(k + 2)
        h_a.wait()
        if k < DOCS_PER_W - 1:
            _edge_pass(ab, ebuf[b], -1.0)
    for k in range(max(0, DOCS_PER_W - 3), DOCS_PER_W):
        h_x[k][0].wait()
        h_x[k][1].wait()


_sc_kernel = functools.partial(
    pl.kernel,
    out_type=(
        jax.ShapeDtypeStruct((ND * SEQP, EMB), jnp.float32),
        jax.ShapeDtypeStruct((ND, SEQP, SEQP), jnp.float32),
    ),
    mesh=plsc.VectorSubcoreMesh(core_axis_name="c", subcore_axis_name="s",
                                num_cores=NC, num_subcores=NS),
    compiler_params=pltpu.CompilerParams(needs_layout_passes=False),
    scratch_types=[
        pltpu.VMEM((DOCS_PER_W, 2, IDX_HALF), jnp.int32),
        pltpu.VMEM((IDX_HALF, EMB), jnp.float32),
        pltpu.VMEM((IDX_HALF, EMB), jnp.float32),
        pltpu.VMEM((IDX_HALF, EMB), jnp.float32),
        pltpu.VMEM((IDX_HALF, EMB), jnp.float32),
        pltpu.VMEM((IDX_HALF, EMB), jnp.float32),
        pltpu.VMEM((IDX_HALF, EMB), jnp.float32),
        pltpu.VMEM((2, E_PER), jnp.int32),
        pltpu.VMEM((2, E_PER), jnp.int32),
        pltpu.VMEM((SEQP, SEQP), jnp.float32),
        pltpu.SemaphoreType.DMA,
        pltpu.SemaphoreType.DMA,
        pltpu.SemaphoreType.DMA,
        pltpu.SemaphoreType.DMA,
        pltpu.SemaphoreType.DMA,
        pltpu.SemaphoreType.DMA,
        pltpu.SemaphoreType.DMA,
        pltpu.SemaphoreType.DMA,
        pltpu.SemaphoreType.DMA,
        pltpu.SemaphoreType.DMA,
    ],
)(_sc_body)


BD = 32


def _tc_body(a_ref, x_ref, wg_ref, bg_ref, g_ref, b_ref, wa_ref, ba_ref,
             wc_ref, so_ref, aw_ref):
    riota = lax.broadcasted_iota(jnp.int32, (1, SEQP, 1), 1)
    real_r = (riota < SEQ).astype(jnp.float32)
    a = a_ref[...]
    deg = jnp.sum(a, axis=2, keepdims=True) + real_r
    dinv = jnp.where(deg > 0.0, lax.rsqrt(deg), 0.0)
    r2 = lax.broadcasted_iota(jnp.int32, (SEQP, SEQP), 0)
    c2 = lax.broadcasted_iota(jnp.int32, (SEQP, SEQP), 1)
    eye = jnp.where((r2 == c2) & (r2 < SEQ), 1.0, 0.0)
    xall = x_ref[...].reshape(BD * SEQP, EMB)
    xw = jnp.dot(xall, wg_ref[...], preferred_element_type=jnp.float32)
    xwn = xw.reshape(BD, SEQP, HID) * dinv
    msgs = [
        jnp.dot(a[i] + eye, xwn[i], preferred_element_type=jnp.float32)
        for i in range(BD)
    ]
    msg = jnp.stack(msgs, axis=0)
    out = msg * dinv + bg_ref[...]
    mu = jnp.mean(out, axis=2, keepdims=True)
    var = jnp.mean((out - mu) ** 2, axis=2, keepdims=True)
    normed = (out - mu) * lax.rsqrt(var + 1e-5) * g_ref[...] + b_ref[...]
    t = jnp.tanh(
        lax.dot_general(normed.reshape(BD * SEQP, HID), wa_ref[...],
                        (((1,), (1,)), ((), ())),
                        preferred_element_type=jnp.float32) + ba_ref[...])
    l = jnp.sum(t.reshape(BD, SEQP, ATT) * wc_ref[...], axis=2)
    ciota = lax.broadcasted_iota(jnp.int32, (BD, SEQP), 1)
    l = jnp.where(ciota < SEQ, l, -1e30)
    m = jnp.max(l, axis=1, keepdims=True)
    e = jnp.exp(l - m)
    w = e / jnp.sum(e, axis=1, keepdims=True)
    aw_ref[...] = w
    so_ref[...] = jnp.sum(out * w[:, :, None], axis=1)


_tc_call = pl.pallas_call(
    _tc_body,
    grid=(ND // BD,),
    in_specs=[
        pl.BlockSpec((BD, SEQP, SEQP), lambda d: (d, 0, 0)),
        pl.BlockSpec((BD, SEQP, EMB), lambda d: (d, 0, 0)),
        pl.BlockSpec((EMB, HID), lambda d: (0, 0)),
        pl.BlockSpec((1, HID), lambda d: (0, 0)),
        pl.BlockSpec((1, HID), lambda d: (0, 0)),
        pl.BlockSpec((1, HID), lambda d: (0, 0)),
        pl.BlockSpec((ATT, HID), lambda d: (0, 0)),
        pl.BlockSpec((1, ATT), lambda d: (0, 0)),
        pl.BlockSpec((1, ATT), lambda d: (0, 0)),
    ],
    out_specs=[
        pl.BlockSpec((BD, HID), lambda d: (d, 0)),
        pl.BlockSpec((BD, SEQP), lambda d: (d, 0)),
    ],
    out_shape=[
        jax.ShapeDtypeStruct((ND, HID), jnp.float32),
        jax.ShapeDtypeStruct((ND, SEQP), jnp.float32),
    ],
)


def kernel(sents, code_lenth, adj_tensor, emb_table, W_gcn, b_gcn,
           ln_gamma, ln_beta, W_att, b_att, W_ctx):
    del code_lenth
    sents_pad = jnp.concatenate(
        [sents, jnp.zeros((NUM_DOCS, SEQP - SEQ), jnp.int32)], axis=1
    ).reshape(NUM_DOCS, 2, IDX_HALF)
    scs = [
        _sc_kernel(sents_pad[c * ND:(c + 1) * ND],
                   adj_tensor[c * ND:(c + 1) * ND], emb_table)
        for c in range(CHUNKS)
    ]
    outs = [
        _tc_call(a3, x_flat.reshape(ND, SEQP, EMB), W_gcn,
                 b_gcn.reshape(1, HID), ln_gamma.reshape(1, HID),
                 ln_beta.reshape(1, HID), W_att, b_att.reshape(1, ATT),
                 W_ctx)
        for x_flat, a3 in scs
    ]
    sents_out = jnp.concatenate([o[0] for o in outs], axis=0)
    attw = jnp.concatenate([o[1] for o in outs], axis=0)
    return sents_out, attw[:, :SEQ]

# --- scband reference (transcript-rebuilt; emitter-appended) ---
"""Pipeline reference for scband-word-attention-27625229648602 (READ-ONLY COPY).

The authoritative reference and input builder live on the scoring server;
editing this copy changes nothing except your own understanding.
"""

import jax, jax.numpy as jnp
import numpy as np

NUM_DOCS = 256
SEQ = 150
E_PER = 2400
VOCAB = 100000
EMB = 128
HID = 128
ATT = 128
N = NUM_DOCS * SEQ


def setup_inputs(seed: int = 0) -> dict:
    key = jax.random.key(seed)
    ks = jax.random.split(key, 12)
    sents = jax.random.randint(ks[0], (NUM_DOCS, SEQ), 0, VOCAB, dtype=jnp.int32)
    code_lenth = jnp.ones((NUM_DOCS,), dtype=jnp.int32)
    adj_tensor = jax.random.randint(ks[1], (NUM_DOCS, 2, E_PER), 0, SEQ, dtype=jnp.int32)
    emb_table = jax.random.normal(ks[2], (VOCAB, EMB), dtype=jnp.float32) * 0.02
    W_gcn = jax.random.normal(ks[3], (EMB, HID), dtype=jnp.float32) * 0.05
    b_gcn = jnp.zeros((HID,), dtype=jnp.float32)
    ln_gamma = jnp.ones((HID,), dtype=jnp.float32)
    ln_beta = jnp.zeros((HID,), dtype=jnp.float32)
    W_att = jax.random.normal(ks[4], (ATT, HID), dtype=jnp.float32) * 0.05
    b_att = jnp.zeros((ATT,), dtype=jnp.float32)
    W_ctx = jax.random.normal(ks[5], (1, ATT), dtype=jnp.float32) * 0.05
    return {"sents": sents, "code_lenth": code_lenth, "adj_tensor": adj_tensor,
            "emb_table": emb_table, "W_gcn": W_gcn, "b_gcn": b_gcn,
            "ln_gamma": ln_gamma, "ln_beta": ln_beta,
            "W_att": W_att, "b_att": b_att, "W_ctx": W_ctx}


def _gcn_conv(x, edge_index, W, b, num_nodes):
    # torch_geometric GCNConv: x' = D^{-1/2} (A + I) D^{-1/2} X W + b
    xw = x @ W
    src, dst = edge_index[0], edge_index[1]
    loop = jnp.arange(num_nodes, dtype=src.dtype)
    src = jnp.concatenate([src, loop])
    dst = jnp.concatenate([dst, loop])
    deg = jnp.zeros((num_nodes,), dtype=xw.dtype).at[dst].add(1.0)
    dinv = jnp.where(deg > 0, deg ** -0.5, 0.0)
    norm = dinv[src] * dinv[dst]
    msgs = xw[src] * norm[:, None]
    out = jnp.zeros_like(xw).at[dst].add(msgs)
    return out + b


def _layer_norm(x, gamma, beta, eps=1e-5):
    mu = x.mean(axis=-1, keepdims=True)
    var = ((x - mu) ** 2).mean(axis=-1, keepdims=True)
    return (x - mu) / jnp.sqrt(var + eps) * gamma + beta


def reference(sents, code_lenth, adj_tensor, emb_table, W_gcn, b_gcn,
              ln_gamma, ln_beta, W_att, b_att, W_ctx):
    # embedding lookup, flatten docs into one batched graph (Batch.from_data_list)
    x = emb_table[sents.reshape(-1)]  # [N, EMB]
    offsets = (jnp.arange(NUM_DOCS, dtype=adj_tensor.dtype) * SEQ)
    ei = adj_tensor + offsets[:, None, None]
    edge_index = jnp.transpose(ei, (1, 0, 2)).reshape(2, -1)  # [2, NUM_DOCS*E_PER]
    word_out = _gcn_conv(x, edge_index, W_gcn, b_gcn, N)  # [N, HID]
    normed = _layer_norm(word_out, ln_gamma, ln_beta)
    att = jnp.tanh(normed @ W_att.T + b_att)
    att = (att @ W_ctx.T)[:, 0]  # [N]
    val = att.max()
    att = jnp.exp(att - val)
    att = att.reshape(NUM_DOCS, SEQ)  # sum(code_lenth) == NUM_DOCS
    att_weights = att / jnp.sum(att, axis=1, keepdims=True)
    wo = word_out.reshape(NUM_DOCS, SEQ, HID)
    sents_out = (wo * att_weights[:, :, None]).sum(axis=1)
    return sents_out, att_weights

if __name__ == "__main__":
    import jax
    _d = setup_inputs()
    print(jax.jit(kernel)(*tuple(_d.values())))

</pallas_src>

<mosaic_0001>
#map = affine_map<(d0, d1) -> (0, 0, 0)>
#map1 = affine_map<(d0, d1) -> (0, 0)>
module attributes {stable_mosaic.version = 14 : i64} {
  func.func @_sc_body(%arg0: i32, %arg1: i32, %arg2: memref<64x2x80xi32, #tpu.memory_space<hbm>>, %arg3: memref<64x2x2400xi32, #tpu.memory_space<hbm>>, %arg4: memref<100000x128xf32, #tpu.memory_space<hbm>>, %arg5: memref<10240x128xf32, #tpu.memory_space<hbm>>, %arg6: memref<64x160x160xf32, #tpu.memory_space<hbm>>, %arg7: memref<2x2x80xi32, #tpu.memory_space<vmem>>, %arg8: memref<80x128xf32, #tpu.memory_space<vmem>>, %arg9: memref<80x128xf32, #tpu.memory_space<vmem>>, %arg10: memref<80x128xf32, #tpu.memory_space<vmem>>, %arg11: memref<80x128xf32, #tpu.memory_space<vmem>>, %arg12: memref<80x128xf32, #tpu.memory_space<vmem>>, %arg13: memref<80x128xf32, #tpu.memory_space<vmem>>, %arg14: memref<2x2400xi32, #tpu.memory_space<vmem>>, %arg15: memref<2x2400xi32, #tpu.memory_space<vmem>>, %arg16: memref<160x160xf32, #tpu.memory_space<vmem>>, %arg17: memref<!tpu.dma_semaphore, #tpu.memory_space<semaphore_mem>>, %arg18: memref<!tpu.dma_semaphore, #tpu.memory_space<semaphore_mem>>, %arg19: memref<!tpu.dma_semaphore, #tpu.memory_space<semaphore_mem>>, %arg20: memref<!tpu.dma_semaphore, #tpu.memory_space<semaphore_mem>>, %arg21: memref<!tpu.dma_semaphore, #tpu.memory_space<semaphore_mem>>, %arg22: memref<!tpu.dma_semaphore, #tpu.memory_space<semaphore_mem>>, %arg23: memref<!tpu.dma_semaphore, #tpu.memory_space<semaphore_mem>>, %arg24: memref<!tpu.dma_semaphore, #tpu.memory_space<semaphore_mem>>, %arg25: memref<!tpu.dma_semaphore, #tpu.memory_space<semaphore_mem>>, %arg26: memref<!tpu.dma_semaphore, #tpu.memory_space<semaphore_mem>>) attributes {dimension_semantics = [#tpu.dimension_semantics<core_parallel>, #tpu.dimension_semantics<subcore_parallel>], iteration_bounds = array<i64: 2, 16>, scalar_prefetch = 0 : i64, scratch_operands = 20 : i64, tpu.core_type = #tpu.core_type<sc_vector_subcore>, window_params = [{transform_indices = #map}, {transform_indices = #map}, {transform_indices = #map1}, {transform_indices = #map1}, {transform_indices = #map}]} {
    %mul3A = arith.constant 2 : i32
    %mul3A_0 = arith.muli %arg1, %mul3A : i32
    %add3A = arith.addi %mul3A_0, %arg0 : i32
    %mul3A_1 = arith.constant 2 : i32
    %mul3A_2 = arith.muli %add3A, %mul3A_1 : i32
    %broadcast_in_dim3A = arith.constant 0.000000e+00 : f32
    %broadcast_in_dim3A_3 = vector.broadcast %broadcast_in_dim3A : f32 to vector<16xf32>
    "tpu.region"() ({
      %run_scoped3A = tpu.sem_alloc : memref<!tpu.dma_semaphore, #tpu.memory_space<semaphore_mem>>
      %dma_start3A_325 = arith.constant 0 : i32
      %dma_start3A_326 = arith.constant 0 : i32
      %dma_start3A_327 = tpu.memref_slice %arg2[%mul3A_2, %dma_start3A_325, %dma_start3A_326] : memref<64x2x80xi32, #tpu.memory_space<hbm>> -> memref<2x2x80xi32, #tpu.memory_space<hbm>>
      %dma_start3A_328 = arith.constant 0 : i32
      %dma_start3A_329 = arith.constant 0 : i32
      %dma_start3A_330 = tpu.memref_slice %arg2[%mul3A_2, %dma_start3A_328, %dma_start3A_329] : memref<64x2x80xi32, #tpu.memory_space<hbm>> -> memref<2x2x80xi32, #tpu.memory_space<hbm>>
      tpu.enqueue_dma source(%dma_start3A_330 : memref<2x2x80xi32, #tpu.memory_space<hbm>>) target(%arg7 : memref<2x2x80xi32, #tpu.memory_space<vmem>>) target_semaphore(%run_scoped3A : memref<!tpu.dma_semaphore, #tpu.memory_space<semaphore_mem>>)
      %dma_wait3A_331 = arith.constant 0 : i32
      %dma_wait3A_332 = arith.constant 0 : i32
      %dma_wait3A_333 = tpu.memref_slice %arg2[%mul3A_2, %dma_wait3A_331, %dma_wait3A_332] : memref<64x2x80xi32, #tpu.memory_space<hbm>> -> memref<2x2x80xi32, #tpu.memory_space<hbm>>
      %dma_wait3A_334 = arith.constant 0 : i32
      %dma_wait3A_335 = arith.constant 0 : i32
      %dma_wait3A_336 = tpu.memref_slice %arg2[%mul3A_2, %dma_wait3A_334, %dma_wait3A_335] : memref<64x2x80xi32, #tpu.memory_space<hbm>> -> memref<2x2x80xi32, #tpu.memory_space<hbm>>
      tpu.wait_dma2 semaphore(%run_scoped3A : memref<!tpu.dma_semaphore, #tpu.memory_space<semaphore_mem>>) src(%dma_wait3A_336 : memref<2x2x80xi32, #tpu.memory_space<hbm>>) dst(%arg7 : memref<2x2x80xi32, #tpu.memory_space<vmem>>)
      tpu.yield
    }) : () -> ()
    %dma_start3A = arith.constant 0 : i32
    %dma_start3A_4 = arith.constant 0 : i32
    %dma_start3A_5 = tpu.memref_slice %arg3[%mul3A_2, %dma_start3A, %dma_start3A_4] : memref<64x2x2400xi32, #tpu.memory_space<hbm>> -> memref<1x2x2400xi32, #tpu.memory_space<hbm>>
    %dma_start3A_6 = tpu.memref_squeeze %dma_start3A_5 : memref<1x2x2400xi32, #tpu.memory_space<hbm>> -> memref<2x2400xi32, #tpu.memory_space<hbm>>
    %dma_start3A_7 = arith.constant 0 : i32
    %dma_start3A_8 = arith.constant 0 : i32
    %dma_start3A_9 = tpu.memref_slice %arg3[%mul3A_2, %dma_start3A_7, %dma_start3A_8] : memref<64x2x2400xi32, #tpu.memory_space<hbm>> -> memref<1x2x2400xi32, #tpu.memory_space<hbm>>
    %dma_start3A_10 = tpu.memref_squeeze %dma_start3A_9 : memref<1x2x2400xi32, #tpu.memory_space<hbm>> -> memref<2x2400xi32, #tpu.memory_space<hbm>>
    tpu.enqueue_dma source(%dma_start3A_10 : memref<2x2400xi32, #tpu.memory_space<hbm>>) target(%arg14 : memref<2x2400xi32, #tpu.memory_space<vmem>>) target_semaphore(%arg23 : memref<!tpu.dma_semaphore, #tpu.memory_space<semaphore_mem>>)
    %dma_start3A_11 = arith.constant 0 : i32
    %dma_start3A_12 = arith.constant 0 : i32
    %dma_start3A_13 = arith.constant 0 : i32
    %dma_start3A_14 = arith.constant 0 : i32
    %dma_start3A_15 = tpu.memref_slice %arg8[%dma_start3A_13, %dma_start3A_14] : memref<80x128xf32, #tpu.memory_space<vmem>> -> memref<40x128xf32, #tpu.memory_space<vmem>>
    %dma_start3A_16 = arith.constant 0 : i32
    %dma_start3A_17 = tpu.memref_slice %arg7[%dma_start3A_11, %dma_start3A_12, %dma_start3A_16] : memref<2x2x80xi32, #tpu.memory_space<vmem>> -> memref<1x1x40xi32, #tpu.memory_space<vmem>>
    %dma_start3A_18 = tpu.memref_squeeze %dma_start3A_17 : memref<1x1x40xi32, #tpu.memory_space<vmem>> -> memref<40xi32, #tpu.memory_space<vmem>>
    %dma_start3A_19 = arith.constant 0 : i32
    %dma_start3A_20 = arith.constant 0 : i32
    %dma_start3A_21 = tpu.memref_slice %arg4[%dma_start3A_19, %dma_start3A_20] : memref<100000x128xf32, #tpu.memory_space<hbm>> -> memref<100000x128xf32, #tpu.memory_space<hbm>>
    tpu.enqueue_indirect_dma source(%dma_start3A_21 : memref<100000x128xf32, #tpu.memory_space<hbm>>) target(%dma_start3A_15 : memref<40x128xf32, #tpu.memory_space<vmem>>) offsets(%dma_start3A_18 : memref<40xi32, #tpu.memory_space<vmem>>) semaphore(%arg17 : memref<!tpu.dma_semaphore, #tpu.memory_space<semaphore_mem>>)
    %dma_start3A_22 = arith.constant 0 : i32
    %dma_start3A_23 = arith.constant 0 : i32
    %dma_start3A_24 = arith.constant 40 : i32
    %dma_start3A_25 = arith.constant 0 : i32
    %dma_start3A_26 = tpu.memref_slice %arg8[%dma_start3A_24, %dma_start3A_25] : memref<80x128xf32, #tpu.memory_space<vmem>> -> memref<40x128xf32, #tpu.memory_space<vmem>>
    %dma_start3A_27 = arith.constant 40 : i32
    %dma_start3A_28 = tpu.memref_slice %arg7[%dma_start3A_22, %dma_start3A_23, %dma_start3A_27] : memref<2x2x80xi32, #tpu.memory_space<vmem>> -> memref<1x1x40xi32, #tpu.memory_space<vmem>>
    %dma_start3A_29 = tpu.memref_squeeze %dma_start3A_28 : memref<1x1x40xi32, #tpu.memory_space<vmem>> -> memref<40xi32, #tpu.memory_space<vmem>>
    %dma_start3A_30 = arith.constant 0 : i32
    %dma_start3A_31 = arith.constant 0 : i32
    %dma_start3A_32 = tpu.memref_slice %arg4[%dma_start3A_30, %dma_start3A_31] : memref<100000x128xf32, #tpu.memory_space<hbm>> -> memref<100000x128xf32, #tpu.memory_space<hbm>>
    tpu.enqueue_indirect_dma source(%dma_start3A_32 : memref<100000x128xf32, #tpu.memory_space<hbm>>) target(%dma_start3A_26 : memref<40x128xf32, #tpu.memory_space<vmem>>) offsets(%dma_start3A_29 : memref<40xi32, #tpu.memory_space<vmem>>) semaphore(%arg17 : memref<!tpu.dma_semaphore, #tpu.memory_space<semaphore_mem>>)
    %dma_start3A_33 = arith.constant 0 : i32
    %dma_start3A_34 = arith.constant 1 : i32
    %dma_start3A_35 = arith.constant 0 : i32
    %dma_start3A_36 = arith.constant 0 : i32
    %dma_start3A_37 = tpu.memref_slice %arg9[%dma_start3A_35, %dma_start3A_36] : memref<80x128xf32, #tpu.memory_space<vmem>> -> memref<40x128xf32, #tpu.memory_space<vmem>>
    %dma_start3A_38 = arith.constant 0 : i32
    %dma_start3A_39 = tpu.memref_slice %arg7[%dma_start3A_33, %dma_start3A_34, %dma_start3A_38] : memref<2x2x80xi32, #tpu.memory_space<vmem>> -> memref<1x1x40xi32, #tpu.memory_space<vmem>>
    %dma_start3A_40 = tpu.memref_squeeze %dma_start3A_39 : memref<1x1x40xi32, #tpu.memory_space<vmem>> -> memref<40xi32, #tpu.memory_space<vmem>>
    %dma_start3A_41 = arith.constant 0 : i32
    %dma_start3A_42 = arith.constant 0 : i32
    %dma_start3A_43 = tpu.memref_slice %arg4[%dma_start3A_41, %dma_start3A_42] : memref<100000x128xf32, #tpu.memory_space<hbm>> -> memref<100000x128xf32, #tpu.memory_space<hbm>>
    tpu.enqueue_indirect_dma source(%dma_start3A_43 : memref<100000x128xf32, #tpu.memory_space<hbm>>) target(%dma_start3A_37 : memref<40x128xf32, #tpu.memory_space<vmem>>) offsets(%dma_start3A_40 : memref<40xi32, #tpu.memory_space<vmem>>) semaphore(%arg17 : memref<!tpu.dma_semaphore, #tpu.memory_space<semaphore_mem>>)
    %dma_start3A_44 = arith.constant 0 : i32
    %dma_start3A_45 = arith.constant 1 : i32
    %dma_start3A_46 = arith.constant 40 : i32
    %dma_start3A_47 = arith.constant 0 : i32
    %dma_start3A_48 = tpu.memref_slice %arg9[%dma_start3A_46, %dma_start3A_47] : memref<80x128xf32, #tpu.memory_space<vmem>> -> memref<40x128xf32, #tpu.memory_space<vmem>>
    %dma_start3A_49 = arith.constant 40 : i32
    %dma_start3A_50 = tpu.memref_slice %arg7[%dma_start3A_44, %dma_start3A_45, %dma_start3A_49] : memref<2x2x80xi32, #tpu.memory_space<vmem>> -> memref<1x1x40xi32, #tpu.memory_space<vmem>>
    %dma_start3A_51 = tpu.memref_squeeze %dma_start3A_50 : memref<1x1x40xi32, #tpu.memory_space<vmem>> -> memref<40xi32, #tpu.memory_space<vmem>>
    %dma_start3A_52 = arith.constant 0 : i32
    %dma_start3A_53 = arith.constant 0 : i32
    %dma_start3A_54 = tpu.memref_slice %arg4[%dma_start3A_52, %dma_start3A_53] : memref<100000x128xf32, #tpu.memory_space<hbm>> -> memref<100000x128xf32, #tpu.memory_space<hbm>>
    tpu.enqueue_indirect_dma source(%dma_start3A_54 : memref<100000x128xf32, #tpu.memory_space<hbm>>) target(%dma_start3A_48 : memref<40x128xf32, #tpu.memory_space<vmem>>) offsets(%dma_start3A_51 : memref<40xi32, #tpu.memory_space<vmem>>) semaphore(%arg17 : memref<!tpu.dma_semaphore, #tpu.memory_space<semaphore_mem>>)
    %dma_start3A_55 = arith.constant 1 : i32
    %dma_start3A_56 = arith.constant 0 : i32
    %dma_start3A_57 = arith.constant 0 : i32
    %dma_start3A_58 = arith.constant 0 : i32
    %dma_start3A_59 = tpu.memref_slice %arg10[%dma_start3A_57, %dma_start3A_58] : memref<80x128xf32, #tpu.memory_space<vmem>> -> memref<40x128xf32, #tpu.memory_space<vmem>>
    %dma_start3A_60 = arith.constant 0 : i32
    %dma_start3A_61 = tpu.memref_slice %arg7[%dma_start3A_55, %dma_start3A_56, %dma_start3A_60] : memref<2x2x80xi32, #tpu.memory_space<vmem>> -> memref<1x1x40xi32, #tpu.memory_space<vmem>>
    %dma_start3A_62 = tpu.memref_squeeze %dma_start3A_61 : memref<1x1x40xi32, #tpu.memory_space<vmem>> -> memref<40xi32, #tpu.memory_space<vmem>>
    %dma_start3A_63 = arith.constant 0 : i32
    %dma_start3A_64 = arith.constant 0 : i32
    %dma_start3A_65 = tpu.memref_slice %arg4[%dma_start3A_63, %dma_start3A_64] : memref<100000x128xf32, #tpu.memory_space<hbm>> -> memref<100000x128xf32, #tpu.memory_space<hbm>>
    tpu.enqueue_indirect_dma source(%dma_start3A_65 : memref<100000x128xf32, #tpu.memory_space<hbm>>) target(%dma_start3A_59 : memref<40x128xf32, #tpu.memory_space<vmem>>) offsets(%dma_start3A_62 : memref<40xi32, #tpu.memory_space<vmem>>) semaphore(%arg18 : memref<!tpu.dma_semaphore, #tpu.memory_space<semaphore_mem>>)
    %dma_start3A_66 = arith.constant 1 : i32
    %dma_start3A_67 = arith.constant 0 : i32
    %dma_start3A_68 = arith.constant 40 : i32
    %dma_start3A_69 = arith.constant 0 : i32
    %dma_start3A_70 = tpu.memref_slice %arg10[%dma_start3A_68, %dma_start3A_69] : memref<80x128xf32, #tpu.memory_space<vmem>> -> memref<40x128xf32, #tpu.memory_space<vmem>>
    %dma_start3A_71 = arith.constant 40 : i32
    %dma_start3A_72 = tpu.memref_slice %arg7[%dma_start3A_66, %dma_start3A_67, %dma_start3A_71] : memref<2x2x80xi32, #tpu.memory_space<vmem>> -> memref<1x1x40xi32, #tpu.memory_space<vmem>>
    %dma_start3A_73 = tpu.memref_squeeze %dma_start3A_72 : memref<1x1x40xi32, #tpu.memory_space<vmem>> -> memref<40xi32, #tpu.memory_space<vmem>>
    %dma_start3A_74 = arith.constant 0 : i32
    %dma_start3A_75 = arith.constant 0 : i32
    %dma_start3A_76 = tpu.memref_slice %arg4[%dma_start3A_74, %dma_start3A_75] : memref<100000x128xf32, #tpu.memory_space<hbm>> -> memref<100000x128xf32, #tpu.memory_space<hbm>>
    tpu.enqueue_indirect_dma source(%dma_start3A_76 : memref<100000x128xf32, #tpu.memory_space<hbm>>) target(%dma_start3A_70 : memref<40x128xf32, #tpu.memory_space<vmem>>) offsets(%dma_start3A_73 : memref<40xi32, #tpu.memory_space<vmem>>) semaphore(%arg18 : memref<!tpu.dma_semaphore, #tpu.memory_space<semaphore_mem>>)
    %dma_start3A_77 = arith.constant 1 : i32
    %dma_start3A_78 = arith.constant 1 : i32
    %dma_start3A_79 = arith.constant 0 : i32
    %dma_start3A_80 = arith.constant 0 : i32
    %dma_start3A_81 = tpu.memref_slice %arg11[%dma_start3A_79, %dma_start3A_80] : memref<80x128xf32, #tpu.memory_space<vmem>> -> memref<40x128xf32, #tpu.memory_space<vmem>>
    %dma_start3A_82 = arith.constant 0 : i32
    %dma_start3A_83 = tpu.memref_slice %arg7[%dma_start3A_77, %dma_start3A_78, %dma_start3A_82] : memref<2x2x80xi32, #tpu.memory_space<vmem>> -> memref<1x1x40xi32, #tpu.memory_space<vmem>>
    %dma_start3A_84 = tpu.memref_squeeze %dma_start3A_83 : memref<1x1x40xi32, #tpu.memory_space<vmem>> -> memref<40xi32, #tpu.memory_space<vmem>>
    %dma_start3A_85 = arith.constant 0 : i32
    %dma_start3A_86 = arith.constant 0 : i32
    %dma_start3A_87 = tpu.memref_slice %arg4[%dma_start3A_85, %dma_start3A_86] : memref<100000x128xf32, #tpu.memory_space<hbm>> -> memref<100000x128xf32, #tpu.memory_space<hbm>>
    tpu.enqueue_indirect_dma source(%dma_start3A_87 : memref<100000x128xf32, #tpu.memory_space<hbm>>) target(%dma_start3A_81 : memref<40x128xf32, #tpu.memory_space<vmem>>) offsets(%dma_start3A_84 : memref<40xi32, #tpu.memory_space<vmem>>) semaphore(%arg18 : memref<!tpu.dma_semaphore, #tpu.memory_space<semaphore_mem>>)
    %dma_start3A_88 = arith.constant 1 : i32
    %dma_start3A_89 = arith.constant 1 : i32
    %dma_start3A_90 = arith.constant 40 : i32
    %dma_start3A_91 = arith.constant 0 : i32
    %dma_start3A_92 = tpu.memref_slice %arg11[%dma_start3A_90, %dma_start3A_91] : memref<80x128xf32, #tpu.memory_space<vmem>> -> memref<40x128xf32, #tpu.memory_space<vmem>>
    %dma_start3A_93 = arith.constant 40 : i32
    %dma_start3A_94 = tpu.memref_slice %arg7[%dma_start3A_88, %dma_start3A_89, %dma_start3A_93] : memref<2x2x80xi32, #tpu.memory_space<vmem>> -> memref<1x1x40xi32, #tpu.memory_space<vmem>>
    %dma_start3A_95 = tpu.memref_squeeze %dma_start3A_94 : memref<1x1x40xi32, #tpu.memory_space<vmem>> -> memref<40xi32, #tpu.memory_space<vmem>>
    %dma_start3A_96 = arith.constant 0 : i32
    %dma_start3A_97 = arith.constant 0 : i32
    %dma_start3A_98 = tpu.memref_slice %arg4[%dma_start3A_96, %dma_start3A_97] : memref<100000x128xf32, #tpu.memory_space<hbm>> -> memref<100000x128xf32, #tpu.memory_space<hbm>>
    tpu.enqueue_indirect_dma source(%dma_start3A_98 : memref<100000x128xf32, #tpu.memory_space<hbm>>) target(%dma_start3A_92 : memref<40x128xf32, #tpu.memory_space<vmem>>) offsets(%dma_start3A_95 : memref<40xi32, #tpu.memory_space<vmem>>) semaphore(%arg18 : memref<!tpu.dma_semaphore, #tpu.memory_space<semaphore_mem>>)
    %scan3A = arith.constant 0 : i32
    %scan3A_99 = arith.constant 0 : i32
    %scan3A_100 = arith.constant 160 : i32
    %scan3A_101 = arith.addi %scan3A_99, %scan3A_100 : i32
    %scan3A_102 = arith.constant 2 : i32
    scf.for %scan3A_325 = %scan3A_99 to %scan3A_101 step %scan3A_102  : i32 {
      %swap3A = arith.index_cast %scan3A_325 : i32 to index
      %swap3A_326 = arith.constant 0 : index
      %swap3A_327 = tpu.vector_load %arg16[%swap3A, %swap3A_326] {strides = array<i32>} : memref<160x160xf32, #tpu.memory_space<vmem>>, vector<16xf32>,
      tpu.vector_store %arg16[%swap3A, %swap3A_326], %broadcast_in_dim3A_3 {strides = array<i32>} : memref<160x160xf32, #tpu.memory_space<vmem>>, vector<16xf32>,
      %swap3A_328 = arith.index_cast %scan3A_325 : i32 to index
      %swap3A_329 = arith.constant 16 : index
      %swap3A_330 = tpu.vector_load %arg16[%swap3A_328, %swap3A_329] {strides = array<i32>} : memref<160x160xf32, #tpu.memory_space<vmem>>, vector<16xf32>,
      tpu.vector_store %arg16[%swap3A_328, %swap3A_329], %broadcast_in_dim3A_3 {strides = array<i32>} : memref<160x160xf32, #tpu.memory_space<vmem>>, vector<16xf32>,
      %swap3A_331 = arith.index_cast %scan3A_325 : i32 to index
      %swap3A_332 = arith.constant 32 : index
      %swap3A_333 = tpu.vector_load %arg16[%swap3A_331, %swap3A_332] {strides = array<i32>} : memref<160x160xf32, #tpu.memory_space<vmem>>, vector<16xf32>,
      tpu.vector_store %arg16[%swap3A_331, %swap3A_332], %broadcast_in_dim3A_3 {strides = array<i32>} : memref<160x160xf32, #tpu.memory_space<vmem>>, vector<16xf32>,
      %swap3A_334 = arith.index_cast %scan3A_325 : i32 to index
      %swap3A_335 = arith.constant 48 : index
      %swap3A_336 = tpu.vector_load %arg16[%swap3A_334, %swap3A_335] {strides = array<i32>} : memref<160x160xf32, #tpu.memory_space<vmem>>, vector<16xf32>,
      tpu.vector_store %arg16[%swap3A_334, %swap3A_335], %broadcast_in_dim3A_3 {strides = array<i32>} : memref<160x160xf32, #tpu.memory_space<vmem>>, vector<16xf32>,
      %swap3A_337 = arith.index_cast %scan3A_325 : i32 to index
      %swap3A_338 = arith.constant 64 : index
      %swap3A_339 = tpu.vector_load %arg16[%swap3A_337, %swap3A_338] {strides = array<i32>} : memref<160x160xf32, #tpu.memory_space<vmem>>, vector<16xf32>,
      tpu.vector_store %arg16[%swap3A_337, %swap3A_338], %broadcast_in_dim3A_3 {strides = array<i32>} : memref<160x160xf32, #tpu.memory_space<vmem>>, vector<16xf32>,
      %swap3A_340 = arith.index_cast %scan3A_325 : i32 to index
      %swap3A_341 = arith.constant 80 : index
      %swap3A_342 = tpu.vector_load %arg16[%swap3A_340, %swap3A_341] {strides = array<i32>} : memref<160x160xf32, #tpu.memory_space<vmem>>, vector<16xf32>,
      tpu.vector_store %arg16[%swap3A_340, %swap3A_341], %broadcast_in_dim3A_3 {strides = array<i32>} : memref<160x160xf32, #tpu.memory_space<vmem>>, vector<16xf32>,
      %swap3A_343 = arith.index_cast %scan3A_325 : i32 to index
      %swap3A_344 = arith.constant 96 : index
      %swap3A_345 = tpu.vector_load %arg16[%swap3A_343, %swap3A_344] {strides = array<i32>} : memref<160x160xf32, #tpu.memory_space<vmem>>, vector<16xf32>,
      tpu.vector_store %arg16[%swap3A_343, %swap3A_344], %broadcast_in_dim3A_3 {strides = array<i32>} : memref<160x160xf32, #tpu.memory_space<vmem>>, vector<16xf32>,
      %swap3A_346 = arith.index_cast %scan3A_325 : i32 to index
      %swap3A_347 = arith.constant 112 : index
      %swap3A_348 = tpu.vector_load %arg16[%swap3A_346, %swap3A_347] {strides = array<i32>} : memref<160x160xf32, #tpu.memory_space<vmem>>, vector<16xf32>,
      tpu.vector_store %arg16[%swap3A_346, %swap3A_347], %broadcast_in_dim3A_3 {strides = array<i32>} : memref<160x160xf32, #tpu.memory_space<vmem>>, vector<16xf32>,
      %swap3A_349 = arith.index_cast %scan3A_325 : i32 to index
      %swap3A_350 = arith.constant 128 : index
      %swap3A_351 = tpu.vector_load %arg16[%swap3A_349, %swap3A_350] {strides = array<i32>} : memref<160x160xf32, #tpu.memory_space<vmem>>, vector<16xf32>,
      tpu.vector_store %arg16[%swap3A_349, %swap3A_350], %broadcast_in_dim3A_3 {strides = array<i32>} : memref<160x160xf32, #tpu.memory_space<vmem>>, vector<16xf32>,
      %swap3A_352 = arith.index_cast %scan3A_325 : i32 to index
      %swap3A_353 = arith.constant 144 : index
      %swap3A_354 = tpu.vector_load %arg16[%swap3A_352, %swap3A_353] {strides = array<i32>} : memref<160x160xf32, #tpu.memory_space<vmem>>, vector<16xf32>,
      tpu.vector_store %arg16[%swap3A_352, %swap3A_353], %broadcast_in_dim3A_3 {strides = array<i32>} : memref<160x160xf32, #tpu.memory_space<vmem>>, vector<16xf32>,
      %scan3A_355 = arith.constant 1 : i32
      %scan3A_356 = arith.addi %scan3A_325, %scan3A_355 : i32
      %swap3A_357 = arith.index_cast %scan3A_356 : i32 to index
      %swap3A_358 = arith.constant 0 : index
      %swap3A_359 = tpu.vector_load %arg16[%swap3A_357, %swap3A_358] {strides = array<i32>} : memref<160x160xf32, #tpu.memory_space<vmem>>, vector<16xf32>,
      tpu.vector_store %arg16[%swap3A_357, %swap3A_358], %broadcast_in_dim3A_3 {strides = array<i32>} : memref<160x160xf32, #tpu.memory_space<vmem>>, vector<16xf32>,
      %swap3A_360 = arith.index_cast %scan3A_356 : i32 to index
      %swap3A_361 = arith.constant 16 : index
      %swap3A_362 = tpu.vector_load %arg16[%swap3A_360, %swap3A_361] {strides = array<i32>} : memref<160x160xf32, #tpu.memory_space<vmem>>, vector<16xf32>,
      tpu.vector_store %arg16[%swap3A_360, %swap3A_361], %broadcast_in_dim3A_3 {strides = array<i32>} : memref<160x160xf32, #tpu.memory_space<vmem>>, vector<16xf32>,
      %swap3A_363 = arith.index_cast %scan3A_356 : i32 to index
      %swap3A_364 = arith.constant 32 : index
      %swap3A_365 = tpu.vector_load %arg16[%swap3A_363, %swap3A_364] {strides = array<i32>} : memref<160x160xf32, #tpu.memory_space<vmem>>, vector<16xf32>,
      tpu.vector_store %arg16[%swap3A_363, %swap3A_364], %broadcast_in_dim3A_3 {strides = array<i32>} : memref<160x160xf32, #tpu.memory_space<vmem>>, vector<16xf32>,
      %swap3A_366 = arith.index_cast %scan3A_356 : i32 to index
      %swap3A_367 = arith.constant 48 : index
      %swap3A_368 = tpu.vector_load %arg16[%swap3A_366, %swap3A_367] {strides = array<i32>} : memref<160x160xf32, #tpu.memory_space<vmem>>, vector<16xf32>,
      tpu.vector_store %arg16[%swap3A_366, %swap3A_367], %broadcast_in_dim3A_3 {strides = array<i32>} : memref<160x160xf32, #tpu.memory_space<vmem>>, vector<16xf32>,
      %swap3A_369 = arith.index_cast %scan3A_356 : i32 to index
      %swap3A_370 = arith.constant 64 : index
      %swap3A_371 = tpu.vector_load %arg16[%swap3A_369, %swap3A_370] {strides = array<i32>} : memref<160x160xf32, #tpu.memory_space<vmem>>, vector<16xf32>,
      tpu.vector_store %arg16[%swap3A_369, %swap3A_370], %broadcast_in_dim3A_3 {strides = array<i32>} : memref<160x160xf32, #tpu.memory_space<vmem>>, vector<16xf32>,
      %swap3A_372 = arith.index_cast %scan3A_356 : i32 to index
      %swap3A_373 = arith.constant 80 : index
      %swap3A_374 = tpu.vector_load %arg16[%swap3A_372, %swap3A_373] {strides = array<i32>} : memref<160x160xf32, #tpu.memory_space<vmem>>, vector<16xf32>,
      tpu.vector_store %arg16[%swap3A_372, %swap3A_373], %broadcast_in_dim3A_3 {strides = array<i32>} : memref<160x160xf32, #tpu.memory_space<vmem>>, vector<16xf32>,
      %swap3A_375 = arith.index_cast %scan3A_356 : i32 to index
      %swap3A_376 = arith.constant 96 : index
      %swap3A_377 = tpu.vector_load %arg16[%swap3A_375, %swap3A_376] {strides = array<i32>} : memref<160x160xf32, #tpu.memory_space<vmem>>, vector<16xf32>,
      tpu.vector_store %arg16[%swap3A_375, %swap3A_376], %broadcast_in_dim3A_3 {strides = array<i32>} : memref<160x160xf32, #tpu.memory_space<vmem>>, vector<16xf32>,
      %swap3A_378 = arith.index_cast %scan3A_356 : i32 to index
      %swap3A_379 = arith.constant 112 : index
      %swap3A_380 = tpu.vector_load %arg16[%swap3A_378, %swap3A_379] {strides = array<i32>} : memref<160x160xf32, #tpu.memory_space<vmem>>, vector<16xf32>,
      tpu.vector_store %arg16[%swap3A_378, %swap3A_379], %broadcast_in_dim3A_3 {strides = array<i32>} : memref<160x160xf32, #tpu.memory_space<vmem>>, vector<16xf32>,
      %swap3A_381 = arith.index_cast %scan3A_356 : i32 to index
      %swap3A_382 = arith.constant 128 : index
      %swap3A_383 = tpu.vector_load %arg16[%swap3A_381, %swap3A_382] {strides = array<i32>} : memref<160x160xf32, #tpu.memory_space<vmem>>, vector<16xf32>,
      tpu.vector_store %arg16[%swap3A_381, %swap3A_382], %broadcast_in_dim3A_3 {strides = array<i32>} : memref<160x160xf32, #tpu.memory_space<vmem>>, vector<16xf32>,
      %swap3A_384 = arith.index_cast %scan3A_356 : i32 to index
      %swap3A_385 = arith.constant 144 : index
      %swap3A_386 = tpu.vector_load %arg16[%swap3A_384, %swap3A_385] {strides = array<i32>} : memref<160x160xf32, #tpu.memory_space<vmem>>, vector<16xf32>,
      tpu.vector_store %arg16[%swap3A_384, %swap3A_385], %broadcast_in_dim3A_3 {strides = array<i32>} : memref<160x160xf32, #tpu.memory_space<vmem>>, vector<16xf32>,
    }
    %scan3A_103 = arith.constant 160 : i32
    %add3A_104 = arith.constant 0 : i32
    %add3A_105 = arith.addi %mul3A_2, %add3A_104 : i32
    %add3A_106 = arith.constant 1 : i32
    %add3A_107 = arith.addi %add3A_105, %add3A_106 : i32
    %dma_start3A_108 = arith.constant 0 : i32
    %dma_start3A_109 = arith.constant 0 : i32
    %dma_start3A_110 = tpu.memref_slice %arg3[%add3A_107, %dma_start3A_108, %dma_start3A_109] : memref<64x2x2400xi32, #tpu.memory_space<hbm>> -> memref<1x2x2400xi32, #tpu.memory_space<hbm>>
    %dma_start3A_111 = tpu.memref_squeeze %dma_start3A_110 : memref<1x2x2400xi32, #tpu.memory_space<hbm>> -> memref<2x2400xi32, #tpu.memory_space<hbm>>
    %dma_start3A_112 = arith.constant 0 : i32
    %dma_start3A_113 = arith.constant 0 : i32
    %dma_start3A_114 = tpu.memref_slice %arg3[%add3A_107, %dma_start3A_112, %dma_start3A_113] : memref<64x2x2400xi32, #tpu.memory_space<hbm>> -> memref<1x2x2400xi32, #tpu.memory_space<hbm>>
    %dma_start3A_115 = tpu.memref_squeeze %dma_start3A_114 : memref<1x2x2400xi32, #tpu.memory_space<hbm>> -> memref<2x2400xi32, #tpu.memory_space<hbm>>
    tpu.enqueue_dma source(%dma_start3A_115 : memref<2x2400xi32, #tpu.memory_space<hbm>>) target(%arg15 : memref<2x2400xi32, #tpu.memory_space<vmem>>) target_semaphore(%arg24 : memref<!tpu.dma_semaphore, #tpu.memory_space<semaphore_mem>>)
    %dma_wait3A = arith.constant 0 : i32
    %dma_wait3A_116 = arith.constant 0 : i32
    %dma_wait3A_117 = tpu.memref_slice %arg3[%mul3A_2, %dma_wait3A, %dma_wait3A_116] : memref<64x2x2400xi32, #tpu.memory_space<hbm>> -> memref<1x2x2400xi32, #tpu.memory_space<hbm>>
    %dma_wait3A_118 = tpu.memref_squeeze %dma_wait3A_117 : memref<1x2x2400xi32, #tpu.memory_space<hbm>> -> memref<2x2400xi32, #tpu.memory_space<hbm>>
    %dma_wait3A_119 = arith.constant 0 : i32
    %dma_wait3A_120 = arith.constant 0 : i32
    %dma_wait3A_121 = tpu.memref_slice %arg3[%mul3A_2, %dma_wait3A_119, %dma_wait3A_120] : memref<64x2x2400xi32, #tpu.memory_space<hbm>> -> memref<1x2x2400xi32, #tpu.memory_space<hbm>>
    %dma_wait3A_122 = tpu.memref_squeeze %dma_wait3A_121 : memref<1x2x2400xi32, #tpu.memory_space<hbm>> -> memref<2x2400xi32, #tpu.memory_space<hbm>>
    tpu.wait_dma2 semaphore(%arg23 : memref<!tpu.dma_semaphore, #tpu.memory_space<semaphore_mem>>) src(%dma_wait3A_122 : memref<2x2400xi32, #tpu.memory_space<hbm>>) dst(%arg14 : memref<2x2400xi32, #tpu.memory_space<vmem>>)
    %broadcast_in_dim3A_123 = arith.constant 1.000000e+00 : f32
    %broadcast_in_dim3A_124 = vector.broadcast %broadcast_in_dim3A_123 : f32 to vector<16xf32>
    %scan3A_125 = arith.constant 0 : i32
    %scan3A_126 = arith.constant 0 : i32
    %scan3A_127 = arith.constant 150 : i32
    %scan3A_128 = arith.addi %scan3A_126, %scan3A_127 : i32
    %scan3A_129 = arith.constant 5 : i32
    scf.for %scan3A_325 = %scan3A_126 to %scan3A_128 step %scan3A_129  : i32 {
      %mul3A_326 = arith.constant 16 : i32
      %mul3A_327 = arith.muli %scan3A_325, %mul3A_326 : i32
      %get3A = arith.constant 0 : i32
      %get3A_328 = arith.index_cast %get3A : i32 to index
      %get3A_329 = arith.index_cast %mul3A_327 : i32 to index
      %get3A_330 = tpu.vector_load %arg14[%get3A_328, %get3A_329] {strides = array<i32>} : memref<2x2400xi32, #tpu.memory_space<vmem>>, vector<16xi32>,
      %mul3A_331 = arith.constant 16 : i32
      %mul3A_332 = arith.muli %scan3A_325, %mul3A_331 : i32
      %get3A_333 = arith.constant 1 : i32
      %get3A_334 = arith.index_cast %get3A_333 : i32 to index
      %get3A_335 = arith.index_cast %mul3A_332 : i32 to index
      %get3A_336 = tpu.vector_load %arg14[%get3A_334, %get3A_335] {strides = array<i32>} : memref<2x2400xi32, #tpu.memory_space<vmem>>, vector<16xi32>,
      tpu.vector_store_idx %arg16[%get3A_336, %get3A_330], %broadcast_in_dim3A_124 {add = true} : memref<160x160xf32, #tpu.memory_space<vmem>>[vector<16xi32>, vector<16xi32>], vector<16xf32>,
      %scan3A_337 = arith.constant 1 : i32
      %scan3A_338 = arith.addi %scan3A_325, %scan3A_337 : i32
      %mul3A_339 = arith.constant 16 : i32
      %mul3A_340 = arith.muli %scan3A_338, %mul3A_339 : i32
      %get3A_341 = arith.constant 0 : i32
      %get3A_342 = arith.index_cast %get3A_341 : i32 to index
      %get3A_343 = arith.index_cast %mul3A_340 : i32 to index
      %get3A_344 = tpu.vector_load %arg14[%get3A_342, %get3A_343] {strides = array<i32>} : memref<2x2400xi32, #tpu.memory_space<vmem>>, vector<16xi32>,
      %mul3A_345 = arith.constant 16 : i32
      %mul3A_346 = arith.muli %scan3A_338, %mul3A_345 : i32
      %get3A_347 = arith.constant 1 : i32
      %get3A_348 = arith.index_cast %get3A_347 : i32 to index
      %get3A_349 = arith.index_cast %mul3A_346 : i32 to index
      %get3A_350 = tpu.vector_load %arg14[%get3A_348, %get3A_349] {strides = array<i32>} : memref<2x2400xi32, #tpu.memory_space<vmem>>, vector<16xi32>,
      tpu.vector_store_idx %arg16[%get3A_350, %get3A_344], %broadcast_in_dim3A_124 {add = true} : memref<160x160xf32, #tpu.memory_space<vmem>>[vector<16xi32>, vector<16xi32>], vector<16xf32>,
      %scan3A_351 = arith.constant 2 : i32
      %scan3A_352 = arith.addi %scan3A_325, %scan3A_351 : i32
      %mul3A_353 = arith.constant 16 : i32
      %mul3A_354 = arith.muli %scan3A_352, %mul3A_353 : i32
      %get3A_355 = arith.constant 0 : i32
      %get3A_356 = arith.index_cast %get3A_355 : i32 to index
      %get3A_357 = arith.index_cast %mul3A_354 : i32 to index
      %get3A_358 = tpu.vector_load %arg14[%get3A_356, %get3A_357] {strides = array<i32>} : memref<2x2400xi32, #tpu.memory_space<vmem>>, vector<16xi32>,
      %mul3A_359 = arith.constant 16 : i32
      %mul3A_360 = arith.muli %scan3A_352, %mul3A_359 : i32
      %get3A_361 = arith.constant 1 : i32
      %get3A_362 = arith.index_cast %get3A_361 : i32 to index
      %get3A_363 = arith.index_cast %mul3A_360 : i32 to index
      %get3A_364 = tpu.vector_load %arg14[%get3A_362, %get3A_363] {strides = array<i32>} : memref<2x2400xi32, #tpu.memory_space<vmem>>, vector<16xi32>,
      tpu.vector_store_idx %arg16[%get3A_364, %get3A_358], %broadcast_in_dim3A_124 {add = true} : memref<160x160xf32, #tpu.memory_space<vmem>>[vector<16xi32>, vector<16xi32>], vector<16xf32>,
      %scan3A_365 = arith.constant 3 : i32
      %scan3A_366 = arith.addi %scan3A_325, %scan3A_365 : i32
      %mul3A_367 = arith.constant 16 : i32
      %mul3A_368 = arith.muli %scan3A_366, %mul3A_367 : i32
      %get3A_369 = arith.constant 0 : i32
      %get3A_370 = arith.index_cast %get3A_369 : i32 to index
      %get3A_371 = arith.index_cast %mul3A_368 : i32 to index
      %get3A_372 = tpu.vector_load %arg14[%get3A_370, %get3A_371] {strides = array<i32>} : memref<2x2400xi32, #tpu.memory_space<vmem>>, vector<16xi32>,
      %mul3A_373 = arith.constant 16 : i32
      %mul3A_374 = arith.muli %scan3A_366, %mul3A_373 : i32
      %get3A_375 = arith.constant 1 : i32
      %get3A_376 = arith.index_cast %get3A_375 : i32 to index
      %get3A_377 = arith.index_cast %mul3A_374 : i32 to index
      %get3A_378 = tpu.vector_load %arg14[%get3A_376, %get3A_377] {strides = array<i32>} : memref<2x2400xi32, #tpu.memory_space<vmem>>, vector<16xi32>,
      tpu.vector_store_idx %arg16[%get3A_378, %get3A_372], %broadcast_in_dim3A_124 {add = true} : memref<160x160xf32, #tpu.memory_space<vmem>>[vector<16xi32>, vector<16xi32>], vector<16xf32>,
      %scan3A_379 = arith.constant 4 : i32
      %scan3A_380 = arith.addi %scan3A_325, %scan3A_379 : i32
      %mul3A_381 = arith.constant 16 : i32
      %mul3A_382 = arith.muli %scan3A_380, %mul3A_381 : i32
      %get3A_383 = arith.constant 0 : i32
      %get3A_384 = arith.index_cast %get3A_383 : i32 to index
      %get3A_385 = arith.index_cast %mul3A_382 : i32 to index
      %get3A_386 = tpu.vector_load %arg14[%get3A_384, %get3A_385] {strides = array<i32>} : memref<2x2400xi32, #tpu.memory_space<vmem>>, vector<16xi32>,
      %mul3A_387 = arith.constant 16 : i32
      %mul3A_388 = arith.muli %scan3A_380, %mul3A_387 : i32
      %get3A_389 = arith.constant 1 : i32
      %get3A_390 = arith.index_cast %get3A_389 : i32 to index
      %get3A_391 = arith.index_cast %mul3A_388 : i32 to index
      %get3A_392 = tpu.vector_load %arg14[%get3A_390, %get3A_391] {strides = array<i32>} : memref<2x2400xi32, #tpu.memory_space<vmem>>, vector<16xi32>,
      tpu.vector_store_idx %arg16[%get3A_392, %get3A_386], %broadcast_in_dim3A_124 {add = true} : memref<160x160xf32, #tpu.memory_space<vmem>>[vector<16xi32>, vector<16xi32>], vector<16xf32>,
    }
    %scan3A_130 = arith.constant 150 : i32
    %dma_start3A_131 = arith.constant 0 : i32
    %dma_start3A_132 = arith.constant 0 : i32
    %dma_start3A_133 = tpu.memref_slice %arg6[%add3A_105, %dma_start3A_131, %dma_start3A_132] : memref<64x160x160xf32, #tpu.memory_space<hbm>> -> memref<1x160x160xf32, #tpu.memory_space<hbm>>
    %dma_start3A_134 = tpu.memref_squeeze %dma_start3A_133 : memref<1x160x160xf32, #tpu.memory_space<hbm>> -> memref<160x160xf32, #tpu.memory_space<hbm>>
    %dma_start3A_135 = arith.constant 0 : i32
    %dma_start3A_136 = arith.constant 0 : i32
    %dma_start3A_137 = tpu.memref_slice %arg6[%add3A_105, %dma_start3A_135, %dma_start3A_136] : memref<64x160x160xf32, #tpu.memory_space<hbm>> -> memref<1x160x160xf32, #tpu.memory_space<hbm>>
    %dma_start3A_138 = tpu.memref_squeeze %dma_start3A_137 : memref<1x160x160xf32, #tpu.memory_space<hbm>> -> memref<160x160xf32, #tpu.memory_space<hbm>>
    tpu.enqueue_dma source(%arg16 : memref<160x160xf32, #tpu.memory_space<vmem>>) target(%dma_start3A_138 : memref<160x160xf32, #tpu.memory_space<hbm>>) target_semaphore(%arg25 : memref<!tpu.dma_semaphore, #tpu.memory_space<semaphore_mem>>)
    %dma_wait3A_139 = arith.constant 0 : i32
    %dma_wait3A_140 = arith.constant 0 : i32
    %dma_wait3A_141 = arith.constant 0 : i32
    %dma_wait3A_142 = arith.constant 0 : i32
    %dma_wait3A_143 = tpu.memref_slice %arg8[%dma_wait3A_141, %dma_wait3A_142] : memref<80x128xf32, #tpu.memory_space<vmem>> -> memref<40x128xf32, #tpu.memory_space<vmem>>
    %dma_wait3A_144 = arith.constant 0 : i32
    %dma_wait3A_145 = tpu.memref_slice %arg7[%dma_wait3A_139, %dma_wait3A_140, %dma_wait3A_144] : memref<2x2x80xi32, #tpu.memory_space<vmem>> -> memref<1x1x40xi32, #tpu.memory_space<vmem>>
    %dma_wait3A_146 = tpu.memref_squeeze %dma_wait3A_145 : memref<1x1x40xi32, #tpu.memory_space<vmem>> -> memref<40xi32, #tpu.memory_space<vmem>>
    %dma_wait3A_147 = arith.constant 0 : i32
    %dma_wait3A_148 = arith.constant 0 : i32
    %dma_wait3A_149 = tpu.memref_slice %arg4[%dma_wait3A_147, %dma_wait3A_148] : memref<100000x128xf32, #tpu.memory_space<hbm>> -> memref<100000x128xf32, #tpu.memory_space<hbm>>
    tpu.wait_indirect_dma semaphore(%arg17 : memref<!tpu.dma_semaphore, #tpu.memory_space<semaphore_mem>>) src(%dma_wait3A_149 : memref<100000x128xf32, #tpu.memory_space<hbm>>) dst(%dma_wait3A_143 : memref<40x128xf32, #tpu.memory_space<vmem>>)
    %dma_wait3A_150 = arith.constant 0 : i32
    %dma_wait3A_151 = arith.constant 0 : i32
    %dma_wait3A_152 = arith.constant 40 : i32
    %dma_wait3A_153 = arith.constant 0 : i32
    %dma_wait3A_154 = tpu.memref_slice %arg8[%dma_wait3A_152, %dma_wait3A_153] : memref<80x128xf32, #tpu.memory_space<vmem>> -> memref<40x128xf32, #tpu.memory_space<vmem>>
    %dma_wait3A_155 = arith.constant 40 : i32
    %dma_wait3A_156 = tpu.memref_slice %arg7[%dma_wait3A_150, %dma_wait3A_151, %dma_wait3A_155] : memref<2x2x80xi32, #tpu.memory_space<vmem>> -> memref<1x1x40xi32, #tpu.memory_space<vmem>>
    %dma_wait3A_157 = tpu.memref_squeeze %dma_wait3A_156 : memref<1x1x40xi32, #tpu.memory_space<vmem>> -> memref<40xi32, #tpu.memory_space<vmem>>
    %dma_wait3A_158 = arith.constant 0 : i32
    %dma_wait3A_159 = arith.constant 0 : i32
    %dma_wait3A_160 = tpu.memref_slice %arg4[%dma_wait3A_158, %dma_wait3A_159] : memref<100000x128xf32, #tpu.memory_space<hbm>> -> memref<100000x128xf32, #tpu.memory_space<hbm>>
    tpu.wait_indirect_dma semaphore(%arg17 : memref<!tpu.dma_semaphore, #tpu.memory_space<semaphore_mem>>) src(%dma_wait3A_160 : memref<100000x128xf32, #tpu.memory_space<hbm>>) dst(%dma_wait3A_154 : memref<40x128xf32, #tpu.memory_space<vmem>>)
    %dma_wait3A_161 = arith.constant 0 : i32
    %dma_wait3A_162 = arith.constant 1 : i32
    %dma_wait3A_163 = arith.constant 0 : i32
    %dma_wait3A_164 = arith.constant 0 : i32
    %dma_wait3A_165 = tpu.memref_slice %arg9[%dma_wait3A_163, %dma_wait3A_164] : memref<80x128xf32, #tpu.memory_space<vmem>> -> memref<40x128xf32, #tpu.memory_space<vmem>>
    %dma_wait3A_166 = arith.constant 0 : i32
    %dma_wait3A_167 = tpu.memref_slice %arg7[%dma_wait3A_161, %dma_wait3A_162, %dma_wait3A_166] : memref<2x2x80xi32, #tpu.memory_space<vmem>> -> memref<1x1x40xi32, #tpu.memory_space<vmem>>
    %dma_wait3A_168 = tpu.memref_squeeze %dma_wait3A_167 : memref<1x1x40xi32, #tpu.memory_space<vmem>> -> memref<40xi32, #tpu.memory_space<vmem>>
    %dma_wait3A_169 = arith.constant 0 : i32
    %dma_wait3A_170 = arith.constant 0 : i32
    %dma_wait3A_171 = tpu.memref_slice %arg4[%dma_wait3A_169, %dma_wait3A_170] : memref<100000x128xf32, #tpu.memory_space<hbm>> -> memref<100000x128xf32, #tpu.memory_space<hbm>>
    tpu.wait_indirect_dma semaphore(%arg17 : memref<!tpu.dma_semaphore, #tpu.memory_space<semaphore_mem>>) src(%dma_wait3A_171 : memref<100000x128xf32, #tpu.memory_space<hbm>>) dst(%dma_wait3A_165 : memref<40x128xf32, #tpu.memory_space<vmem>>)
    %dma_wait3A_172 = arith.constant 0 : i32
    %dma_wait3A_173 = arith.constant 1 : i32
    %dma_wait3A_174 = arith.constant 40 : i32
    %dma_wait3A_175 = arith.constant 0 : i32
    %dma_wait3A_176 = tpu.memref_slice %arg9[%dma_wait3A_174, %dma_wait3A_175] : memref<80x128xf32, #tpu.memory_space<vmem>> -> memref<40x128xf32, #tpu.memory_space<vmem>>
    %dma_wait3A_177 = arith.constant 40 : i32
    %dma_wait3A_178 = tpu.memref_slice %arg7[%dma_wait3A_172, %dma_wait3A_173, %dma_wait3A_177] : memref<2x2x80xi32, #tpu.memory_space<vmem>> -> memref<1x1x40xi32, #tpu.memory_space<vmem>>
    %dma_wait3A_179 = tpu.memref_squeeze %dma_wait3A_178 : memref<1x1x40xi32, #tpu.memory_space<vmem>> -> memref<40xi32, #tpu.memory_space<vmem>>
    %dma_wait3A_180 = arith.constant 0 : i32
    %dma_wait3A_181 = arith.constant 0 : i32
    %dma_wait3A_182 = tpu.memref_slice %arg4[%dma_wait3A_180, %dma_wait3A_181] : memref<100000x128xf32, #tpu.memory_space<hbm>> -> memref<100000x128xf32, #tpu.memory_space<hbm>>
    tpu.wait_indirect_dma semaphore(%arg17 : memref<!tpu.dma_semaphore, #tpu.memory_space<semaphore_mem>>) src(%dma_wait3A_182 : memref<100000x128xf32, #tpu.memory_space<hbm>>) dst(%dma_wait3A_176 : memref<40x128xf32, #tpu.memory_space<vmem>>)
    %add3A_183 = arith.constant 0 : i32
    %add3A_184 = arith.addi %mul3A_2, %add3A_183 : i32
    %mul3A_185 = arith.constant 160 : i32
    %mul3A_186 = arith.muli %add3A_184, %mul3A_185 : i32
    %dma_start3A_187 = arith.constant 0 : i32
    %dma_start3A_188 = tpu.memref_slice %arg5[%mul3A_186, %dma_start3A_187] : memref<10240x128xf32, #tpu.memory_space<hbm>> -> memref<80x128xf32, #tpu.memory_space<hbm>>
    %dma_start3A_189 = arith.constant 0 : i32
    %dma_start3A_190 = tpu.memref_slice %arg5[%mul3A_186, %dma_start3A_189] : memref<10240x128xf32, #tpu.memory_space<hbm>> -> memref<80x128xf32, #tpu.memory_space<hbm>>
    tpu.enqueue_dma source(%arg8 : memref<80x128xf32, #tpu.memory_space<vmem>>) target(%dma_start3A_190 : memref<80x128xf32, #tpu.memory_space<hbm>>) target_semaphore(%arg20 : memref<!tpu.dma_semaphore, #tpu.memory_space<semaphore_mem>>)
    %mul3A_191 = arith.constant 160 : i32
    %mul3A_192 = arith.muli %add3A_184, %mul3A_191 : i32
    %add3A_193 = arith.constant 80 : i32
    %add3A_194 = arith.addi %mul3A_192, %add3A_193 : i32
    %dma_start3A_195 = arith.constant 0 : i32
    %dma_start3A_196 = tpu.memref_slice %arg5[%add3A_194, %dma_start3A_195] : memref<10240x128xf32, #tpu.memory_space<hbm>> -> memref<80x128xf32, #tpu.memory_space<hbm>>
    %dma_start3A_197 = arith.constant 0 : i32
    %dma_start3A_198 = tpu.memref_slice %arg5[%add3A_194, %dma_start3A_197] : memref<10240x128xf32, #tpu.memory_space<hbm>> -> memref<80x128xf32, #tpu.memory_space<hbm>>
    tpu.enqueue_dma source(%arg9 : memref<80x128xf32, #tpu.memory_space<vmem>>) target(%dma_start3A_198 : memref<80x128xf32, #tpu.memory_space<hbm>>) target_semaphore(%arg20 : memref<!tpu.dma_semaphore, #tpu.memory_space<semaphore_mem>>)
    %dma_wait3A_199 = arith.constant 0 : i32
    %dma_wait3A_200 = arith.constant 0 : i32
    %dma_wait3A_201 = tpu.memref_slice %arg6[%add3A_105, %dma_wait3A_199, %dma_wait3A_200] : memref<64x160x160xf32, #tpu.memory_space<hbm>> -> memref<1x160x160xf32, #tpu.memory_space<hbm>>
    %dma_wait3A_202 = tpu.memref_squeeze %dma_wait3A_201 : memref<1x160x160xf32, #tpu.memory_space<hbm>> -> memref<160x160xf32, #tpu.memory_space<hbm>>
    %dma_wait3A_203 = arith.constant 0 : i32
    %dma_wait3A_204 = arith.constant 0 : i32
    %dma_wait3A_205 = tpu.memref_slice %arg6[%add3A_105, %dma_wait3A_203, %dma_wait3A_204] : memref<64x160x160xf32, #tpu.memory_space<hbm>> -> memref<1x160x160xf32, #tpu.memory_space<hbm>>
    %dma_wait3A_206 = tpu.memref_squeeze %dma_wait3A_205 : memref<1x160x160xf32, #tpu.memory_space<hbm>> -> memref<160x160xf32, #tpu.memory_space<hbm>>
    tpu.wait_dma2 semaphore(%arg25 : memref<!tpu.dma_semaphore, #tpu.memory_space<semaphore_mem>>) src(%arg16 : memref<160x160xf32, #tpu.memory_space<vmem>>) dst(%dma_wait3A_206 : memref<160x160xf32, #tpu.memory_space<hbm>>)
    %broadcast_in_dim3A_207 = arith.constant -1.000000e+00 : f32
    %broadcast_in_dim3A_208 = vector.broadcast %broadcast_in_dim3A_207 : f32 to vector<16xf32>
    %scan3A_209 = arith.constant 0 : i32
    %scan3A_210 = arith.constant 0 : i32
    %scan3A_211 = arith.constant 150 : i32
    %scan3A_212 = arith.addi %scan3A_210, %scan3A_211 : i32
    %scan3A_213 = arith.constant 5 : i32
    scf.for %scan3A_325 = %scan3A_210 to %scan3A_212 step %scan3A_213  : i32 {
      %mul3A_326 = arith.constant 16 : i32
      %mul3A_327 = arith.muli %scan3A_325, %mul3A_326 : i32
      %get3A = arith.constant 0 : i32
      %get3A_328 = arith.index_cast %get3A : i32 to index
      %get3A_329 = arith.index_cast %mul3A_327 : i32 to index
      %get3A_330 = tpu.vector_load %arg14[%get3A_328, %get3A_329] {strides = array<i32>} : memref<2x2400xi32, #tpu.memory_space<vmem>>, vector<16xi32>,
      %mul3A_331 = arith.constant 16 : i32
      %mul3A_332 = arith.muli %scan3A_325, %mul3A_331 : i32
      %get3A_333 = arith.constant 1 : i32
      %get3A_334 = arith.index_cast %get3A_333 : i32 to index
      %get3A_335 = arith.index_cast %mul3A_332 : i32 to index
      %get3A_336 = tpu.vector_load %arg14[%get3A_334, %get3A_335] {strides = array<i32>} : memref<2x2400xi32, #tpu.memory_space<vmem>>, vector<16xi32>,
      tpu.vector_store_idx %arg16[%get3A_336, %get3A_330], %broadcast_in_dim3A_208 {add = true} : memref<160x160xf32, #tpu.memory_space<vmem>>[vector<16xi32>, vector<16xi32>], vector<16xf32>,
      %scan3A_337 = arith.constant 1 : i32
      %scan3A_338 = arith.addi %scan3A_325, %scan3A_337 : i32
      %mul3A_339 = arith.constant 16 : i32
      %mul3A_340 = arith.muli %scan3A_338, %mul3A_339 : i32
      %get3A_341 = arith.constant 0 : i32
      %get3A_342 = arith.index_cast %get3A_341 : i32 to index
      %get3A_343 = arith.index_cast %mul3A_340 : i32 to index
      %get3A_344 = tpu.vector_load %arg14[%get3A_342, %get3A_343] {strides = array<i32>} : memref<2x2400xi32, #tpu.memory_space<vmem>>, vector<16xi32>,
      %mul3A_345 = arith.constant 16 : i32
      %mul3A_346 = arith.muli %scan3A_338, %mul3A_345 : i32
      %get3A_347 = arith.constant 1 : i32
      %get3A_348 = arith.index_cast %get3A_347 : i32 to index
      %get3A_349 = arith.index_cast %mul3A_346 : i32 to index
      %get3A_350 = tpu.vector_load %arg14[%get3A_348, %get3A_349] {strides = array<i32>} : memref<2x2400xi32, #tpu.memory_space<vmem>>, vector<16xi32>,
      tpu.vector_store_idx %arg16[%get3A_350, %get3A_344], %broadcast_in_dim3A_208 {add = true} : memref<160x160xf32, #tpu.memory_space<vmem>>[vector<16xi32>, vector<16xi32>], vector<16xf32>,
      %scan3A_351 = arith.constant 2 : i32
      %scan3A_352 = arith.addi %scan3A_325, %scan3A_351 : i32
      %mul3A_353 = arith.constant 16 : i32
      %mul3A_354 = arith.muli %scan3A_352, %mul3A_353 : i32
      %get3A_355 = arith.constant 0 : i32
      %get3A_356 = arith.index_cast %get3A_355 : i32 to index
      %get3A_357 = arith.index_cast %mul3A_354 : i32 to index
      %get3A_358 = tpu.vector_load %arg14[%get3A_356, %get3A_357] {strides = array<i32>} : memref<2x2400xi32, #tpu.memory_space<vmem>>, vector<16xi32>,
      %mul3A_359 = arith.constant 16 : i32
      %mul3A_360 = arith.muli %scan3A_352, %mul3A_359 : i32
      %get3A_361 = arith.constant 1 : i32
      %get3A_362 = arith.index_cast %get3A_361 : i32 to index
      %get3A_363 = arith.index_cast %mul3A_360 : i32 to index
      %get3A_364 = tpu.vector_load %arg14[%get3A_362, %get3A_363] {strides = array<i32>} : memref<2x2400xi32, #tpu.memory_space<vmem>>, vector<16xi32>,
      tpu.vector_store_idx %arg16[%get3A_364, %get3A_358], %broadcast_in_dim3A_208 {add = true} : memref<160x160xf32, #tpu.memory_space<vmem>>[vector<16xi32>, vector<16xi32>], vector<16xf32>,
      %scan3A_365 = arith.constant 3 : i32
      %scan3A_366 = arith.addi %scan3A_325, %scan3A_365 : i32
      %mul3A_367 = arith.constant 16 : i32
      %mul3A_368 = arith.muli %scan3A_366, %mul3A_367 : i32
      %get3A_369 = arith.constant 0 : i32
      %get3A_370 = arith.index_cast %get3A_369 : i32 to index
      %get3A_371 = arith.index_cast %mul3A_368 : i32 to index
      %get3A_372 = tpu.vector_load %arg14[%get3A_370, %get3A_371] {strides = array<i32>} : memref<2x2400xi32, #tpu.memory_space<vmem>>, vector<16xi32>,
      %mul3A_373 = arith.constant 16 : i32
      %mul3A_374 = arith.muli %scan3A_366, %mul3A_373 : i32
      %get3A_375 = arith.constant 1 : i32
      %get3A_376 = arith.index_cast %get3A_375 : i32 to index
      %get3A_377 = arith.index_cast %mul3A_374 : i32 to index
      %get3A_378 = tpu.vector_load %arg14[%get3A_376, %get3A_377] {strides = array<i32>} : memref<2x2400xi32, #tpu.memory_space<vmem>>, vector<16xi32>,
      tpu.vector_store_idx %arg16[%get3A_378, %get3A_372], %broadcast_in_dim3A_208 {add = true} : memref<160x160xf32, #tpu.memory_space<vmem>>[vector<16xi32>, vector<16xi32>], vector<16xf32>,
      %scan3A_379 = arith.constant 4 : i32
      %scan3A_380 = arith.addi %scan3A_325, %scan3A_379 : i32
      %mul3A_381 = arith.constant 16 : i32
      %mul3A_382 = arith.muli %scan3A_380, %mul3A_381 : i32
      %get3A_383 = arith.constant 0 : i32
      %get3A_384 = arith.index_cast %get3A_383 : i32 to index
      %get3A_385 = arith.index_cast %mul3A_382 : i32 to index
      %get3A_386 = tpu.vector_load %arg14[%get3A_384, %get3A_385] {strides = array<i32>} : memref<2x2400xi32, #tpu.memory_space<vmem>>, vector<16xi32>,
      %mul3A_387 = arith.constant 16 : i32
      %mul3A_388 = arith.muli %scan3A_380, %mul3A_387 : i32
      %get3A_389 = arith.constant 1 : i32
      %get3A_390 = arith.index_cast %get3A_389 : i32 to index
      %get3A_391 = arith.index_cast %mul3A_388 : i32 to index
      %get3A_392 = tpu.vector_load %arg14[%get3A_390, %get3A_391] {strides = array<i32>} : memref<2x2400xi32, #tpu.memory_space<vmem>>, vector<16xi32>,
      tpu.vector_store_idx %arg16[%get3A_392, %get3A_386], %broadcast_in_dim3A_208 {add = true} : memref<160x160xf32, #tpu.memory_space<vmem>>[vector<16xi32>, vector<16xi32>], vector<16xf32>,
    }
    %scan3A_214 = arith.constant 150 : i32
    %add3A_215 = arith.constant 1 : i32
    %add3A_216 = arith.addi %mul3A_2, %add3A_215 : i32
    %dma_wait3A_217 = arith.constant 0 : i32
    %dma_wait3A_218 = arith.constant 0 : i32
    %dma_wait3A_219 = tpu.memref_slice %arg3[%add3A_107, %dma_wait3A_217, %dma_wait3A_218] : memref<64x2x2400xi32, #tpu.memory_space<hbm>> -> memref<1x2x2400xi32, #tpu.memory_space<hbm>>
    %dma_wait3A_220 = tpu.memref_squeeze %dma_wait3A_219 : memref<1x2x2400xi32, #tpu.memory_space<hbm>> -> memref<2x2400xi32, #tpu.memory_space<hbm>>
    %dma_wait3A_221 = arith.constant 0 : i32
    %dma_wait3A_222 = arith.constant 0 : i32
    %dma_wait3A_223 = tpu.memref_slice %arg3[%add3A_107, %dma_wait3A_221, %dma_wait3A_222] : memref<64x2x2400xi32, #tpu.memory_space<hbm>> -> memref<1x2x2400xi32, #tpu.memory_space<hbm>>
    %dma_wait3A_224 = tpu.memref_squeeze %dma_wait3A_223 : memref<1x2x2400xi32, #tpu.memory_space<hbm>> -> memref<2x2400xi32, #tpu.memory_space<hbm>>
    tpu.wait_dma2 semaphore(%arg24 : memref<!tpu.dma_semaphore, #tpu.memory_space<semaphore_mem>>) src(%dma_wait3A_224 : memref<2x2400xi32, #tpu.memory_space<hbm>>) dst(%arg15 : memref<2x2400xi32, #tpu.memory_space<vmem>>)
    %broadcast_in_dim3A_225 = arith.constant 1.000000e+00 : f32
    %broadcast_in_dim3A_226 = vector.broadcast %broadcast_in_dim3A_225 : f32 to vector<16xf32>
    %scan3A_227 = arith.constant 0 : i32
    %scan3A_228 = arith.constant 0 : i32
    %scan3A_229 = arith.constant 150 : i32
    %scan3A_230 = arith.addi %scan3A_228, %scan3A_229 : i32
    %scan3A_231 = arith.constant 5 : i32
    scf.for %scan3A_325 = %scan3A_228 to %scan3A_230 step %scan3A_231  : i32 {
      %mul3A_326 = arith.constant 16 : i32
      %mul3A_327 = arith.muli %scan3A_325, %mul3A_326 : i32
      %get3A = arith.constant 0 : i32
      %get3A_328 = arith.index_cast %get3A : i32 to index
      %get3A_329 = arith.index_cast %mul3A_327 : i32 to index
      %get3A_330 = tpu.vector_load %arg15[%get3A_328, %get3A_329] {strides = array<i32>} : memref<2x2400xi32, #tpu.memory_space<vmem>>, vector<16xi32>,
      %mul3A_331 = arith.constant 16 : i32
      %mul3A_332 = arith.muli %scan3A_325, %mul3A_331 : i32
      %get3A_333 = arith.constant 1 : i32
      %get3A_334 = arith.index_cast %get3A_333 : i32 to index
      %get3A_335 = arith.index_cast %mul3A_332 : i32 to index
      %get3A_336 = tpu.vector_load %arg15[%get3A_334, %get3A_335] {strides = array<i32>} : memref<2x2400xi32, #tpu.memory_space<vmem>>, vector<16xi32>,
      tpu.vector_store_idx %arg16[%get3A_336, %get3A_330], %broadcast_in_dim3A_226 {add = true} : memref<160x160xf32, #tpu.memory_space<vmem>>[vector<16xi32>, vector<16xi32>], vector<16xf32>,
      %scan3A_337 = arith.constant 1 : i32
      %scan3A_338 = arith.addi %scan3A_325, %scan3A_337 : i32
      %mul3A_339 = arith.constant 16 : i32
      %mul3A_340 = arith.muli %scan3A_338, %mul3A_339 : i32
      %get3A_341 = arith.constant 0 : i32
      %get3A_342 = arith.index_cast %get3A_341 : i32 to index
      %get3A_343 = arith.index_cast %mul3A_340 : i32 to index
      %get3A_344 = tpu.vector_load %arg15[%get3A_342, %get3A_343] {strides = array<i32>} : memref<2x2400xi32, #tpu.memory_space<vmem>>, vector<16xi32>,
      %mul3A_345 = arith.constant 16 : i32
      %mul3A_346 = arith.muli %scan3A_338, %mul3A_345 : i32
      %get3A_347 = arith.constant 1 : i32
      %get3A_348 = arith.index_cast %get3A_347 : i32 to index
      %get3A_349 = arith.index_cast %mul3A_346 : i32 to index
      %get3A_350 = tpu.vector_load %arg15[%get3A_348, %get3A_349] {strides = array<i32>} : memref<2x2400xi32, #tpu.memory_space<vmem>>, vector<16xi32>,
      tpu.vector_store_idx %arg16[%get3A_350, %get3A_344], %broadcast_in_dim3A_226 {add = true} : memref<160x160xf32, #tpu.memory_space<vmem>>[vector<16xi32>, vector<16xi32>], vector<16xf32>,
      %scan3A_351 = arith.constant 2 : i32
      %scan3A_352 = arith.addi %scan3A_325, %scan3A_351 : i32
      %mul3A_353 = arith.constant 16 : i32
      %mul3A_354 = arith.muli %scan3A_352, %mul3A_353 : i32
      %get3A_355 = arith.constant 0 : i32
      %get3A_356 = arith.index_cast %get3A_355 : i32 to index
      %get3A_357 = arith.index_cast %mul3A_354 : i32 to index
      %get3A_358 = tpu.vector_load %arg15[%get3A_356, %get3A_357] {strides = array<i32>} : memref<2x2400xi32, #tpu.memory_space<vmem>>, vector<16xi32>,
      %mul3A_359 = arith.constant 16 : i32
      %mul3A_360 = arith.muli %scan3A_352, %mul3A_359 : i32
      %get3A_361 = arith.constant 1 : i32
      %get3A_362 = arith.index_cast %get3A_361 : i32 to index
      %get3A_363 = arith.index_cast %mul3A_360 : i32 to index
      %get3A_364 = tpu.vector_load %arg15[%get3A_362, %get3A_363] {strides = array<i32>} : memref<2x2400xi32, #tpu.memory_space<vmem>>, vector<16xi32>,
      tpu.vector_store_idx %arg16[%get3A_364, %get3A_358], %broadcast_in_dim3A_226 {add = true} : memref<160x160xf32, #tpu.memory_space<vmem>>[vector<16xi32>, vector<16xi32>], vector<16xf32>,
      %scan3A_365 = arith.constant 3 : i32
      %scan3A_366 = arith.addi %scan3A_325, %scan3A_365 : i32
      %mul3A_367 = arith.constant 16 : i32
      %mul3A_368 = arith.muli %scan3A_366, %mul3A_367 : i32
      %get3A_369 = arith.constant 0 : i32
      %get3A_370 = arith.index_cast %get3A_369 : i32 to index
      %get3A_371 = arith.index_cast %mul3A_368 : i32 to index
      %get3A_372 = tpu.vector_load %arg15[%get3A_370, %get3A_371] {strides = array<i32>} : memref<2x2400xi32, #tpu.memory_space<vmem>>, vector<16xi32>,
      %mul3A_373 = arith.constant 16 : i32
      %mul3A_374 = arith.muli %scan3A_366, %mul3A_373 : i32
      %get3A_375 = arith.constant 1 : i32
      %get3A_376 = arith.index_cast %get3A_375 : i32 to index
      %get3A_377 = arith.index_cast %mul3A_374 : i32 to index
      %get3A_378 = tpu.vector_load %arg15[%get3A_376, %get3A_377] {strides = array<i32>} : memref<2x2400xi32, #tpu.memory_space<vmem>>, vector<16xi32>,
      tpu.vector_store_idx %arg16[%get3A_378, %get3A_372], %broadcast_in_dim3A_226 {add = true} : memref<160x160xf32, #tpu.memory_space<vmem>>[vector<16xi32>, vector<16xi32>], vector<16xf32>,
      %scan3A_379 = arith.constant 4 : i32
      %scan3A_380 = arith.addi %scan3A_325, %scan3A_379 : i32
      %mul3A_381 = arith.constant 16 : i32
      %mul3A_382 = arith.muli %scan3A_380, %mul3A_381 : i32
      %get3A_383 = arith.constant 0 : i32
      %get3A_384 = arith.index_cast %get3A_383 : i32 to index
      %get3A_385 = arith.index_cast %mul3A_382 : i32 to index
      %get3A_386 = tpu.vector_load %arg15[%get3A_384, %get3A_385] {strides = array<i32>} : memref<2x2400xi32, #tpu.memory_space<vmem>>, vector<16xi32>,
      %mul3A_387 = arith.constant 16 : i32
      %mul3A_388 = arith.muli %scan3A_380, %mul3A_387 : i32
      %get3A_389 = arith.constant 1 : i32
      %get3A_390 = arith.index_cast %get3A_389 : i32 to index
      %get3A_391 = arith.index_cast %mul3A_388 : i32 to index
      %get3A_392 = tpu.vector_load %arg15[%get3A_390, %get3A_391] {strides = array<i32>} : memref<2x2400xi32, #tpu.memory_space<vmem>>, vector<16xi32>,
      tpu.vector_store_idx %arg16[%get3A_392, %get3A_386], %broadcast_in_dim3A_226 {add = true} : memref<160x160xf32, #tpu.memory_space<vmem>>[vector<16xi32>, vector<16xi32>], vector<16xf32>,
    }
    %scan3A_232 = arith.constant 150 : i32
    %dma_start3A_233 = arith.constant 0 : i32
    %dma_start3A_234 = arith.constant 0 : i32
    %dma_start3A_235 = tpu.memref_slice %arg6[%add3A_216, %dma_start3A_233, %dma_start3A_234] : memref<64x160x160xf32, #tpu.memory_space<hbm>> -> memref<1x160x160xf32, #tpu.memory_space<hbm>>
    %dma_start3A_236 = tpu.memref_squeeze %dma_start3A_235 : memref<1x160x160xf32, #tpu.memory_space<hbm>> -> memref<160x160xf32, #tpu.memory_space<hbm>>
    %dma_start3A_237 = arith.constant 0 : i32
    %dma_start3A_238 = arith.constant 0 : i32
    %dma_start3A_239 = tpu.memref_slice %arg6[%add3A_216, %dma_start3A_237, %dma_start3A_238] : memref<64x160x160xf32, #tpu.memory_space<hbm>> -> memref<1x160x160xf32, #tpu.memory_space<hbm>>
    %dma_start3A_240 = tpu.memref_squeeze %dma_start3A_239 : memref<1x160x160xf32, #tpu.memory_space<hbm>> -> memref<160x160xf32, #tpu.memory_space<hbm>>
    tpu.enqueue_dma source(%arg16 : memref<160x160xf32, #tpu.memory_space<vmem>>) target(%dma_start3A_240 : memref<160x160xf32, #tpu.memory_space<hbm>>) target_semaphore(%arg26 : memref<!tpu.dma_semaphore, #tpu.memory_space<semaphore_mem>>)
    %dma_wait3A_241 = arith.constant 1 : i32
    %dma_wait3A_242 = arith.constant 0 : i32
    %dma_wait3A_243 = arith.constant 0 : i32
    %dma_wait3A_244 = arith.constant 0 : i32
    %dma_wait3A_245 = tpu.memref_slice %arg10[%dma_wait3A_243, %dma_wait3A_244] : memref<80x128xf32, #tpu.memory_space<vmem>> -> memref<40x128xf32, #tpu.memory_space<vmem>>
    %dma_wait3A_246 = arith.constant 0 : i32
    %dma_wait3A_247 = tpu.memref_slice %arg7[%dma_wait3A_241, %dma_wait3A_242, %dma_wait3A_246] : memref<2x2x80xi32, #tpu.memory_space<vmem>> -> memref<1x1x40xi32, #tpu.memory_space<vmem>>
    %dma_wait3A_248 = tpu.memref_squeeze %dma_wait3A_247 : memref<1x1x40xi32, #tpu.memory_space<vmem>> -> memref<40xi32, #tpu.memory_space<vmem>>
    %dma_wait3A_249 = arith.constant 0 : i32
    %dma_wait3A_250 = arith.constant 0 : i32
    %dma_wait3A_251 = tpu.memref_slice %arg4[%dma_wait3A_249, %dma_wait3A_250] : memref<100000x128xf32, #tpu.memory_space<hbm>> -> memref<100000x128xf32, #tpu.memory_space<hbm>>
    tpu.wait_indirect_dma semaphore(%arg18 : memref<!tpu.dma_semaphore, #tpu.memory_space<semaphore_mem>>) src(%dma_wait3A_251 : memref<100000x128xf32, #tpu.memory_space<hbm>>) dst(%dma_wait3A_245 : memref<40x128xf32, #tpu.memory_space<vmem>>)
    %dma_wait3A_252 = arith.constant 1 : i32
    %dma_wait3A_253 = arith.constant 0 : i32
    %dma_wait3A_254 = arith.constant 40 : i32
    %dma_wait3A_255 = arith.constant 0 : i32
    %dma_wait3A_256 = tpu.memref_slice %arg10[%dma_wait3A_254, %dma_wait3A_255] : memref<80x128xf32, #tpu.memory_space<vmem>> -> memref<40x128xf32, #tpu.memory_space<vmem>>
    %dma_wait3A_257 = arith.constant 40 : i32
    %dma_wait3A_258 = tpu.memref_slice %arg7[%dma_wait3A_252, %dma_wait3A_253, %dma_wait3A_257] : memref<2x2x80xi32, #tpu.memory_space<vmem>> -> memref<1x1x40xi32, #tpu.memory_space<vmem>>
    %dma_wait3A_259 = tpu.memref_squeeze %dma_wait3A_258 : memref<1x1x40xi32, #tpu.memory_space<vmem>> -> memref<40xi32, #tpu.memory_space<vmem>>
    %dma_wait3A_260 = arith.constant 0 : i32
    %dma_wait3A_261 = arith.constant 0 : i32
    %dma_wait3A_262 = tpu.memref_slice %arg4[%dma_wait3A_260, %dma_wait3A_261] : memref<100000x128xf32, #tpu.memory_space<hbm>> -> memref<100000x128xf32, #tpu.memory_space<hbm>>
    tpu.wait_indirect_dma semaphore(%arg18 : memref<!tpu.dma_semaphore, #tpu.memory_space<semaphore_mem>>) src(%dma_wait3A_262 : memref<100000x128xf32, #tpu.memory_space<hbm>>) dst(%dma_wait3A_256 : memref<40x128xf32, #tpu.memory_space<vmem>>)
    %dma_wait3A_263 = arith.constant 1 : i32
    %dma_wait3A_264 = arith.constant 1 : i32
    %dma_wait3A_265 = arith.constant 0 : i32
    %dma_wait3A_266 = arith.constant 0 : i32
    %dma_wait3A_267 = tpu.memref_slice %arg11[%dma_wait3A_265, %dma_wait3A_266] : memref<80x128xf32, #tpu.memory_space<vmem>> -> memref<40x128xf32, #tpu.memory_space<vmem>>
    %dma_wait3A_268 = arith.constant 0 : i32
    %dma_wait3A_269 = tpu.memref_slice %arg7[%dma_wait3A_263, %dma_wait3A_264, %dma_wait3A_268] : memref<2x2x80xi32, #tpu.memory_space<vmem>> -> memref<1x1x40xi32, #tpu.memory_space<vmem>>
    %dma_wait3A_270 = tpu.memref_squeeze %dma_wait3A_269 : memref<1x1x40xi32, #tpu.memory_space<vmem>> -> memref<40xi32, #tpu.memory_space<vmem>>
    %dma_wait3A_271 = arith.constant 0 : i32
    %dma_wait3A_272 = arith.constant 0 : i32
    %dma_wait3A_273 = tpu.memref_slice %arg4[%dma_wait3A_271, %dma_wait3A_272] : memref<100000x128xf32, #tpu.memory_space<hbm>> -> memref<100000x128xf32, #tpu.memory_space<hbm>>
    tpu.wait_indirect_dma semaphore(%arg18 : memref<!tpu.dma_semaphore, #tpu.memory_space<semaphore_mem>>) src(%dma_wait3A_273 : memref<100000x128xf32, #tpu.memory_space<hbm>>) dst(%dma_wait3A_267 : memref<40x128xf32, #tpu.memory_space<vmem>>)
    %dma_wait3A_274 = arith.constant 1 : i32
    %dma_wait3A_275 = arith.constant 1 : i32
    %dma_wait3A_276 = arith.constant 40 : i32
    %dma_wait3A_277 = arith.constant 0 : i32
    %dma_wait3A_278 = tpu.memref_slice %arg11[%dma_wait3A_276, %dma_wait3A_277] : memref<80x128xf32, #tpu.memory_space<vmem>> -> memref<40x128xf32, #tpu.memory_space<vmem>>
    %dma_wait3A_279 = arith.constant 40 : i32
    %dma_wait3A_280 = tpu.memref_slice %arg7[%dma_wait3A_274, %dma_wait3A_275, %dma_wait3A_279] : memref<2x2x80xi32, #tpu.memory_space<vmem>> -> memref<1x1x40xi32, #tpu.memory_space<vmem>>
    %dma_wait3A_281 = tpu.memref_squeeze %dma_wait3A_280 : memref<1x1x40xi32, #tpu.memory_space<vmem>> -> memref<40xi32, #tpu.memory_space<vmem>>
    %dma_wait3A_282 = arith.constant 0 : i32
    %dma_wait3A_283 = arith.constant 0 : i32
    %dma_wait3A_284 = tpu.memref_slice %arg4[%dma_wait3A_282, %dma_wait3A_283] : memref<100000x128xf32, #tpu.memory_space<hbm>> -> memref<100000x128xf32, #tpu.memory_space<hbm>>
    tpu.wait_indirect_dma semaphore(%arg18 : memref<!tpu.dma_semaphore, #tpu.memory_space<semaphore_mem>>) src(%dma_wait3A_284 : memref<100000x128xf32, #tpu.memory_space<hbm>>) dst(%dma_wait3A_278 : memref<40x128xf32, #tpu.memory_space<vmem>>)
    %add3A_285 = arith.constant 1 : i32
    %add3A_286 = arith.addi %mul3A_2, %add3A_285 : i32
    %mul3A_287 = arith.constant 160 : i32
    %mul3A_288 = arith.muli %add3A_286, %mul3A_287 : i32
    %dma_start3A_289 = arith.constant 0 : i32
    %dma_start3A_290 = tpu.memref_slice %arg5[%mul3A_288, %dma_start3A_289] : memref<10240x128xf32, #tpu.memory_space<hbm>> -> memref<80x128xf32, #tpu.memory_space<hbm>>
    %dma_start3A_291 = arith.constant 0 : i32
    %dma_start3A_292 = tpu.memref_slice %arg5[%mul3A_288, %dma_start3A_291] : memref<10240x128xf32, #tpu.memory_space<hbm>> -> memref<80x128xf32, #tpu.memory_space<hbm>>
    tpu.enqueue_dma source(%arg10 : memref<80x128xf32, #tpu.memory_space<vmem>>) target(%dma_start3A_292 : memref<80x128xf32, #tpu.memory_space<hbm>>) target_semaphore(%arg21 : memref<!tpu.dma_semaphore, #tpu.memory_space<semaphore_mem>>)
    %mul3A_293 = arith.constant 160 : i32
    %mul3A_294 = arith.muli %add3A_286, %mul3A_293 : i32
    %add3A_295 = arith.constant 80 : i32
    %add3A_296 = arith.addi %mul3A_294, %add3A_295 : i32
    %dma_start3A_297 = arith.constant 0 : i32
    %dma_start3A_298 = tpu.memref_slice %arg5[%add3A_296, %dma_start3A_297] : memref<10240x128xf32, #tpu.memory_space<hbm>> -> memref<80x128xf32, #tpu.memory_space<hbm>>
    %dma_start3A_299 = arith.constant 0 : i32
    %dma_start3A_300 = tpu.memref_slice %arg5[%add3A_296, %dma_start3A_299] : memref<10240x128xf32, #tpu.memory_space<hbm>> -> memref<80x128xf32, #tpu.memory_space<hbm>>
    tpu.enqueue_dma source(%arg11 : memref<80x128xf32, #tpu.memory_space<vmem>>) target(%dma_start3A_300 : memref<80x128xf32, #tpu.memory_space<hbm>>) target_semaphore(%arg21 : memref<!tpu.dma_semaphore, #tpu.memory_space<semaphore_mem>>)
    %dma_wait3A_301 = arith.constant 0 : i32
    %dma_wait3A_302 = arith.constant 0 : i32
    %dma_wait3A_303 = tpu.memref_slice %arg6[%add3A_216, %dma_wait3A_301, %dma_wait3A_302] : memref<64x160x160xf32, #tpu.memory_space<hbm>> -> memref<1x160x160xf32, #tpu.memory_space<hbm>>
    %dma_wait3A_304 = tpu.memref_squeeze %dma_wait3A_303 : memref<1x160x160xf32, #tpu.memory_space<hbm>> -> memref<160x160xf32, #tpu.memory_space<hbm>>
    %dma_wait3A_305 = arith.constant 0 : i32
    %dma_wait3A_306 = arith.constant 0 : i32
    %dma_wait3A_307 = tpu.memref_slice %arg6[%add3A_216, %dma_wait3A_305, %dma_wait3A_306] : memref<64x160x160xf32, #tpu.memory_space<hbm>> -> memref<1x160x160xf32, #tpu.memory_space<hbm>>
    %dma_wait3A_308 = tpu.memref_squeeze %dma_wait3A_307 : memref<1x160x160xf32, #tpu.memory_space<hbm>> -> memref<160x160xf32, #tpu.memory_space<hbm>>
    tpu.wait_dma2 semaphore(%arg26 : memref<!tpu.dma_semaphore, #tpu.memory_space<semaphore_mem>>) src(%arg16 : memref<160x160xf32, #tpu.memory_space<vmem>>) dst(%dma_wait3A_308 : memref<160x160xf32, #tpu.memory_space<hbm>>)
    %dma_wait3A_309 = arith.constant 0 : i32
    %dma_wait3A_310 = tpu.memref_slice %arg5[%mul3A_186, %dma_wait3A_309] : memref<10240x128xf32, #tpu.memory_space<hbm>> -> memref<80x128xf32, #tpu.memory_space<hbm>>
    %dma_wait3A_311 = arith.constant 0 : i32
    %dma_wait3A_312 = tpu.memref_slice %arg5[%mul3A_186, %dma_wait3A_311] : memref<10240x128xf32, #tpu.memory_space<hbm>> -> memref<80x128xf32, #tpu.memory_space<hbm>>
    tpu.wait_dma2 semaphore(%arg20 : memref<!tpu.dma_semaphore, #tpu.memory_space<semaphore_mem>>) src(%arg8 : memref<80x128xf32, #tpu.memory_space<vmem>>) dst(%dma_wait3A_312 : memref<80x128xf32, #tpu.memory_space<hbm>>)
    %dma_wait3A_313 = arith.constant 0 : i32
    %dma_wait3A_314 = tpu.memref_slice %arg5[%add3A_194, %dma_wait3A_313] : memref<10240x128xf32, #tpu.memory_space<hbm>> -> memref<80x128xf32, #tpu.memory_space<hbm>>
    %dma_wait3A_315 = arith.constant 0 : i32
    %dma_wait3A_316 = tpu.memref_slice %arg5[%add3A_194, %dma_wait3A_315] : memref<10240x128xf32, #tpu.memory_space<hbm>> -> memref<80x128xf32, #tpu.memory_space<hbm>>
    tpu.wait_dma2 semaphore(%arg20 : memref<!tpu.dma_semaphore, #tpu.memory_space<semaphore_mem>>) src(%arg9 : memref<80x128xf32, #tpu.memory_space<vmem>>) dst(%dma_wait3A_316 : memref<80x128xf32, #tpu.memory_space<hbm>>)
    %dma_wait3A_317 = arith.constant 0 : i32
    %dma_wait3A_318 = tpu.memref_slice %arg5[%mul3A_288, %dma_wait3A_317] : memref<10240x128xf32, #tpu.memory_space<hbm>> -> memref<80x128xf32, #tpu.memory_space<hbm>>
    %dma_wait3A_319 = arith.constant 0 : i32
    %dma_wait3A_320 = tpu.memref_slice %arg5[%mul3A_288, %dma_wait3A_319] : memref<10240x128xf32, #tpu.memory_space<hbm>> -> memref<80x128xf32, #tpu.memory_space<hbm>>
    tpu.wait_dma2 semaphore(%arg21 : memref<!tpu.dma_semaphore, #tpu.memory_space<semaphore_mem>>) src(%arg10 : memref<80x128xf32, #tpu.memory_space<vmem>>) dst(%dma_wait3A_320 : memref<80x128xf32, #tpu.memory_space<hbm>>)
    %dma_wait3A_321 = arith.constant 0 : i32
    %dma_wait3A_322 = tpu.memref_slice %arg5[%add3A_296, %dma_wait3A_321] : memref<10240x128xf32, #tpu.memory_space<hbm>> -> memref<80x128xf32, #tpu.memory_space<hbm>>
    %dma_wait3A_323 = arith.constant 0 : i32
    %dma_wait3A_324 = tpu.memref_slice %arg5[%add3A_296, %dma_wait3A_323] : memref<10240x128xf32, #tpu.memory_space<hbm>> -> memref<80x128xf32, #tpu.memory_space<hbm>>
    tpu.wait_dma2 semaphore(%arg21 : memref<!tpu.dma_semaphore, #tpu.memory_space<semaphore_mem>>) src(%arg11 : memref<80x128xf32, #tpu.memory_space<vmem>>) dst(%dma_wait3A_324 : memref<80x128xf32, #tpu.memory_space<hbm>>)
    return
  }
}

#map = affine_map<(d0, d1) -> (0, 0, 0)>
#map1 = affine_map<(d0, d1) -> (0, 0)>
module attributes {stable_mosaic.version = 14 : i64} {
  func.func @_sc_body(%arg0: i32, %arg1: i32, %arg2: memref<64x2x80xi32, #tpu.memory_space<hbm>>, %arg3: memref<64x2x2400xi32, #tpu.memory_space<hbm>>, %arg4: memref<100000x128xf32, #tpu.memory_space<hbm>>, %arg5: memref<10240x128xf32, #tpu.memory_space<hbm>>, %arg6: memref<64x160x160xf32, #tpu.memory_space<hbm>>, %arg7: memref<2x2x80xi32, #tpu.memory_space<vmem>>, %arg8: memref<80x128xf32, #tpu.memory_space<vmem>>, %arg9: memref<80x128xf32, #tpu.memory_space<vmem>>, %arg10: memref<80x128xf32, #tpu.memory_space<vmem>>, %arg11: memref<80x128xf32, #tpu.memory_space<vmem>>, %arg12: memref<80x128xf32, #tpu.memory_space<vmem>>, %arg13: memref<80x128xf32, #tpu.memory_space<vmem>>, %arg14: memref<2x2400xi32, #tpu.memory_space<vmem>>, %arg15: memref<2x2400xi32, #tpu.memory_space<vmem>>, %arg16: memref<160x160xf32, #tpu.memory_space<vmem>>, %arg17: memref<!tpu.dma_semaphore, #tpu.memory_space<semaphore_mem>>, %arg18: memref<!tpu.dma_semaphore, #tpu.memory_space<semaphore_mem>>, %arg19: memref<!tpu.dma_semaphore, #tpu.memory_space<semaphore_mem>>, %arg20: memref<!tpu.dma_semaphore, #tpu.memory_space<semaphore_mem>>, %arg21: memref<!tpu.dma_semaphore, #tpu.memory_space<semaphore_mem>>, %arg22: memref<!tpu.dma_semaphore, #tpu.memory_space<semaphore_mem>>, %arg23: memref<!tpu.dma_semaphore, #tpu.memory_space<semaphore_mem>>, %arg24: memref<!tpu.dma_semaphore, #tpu.memory_space<semaphore_mem>>, %arg25: memref<!tpu.dma_semaphore, #tpu.memory_space<semaphore_mem>>, %arg26: memref<!tpu.dma_semaphore, #tpu.memory_space<semaphore_mem>>) attributes {dimension_semantics = [#tpu.dimension_semantics<core_parallel>, #tpu.dimension_semantics<subcore_parallel>], iteration_bounds = array<i64: 2, 16>, scalar_prefetch = 0 : i64, scratch_operands = 20 : i64, tpu.core_type = #tpu.core_type<sc_vector_subcore>, window_params = [{transform_indices = #map}, {transform_indices = #map}, {transform_indices = #map1}, {transform_indices = #map1}, {transform_indices = #map}]} {
    %mul3A = arith.constant 2 : i32
    %mul3A_0 = arith.muli %arg1, %mul3A : i32
    %add3A = arith.addi %mul3A_0, %arg0 : i32
    %mul3A_1 = arith.constant 2 : i32
    %mul3A_2 = arith.muli %add3A, %mul3A_1 : i32
    %broadcast_in_dim3A = arith.constant 0.000000e+00 : f32
    %broadcast_in_dim3A_3 = vector.broadcast %broadcast_in_dim3A : f32 to vector<16xf32>
    "tpu.region"() ({
      %run_scoped3A = tpu.sem_alloc : memref<!tpu.dma_semaphore, #tpu.memory_space<semaphore_mem>>
      %dma_start3A_325 = arith.constant 0 : i32
      %dma_start3A_326 = arith.constant 0 : i32
      %dma_start3A_327 = tpu.memref_slice %arg2[%mul3A_2, %dma_start3A_325, %dma_start3A_326] : memref<64x2x80xi32, #tpu.memory_space<hbm>> -> memref<2x2x80xi32, #tpu.memory_space<hbm>>
      %dma_start3A_328 = arith.constant 0 : i32
      %dma_start3A_329 = arith.constant 0 : i32
      %dma_start3A_330 = tpu.memref_slice %arg2[%mul3A_2, %dma_start3A_328, %dma_start3A_329] : memref<64x2x80xi32, #tpu.memory_space<hbm>> -> memref<2x2x80xi32, #tpu.memory_space<hbm>>
      tpu.enqueue_dma source(%dma_start3A_330 : memref<2x2x80xi32, #tpu.memory_space<hbm>>) target(%arg7 : memref<2x2x80xi32, #tpu.memory_space<vmem>>) target_semaphore(%run_scoped3A : memref<!tpu.dma_semaphore, #tpu.memory_space<semaphore_mem>>)
      %dma_wait3A_331 = arith.constant 0 : i32
      %dma_wait3A_332 = arith.constant 0 : i32
      %dma_wait3A_333 = tpu.memref_slice %arg2[%mul3A_2, %dma_wait3A_331, %dma_wait3A_332] : memref<64x2x80xi32, #tpu.memory_space<hbm>> -> memref<2x2x80xi32, #tpu.memory_space<hbm>>
      %dma_wait3A_334 = arith.constant 0 : i32
      %dma_wait3A_335 = arith.constant 0 : i32
      %dma_wait3A_336 = tpu.memref_slice %arg2[%mul3A_2, %dma_wait3A_334, %dma_wait3A_335] : memref<64x2x80xi32, #tpu.memory_space<hbm>> -> memref<2x2x80xi32, #tpu.memory_space<hbm>>
      tpu.wait_dma2 semaphore(%run_scoped3A : memref<!tpu.dma_semaphore, #tpu.memory_space<semaphore_mem>>) src(%dma_wait3A_336 : memref<2x2x80xi32, #tpu.memory_space<hbm>>) dst(%arg7 : memref<2x2x80xi32, #tpu.memory_space<vmem>>)
      tpu.yield
    }) : () -> ()
    %dma_start3A = arith.constant 0 : i32
    %dma_start3A_4 = arith.constant 0 : i32
    %dma_start3A_5 = tpu.memref_slice %arg3[%mul3A_2, %dma_start3A, %dma_start3A_4] : memref<64x2x2400xi32, #tpu.memory_space<hbm>> -> memref<1x2x2400xi32, #tpu.memory_space<hbm>>
    %dma_start3A_6 = tpu.memref_squeeze %dma_start3A_5 : memref<1x2x2400xi32, #tpu.memory_space<hbm>> -> memref<2x2400xi32, #tpu.memory_space<hbm>>
    %dma_start3A_7 = arith.constant 0 : i32
    %dma_start3A_8 = arith.constant 0 : i32
    %dma_start3A_9 = tpu.memref_slice %arg3[%mul3A_2, %dma_start3A_7, %dma_start3A_8] : memref<64x2x2400xi32, #tpu.memory_space<hbm>> -> memref<1x2x2400xi32, #tpu.memory_space<hbm>>
    %dma_start3A_10 = tpu.memref_squeeze %dma_start3A_9 : memref<1x2x2400xi32, #tpu.memory_space<hbm>> -> memref<2x2400xi32, #tpu.memory_space<hbm>>
    tpu.enqueue_dma source(%dma_start3A_10 : memref<2x2400xi32, #tpu.memory_space<hbm>>) target(%arg14 : memref<2x2400xi32, #tpu.memory_space<vmem>>) target_semaphore(%arg23 : memref<!tpu.dma_semaphore, #tpu.memory_space<semaphore_mem>>)
    %dma_start3A_11 = arith.constant 0 : i32
    %dma_start3A_12 = arith.constant 0 : i32
    %dma_start3A_13 = arith.constant 0 : i32
    %dma_start3A_14 = arith.constant 0 : i32
    %dma_start3A_15 = tpu.memref_slice %arg8[%dma_start3A_13, %dma_start3A_14] : memref<80x128xf32, #tpu.memory_space<vmem>> -> memref<40x128xf32, #tpu.memory_space<vmem>>
    %dma_start3A_16 = arith.constant 0 : i32
    %dma_start3A_17 = tpu.memref_slice %arg7[%dma_start3A_11, %dma_start3A_12, %dma_start3A_16] : memref<2x2x80xi32, #tpu.memory_space<vmem>> -> memref<1x1x40xi32, #tpu.memory_space<vmem>>
    %dma_start3A_18 = tpu.memref_squeeze %dma_start3A_17 : memref<1x1x40xi32, #tpu.memory_space<vmem>> -> memref<40xi32, #tpu.memory_space<vmem>>
    %dma_start3A_19 = arith.constant 0 : i32
    %dma_start3A_20 = arith.constant 0 : i32
    %dma_start3A_21 = tpu.memref_slice %arg4[%dma_start3A_19, %dma_start3A_20] : memref<100000x128xf32, #tpu.memory_space<hbm>> -> memref<100000x128xf32, #tpu.memory_space<hbm>>
    tpu.enqueue_indirect_dma source(%dma_start3A_21 : memref<100000x128xf32, #tpu.memory_space<hbm>>) target(%dma_start3A_15 : memref<40x128xf32, #tpu.memory_space<vmem>>) offsets(%dma_start3A_18 : memref<40xi32, #tpu.memory_space<vmem>>) semaphore(%arg17 : memref<!tpu.dma_semaphore, #tpu.memory_space<semaphore_mem>>)
    %dma_start3A_22 = arith.constant 0 : i32
    %dma_start3A_23 = arith.constant 0 : i32
    %dma_start3A_24 = arith.constant 40 : i32
    %dma_start3A_25 = arith.constant 0 : i32
    %dma_start3A_26 = tpu.memref_slice %arg8[%dma_start3A_24, %dma_start3A_25] : memref<80x128xf32, #tpu.memory_space<vmem>> -> memref<40x128xf32, #tpu.memory_space<vmem>>
    %dma_start3A_27 = arith.constant 40 : i32
    %dma_start3A_28 = tpu.memref_slice %arg7[%dma_start3A_22, %dma_start3A_23, %dma_start3A_27] : memref<2x2x80xi32, #tpu.memory_space<vmem>> -> memref<1x1x40xi32, #tpu.memory_space<vmem>>
    %dma_start3A_29 = tpu.memref_squeeze %dma_start3A_28 : memref<1x1x40xi32, #tpu.memory_space<vmem>> -> memref<40xi32, #tpu.memory_space<vmem>>
    %dma_start3A_30 = arith.constant 0 : i32
    %dma_start3A_31 = arith.constant 0 : i32
    %dma_start3A_32 = tpu.memref_slice %arg4[%dma_start3A_30, %dma_start3A_31] : memref<100000x128xf32, #tpu.memory_space<hbm>> -> memref<100000x128xf32, #tpu.memory_space<hbm>>
    tpu.enqueue_indirect_dma source(%dma_start3A_32 : memref<100000x128xf32, #tpu.memory_space<hbm>>) target(%dma_start3A_26 : memref<40x128xf32, #tpu.memory_space<vmem>>) offsets(%dma_start3A_29 : memref<40xi32, #tpu.memory_space<vmem>>) semaphore(%arg17 : memref<!tpu.dma_semaphore, #tpu.memory_space<semaphore_mem>>)
    %dma_start3A_33 = arith.constant 0 : i32
    %dma_start3A_34 = arith.constant 1 : i32
    %dma_start3A_35 = arith.constant 0 : i32
    %dma_start3A_36 = arith.constant 0 : i32
    %dma_start3A_37 = tpu.memref_slice %arg9[%dma_start3A_35, %dma_start3A_36] : memref<80x128xf32, #tpu.memory_space<vmem>> -> memref<40x128xf32, #tpu.memory_space<vmem>>
    %dma_start3A_38 = arith.constant 0 : i32
    %dma_start3A_39 = tpu.memref_slice %arg7[%dma_start3A_33, %dma_start3A_34, %dma_start3A_38] : memref<2x2x80xi32, #tpu.memory_space<vmem>> -> memref<1x1x40xi32, #tpu.memory_space<vmem>>
    %dma_start3A_40 = tpu.memref_squeeze %dma_start3A_39 : memref<1x1x40xi32, #tpu.memory_space<vmem>> -> memref<40xi32, #tpu.memory_space<vmem>>
    %dma_start3A_41 = arith.constant 0 : i32
    %dma_start3A_42 = arith.constant 0 : i32
    %dma_start3A_43 = tpu.memref_slice %arg4[%dma_start3A_41, %dma_start3A_42] : memref<100000x128xf32, #tpu.memory_space<hbm>> -> memref<100000x128xf32, #tpu.memory_space<hbm>>
    tpu.enqueue_indirect_dma source(%dma_start3A_43 : memref<100000x128xf32, #tpu.memory_space<hbm>>) target(%dma_start3A_37 : memref<40x128xf32, #tpu.memory_space<vmem>>) offsets(%dma_start3A_40 : memref<40xi32, #tpu.memory_space<vmem>>) semaphore(%arg17 : memref<!tpu.dma_semaphore, #tpu.memory_space<semaphore_mem>>)
    %dma_start3A_44 = arith.constant 0 : i32
    %dma_start3A_45 = arith.constant 1 : i32
    %dma_start3A_46 = arith.constant 40 : i32
    %dma_start3A_47 = arith.constant 0 : i32
    %dma_start3A_48 = tpu.memref_slice %arg9[%dma_start3A_46, %dma_start3A_47] : memref<80x128xf32, #tpu.memory_space<vmem>> -> memref<40x128xf32, #tpu.memory_space<vmem>>
    %dma_start3A_49 = arith.constant 40 : i32
    %dma_start3A_50 = tpu.memref_slice %arg7[%dma_start3A_44, %dma_start3A_45, %dma_start3A_49] : memref<2x2x80xi32, #tpu.memory_space<vmem>> -> memref<1x1x40xi32, #tpu.memory_space<vmem>>
    %dma_start3A_51 = tpu.memref_squeeze %dma_start3A_50 : memref<1x1x40xi32, #tpu.memory_space<vmem>> -> memref<40xi32, #tpu.memory_space<vmem>>
    %dma_start3A_52 = arith.constant 0 : i32
    %dma_start3A_53 = arith.constant 0 : i32
    %dma_start3A_54 = tpu.memref_slice %arg4[%dma_start3A_52, %dma_start3A_53] : memref<100000x128xf32, #tpu.memory_space<hbm>> -> memref<100000x128xf32, #tpu.memory_space<hbm>>
    tpu.enqueue_indirect_dma source(%dma_start3A_54 : memref<100000x128xf32, #tpu.memory_space<hbm>>) target(%dma_start3A_48 : memref<40x128xf32, #tpu.memory_space<vmem>>) offsets(%dma_start3A_51 : memref<40xi32, #tpu.memory_space<vmem>>) semaphore(%arg17 : memref<!tpu.dma_semaphore, #tpu.memory_space<semaphore_mem>>)
    %dma_start3A_55 = arith.constant 1 : i32
    %dma_start3A_56 = arith.constant 0 : i32
    %dma_start3A_57 = arith.constant 0 : i32
    %dma_start3A_58 = arith.constant 0 : i32
    %dma_start3A_59 = tpu.memref_slice %arg10[%dma_start3A_57, %dma_start3A_58] : memref<80x128xf32, #tpu.memory_space<vmem>> -> memref<40x128xf32, #tpu.memory_space<vmem>>
    %dma_start3A_60 = arith.constant 0 : i32
    %dma_start3A_61 = tpu.memref_slice %arg7[%dma_start3A_55, %dma_start3A_56, %dma_start3A_60] : memref<2x2x80xi32, #tpu.memory_space<vmem>> -> memref<1x1x40xi32, #tpu.memory_space<vmem>>
    %dma_start3A_62 = tpu.memref_squeeze %dma_start3A_61 : memref<1x1x40xi32, #tpu.memory_space<vmem>> -> memref<40xi32, #tpu.memory_space<vmem>>
    %dma_start3A_63 = arith.constant 0 : i32
    %dma_start3A_64 = arith.constant 0 : i32
    %dma_start3A_65 = tpu.memref_slice %arg4[%dma_start3A_63, %dma_start3A_64] : memref<100000x128xf32, #tpu.memory_space<hbm>> -> memref<100000x128xf32, #tpu.memory_space<hbm>>
    tpu.enqueue_indirect_dma source(%dma_start3A_65 : memref<100000x128xf32, #tpu.memory_space<hbm>>) target(%dma_start3A_59 : memref<40x128xf32, #tpu.memory_space<vmem>>) offsets(%dma_start3A_62 : memref<40xi32, #tpu.memory_space<vmem>>) semaphore(%arg18 : memref<!tpu.dma_semaphore, #tpu.memory_space<semaphore_mem>>)
    %dma_start3A_66 = arith.constant 1 : i32
    %dma_start3A_67 = arith.constant 0 : i32
    %dma_start3A_68 = arith.constant 40 : i32
    %dma_start3A_69 = arith.constant 0 : i32
    %dma_start3A_70 = tpu.memref_slice %arg10[%dma_start3A_68, %dma_start3A_69] : memref<80x128xf32, #tpu.memory_space<vmem>> -> memref<40x128xf32, #tpu.memory_space<vmem>>
    %dma_start3A_71 = arith.constant 40 : i32
    %dma_start3A_72 = tpu.memref_slice %arg7[%dma_start3A_66, %dma_start3A_67, %dma_start3A_71] : memref<2x2x80xi32, #tpu.memory_space<vmem>> -> memref<1x1x40xi32, #tpu.memory_space<vmem>>
    %dma_start3A_73 = tpu.memref_squeeze %dma_start3A_72 : memref<1x1x40xi32, #tpu.memory_space<vmem>> -> memref<40xi32, #tpu.memory_space<vmem>>
    %dma_start3A_74 = arith.constant 0 : i32
    %dma_start3A_75 = arith.constant 0 : i32
    %dma_start3A_76 = tpu.memref_slice %arg4[%dma_start3A_74, %dma_start3A_75] : memref<100000x128xf32, #tpu.memory_space<hbm>> -> memref<100000x128xf32, #tpu.memory_space<hbm>>
    tpu.enqueue_indirect_dma source(%dma_start3A_76 : memref<100000x128xf32, #tpu.memory_space<hbm>>) target(%dma_start3A_70 : memref<40x128xf32, #tpu.memory_space<vmem>>) offsets(%dma_start3A_73 : memref<40xi32, #tpu.memory_space<vmem>>) semaphore(%arg18 : memref<!tpu.dma_semaphore, #tpu.memory_space<semaphore_mem>>)
    %dma_start3A_77 = arith.constant 1 : i32
    %dma_start3A_78 = arith.constant 1 : i32
    %dma_start3A_79 = arith.constant 0 : i32
    %dma_start3A_80 = arith.constant 0 : i32
    %dma_start3A_81 = tpu.memref_slice %arg11[%dma_start3A_79, %dma_start3A_80] : memref<80x128xf32, #tpu.memory_space<vmem>> -> memref<40x128xf32, #tpu.memory_space<vmem>>
    %dma_start3A_82 = arith.constant 0 : i32
    %dma_start3A_83 = tpu.memref_slice %arg7[%dma_start3A_77, %dma_start3A_78, %dma_start3A_82] : memref<2x2x80xi32, #tpu.memory_space<vmem>> -> memref<1x1x40xi32, #tpu.memory_space<vmem>>
    %dma_start3A_84 = tpu.memref_squeeze %dma_start3A_83 : memref<1x1x40xi32, #tpu.memory_space<vmem>> -> memref<40xi32, #tpu.memory_space<vmem>>
    %dma_start3A_85 = arith.constant 0 : i32
    %dma_start3A_86 = arith.constant 0 : i32
    %dma_start3A_87 = tpu.memref_slice %arg4[%dma_start3A_85, %dma_start3A_86] : memref<100000x128xf32, #tpu.memory_space<hbm>> -> memref<100000x128xf32, #tpu.memory_space<hbm>>
    tpu.enqueue_indirect_dma source(%dma_start3A_87 : memref<100000x128xf32, #tpu.memory_space<hbm>>) target(%dma_start3A_81 : memref<40x128xf32, #tpu.memory_space<vmem>>) offsets(%dma_start3A_84 : memref<40xi32, #tpu.memory_space<vmem>>) semaphore(%arg18 : memref<!tpu.dma_semaphore, #tpu.memory_space<semaphore_mem>>)
    %dma_start3A_88 = arith.constant 1 : i32
    %dma_start3A_89 = arith.constant 1 : i32
    %dma_start3A_90 = arith.constant 40 : i32
    %dma_start3A_91 = arith.constant 0 : i32
    %dma_start3A_92 = tpu.memref_slice %arg11[%dma_start3A_90, %dma_start3A_91] : memref<80x128xf32, #tpu.memory_space<vmem>> -> memref<40x128xf32, #tpu.memory_space<vmem>>
    %dma_start3A_93 = arith.constant 40 : i32
    %dma_start3A_94 = tpu.memref_slice %arg7[%dma_start3A_88, %dma_start3A_89, %dma_start3A_93] : memref<2x2x80xi32, #tpu.memory_space<vmem>> -> memref<1x1x40xi32, #tpu.memory_space<vmem>>
    %dma_start3A_95 = tpu.memref_squeeze %dma_start3A_94 : memref<1x1x40xi32, #tpu.memory_space<vmem>> -> memref<40xi32, #tpu.memory_space<vmem>>
    %dma_start3A_96 = arith.constant 0 : i32
    %dma_start3A_97 = arith.constant 0 : i32
    %dma_start3A_98 = tpu.memref_slice %arg4[%dma_start3A_96, %dma_start3A_97] : memref<100000x128xf32, #tpu.memory_space<hbm>> -> memref<100000x128xf32, #tpu.memory_space<hbm>>
    tpu.enqueue_indirect_dma source(%dma_start3A_98 : memref<100000x128xf32, #tpu.memory_space<hbm>>) target(%dma_start3A_92 : memref<40x128xf32, #tpu.memory_space<vmem>>) offsets(%dma_start3A_95 : memref<40xi32, #tpu.memory_space<vmem>>) semaphore(%arg18 : memref<!tpu.dma_semaphore, #tpu.memory_space<semaphore_mem>>)
    %scan3A = arith.constant 0 : i32
    %scan3A_99 = arith.constant 0 : i32
    %scan3A_100 = arith.constant 160 : i32
    %scan3A_101 = arith.addi %scan3A_99, %scan3A_100 : i32
    %scan3A_102 = arith.constant 2 : i32
    scf.for %scan3A_325 = %scan3A_99 to %scan3A_101 step %scan3A_102  : i32 {
      %swap3A = arith.index_cast %scan3A_325 : i32 to index
      %swap3A_326 = arith.constant 0 : index
      %swap3A_327 = tpu.vector_load %arg16[%swap3A, %swap3A_326] {strides = array<i32>} : memref<160x160xf32, #tpu.memory_space<vmem>>, vector<16xf32>,
      tpu.vector_store %arg16[%swap3A, %swap3A_326], %broadcast_in_dim3A_3 {strides = array<i32>} : memref<160x160xf32, #tpu.memory_space<vmem>>, vector<16xf32>,
      %swap3A_328 = arith.index_cast %scan3A_325 : i32 to index
      %swap3A_329 = arith.constant 16 : index
      %swap3A_330 = tpu.vector_load %arg16[%swap3A_328, %swap3A_329] {strides = array<i32>} : memref<160x160xf32, #tpu.memory_space<vmem>>, vector<16xf32>,
      tpu.vector_store %arg16[%swap3A_328, %swap3A_329], %broadcast_in_dim3A_3 {strides = array<i32>} : memref<160x160xf32, #tpu.memory_space<vmem>>, vector<16xf32>,
      %swap3A_331 = arith.index_cast %scan3A_325 : i32 to index
      %swap3A_332 = arith.constant 32 : index
      %swap3A_333 = tpu.vector_load %arg16[%swap3A_331, %swap3A_332] {strides = array<i32>} : memref<160x160xf32, #tpu.memory_space<vmem>>, vector<16xf32>,
      tpu.vector_store %arg16[%swap3A_331, %swap3A_332], %broadcast_in_dim3A_3 {strides = array<i32>} : memref<160x160xf32, #tpu.memory_space<vmem>>, vector<16xf32>,
      %swap3A_334 = arith.index_cast %scan3A_325 : i32 to index
      %swap3A_335 = arith.constant 48 : index
      %swap3A_336 = tpu.vector_load %arg16[%swap3A_334, %swap3A_335] {strides = array<i32>} : memref<160x160xf32, #tpu.memory_space<vmem>>, vector<16xf32>,
      tpu.vector_store %arg16[%swap3A_334, %swap3A_335], %broadcast_in_dim3A_3 {strides = array<i32>} : memref<160x160xf32, #tpu.memory_space<vmem>>, vector<16xf32>,
      %swap3A_337 = arith.index_cast %scan3A_325 : i32 to index
      %swap3A_338 = arith.constant 64 : index
      %swap3A_339 = tpu.vector_load %arg16[%swap3A_337, %swap3A_338] {strides = array<i32>} : memref<160x160xf32, #tpu.memory_space<vmem>>, vector<16xf32>,
      tpu.vector_store %arg16[%swap3A_337, %swap3A_338], %broadcast_in_dim3A_3 {strides = array<i32>} : memref<160x160xf32, #tpu.memory_space<vmem>>, vector<16xf32>,
      %swap3A_340 = arith.index_cast %scan3A_325 : i32 to index
      %swap3A_341 = arith.constant 80 : index
      %swap3A_342 = tpu.vector_load %arg16[%swap3A_340, %swap3A_341] {strides = array<i32>} : memref<160x160xf32, #tpu.memory_space<vmem>>, vector<16xf32>,
      tpu.vector_store %arg16[%swap3A_340, %swap3A_341], %broadcast_in_dim3A_3 {strides = array<i32>} : memref<160x160xf32, #tpu.memory_space<vmem>>, vector<16xf32>,
      %swap3A_343 = arith.index_cast %scan3A_325 : i32 to index
      %swap3A_344 = arith.constant 96 : index
      %swap3A_345 = tpu.vector_load %arg16[%swap3A_343, %swap3A_344] {strides = array<i32>} : memref<160x160xf32, #tpu.memory_space<vmem>>, vector<16xf32>,
      tpu.vector_store %arg16[%swap3A_343, %swap3A_344], %broadcast_in_dim3A_3 {strides = array<i32>} : memref<160x160xf32, #tpu.memory_space<vmem>>, vector<16xf32>,
      %swap3A_346 = arith.index_cast %scan3A_325 : i32 to index
      %swap3A_347 = arith.constant 112 : index
      %swap3A_348 = tpu.vector_load %arg16[%swap3A_346, %swap3A_347] {strides = array<i32>} : memref<160x160xf32, #tpu.memory_space<vmem>>, vector<16xf32>,
      tpu.vector_store %arg16[%swap3A_346, %swap3A_347], %broadcast_in_dim3A_3 {strides = array<i32>} : memref<160x160xf32, #tpu.memory_space<vmem>>, vector<16xf32>,
      %swap3A_349 = arith.index_cast %scan3A_325 : i32 to index
      %swap3A_350 = arith.constant 128 : index
      %swap3A_351 = tpu.vector_load %arg16[%swap3A_349, %swap3A_350] {strides = array<i32>} : memref<160x160xf32, #tpu.memory_space<vmem>>, vector<16xf32>,
      tpu.vector_store %arg16[%swap3A_349, %swap3A_350], %broadcast_in_dim3A_3 {strides = array<i32>} : memref<160x160xf32, #tpu.memory_space<vmem>>, vector<16xf32>,
      %swap3A_352 = arith.index_cast %scan3A_325 : i32 to index
      %swap3A_353 = arith.constant 144 : index
      %swap3A_354 = tpu.vector_load %arg16[%swap3A_352, %swap3A_353] {strides = array<i32>} : memref<160x160xf32, #tpu.memory_space<vmem>>, vector<16xf32>,
      tpu.vector_store %arg16[%swap3A_352, %swap3A_353], %broadcast_in_dim3A_3 {strides = array<i32>} : memref<160x160xf32, #tpu.memory_space<vmem>>, vector<16xf32>,
      %scan3A_355 = arith.constant 1 : i32
      %scan3A_356 = arith.addi %scan3A_325, %scan3A_355 : i32
      %swap3A_357 = arith.index_cast %scan3A_356 : i32 to index
      %swap3A_358 = arith.constant 0 : index
      %swap3A_359 = tpu.vector_load %arg16[%swap3A_357, %swap3A_358] {strides = array<i32>} : memref<160x160xf32, #tpu.memory_space<vmem>>, vector<16xf32>,
      tpu.vector_store %arg16[%swap3A_357, %swap3A_358], %broadcast_in_dim3A_3 {strides = array<i32>} : memref<160x160xf32, #tpu.memory_space<vmem>>, vector<16xf32>,
      %swap3A_360 = arith.index_cast %scan3A_356 : i32 to index
      %swap3A_361 = arith.constant 16 : index
      %swap3A_362 = tpu.vector_load %arg16[%swap3A_360, %swap3A_361] {strides = array<i32>} : memref<160x160xf32, #tpu.memory_space<vmem>>, vector<16xf32>,
      tpu.vector_store %arg16[%swap3A_360, %swap3A_361], %broadcast_in_dim3A_3 {strides = array<i32>} : memref<160x160xf32, #tpu.memory_space<vmem>>, vector<16xf32>,
      %swap3A_363 = arith.index_cast %scan3A_356 : i32 to index
      %swap3A_364 = arith.constant 32 : index
      %swap3A_365 = tpu.vector_load %arg16[%swap3A_363, %swap3A_364] {strides = array<i32>} : memref<160x160xf32, #tpu.memory_space<vmem>>, vector<16xf32>,
      tpu.vector_store %arg16[%swap3A_363, %swap3A_364], %broadcast_in_dim3A_3 {strides = array<i32>} : memref<160x160xf32, #tpu.memory_space<vmem>>, vector<16xf32>,
      %swap3A_366 = arith.index_cast %scan3A_356 : i32 to index
      %swap3A_367 = arith.constant 48 : index
      %swap3A_368 = tpu.vector_load %arg16[%swap3A_366, %swap3A_367] {strides = array<i32>} : memref<160x160xf32, #tpu.memory_space<vmem>>, vector<16xf32>,
      tpu.vector_store %arg16[%swap3A_366, %swap3A_367], %broadcast_in_dim3A_3 {strides = array<i32>} : memref<160x160xf32, #tpu.memory_space<vmem>>, vector<16xf32>,
      %swap3A_369 = arith.index_cast %scan3A_356 : i32 to index
      %swap3A_370 = arith.constant 64 : index
      %swap3A_371 = tpu.vector_load %arg16[%swap3A_369, %swap3A_370] {strides = array<i32>} : memref<160x160xf32, #tpu.memory_space<vmem>>, vector<16xf32>,
      tpu.vector_store %arg16[%swap3A_369, %swap3A_370], %broadcast_in_dim3A_3 {strides = array<i32>} : memref<160x160xf32, #tpu.memory_space<vmem>>, vector<16xf32>,
      %swap3A_372 = arith.index_cast %scan3A_356 : i32 to index
      %swap3A_373 = arith.constant 80 : index
      %swap3A_374 = tpu.vector_load %arg16[%swap3A_372, %swap3A_373] {strides = array<i32>} : memref<160x160xf32, #tpu.memory_space<vmem>>, vector<16xf32>,
      tpu.vector_store %arg16[%swap3A_372, %swap3A_373], %broadcast_in_dim3A_3 {strides = array<i32>} : memref<160x160xf32, #tpu.memory_space<vmem>>, vector<16xf32>,
      %swap3A_375 = arith.index_cast %scan3A_356 : i32 to index
      %swap3A_376 = arith.constant 96 : index
      %swap3A_377 = tpu.vector_load %arg16[%swap3A_375, %swap3A_376] {strides = array<i32>} : memref<160x160xf32, #tpu.memory_space<vmem>>, vector<16xf32>,
      tpu.vector_store %arg16[%swap3A_375, %swap3A_376], %broadcast_in_dim3A_3 {strides = array<i32>} : memref<160x160xf32, #tpu.memory_space<vmem>>, vector<16xf32>,
      %swap3A_378 = arith.index_cast %scan3A_356 : i32 to index
      %swap3A_379 = arith.constant 112 : index
      %swap3A_380 = tpu.vector_load %arg16[%swap3A_378, %swap3A_379] {strides = array<i32>} : memref<160x160xf32, #tpu.memory_space<vmem>>, vector<16xf32>,
      tpu.vector_store %arg16[%swap3A_378, %swap3A_379], %broadcast_in_dim3A_3 {strides = array<i32>} : memref<160x160xf32, #tpu.memory_space<vmem>>, vector<16xf32>,
      %swap3A_381 = arith.index_cast %scan3A_356 : i32 to index
      %swap3A_382 = arith.constant 128 : index
      %swap3A_383 = tpu.vector_load %arg16[%swap3A_381, %swap3A_382] {strides = array<i32>} : memref<160x160xf32, #tpu.memory_space<vmem>>, vector<16xf32>,
      tpu.vector_store %arg16[%swap3A_381, %swap3A_382], %broadcast_in_dim3A_3 {strides = array<i32>} : memref<160x160xf32, #tpu.memory_space<vmem>>, vector<16xf32>,
      %swap3A_384 = arith.index_cast %scan3A_356 : i32 to index
      %swap3A_385 = arith.constant 144 : index
      %swap3A_386 = tpu.vector_load %arg16[%swap3A_384, %swap3A_385] {strides = array<i32>} : memref<160x160xf32, #tpu.memory_space<vmem>>, vector<16xf32>,
      tpu.vector_store %arg16[%swap3A_384, %swap3A_385], %broadcast_in_dim3A_3 {strides = array<i32>} : memref<160x160xf32, #tpu.memory_space<vmem>>, vector<16xf32>,
    }
    %scan3A_103 = arith.constant 160 : i32
    %add3A_104 = arith.constant 0 : i32
    %add3A_105 = arith.addi %mul3A_2, %add3A_104 : i32
    %add3A_106 = arith.constant 1 : i32
    %add3A_107 = arith.addi %add3A_105, %add3A_106 : i32
    %dma_start3A_108 = arith.constant 0 : i32
    %dma_start3A_109 = arith.constant 0 : i32
    %dma_start3A_110 = tpu.memref_slice %arg3[%add3A_107, %dma_start3A_108, %dma_start3A_109] : memref<64x2x2400xi32, #tpu.memory_space<hbm>> -> memref<1x2x2400xi32, #tpu.memory_space<hbm>>
    %dma_start3A_111 = tpu.memref_squeeze %dma_start3A_110 : memref<1x2x2400xi32, #tpu.memory_space<hbm>> -> memref<2x2400xi32, #tpu.memory_space<hbm>>
    %dma_start3A_112 = arith.constant 0 : i32
    %dma_start3A_113 = arith.constant 0 : i32
    %dma_start3A_114 = tpu.memref_slice %arg3[%add3A_107, %dma_start3A_112, %dma_start3A_113] : memref<64x2x2400xi32, #tpu.memory_space<hbm>> -> memref<1x2x2400xi32, #tpu.memory_space<hbm>>
    %dma_start3A_115 = tpu.memref_squeeze %dma_start3A_114 : memref<1x2x2400xi32, #tpu.memory_space<hbm>> -> memref<2x2400xi32, #tpu.memory_space<hbm>>
    tpu.enqueue_dma source(%dma_start3A_115 : memref<2x2400xi32, #tpu.memory_space<hbm>>) target(%arg15 : memref<2x2400xi32, #tpu.memory_space<vmem>>) target_semaphore(%arg24 : memref<!tpu.dma_semaphore, #tpu.memory_space<semaphore_mem>>)
    %dma_wait3A = arith.constant 0 : i32
    %dma_wait3A_116 = arith.constant 0 : i32
    %dma_wait3A_117 = tpu.memref_slice %arg3[%mul3A_2, %dma_wait3A, %dma_wait3A_116] : memref<64x2x2400xi32, #tpu.memory_space<hbm>> -> memref<1x2x2400xi32, #tpu.memory_space<hbm>>
    %dma_wait3A_118 = tpu.memref_squeeze %dma_wait3A_117 : memref<1x2x2400xi32, #tpu.memory_space<hbm>> -> memref<2x2400xi32, #tpu.memory_space<hbm>>
    %dma_wait3A_119 = arith.constant 0 : i32
    %dma_wait3A_120 = arith.constant 0 : i32
    %dma_wait3A_121 = tpu.memref_slice %arg3[%mul3A_2, %dma_wait3A_119, %dma_wait3A_120] : memref<64x2x2400xi32, #tpu.memory_space<hbm>> -> memref<1x2x2400xi32, #tpu.memory_space<hbm>>
    %dma_wait3A_122 = tpu.memref_squeeze %dma_wait3A_121 : memref<1x2x2400xi32, #tpu.memory_space<hbm>> -> memref<2x2400xi32, #tpu.memory_space<hbm>>
    tpu.wait_dma2 semaphore(%arg23 : memref<!tpu.dma_semaphore, #tpu.memory_space<semaphore_mem>>) src(%dma_wait3A_122 : memref<2x2400xi32, #tpu.memory_space<hbm>>) dst(%arg14 : memref<2x2400xi32, #tpu.memory_space<vmem>>)
    %broadcast_in_dim3A_123 = arith.constant 1.000000e+00 : f32
    %broadcast_in_dim3A_124 = vector.broadcast %broadcast_in_dim3A_123 : f32 to vector<16xf32>
    %scan3A_125 = arith.constant 0 : i32
    %scan3A_126 = arith.constant 0 : i32
    %scan3A_127 = arith.constant 150 : i32
    %scan3A_128 = arith.addi %scan3A_126, %scan3A_127 : i32
    %scan3A_129 = arith.constant 5 : i32
    scf.for %scan3A_325 = %scan3A_126 to %scan3A_128 step %scan3A_129  : i32 {
      %mul3A_326 = arith.constant 16 : i32
      %mul3A_327 = arith.muli %scan3A_325, %mul3A_326 : i32
      %get3A = arith.constant 0 : i32
      %get3A_328 = arith.index_cast %get3A : i32 to index
      %get3A_329 = arith.index_cast %mul3A_327 : i32 to index
      %get3A_330 = tpu.vector_load %arg14[%get3A_328, %get3A_329] {strides = array<i32>} : memref<2x2400xi32, #tpu.memory_space<vmem>>, vector<16xi32>,
      %mul3A_331 = arith.constant 16 : i32
      %mul3A_332 = arith.muli %scan3A_325, %mul3A_331 : i32
      %get3A_333 = arith.constant 1 : i32
      %get3A_334 = arith.index_cast %get3A_333 : i32 to index
      %get3A_335 = arith.index_cast %mul3A_332 : i32 to index
      %get3A_336 = tpu.vector_load %arg14[%get3A_334, %get3A_335] {strides = array<i32>} : memref<2x2400xi32, #tpu.memory_space<vmem>>, vector<16xi32>,
      tpu.vector_store_idx %arg16[%get3A_336, %get3A_330], %broadcast_in_dim3A_124 {add = true} : memref<160x160xf32, #tpu.memory_space<vmem>>[vector<16xi32>, vector<16xi32>], vector<16xf32>,
      %scan3A_337 = arith.constant 1 : i32
      %scan3A_338 = arith.addi %scan3A_325, %scan3A_337 : i32
      %mul3A_339 = arith.constant 16 : i32
      %mul3A_340 = arith.muli %scan3A_338, %mul3A_339 : i32
      %get3A_341 = arith.constant 0 : i32
      %get3A_342 = arith.index_cast %get3A_341 : i32 to index
      %get3A_343 = arith.index_cast %mul3A_340 : i32 to index
      %get3A_344 = tpu.vector_load %arg14[%get3A_342, %get3A_343] {strides = array<i32>} : memref<2x2400xi32, #tpu.memory_space<vmem>>, vector<16xi32>,
      %mul3A_345 = arith.constant 16 : i32
      %mul3A_346 = arith.muli %scan3A_338, %mul3A_345 : i32
      %get3A_347 = arith.constant 1 : i32
      %get3A_348 = arith.index_cast %get3A_347 : i32 to index
      %get3A_349 = arith.index_cast %mul3A_346 : i32 to index
      %get3A_350 = tpu.vector_load %arg14[%get3A_348, %get3A_349] {strides = array<i32>} : memref<2x2400xi32, #tpu.memory_space<vmem>>, vector<16xi32>,
      tpu.vector_store_idx %arg16[%get3A_350, %get3A_344], %broadcast_in_dim3A_124 {add = true} : memref<160x160xf32, #tpu.memory_space<vmem>>[vector<16xi32>, vector<16xi32>], vector<16xf32>,
      %scan3A_351 = arith.constant 2 : i32
      %scan3A_352 = arith.addi %scan3A_325, %scan3A_351 : i32
      %mul3A_353 = arith.constant 16 : i32
      %mul3A_354 = arith.muli %scan3A_352, %mul3A_353 : i32
      %get3A_355 = arith.constant 0 : i32
      %get3A_356 = arith.index_cast %get3A_355 : i32 to index
      %get3A_357 = arith.index_cast %mul3A_354 : i32 to index
      %get3A_358 = tpu.vector_load %arg14[%get3A_356, %get3A_357] {strides = array<i32>} : memref<2x2400xi32, #tpu.memory_space<vmem>>, vector<16xi32>,
      %mul3A_359 = arith.constant 16 : i32
      %mul3A_360 = arith.muli %scan3A_352, %mul3A_359 : i32
      %get3A_361 = arith.constant 1 : i32
      %get3A_362 = arith.index_cast %get3A_361 : i32 to index
      %get3A_363 = arith.index_cast %mul3A_360 : i32 to index
      %get3A_364 = tpu.vector_load %arg14[%get3A_362, %get3A_363] {strides = array<i32>} : memref<2x2400xi32, #tpu.memory_space<vmem>>, vector<16xi32>,
      tpu.vector_store_idx %arg16[%get3A_364, %get3A_358], %broadcast_in_dim3A_124 {add = true} : memref<160x160xf32, #tpu.memory_space<vmem>>[vector<16xi32>, vector<16xi32>], vector<16xf32>,
      %scan3A_365 = arith.constant 3 : i32
      %scan3A_366 = arith.addi %scan3A_325, %scan3A_365 : i32
      %mul3A_367 = arith.constant 16 : i32
      %mul3A_368 = arith.muli %scan3A_366, %mul3A_367 : i32
      %get3A_369 = arith.constant 0 : i32
      %get3A_370 = arith.index_cast %get3A_369 : i32 to index
      %get3A_371 = arith.index_cast %mul3A_368 : i32 to index
      %get3A_372 = tpu.vector_load %arg14[%get3A_370, %get3A_371] {strides = array<i32>} : memref<2x2400xi32, #tpu.memory_space<vmem>>, vector<16xi32>,
      %mul3A_373 = arith.constant 16 : i32
      %mul3A_374 = arith.muli %scan3A_366, %mul3A_373 : i32
      %get3A_375 = arith.constant 1 : i32
      %get3A_376 = arith.index_cast %get3A_375 : i32 to index
      %get3A_377 = arith.index_cast %mul3A_374 : i32 to index
      %get3A_378 = tpu.vector_load %arg14[%get3A_376, %get3A_377] {strides = array<i32>} : memref<2x2400xi32, #tpu.memory_space<vmem>>, vector<16xi32>,
      tpu.vector_store_idx %arg16[%get3A_378, %get3A_372], %broadcast_in_dim3A_124 {add = true} : memref<160x160xf32, #tpu.memory_space<vmem>>[vector<16xi32>, vector<16xi32>], vector<16xf32>,
      %scan3A_379 = arith.constant 4 : i32
      %scan3A_380 = arith.addi %scan3A_325, %scan3A_379 : i32
      %mul3A_381 = arith.constant 16 : i32
      %mul3A_382 = arith.muli %scan3A_380, %mul3A_381 : i32
      %get3A_383 = arith.constant 0 : i32
      %get3A_384 = arith.index_cast %get3A_383 : i32 to index
      %get3A_385 = arith.index_cast %mul3A_382 : i32 to index
      %get3A_386 = tpu.vector_load %arg14[%get3A_384, %get3A_385] {strides = array<i32>} : memref<2x2400xi32, #tpu.memory_space<vmem>>, vector<16xi32>,
      %mul3A_387 = arith.constant 16 : i32
      %mul3A_388 = arith.muli %scan3A_380, %mul3A_387 : i32
      %get3A_389 = arith.constant 1 : i32
      %get3A_390 = arith.index_cast %get3A_389 : i32 to index
      %get3A_391 = arith.index_cast %mul3A_388 : i32 to index
      %get3A_392 = tpu.vector_load %arg14[%get3A_390, %get3A_391] {strides = array<i32>} : memref<2x2400xi32, #tpu.memory_space<vmem>>, vector<16xi32>,
      tpu.vector_store_idx %arg16[%get3A_392, %get3A_386], %broadcast_in_dim3A_124 {add = true} : memref<160x160xf32, #tpu.memory_space<vmem>>[vector<16xi32>, vector<16xi32>], vector<16xf32>,
    }
    %scan3A_130 = arith.constant 150 : i32
    %dma_start3A_131 = arith.constant 0 : i32
    %dma_start3A_132 = arith.constant 0 : i32
    %dma_start3A_133 = tpu.memref_slice %arg6[%add3A_105, %dma_start3A_131, %dma_start3A_132] : memref<64x160x160xf32, #tpu.memory_space<hbm>> -> memref<1x160x160xf32, #tpu.memory_space<hbm>>
    %dma_start3A_134 = tpu.memref_squeeze %dma_start3A_133 : memref<1x160x160xf32, #tpu.memory_space<hbm>> -> memref<160x160xf32, #tpu.memory_space<hbm>>
    %dma_start3A_135 = arith.constant 0 : i32
    %dma_start3A_136 = arith.constant 0 : i32
    %dma_start3A_137 = tpu.memref_slice %arg6[%add3A_105, %dma_start3A_135, %dma_start3A_136] : memref<64x160x160xf32, #tpu.memory_space<hbm>> -> memref<1x160x160xf32, #tpu.memory_space<hbm>>
    %dma_start3A_138 = tpu.memref_squeeze %dma_start3A_137 : memref<1x160x160xf32, #tpu.memory_space<hbm>> -> memref<160x160xf32, #tpu.memory_space<hbm>>
    tpu.enqueue_dma source(%arg16 : memref<160x160xf32, #tpu.memory_space<vmem>>) target(%dma_start3A_138 : memref<160x160xf32, #tpu.memory_space<hbm>>) target_semaphore(%arg25 : memref<!tpu.dma_semaphore, #tpu.memory_space<semaphore_mem>>)
    %dma_wait3A_139 = arith.constant 0 : i32
    %dma_wait3A_140 = arith.constant 0 : i32
    %dma_wait3A_141 = arith.constant 0 : i32
    %dma_wait3A_142 = arith.constant 0 : i32
    %dma_wait3A_143 = tpu.memref_slice %arg8[%dma_wait3A_141, %dma_wait3A_142] : memref<80x128xf32, #tpu.memory_space<vmem>> -> memref<40x128xf32, #tpu.memory_space<vmem>>
    %dma_wait3A_144 = arith.constant 0 : i32
    %dma_wait3A_145 = tpu.memref_slice %arg7[%dma_wait3A_139, %dma_wait3A_140, %dma_wait3A_144] : memref<2x2x80xi32, #tpu.memory_space<vmem>> -> memref<1x1x40xi32, #tpu.memory_space<vmem>>
    %dma_wait3A_146 = tpu.memref_squeeze %dma_wait3A_145 : memref<1x1x40xi32, #tpu.memory_space<vmem>> -> memref<40xi32, #tpu.memory_space<vmem>>
    %dma_wait3A_147 = arith.constant 0 : i32
    %dma_wait3A_148 = arith.constant 0 : i32
    %dma_wait3A_149 = tpu.memref_slice %arg4[%dma_wait3A_147, %dma_wait3A_148] : memref<100000x128xf32, #tpu.memory_space<hbm>> -> memref<100000x128xf32, #tpu.memory_space<hbm>>
    tpu.wait_indirect_dma semaphore(%arg17 : memref<!tpu.dma_semaphore, #tpu.memory_space<semaphore_mem>>) src(%dma_wait3A_149 : memref<100000x128xf32, #tpu.memory_space<hbm>>) dst(%dma_wait3A_143 : memref<40x128xf32, #tpu.memory_space<vmem>>)
    %dma_wait3A_150 = arith.constant 0 : i32
    %dma_wait3A_151 = arith.constant 0 : i32
    %dma_wait3A_152 = arith.constant 40 : i32
    %dma_wait3A_153 = arith.constant 0 : i32
    %dma_wait3A_154 = tpu.memref_slice %arg8[%dma_wait3A_152, %dma_wait3A_153] : memref<80x128xf32, #tpu.memory_space<vmem>> -> memref<40x128xf32, #tpu.memory_space<vmem>>
    %dma_wait3A_155 = arith.constant 40 : i32
    %dma_wait3A_156 = tpu.memref_slice %arg7[%dma_wait3A_150, %dma_wait3A_151, %dma_wait3A_155] : memref<2x2x80xi32, #tpu.memory_space<vmem>> -> memref<1x1x40xi32, #tpu.memory_space<vmem>>
    %dma_wait3A_157 = tpu.memref_squeeze %dma_wait3A_156 : memref<1x1x40xi32, #tpu.memory_space<vmem>> -> memref<40xi32, #tpu.memory_space<vmem>>
    %dma_wait3A_158 = arith.constant 0 : i32
    %dma_wait3A_159 = arith.constant 0 : i32
    %dma_wait3A_160 = tpu.memref_slice %arg4[%dma_wait3A_158, %dma_wait3A_159] : memref<100000x128xf32, #tpu.memory_space<hbm>> -> memref<100000x128xf32, #tpu.memory_space<hbm>>
    tpu.wait_indirect_dma semaphore(%arg17 : memref<!tpu.dma_semaphore, #tpu.memory_space<semaphore_mem>>) src(%dma_wait3A_160 : memref<100000x128xf32, #tpu.memory_space<hbm>>) dst(%dma_wait3A_154 : memref<40x128xf32, #tpu.memory_space<vmem>>)
    %dma_wait3A_161 = arith.constant 0 : i32
    %dma_wait3A_162 = arith.constant 1 : i32
    %dma_wait3A_163 = arith.constant 0 : i32
    %dma_wait3A_164 = arith.constant 0 : i32
    %dma_wait3A_165 = tpu.memref_slice %arg9[%dma_wait3A_163, %dma_wait3A_164] : memref<80x128xf32, #tpu.memory_space<vmem>> -> memref<40x128xf32, #tpu.memory_space<vmem>>
    %dma_wait3A_166 = arith.constant 0 : i32
    %dma_wait3A_167 = tpu.memref_slice %arg7[%dma_wait3A_161, %dma_wait3A_162, %dma_wait3A_166] : memref<2x2x80xi32, #tpu.memory_space<vmem>> -> memref<1x1x40xi32, #tpu.memory_space<vmem>>
    %dma_wait3A_168 = tpu.memref_squeeze %dma_wait3A_167 : memref<1x1x40xi32, #tpu.memory_space<vmem>> -> memref<40xi32, #tpu.memory_space<vmem>>
    %dma_wait3A_169 = arith.constant 0 : i32
    %dma_wait3A_170 = arith.constant 0 : i32
    %dma_wait3A_171 = tpu.memref_slice %arg4[%dma_wait3A_169, %dma_wait3A_170] : memref<100000x128xf32, #tpu.memory_space<hbm>> -> memref<100000x128xf32, #tpu.memory_space<hbm>>
    tpu.wait_indirect_dma semaphore(%arg17 : memref<!tpu.dma_semaphore, #tpu.memory_space<semaphore_mem>>) src(%dma_wait3A_171 : memref<100000x128xf32, #tpu.memory_space<hbm>>) dst(%dma_wait3A_165 : memref<40x128xf32, #tpu.memory_space<vmem>>)
    %dma_wait3A_172 = arith.constant 0 : i32
    %dma_wait3A_173 = arith.constant 1 : i32
    %dma_wait3A_174 = arith.constant 40 : i32
    %dma_wait3A_175 = arith.constant 0 : i32
    %dma_wait3A_176 = tpu.memref_slice %arg9[%dma_wait3A_174, %dma_wait3A_175] : memref<80x128xf32, #tpu.memory_space<vmem>> -> memref<40x128xf32, #tpu.memory_space<vmem>>
    %dma_wait3A_177 = arith.constant 40 : i32
    %dma_wait3A_178 = tpu.memref_slice %arg7[%dma_wait3A_172, %dma_wait3A_173, %dma_wait3A_177] : memref<2x2x80xi32, #tpu.memory_space<vmem>> -> memref<1x1x40xi32, #tpu.memory_space<vmem>>
    %dma_wait3A_179 = tpu.memref_squeeze %dma_wait3A_178 : memref<1x1x40xi32, #tpu.memory_space<vmem>> -> memref<40xi32, #tpu.memory_space<vmem>>
    %dma_wait3A_180 = arith.constant 0 : i32
    %dma_wait3A_181 = arith.constant 0 : i32
    %dma_wait3A_182 = tpu.memref_slice %arg4[%dma_wait3A_180, %dma_wait3A_181] : memref<100000x128xf32, #tpu.memory_space<hbm>> -> memref<100000x128xf32, #tpu.memory_space<hbm>>
    tpu.wait_indirect_dma semaphore(%arg17 : memref<!tpu.dma_semaphore, #tpu.memory_space<semaphore_mem>>) src(%dma_wait3A_182 : memref<100000x128xf32, #tpu.memory_space<hbm>>) dst(%dma_wait3A_176 : memref<40x128xf32, #tpu.memory_space<vmem>>)
    %add3A_183 = arith.constant 0 : i32
    %add3A_184 = arith.addi %mul3A_2, %add3A_183 : i32
    %mul3A_185 = arith.constant 160 : i32
    %mul3A_186 = arith.muli %add3A_184, %mul3A_185 : i32
    %dma_start3A_187 = arith.constant 0 : i32
    %dma_start3A_188 = tpu.memref_slice %arg5[%mul3A_186, %dma_start3A_187] : memref<10240x128xf32, #tpu.memory_space<hbm>> -> memref<80x128xf32, #tpu.memory_space<hbm>>
    %dma_start3A_189 = arith.constant 0 : i32
    %dma_start3A_190 = tpu.memref_slice %arg5[%mul3A_186, %dma_start3A_189] : memref<10240x128xf32, #tpu.memory_space<hbm>> -> memref<80x128xf32, #tpu.memory_space<hbm>>
    tpu.enqueue_dma source(%arg8 : memref<80x128xf32, #tpu.memory_space<vmem>>) target(%dma_start3A_190 : memref<80x128xf32, #tpu.memory_space<hbm>>) target_semaphore(%arg20 : memref<!tpu.dma_semaphore, #tpu.memory_space<semaphore_mem>>)
    %mul3A_191 = arith.constant 160 : i32
    %mul3A_192 = arith.muli %add3A_184, %mul3A_191 : i32
    %add3A_193 = arith.constant 80 : i32
    %add3A_194 = arith.addi %mul3A_192, %add3A_193 : i32
    %dma_start3A_195 = arith.constant 0 : i32
    %dma_start3A_196 = tpu.memref_slice %arg5[%add3A_194, %dma_start3A_195] : memref<10240x128xf32, #tpu.memory_space<hbm>> -> memref<80x128xf32, #tpu.memory_space<hbm>>
    %dma_start3A_197 = arith.constant 0 : i32
    %dma_start3A_198 = tpu.memref_slice %arg5[%add3A_194, %dma_start3A_197] : memref<10240x128xf32, #tpu.memory_space<hbm>> -> memref<80x128xf32, #tpu.memory_space<hbm>>
    tpu.enqueue_dma source(%arg9 : memref<80x128xf32, #tpu.memory_space<vmem>>) target(%dma_start3A_198 : memref<80x128xf32, #tpu.memory_space<hbm>>) target_semaphore(%arg20 : memref<!tpu.dma_semaphore, #tpu.memory_space<semaphore_mem>>)
    %dma_wait3A_199 = arith.constant 0 : i32
    %dma_wait3A_200 = arith.constant 0 : i32
    %dma_wait3A_201 = tpu.memref_slice %arg6[%add3A_105, %dma_wait3A_199, %dma_wait3A_200] : memref<64x160x160xf32, #tpu.memory_space<hbm>> -> memref<1x160x160xf32, #tpu.memory_space<hbm>>
    %dma_wait3A_202 = tpu.memref_squeeze %dma_wait3A_201 : memref<1x160x160xf32, #tpu.memory_space<hbm>> -> memref<160x160xf32, #tpu.memory_space<hbm>>
    %dma_wait3A_203 = arith.constant 0 : i32
    %dma_wait3A_204 = arith.constant 0 : i32
    %dma_wait3A_205 = tpu.memref_slice %arg6[%add3A_105, %dma_wait3A_203, %dma_wait3A_204] : memref<64x160x160xf32, #tpu.memory_space<hbm>> -> memref<1x160x160xf32, #tpu.memory_space<hbm>>
    %dma_wait3A_206 = tpu.memref_squeeze %dma_wait3A_205 : memref<1x160x160xf32, #tpu.memory_space<hbm>> -> memref<160x160xf32, #tpu.memory_space<hbm>>
    tpu.wait_dma2 semaphore(%arg25 : memref<!tpu.dma_semaphore, #tpu.memory_space<semaphore_mem>>) src(%arg16 : memref<160x160xf32, #tpu.memory_space<vmem>>) dst(%dma_wait3A_206 : memref<160x160xf32, #tpu.memory_space<hbm>>)
    %broadcast_in_dim3A_207 = arith.constant -1.000000e+00 : f32
    %broadcast_in_dim3A_208 = vector.broadcast %broadcast_in_dim3A_207 : f32 to vector<16xf32>
    %scan3A_209 = arith.constant 0 : i32
    %scan3A_210 = arith.constant 0 : i32
    %scan3A_211 = arith.constant 150 : i32
    %scan3A_212 = arith.addi %scan3A_210, %scan3A_211 : i32
    %scan3A_213 = arith.constant 5 : i32
    scf.for %scan3A_325 = %scan3A_210 to %scan3A_212 step %scan3A_213  : i32 {
      %mul3A_326 = arith.constant 16 : i32
      %mul3A_327 = arith.muli %scan3A_325, %mul3A_326 : i32
      %get3A = arith.constant 0 : i32
      %get3A_328 = arith.index_cast %get3A : i32 to index
      %get3A_329 = arith.index_cast %mul3A_327 : i32 to index
      %get3A_330 = tpu.vector_load %arg14[%get3A_328, %get3A_329] {strides = array<i32>} : memref<2x2400xi32, #tpu.memory_space<vmem>>, vector<16xi32>,
      %mul3A_331 = arith.constant 16 : i32
      %mul3A_332 = arith.muli %scan3A_325, %mul3A_331 : i32
      %get3A_333 = arith.constant 1 : i32
      %get3A_334 = arith.index_cast %get3A_333 : i32 to index
      %get3A_335 = arith.index_cast %mul3A_332 : i32 to index
      %get3A_336 = tpu.vector_load %arg14[%get3A_334, %get3A_335] {strides = array<i32>} : memref<2x2400xi32, #tpu.memory_space<vmem>>, vector<16xi32>,
      tpu.vector_store_idx %arg16[%get3A_336, %get3A_330], %broadcast_in_dim3A_208 {add = true} : memref<160x160xf32, #tpu.memory_space<vmem>>[vector<16xi32>, vector<16xi32>], vector<16xf32>,
      %scan3A_337 = arith.constant 1 : i32
      %scan3A_338 = arith.addi %scan3A_325, %scan3A_337 : i32
      %mul3A_339 = arith.constant 16 : i32
      %mul3A_340 = arith.muli %scan3A_338, %mul3A_339 : i32
      %get3A_341 = arith.constant 0 : i32
      %get3A_342 = arith.index_cast %get3A_341 : i32 to index
      %get3A_343 = arith.index_cast %mul3A_340 : i32 to index
      %get3A_344 = tpu.vector_load %arg14[%get3A_342, %get3A_343] {strides = array<i32>} : memref<2x2400xi32, #tpu.memory_space<vmem>>, vector<16xi32>,
      %mul3A_345 = arith.constant 16 : i32
      %mul3A_346 = arith.muli %scan3A_338, %mul3A_345 : i32
      %get3A_347 = arith.constant 1 : i32
      %get3A_348 = arith.index_cast %get3A_347 : i32 to index
      %get3A_349 = arith.index_cast %mul3A_346 : i32 to index
      %get3A_350 = tpu.vector_load %arg14[%get3A_348, %get3A_349] {strides = array<i32>} : memref<2x2400xi32, #tpu.memory_space<vmem>>, vector<16xi32>,
      tpu.vector_store_idx %arg16[%get3A_350, %get3A_344], %broadcast_in_dim3A_208 {add = true} : memref<160x160xf32, #tpu.memory_space<vmem>>[vector<16xi32>, vector<16xi32>], vector<16xf32>,
      %scan3A_351 = arith.constant 2 : i32
      %scan3A_352 = arith.addi %scan3A_325, %scan3A_351 : i32
      %mul3A_353 = arith.constant 16 : i32
      %mul3A_354 = arith.muli %scan3A_352, %mul3A_353 : i32
      %get3A_355 = arith.constant 0 : i32
      %get3A_356 = arith.index_cast %get3A_355 : i32 to index
      %get3A_357 = arith.index_cast %mul3A_354 : i32 to index
      %get3A_358 = tpu.vector_load %arg14[%get3A_356, %get3A_357] {strides = array<i32>} : memref<2x2400xi32, #tpu.memory_space<vmem>>, vector<16xi32>,
      %mul3A_359 = arith.constant 16 : i32
      %mul3A_360 = arith.muli %scan3A_352, %mul3A_359 : i32
      %get3A_361 = arith.constant 1 : i32
      %get3A_362 = arith.index_cast %get3A_361 : i32 to index
      %get3A_363 = arith.index_cast %mul3A_360 : i32 to index
      %get3A_364 = tpu.vector_load %arg14[%get3A_362, %get3A_363] {strides = array<i32>} : memref<2x2400xi32, #tpu.memory_space<vmem>>, vector<16xi32>,
      tpu.vector_store_idx %arg16[%get3A_364, %get3A_358], %broadcast_in_dim3A_208 {add = true} : memref<160x160xf32, #tpu.memory_space<vmem>>[vector<16xi32>, vector<16xi32>], vector<16xf32>,
      %scan3A_365 = arith.constant 3 : i32
      %scan3A_366 = arith.addi %scan3A_325, %scan3A_365 : i32
      %mul3A_367 = arith.constant 16 : i32
      %mul3A_368 = arith.muli %scan3A_366, %mul3A_367 : i32
      %get3A_369 = arith.constant 0 : i32
      %get3A_370 = arith.index_cast %get3A_369 : i32 to index
      %get3A_371 = arith.index_cast %mul3A_368 : i32 to index
      %get3A_372 = tpu.vector_load %arg14[%get3A_370, %get3A_371] {strides = array<i32>} : memref<2x2400xi32, #tpu.memory_space<vmem>>, vector<16xi32>,
      %mul3A_373 = arith.constant 16 : i32
      %mul3A_374 = arith.muli %scan3A_366, %mul3A_373 : i32
      %get3A_375 = arith.constant 1 : i32
      %get3A_376 = arith.index_cast %get3A_375 : i32 to index
      %get3A_377 = arith.index_cast %mul3A_374 : i32 to index
      %get3A_378 = tpu.vector_load %arg14[%get3A_376, %get3A_377] {strides = array<i32>} : memref<2x2400xi32, #tpu.memory_space<vmem>>, vector<16xi32>,
      tpu.vector_store_idx %arg16[%get3A_378, %get3A_372], %broadcast_in_dim3A_208 {add = true} : memref<160x160xf32, #tpu.memory_space<vmem>>[vector<16xi32>, vector<16xi32>], vector<16xf32>,
      %scan3A_379 = arith.constant 4 : i32
      %scan3A_380 = arith.addi %scan3A_325, %scan3A_379 : i32
      %mul3A_381 = arith.constant 16 : i32
      %mul3A_382 = arith.muli %scan3A_380, %mul3A_381 : i32
      %get3A_383 = arith.constant 0 : i32
      %get3A_384 = arith.index_cast %get3A_383 : i32 to index
      %get3A_385 = arith.index_cast %mul3A_382 : i32 to index
      %get3A_386 = tpu.vector_load %arg14[%get3A_384, %get3A_385] {strides = array<i32>} : memref<2x2400xi32, #tpu.memory_space<vmem>>, vector<16xi32>,
      %mul3A_387 = arith.constant 16 : i32
      %mul3A_388 = arith.muli %scan3A_380, %mul3A_387 : i32
      %get3A_389 = arith.constant 1 : i32
      %get3A_390 = arith.index_cast %get3A_389 : i32 to index
      %get3A_391 = arith.index_cast %mul3A_388 : i32 to index
      %get3A_392 = tpu.vector_load %arg14[%get3A_390, %get3A_391] {strides = array<i32>} : memref<2x2400xi32, #tpu.memory_space<vmem>>, vector<16xi32>,
      tpu.vector_store_idx %arg16[%get3A_392, %get3A_386], %broadcast_in_dim3A_208 {add = true} : memref<160x160xf32, #tpu.memory_space<vmem>>[vector<16xi32>, vector<16xi32>], vector<16xf32>,
    }
    %scan3A_214 = arith.constant 150 : i32
    %add3A_215 = arith.constant 1 : i32
    %add3A_216 = arith.addi %mul3A_2, %add3A_215 : i32
    %dma_wait3A_217 = arith.constant 0 : i32
    %dma_wait3A_218 = arith.constant 0 : i32
    %dma_wait3A_219 = tpu.memref_slice %arg3[%add3A_107, %dma_wait3A_217, %dma_wait3A_218] : memref<64x2x2400xi32, #tpu.memory_space<hbm>> -> memref<1x2x2400xi32, #tpu.memory_space<hbm>>
    %dma_wait3A_220 = tpu.memref_squeeze %dma_wait3A_219 : memref<1x2x2400xi32, #tpu.memory_space<hbm>> -> memref<2x2400xi32, #tpu.memory_space<hbm>>
    %dma_wait3A_221 = arith.constant 0 : i32
    %dma_wait3A_222 = arith.constant 0 : i32
    %dma_wait3A_223 = tpu.memref_slice %arg3[%add3A_107, %dma_wait3A_221, %dma_wait3A_222] : memref<64x2x2400xi32, #tpu.memory_space<hbm>> -> memref<1x2x2400xi32, #tpu.memory_space<hbm>>
    %dma_wait3A_224 = tpu.memref_squeeze %dma_wait3A_223 : memref<1x2x2400xi32, #tpu.memory_space<hbm>> -> memref<2x2400xi32, #tpu.memory_space<hbm>>
    tpu.wait_dma2 semaphore(%arg24 : memref<!tpu.dma_semaphore, #tpu.memory_space<semaphore_mem>>) src(%dma_wait3A_224 : memref<2x2400xi32, #tpu.memory_space<hbm>>) dst(%arg15 : memref<2x2400xi32, #tpu.memory_space<vmem>>)
    %broadcast_in_dim3A_225 = arith.constant 1.000000e+00 : f32
    %broadcast_in_dim3A_226 = vector.broadcast %broadcast_in_dim3A_225 : f32 to vector<16xf32>
    %scan3A_227 = arith.constant 0 : i32
    %scan3A_228 = arith.constant 0 : i32
    %scan3A_229 = arith.constant 150 : i32
    %scan3A_230 = arith.addi %scan3A_228, %scan3A_229 : i32
    %scan3A_231 = arith.constant 5 : i32
    scf.for %scan3A_325 = %scan3A_228 to %scan3A_230 step %scan3A_231  : i32 {
      %mul3A_326 = arith.constant 16 : i32
      %mul3A_327 = arith.muli %scan3A_325, %mul3A_326 : i32
      %get3A = arith.constant 0 : i32
      %get3A_328 = arith.index_cast %get3A : i32 to index
      %get3A_329 = arith.index_cast %mul3A_327 : i32 to index
      %get3A_330 = tpu.vector_load %arg15[%get3A_328, %get3A_329] {strides = array<i32>} : memref<2x2400xi32, #tpu.memory_space<vmem>>, vector<16xi32>,
      %mul3A_331 = arith.constant 16 : i32
      %mul3A_332 = arith.muli %scan3A_325, %mul3A_331 : i32
      %get3A_333 = arith.constant 1 : i32
      %get3A_334 = arith.index_cast %get3A_333 : i32 to index
      %get3A_335 = arith.index_cast %mul3A_332 : i32 to index
      %get3A_336 = tpu.vector_load %arg15[%get3A_334, %get3A_335] {strides = array<i32>} : memref<2x2400xi32, #tpu.memory_space<vmem>>, vector<16xi32>,
      tpu.vector_store_idx %arg16[%get3A_336, %get3A_330], %broadcast_in_dim3A_226 {add = true} : memref<160x160xf32, #tpu.memory_space<vmem>>[vector<16xi32>, vector<16xi32>], vector<16xf32>,
      %scan3A_337 = arith.constant 1 : i32
      %scan3A_338 = arith.addi %scan3A_325, %scan3A_337 : i32
      %mul3A_339 = arith.constant 16 : i32
      %mul3A_340 = arith.muli %scan3A_338, %mul3A_339 : i32
      %get3A_341 = arith.constant 0 : i32
      %get3A_342 = arith.index_cast %get3A_341 : i32 to index
      %get3A_343 = arith.index_cast %mul3A_340 : i32 to index
      %get3A_344 = tpu.vector_load %arg15[%get3A_342, %get3A_343] {strides = array<i32>} : memref<2x2400xi32, #tpu.memory_space<vmem>>, vector<16xi32>,
      %mul3A_345 = arith.constant 16 : i32
      %mul3A_346 = arith.muli %scan3A_338, %mul3A_345 : i32
      %get3A_347 = arith.constant 1 : i32
      %get3A_348 = arith.index_cast %get3A_347 : i32 to index
      %get3A_349 = arith.index_cast %mul3A_346 : i32 to index
      %get3A_350 = tpu.vector_load %arg15[%get3A_348, %get3A_349] {strides = array<i32>} : memref<2x2400xi32, #tpu.memory_space<vmem>>, vector<16xi32>,
      tpu.vector_store_idx %arg16[%get3A_350, %get3A_344], %broadcast_in_dim3A_226 {add = true} : memref<160x160xf32, #tpu.memory_space<vmem>>[vector<16xi32>, vector<16xi32>], vector<16xf32>,
      %scan3A_351 = arith.constant 2 : i32
      %scan3A_352 = arith.addi %scan3A_325, %scan3A_351 : i32
      %mul3A_353 = arith.constant 16 : i32
      %mul3A_354 = arith.muli %scan3A_352, %mul3A_353 : i32
      %get3A_355 = arith.constant 0 : i32
      %get3A_356 = arith.index_cast %get3A_355 : i32 to index
      %get3A_357 = arith.index_cast %mul3A_354 : i32 to index
      %get3A_358 = tpu.vector_load %arg15[%get3A_356, %get3A_357] {strides = array<i32>} : memref<2x2400xi32, #tpu.memory_space<vmem>>, vector<16xi32>,
      %mul3A_359 = arith.constant 16 : i32
      %mul3A_360 = arith.muli %scan3A_352, %mul3A_359 : i32
      %get3A_361 = arith.constant 1 : i32
      %get3A_362 = arith.index_cast %get3A_361 : i32 to index
      %get3A_363 = arith.index_cast %mul3A_360 : i32 to index
      %get3A_364 = tpu.vector_load %arg15[%get3A_362, %get3A_363] {strides = array<i32>} : memref<2x2400xi32, #tpu.memory_space<vmem>>, vector<16xi32>,
      tpu.vector_store_idx %arg16[%get3A_364, %get3A_358], %broadcast_in_dim3A_226 {add = true} : memref<160x160xf32, #tpu.memory_space<vmem>>[vector<16xi32>, vector<16xi32>], vector<16xf32>,
      %scan3A_365 = arith.constant 3 : i32
      %scan3A_366 = arith.addi %scan3A_325, %scan3A_365 : i32
      %mul3A_367 = arith.constant 16 : i32
      %mul3A_368 = arith.muli %scan3A_366, %mul3A_367 : i32
      %get3A_369 = arith.constant 0 : i32
      %get3A_370 = arith.index_cast %get3A_369 : i32 to index
      %get3A_371 = arith.index_cast %mul3A_368 : i32 to index
      %get3A_372 = tpu.vector_load %arg15[%get3A_370, %get3A_371] {strides = array<i32>} : memref<2x2400xi32, #tpu.memory_space<vmem>>, vector<16xi32>,
      %mul3A_373 = arith.constant 16 : i32
      %mul3A_374 = arith.muli %scan3A_366, %mul3A_373 : i32
      %get3A_375 = arith.constant 1 : i32
      %get3A_376 = arith.index_cast %get3A_375 : i32 to index
      %get3A_377 = arith.index_cast %mul3A_374 : i32 to index
      %get3A_378 = tpu.vector_load %arg15[%get3A_376, %get3A_377] {strides = array<i32>} : memref<2x2400xi32, #tpu.memory_space<vmem>>, vector<16xi32>,
      tpu.vector_store_idx %arg16[%get3A_378, %get3A_372], %broadcast_in_dim3A_226 {add = true} : memref<160x160xf32, #tpu.memory_space<vmem>>[vector<16xi32>, vector<16xi32>], vector<16xf32>,
      %scan3A_379 = arith.constant 4 : i32
      %scan3A_380 = arith.addi %scan3A_325, %scan3A_379 : i32
      %mul3A_381 = arith.constant 16 : i32
      %mul3A_382 = arith.muli %scan3A_380, %mul3A_381 : i32
      %get3A_383 = arith.constant 0 : i32
      %get3A_384 = arith.index_cast %get3A_383 : i32 to index
      %get3A_385 = arith.index_cast %mul3A_382 : i32 to index
      %get3A_386 = tpu.vector_load %arg15[%get3A_384, %get3A_385] {strides = array<i32>} : memref<2x2400xi32, #tpu.memory_space<vmem>>, vector<16xi32>,
      %mul3A_387 = arith.constant 16 : i32
      %mul3A_388 = arith.muli %scan3A_380, %mul3A_387 : i32
      %get3A_389 = arith.constant 1 : i32
      %get3A_390 = arith.index_cast %get3A_389 : i32 to index
      %get3A_391 = arith.index_cast %mul3A_388 : i32 to index
      %get3A_392 = tpu.vector_load %arg15[%get3A_390, %get3A_391] {strides = array<i32>} : memref<2x2400xi32, #tpu.memory_space<vmem>>, vector<16xi32>,
      tpu.vector_store_idx %arg16[%get3A_392, %get3A_386], %broadcast_in_dim3A_226 {add = true} : memref<160x160xf32, #tpu.memory_space<vmem>>[vector<16xi32>, vector<16xi32>], vector<16xf32>,
    }
    %scan3A_232 = arith.constant 150 : i32
    %dma_start3A_233 = arith.constant 0 : i32
    %dma_start3A_234 = arith.constant 0 : i32
    %dma_start3A_235 = tpu.memref_slice %arg6[%add3A_216, %dma_start3A_233, %dma_start3A_234] : memref<64x160x160xf32, #tpu.memory_space<hbm>> -> memref<1x160x160xf32, #tpu.memory_space<hbm>>
    %dma_start3A_236 = tpu.memref_squeeze %dma_start3A_235 : memref<1x160x160xf32, #tpu.memory_space<hbm>> -> memref<160x160xf32, #tpu.memory_space<hbm>>
    %dma_start3A_237 = arith.constant 0 : i32
    %dma_start3A_238 = arith.constant 0 : i32
    %dma_start3A_239 = tpu.memref_slice %arg6[%add3A_216, %dma_start3A_237, %dma_start3A_238] : memref<64x160x160xf32, #tpu.memory_space<hbm>> -> memref<1x160x160xf32, #tpu.memory_space<hbm>>
    %dma_start3A_240 = tpu.memref_squeeze %dma_start3A_239 : memref<1x160x160xf32, #tpu.memory_space<hbm>> -> memref<160x160xf32, #tpu.memory_space<hbm>>
    tpu.enqueue_dma source(%arg16 : memref<160x160xf32, #tpu.memory_space<vmem>>) target(%dma_start3A_240 : memref<160x160xf32, #tpu.memory_space<hbm>>) target_semaphore(%arg26 : memref<!tpu.dma_semaphore, #tpu.memory_space<semaphore_mem>>)
    %dma_wait3A_241 = arith.constant 1 : i32
    %dma_wait3A_242 = arith.constant 0 : i32
    %dma_wait3A_243 = arith.constant 0 : i32
    %dma_wait3A_244 = arith.constant 0 : i32
    %dma_wait3A_245 = tpu.memref_slice %arg10[%dma_wait3A_243, %dma_wait3A_244] : memref<80x128xf32, #tpu.memory_space<vmem>> -> memref<40x128xf32, #tpu.memory_space<vmem>>
    %dma_wait3A_246 = arith.constant 0 : i32
    %dma_wait3A_247 = tpu.memref_slice %arg7[%dma_wait3A_241, %dma_wait3A_242, %dma_wait3A_246] : memref<2x2x80xi32, #tpu.memory_space<vmem>> -> memref<1x1x40xi32, #tpu.memory_space<vmem>>
    %dma_wait3A_248 = tpu.memref_squeeze %dma_wait3A_247 : memref<1x1x40xi32, #tpu.memory_space<vmem>> -> memref<40xi32, #tpu.memory_space<vmem>>
    %dma_wait3A_249 = arith.constant 0 : i32
    %dma_wait3A_250 = arith.constant 0 : i32
    %dma_wait3A_251 = tpu.memref_slice %arg4[%dma_wait3A_249, %dma_wait3A_250] : memref<100000x128xf32, #tpu.memory_space<hbm>> -> memref<100000x128xf32, #tpu.memory_space<hbm>>
    tpu.wait_indirect_dma semaphore(%arg18 : memref<!tpu.dma_semaphore, #tpu.memory_space<semaphore_mem>>) src(%dma_wait3A_251 : memref<100000x128xf32, #tpu.memory_space<hbm>>) dst(%dma_wait3A_245 : memref<40x128xf32, #tpu.memory_space<vmem>>)
    %dma_wait3A_252 = arith.constant 1 : i32
    %dma_wait3A_253 = arith.constant 0 : i32
    %dma_wait3A_254 = arith.constant 40 : i32
    %dma_wait3A_255 = arith.constant 0 : i32
    %dma_wait3A_256 = tpu.memref_slice %arg10[%dma_wait3A_254, %dma_wait3A_255] : memref<80x128xf32, #tpu.memory_space<vmem>> -> memref<40x128xf32, #tpu.memory_space<vmem>>
    %dma_wait3A_257 = arith.constant 40 : i32
    %dma_wait3A_258 = tpu.memref_slice %arg7[%dma_wait3A_252, %dma_wait3A_253, %dma_wait3A_257] : memref<2x2x80xi32, #tpu.memory_space<vmem>> -> memref<1x1x40xi32, #tpu.memory_space<vmem>>
    %dma_wait3A_259 = tpu.memref_squeeze %dma_wait3A_258 : memref<1x1x40xi32, #tpu.memory_space<vmem>> -> memref<40xi32, #tpu.memory_space<vmem>>
    %dma_wait3A_260 = arith.constant 0 : i32
    %dma_wait3A_261 = arith.constant 0 : i32
    %dma_wait3A_262 = tpu.memref_slice %arg4[%dma_wait3A_260, %dma_wait3A_261] : memref<100000x128xf32, #tpu.memory_space<hbm>> -> memref<100000x128xf32, #tpu.memory_space<hbm>>
    tpu.wait_indirect_dma semaphore(%arg18 : memref<!tpu.dma_semaphore, #tpu.memory_space<semaphore_mem>>) src(%dma_wait3A_262 : memref<100000x128xf32, #tpu.memory_space<hbm>>) dst(%dma_wait3A_256 : memref<40x128xf32, #tpu.memory_space<vmem>>)
    %dma_wait3A_263 = arith.constant 1 : i32
    %dma_wait3A_264 = arith.constant 1 : i32
    %dma_wait3A_265 = arith.constant 0 : i32
    %dma_wait3A_266 = arith.constant 0 : i32
    %dma_wait3A_267 = tpu.memref_slice %arg11[%dma_wait3A_265, %dma_wait3A_266] : memref<80x128xf32, #tpu.memory_space<vmem>> -> memref<40x128xf32, #tpu.memory_space<vmem>>
    %dma_wait3A_268 = arith.constant 0 : i32
    %dma_wait3A_269 = tpu.memref_slice %arg7[%dma_wait3A_263, %dma_wait3A_264, %dma_wait3A_268] : memref<2x2x80xi32, #tpu.memory_space<vmem>> -> memref<1x1x40xi32, #tpu.memory_space<vmem>>
    %dma_wait3A_270 = tpu.memref_squeeze %dma_wait3A_269 : memref<1x1x40xi32, #tpu.memory_space<vmem>> -> memref<40xi32, #tpu.memory_space<vmem>>
    %dma_wait3A_271 = arith.constant 0 : i32
    %dma_wait3A_272 = arith.constant 0 : i32
    %dma_wait3A_273 = tpu.memref_slice %arg4[%dma_wait3A_271, %dma_wait3A_272] : memref<100000x128xf32, #tpu.memory_space<hbm>> -> memref<100000x128xf32, #tpu.memory_space<hbm>>
    tpu.wait_indirect_dma semaphore(%arg18 : memref<!tpu.dma_semaphore, #tpu.memory_space<semaphore_mem>>) src(%dma_wait3A_273 : memref<100000x128xf32, #tpu.memory_space<hbm>>) dst(%dma_wait3A_267 : memref<40x128xf32, #tpu.memory_space<vmem>>)
    %dma_wait3A_274 = arith.constant 1 : i32
    %dma_wait3A_275 = arith.constant 1 : i32
    %dma_wait3A_276 = arith.constant 40 : i32
    %dma_wait3A_277 = arith.constant 0 : i32
    %dma_wait3A_278 = tpu.memref_slice %arg11[%dma_wait3A_276, %dma_wait3A_277] : memref<80x128xf32, #tpu.memory_space<vmem>> -> memref<40x128xf32, #tpu.memory_space<vmem>>
    %dma_wait3A_279 = arith.constant 40 : i32
    %dma_wait3A_280 = tpu.memref_slice %arg7[%dma_wait3A_274, %dma_wait3A_275, %dma_wait3A_279] : memref<2x2x80xi32, #tpu.memory_space<vmem>> -> memref<1x1x40xi32, #tpu.memory_space<vmem>>
    %dma_wait3A_281 = tpu.memref_squeeze %dma_wait3A_280 : memref<1x1x40xi32, #tpu.memory_space<vmem>> -> memref<40xi32, #tpu.memory_space<vmem>>
    %dma_wait3A_282 = arith.constant 0 : i32
    %dma_wait3A_283 = arith.constant 0 : i32
    %dma_wait3A_284 = tpu.memref_slice %arg4[%dma_wait3A_282, %dma_wait3A_283] : memref<100000x128xf32, #tpu.memory_space<hbm>> -> memref<100000x128xf32, #tpu.memory_space<hbm>>
    tpu.wait_indirect_dma semaphore(%arg18 : memref<!tpu.dma_semaphore, #tpu.memory_space<semaphore_mem>>) src(%dma_wait3A_284 : memref<100000x128xf32, #tpu.memory_space<hbm>>) dst(%dma_wait3A_278 : memref<40x128xf32, #tpu.memory_space<vmem>>)
    %add3A_285 = arith.constant 1 : i32
    %add3A_286 = arith.addi %mul3A_2, %add3A_285 : i32
    %mul3A_287 = arith.constant 160 : i32
    %mul3A_288 = arith.muli %add3A_286, %mul3A_287 : i32
    %dma_start3A_289 = arith.constant 0 : i32
    %dma_start3A_290 = tpu.memref_slice %arg5[%mul3A_288, %dma_start3A_289] : memref<10240x128xf32, #tpu.memory_space<hbm>> -> memref<80x128xf32, #tpu.memory_space<hbm>>
    %dma_start3A_291 = arith.constant 0 : i32
    %dma_start3A_292 = tpu.memref_slice %arg5[%mul3A_288, %dma_start3A_291] : memref<10240x128xf32, #tpu.memory_space<hbm>> -> memref<80x128xf32, #tpu.memory_space<hbm>>
    tpu.enqueue_dma source(%arg10 : memref<80x128xf32, #tpu.memory_space<vmem>>) target(%dma_start3A_292 : memref<80x128xf32, #tpu.memory_space<hbm>>) target_semaphore(%arg21 : memref<!tpu.dma_semaphore, #tpu.memory_space<semaphore_mem>>)
    %mul3A_293 = arith.constant 160 : i32
    %mul3A_294 = arith.muli %add3A_286, %mul3A_293 : i32
    %add3A_295 = arith.constant 80 : i32
    %add3A_296 = arith.addi %mul3A_294, %add3A_295 : i32
    %dma_start3A_297 = arith.constant 0 : i32
    %dma_start3A_298 = tpu.memref_slice %arg5[%add3A_296, %dma_start3A_297] : memref<10240x128xf32, #tpu.memory_space<hbm>> -> memref<80x128xf32, #tpu.memory_space<hbm>>
    %dma_start3A_299 = arith.constant 0 : i32
    %dma_start3A_300 = tpu.memref_slice %arg5[%add3A_296, %dma_start3A_299] : memref<10240x128xf32, #tpu.memory_space<hbm>> -> memref<80x128xf32, #tpu.memory_space<hbm>>
    tpu.enqueue_dma source(%arg11 : memref<80x128xf32, #tpu.memory_space<vmem>>) target(%dma_start3A_300 : memref<80x128xf32, #tpu.memory_space<hbm>>) target_semaphore(%arg21 : memref<!tpu.dma_semaphore, #tpu.memory_space<semaphore_mem>>)
    %dma_wait3A_301 = arith.constant 0 : i32
    %dma_wait3A_302 = arith.constant 0 : i32
    %dma_wait3A_303 = tpu.memref_slice %arg6[%add3A_216, %dma_wait3A_301, %dma_wait3A_302] : memref<64x160x160xf32, #tpu.memory_space<hbm>> -> memref<1x160x160xf32, #tpu.memory_space<hbm>>
    %dma_wait3A_304 = tpu.memref_squeeze %dma_wait3A_303 : memref<1x160x160xf32, #tpu.memory_space<hbm>> -> memref<160x160xf32, #tpu.memory_space<hbm>>
    %dma_wait3A_305 = arith.constant 0 : i32
    %dma_wait3A_306 = arith.constant 0 : i32
    %dma_wait3A_307 = tpu.memref_slice %arg6[%add3A_216, %dma_wait3A_305, %dma_wait3A_306] : memref<64x160x160xf32, #tpu.memory_space<hbm>> -> memref<1x160x160xf32, #tpu.memory_space<hbm>>
    %dma_wait3A_308 = tpu.memref_squeeze %dma_wait3A_307 : memref<1x160x160xf32, #tpu.memory_space<hbm>> -> memref<160x160xf32, #tpu.memory_space<hbm>>
    tpu.wait_dma2 semaphore(%arg26 : memref<!tpu.dma_semaphore, #tpu.memory_space<semaphore_mem>>) src(%arg16 : memref<160x160xf32, #tpu.memory_space<vmem>>) dst(%dma_wait3A_308 : memref<160x160xf32, #tpu.memory_space<hbm>>)
    %dma_wait3A_309 = arith.constant 0 : i32
    %dma_wait3A_310 = tpu.memref_slice %arg5[%mul3A_186, %dma_wait3A_309] : memref<10240x128xf32, #tpu.memory_space<hbm>> -> memref<80x128xf32, #tpu.memory_space<hbm>>
    %dma_wait3A_311 = arith.constant 0 : i32
    %dma_wait3A_312 = tpu.memref_slice %arg5[%mul3A_186, %dma_wait3A_311] : memref<10240x128xf32, #tpu.memory_space<hbm>> -> memref<80x128xf32, #tpu.memory_space<hbm>>
    tpu.wait_dma2 semaphore(%arg20 : memref<!tpu.dma_semaphore, #tpu.memory_space<semaphore_mem>>) src(%arg8 : memref<80x128xf32, #tpu.memory_space<vmem>>) dst(%dma_wait3A_312 : memref<80x128xf32, #tpu.memory_space<hbm>>)
    %dma_wait3A_313 = arith.constant 0 : i32
    %dma_wait3A_314 = tpu.memref_slice %arg5[%add3A_194, %dma_wait3A_313] : memref<10240x128xf32, #tpu.memory_space<hbm>> -> memref<80x128xf32, #tpu.memory_space<hbm>>
    %dma_wait3A_315 = arith.constant 0 : i32
    %dma_wait3A_316 = tpu.memref_slice %arg5[%add3A_194, %dma_wait3A_315] : memref<10240x128xf32, #tpu.memory_space<hbm>> -> memref<80x128xf32, #tpu.memory_space<hbm>>
    tpu.wait_dma2 semaphore(%arg20 : memref<!tpu.dma_semaphore, #tpu.memory_space<semaphore_mem>>) src(%arg9 : memref<80x128xf32, #tpu.memory_space<vmem>>) dst(%dma_wait3A_316 : memref<80x128xf32, #tpu.memory_space<hbm>>)
    %dma_wait3A_317 = arith.constant 0 : i32
    %dma_wait3A_318 = tpu.memref_slice %arg5[%mul3A_288, %dma_wait3A_317] : memref<10240x128xf32, #tpu.memory_space<hbm>> -> memref<80x128xf32, #tpu.memory_space<hbm>>
    %dma_wait3A_319 = arith.constant 0 : i32
    %dma_wait3A_320 = tpu.memref_slice %arg5[%mul3A_288, %dma_wait3A_319] : memref<10240x128xf32, #tpu.memory_space<hbm>> -> memref<80x128xf32, #tpu.memory_space<hbm>>
    tpu.wait_dma2 semaphore(%arg21 : memref<!tpu.dma_semaphore, #tpu.memory_space<semaphore_mem>>) src(%arg10 : memref<80x128xf32, #tpu.memory_space<vmem>>) dst(%dma_wait3A_320 : memref<80x128xf32, #tpu.memory_space<hbm>>)
    %dma_wait3A_321 = arith.constant 0 : i32
    %dma_wait3A_322 = tpu.memref_slice %arg5[%add3A_296, %dma_wait3A_321] : memref<10240x128xf32, #tpu.memory_space<hbm>> -> memref<80x128xf32, #tpu.memory_space<hbm>>
    %dma_wait3A_323 = arith.constant 0 : i32
    %dma_wait3A_324 = tpu.memref_slice %arg5[%add3A_296, %dma_wait3A_323] : memref<10240x128xf32, #tpu.memory_space<hbm>> -> memref<80x128xf32, #tpu.memory_space<hbm>>
    tpu.wait_dma2 semaphore(%arg21 : memref<!tpu.dma_semaphore, #tpu.memory_space<semaphore_mem>>) src(%arg11 : memref<80x128xf32, #tpu.memory_space<vmem>>) dst(%dma_wait3A_324 : memref<80x128xf32, #tpu.memory_space<hbm>>)
    return
  }
}

#map = affine_map<(d0, d1) -> (0, 0, 0)>
#map1 = affine_map<(d0, d1) -> (0, 0)>
module attributes {stable_mosaic.version = 14 : i64} {
  func.func @_sc_body(%arg0: i32, %arg1: i32, %arg2: memref<64x2x80xi32, #tpu.memory_space<hbm>>, %arg3: memref<64x2x2400xi32, #tpu.memory_space<hbm>>, %arg4: memref<100000x128xf32, #tpu.memory_space<hbm>>, %arg5: memref<10240x128xf32, #tpu.memory_space<hbm>>, %arg6: memref<64x160x160xf32, #tpu.memory_space<hbm>>, %arg7: memref<2x2x80xi32, #tpu.memory_space<vmem>>, %arg8: memref<80x128xf32, #tpu.memory_space<vmem>>, %arg9: memref<80x128xf32, #tpu.memory_space<vmem>>, %arg10: memref<80x128xf32, #tpu.memory_space<vmem>>, %arg11: memref<80x128xf32, #tpu.memory_space<vmem>>, %arg12: memref<80x128xf32, #tpu.memory_space<vmem>>, %arg13: memref<80x128xf32, #tpu.memory_space<vmem>>, %arg14: memref<2x2400xi32, #tpu.memory_space<vmem>>, %arg15: memref<2x2400xi32, #tpu.memory_space<vmem>>, %arg16: memref<160x160xf32, #tpu.memory_space<vmem>>, %arg17: memref<!tpu.dma_semaphore, #tpu.memory_space<semaphore_mem>>, %arg18: memref<!tpu.dma_semaphore, #tpu.memory_space<semaphore_mem>>, %arg19: memref<!tpu.dma_semaphore, #tpu.memory_space<semaphore_mem>>, %arg20: memref<!tpu.dma_semaphore, #tpu.memory_space<semaphore_mem>>, %arg21: memref<!tpu.dma_semaphore, #tpu.memory_space<semaphore_mem>>, %arg22: memref<!tpu.dma_semaphore, #tpu.memory_space<semaphore_mem>>, %arg23: memref<!tpu.dma_semaphore, #tpu.memory_space<semaphore_mem>>, %arg24: memref<!tpu.dma_semaphore, #tpu.memory_space<semaphore_mem>>, %arg25: memref<!tpu.dma_semaphore, #tpu.memory_space<semaphore_mem>>, %arg26: memref<!tpu.dma_semaphore, #tpu.memory_space<semaphore_mem>>) attributes {dimension_semantics = [#tpu.dimension_semantics<core_parallel>, #tpu.dimension_semantics<subcore_parallel>], iteration_bounds = array<i64: 2, 16>, scalar_prefetch = 0 : i64, scratch_operands = 20 : i64, tpu.core_type = #tpu.core_type<sc_vector_subcore>, window_params = [{transform_indices = #map}, {transform_indices = #map}, {transform_indices = #map1}, {transform_indices = #map1}, {transform_indices = #map}]} {
    %mul3A = arith.constant 2 : i32
    %mul3A_0 = arith.muli %arg1, %mul3A : i32
    %add3A = arith.addi %mul3A_0, %arg0 : i32
    %mul3A_1 = arith.constant 2 : i32
    %mul3A_2 = arith.muli %add3A, %mul3A_1 : i32
    %broadcast_in_dim3A = arith.constant 0.000000e+00 : f32
    %broadcast_in_dim3A_3 = vector.broadcast %broadcast_in_dim3A : f32 to vector<16xf32>
    "tpu.region"() ({
      %run_scoped3A = tpu.sem_alloc : memref<!tpu.dma_semaphore, #tpu.memory_space<semaphore_mem>>
      %dma_start3A_325 = arith.constant 0 : i32
      %dma_start3A_326 = arith.constant 0 : i32
      %dma_start3A_327 = tpu.memref_slice %arg2[%mul3A_2, %dma_start3A_325, %dma_start3A_326] : memref<64x2x80xi32, #tpu.memory_space<hbm>> -> memref<2x2x80xi32, #tpu.memory_space<hbm>>
      %dma_start3A_328 = arith.constant 0 : i32
      %dma_start3A_329 = arith.constant 0 : i32
      %dma_start3A_330 = tpu.memref_slice %arg2[%mul3A_2, %dma_start3A_328, %dma_start3A_329] : memref<64x2x80xi32, #tpu.memory_space<hbm>> -> memref<2x2x80xi32, #tpu.memory_space<hbm>>
      tpu.enqueue_dma source(%dma_start3A_330 : memref<2x2x80xi32, #tpu.memory_space<hbm>>) target(%arg7 : memref<2x2x80xi32, #tpu.memory_space<vmem>>) target_semaphore(%run_scoped3A : memref<!tpu.dma_semaphore, #tpu.memory_space<semaphore_mem>>)
      %dma_wait3A_331 = arith.constant 0 : i32
      %dma_wait3A_332 = arith.constant 0 : i32
      %dma_wait3A_333 = tpu.memref_slice %arg2[%mul3A_2, %dma_wait3A_331, %dma_wait3A_332] : memref<64x2x80xi32, #tpu.memory_space<hbm>> -> memref<2x2x80xi32, #tpu.memory_space<hbm>>
      %dma_wait3A_334 = arith.constant 0 : i32
      %dma_wait3A_335 = arith.constant 0 : i32
      %dma_wait3A_336 = tpu.memref_slice %arg2[%mul3A_2, %dma_wait3A_334, %dma_wait3A_335] : memref<64x2x80xi32, #tpu.memory_space<hbm>> -> memref<2x2x80xi32, #tpu.memory_space<hbm>>
      tpu.wait_dma2 semaphore(%run_scoped3A : memref<!tpu.dma_semaphore, #tpu.memory_space<semaphore_mem>>) src(%dma_wait3A_336 : memref<2x2x80xi32, #tpu.memory_space<hbm>>) dst(%arg7 : memref<2x2x80xi32, #tpu.memory_space<vmem>>)
      tpu.yield
    }) : () -> ()
    %dma_start3A = arith.constant 0 : i32
    %dma_start3A_4 = arith.constant 0 : i32
    %dma_start3A_5 = tpu.memref_slice %arg3[%mul3A_2, %dma_start3A, %dma_start3A_4] : memref<64x2x2400xi32, #tpu.memory_space<hbm>> -> memref<1x2x2400xi32, #tpu.memory_space<hbm>>
    %dma_start3A_6 = tpu.memref_squeeze %dma_start3A_5 : memref<1x2x2400xi32, #tpu.memory_space<hbm>> -> memref<2x2400xi32, #tpu.memory_space<hbm>>
    %dma_start3A_7 = arith.constant 0 : i32
    %dma_start3A_8 = arith.constant 0 : i32
    %dma_start3A_9 = tpu.memref_slice %arg3[%mul3A_2, %dma_start3A_7, %dma_start3A_8] : memref<64x2x2400xi32, #tpu.memory_space<hbm>> -> memref<1x2x2400xi32, #tpu.memory_space<hbm>>
    %dma_start3A_10 = tpu.memref_squeeze %dma_start3A_9 : memref<1x2x2400xi32, #tpu.memory_space<hbm>> -> memref<2x2400xi32, #tpu.memory_space<hbm>>
    tpu.enqueue_dma source(%dma_start3A_10 : memref<2x2400xi32, #tpu.memory_space<hbm>>) target(%arg14 : memref<2x2400xi32, #tpu.memory_space<vmem>>) target_semaphore(%arg23 : memref<!tpu.dma_semaphore, #tpu.memory_space<semaphore_mem>>)
    %dma_start3A_11 = arith.constant 0 : i32
    %dma_start3A_12 = arith.constant 0 : i32
    %dma_start3A_13 = arith.constant 0 : i32
    %dma_start3A_14 = arith.constant 0 : i32
    %dma_start3A_15 = tpu.memref_slice %arg8[%dma_start3A_13, %dma_start3A_14] : memref<80x128xf32, #tpu.memory_space<vmem>> -> memref<40x128xf32, #tpu.memory_space<vmem>>
    %dma_start3A_16 = arith.constant 0 : i32
    %dma_start3A_17 = tpu.memref_slice %arg7[%dma_start3A_11, %dma_start3A_12, %dma_start3A_16] : memref<2x2x80xi32, #tpu.memory_space<vmem>> -> memref<1x1x40xi32, #tpu.memory_space<vmem>>
    %dma_start3A_18 = tpu.memref_squeeze %dma_start3A_17 : memref<1x1x40xi32, #tpu.memory_space<vmem>> -> memref<40xi32, #tpu.memory_space<vmem>>
    %dma_start3A_19 = arith.constant 0 : i32
    %dma_start3A_20 = arith.constant 0 : i32
    %dma_start3A_21 = tpu.memref_slice %arg4[%dma_start3A_19, %dma_start3A_20] : memref<100000x128xf32, #tpu.memory_space<hbm>> -> memref<100000x128xf32, #tpu.memory_space<hbm>>
    tpu.enqueue_indirect_dma source(%dma_start3A_21 : memref<100000x128xf32, #tpu.memory_space<hbm>>) target(%dma_start3A_15 : memref<40x128xf32, #tpu.memory_space<vmem>>) offsets(%dma_start3A_18 : memref<40xi32, #tpu.memory_space<vmem>>) semaphore(%arg17 : memref<!tpu.dma_semaphore, #tpu.memory_space<semaphore_mem>>)
    %dma_start3A_22 = arith.constant 0 : i32
    %dma_start3A_23 = arith.constant 0 : i32
    %dma_start3A_24 = arith.constant 40 : i32
    %dma_start3A_25 = arith.constant 0 : i32
    %dma_start3A_26 = tpu.memref_slice %arg8[%dma_start3A_24, %dma_start3A_25] : memref<80x128xf32, #tpu.memory_space<vmem>> -> memref<40x128xf32, #tpu.memory_space<vmem>>
    %dma_start3A_27 = arith.constant 40 : i32
    %dma_start3A_28 = tpu.memref_slice %arg7[%dma_start3A_22, %dma_start3A_23, %dma_start3A_27] : memref<2x2x80xi32, #tpu.memory_space<vmem>> -> memref<1x1x40xi32, #tpu.memory_space<vmem>>
    %dma_start3A_29 = tpu.memref_squeeze %dma_start3A_28 : memref<1x1x40xi32, #tpu.memory_space<vmem>> -> memref<40xi32, #tpu.memory_space<vmem>>
    %dma_start3A_30 = arith.constant 0 : i32
    %dma_start3A_31 = arith.constant 0 : i32
    %dma_start3A_32 = tpu.memref_slice %arg4[%dma_start3A_30, %dma_start3A_31] : memref<100000x128xf32, #tpu.memory_space<hbm>> -> memref<100000x128xf32, #tpu.memory_space<hbm>>
    tpu.enqueue_indirect_dma source(%dma_start3A_32 : memref<100000x128xf32, #tpu.memory_space<hbm>>) target(%dma_start3A_26 : memref<40x128xf32, #tpu.memory_space<vmem>>) offsets(%dma_start3A_29 : memref<40xi32, #tpu.memory_space<vmem>>) semaphore(%arg17 : memref<!tpu.dma_semaphore, #tpu.memory_space<semaphore_mem>>)
    %dma_start3A_33 = arith.constant 0 : i32
    %dma_start3A_34 = arith.constant 1 : i32
    %dma_start3A_35 = arith.constant 0 : i32
    %dma_start3A_36 = arith.constant 0 : i32
    %dma_start3A_37 = tpu.memref_slice %arg9[%dma_start3A_35, %dma_start3A_36] : memref<80x128xf32, #tpu.memory_space<vmem>> -> memref<40x128xf32, #tpu.memory_space<vmem>>
    %dma_start3A_38 = arith.constant 0 : i32
    %dma_start3A_39 = tpu.memref_slice %arg7[%dma_start3A_33, %dma_start3A_34, %dma_start3A_38] : memref<2x2x80xi32, #tpu.memory_space<vmem>> -> memref<1x1x40xi32, #tpu.memory_space<vmem>>
    %dma_start3A_40 = tpu.memref_squeeze %dma_start3A_39 : memref<1x1x40xi32, #tpu.memory_space<vmem>> -> memref<40xi32, #tpu.memory_space<vmem>>
    %dma_start3A_41 = arith.constant 0 : i32
    %dma_start3A_42 = arith.constant 0 : i32
    %dma_start3A_43 = tpu.memref_slice %arg4[%dma_start3A_41, %dma_start3A_42] : memref<100000x128xf32, #tpu.memory_space<hbm>> -> memref<100000x128xf32, #tpu.memory_space<hbm>>
    tpu.enqueue_indirect_dma source(%dma_start3A_43 : memref<100000x128xf32, #tpu.memory_space<hbm>>) target(%dma_start3A_37 : memref<40x128xf32, #tpu.memory_space<vmem>>) offsets(%dma_start3A_40 : memref<40xi32, #tpu.memory_space<vmem>>) semaphore(%arg17 : memref<!tpu.dma_semaphore, #tpu.memory_space<semaphore_mem>>)
    %dma_start3A_44 = arith.constant 0 : i32
    %dma_start3A_45 = arith.constant 1 : i32
    %dma_start3A_46 = arith.constant 40 : i32
    %dma_start3A_47 = arith.constant 0 : i32
    %dma_start3A_48 = tpu.memref_slice %arg9[%dma_start3A_46, %dma_start3A_47] : memref<80x128xf32, #tpu.memory_space<vmem>> -> memref<40x128xf32, #tpu.memory_space<vmem>>
    %dma_start3A_49 = arith.constant 40 : i32
    %dma_start3A_50 = tpu.memref_slice %arg7[%dma_start3A_44, %dma_start3A_45, %dma_start3A_49] : memref<2x2x80xi32, #tpu.memory_space<vmem>> -> memref<1x1x40xi32, #tpu.memory_space<vmem>>
    %dma_start3A_51 = tpu.memref_squeeze %dma_start3A_50 : memref<1x1x40xi32, #tpu.memory_space<vmem>> -> memref<40xi32, #tpu.memory_space<vmem>>
    %dma_start3A_52 = arith.constant 0 : i32
    %dma_start3A_53 = arith.constant 0 : i32
    %dma_start3A_54 = tpu.memref_slice %arg4[%dma_start3A_52, %dma_start3A_53] : memref<100000x128xf32, #tpu.memory_space<hbm>> -> memref<100000x128xf32, #tpu.memory_space<hbm>>
    tpu.enqueue_indirect_dma source(%dma_start3A_54 : memref<100000x128xf32, #tpu.memory_space<hbm>>) target(%dma_start3A_48 : memref<40x128xf32, #tpu.memory_space<vmem>>) offsets(%dma_start3A_51 : memref<40xi32, #tpu.memory_space<vmem>>) semaphore(%arg17 : memref<!tpu.dma_semaphore, #tpu.memory_space<semaphore_mem>>)
    %dma_start3A_55 = arith.constant 1 : i32
    %dma_start3A_56 = arith.constant 0 : i32
    %dma_start3A_57 = arith.constant 0 : i32
    %dma_start3A_58 = arith.constant 0 : i32
    %dma_start3A_59 = tpu.memref_slice %arg10[%dma_start3A_57, %dma_start3A_58] : memref<80x128xf32, #tpu.memory_space<vmem>> -> memref<40x128xf32, #tpu.memory_space<vmem>>
    %dma_start3A_60 = arith.constant 0 : i32
    %dma_start3A_61 = tpu.memref_slice %arg7[%dma_start3A_55, %dma_start3A_56, %dma_start3A_60] : memref<2x2x80xi32, #tpu.memory_space<vmem>> -> memref<1x1x40xi32, #tpu.memory_space<vmem>>
    %dma_start3A_62 = tpu.memref_squeeze %dma_start3A_61 : memref<1x1x40xi32, #tpu.memory_space<vmem>> -> memref<40xi32, #tpu.memory_space<vmem>>
    %dma_start3A_63 = arith.constant 0 : i32
    %dma_start3A_64 = arith.constant 0 : i32
    %dma_start3A_65 = tpu.memref_slice %arg4[%dma_start3A_63, %dma_start3A_64] : memref<100000x128xf32, #tpu.memory_space<hbm>> -> memref<100000x128xf32, #tpu.memory_space<hbm>>
    tpu.enqueue_indirect_dma source(%dma_start3A_65 : memref<100000x128xf32, #tpu.memory_space<hbm>>) target(%dma_start3A_59 : memref<40x128xf32, #tpu.memory_space<vmem>>) offsets(%dma_start3A_62 : memref<40xi32, #tpu.memory_space<vmem>>) semaphore(%arg18 : memref<!tpu.dma_semaphore, #tpu.memory_space<semaphore_mem>>)
    %dma_start3A_66 = arith.constant 1 : i32
    %dma_start3A_67 = arith.constant 0 : i32
    %dma_start3A_68 = arith.constant 40 : i32
    %dma_start3A_69 = arith.constant 0 : i32
    %dma_start3A_70 = tpu.memref_slice %arg10[%dma_start3A_68, %dma_start3A_69] : memref<80x128xf32, #tpu.memory_space<vmem>> -> memref<40x128xf32, #tpu.memory_space<vmem>>
    %dma_start3A_71 = arith.constant 40 : i32
    %dma_start3A_72 = tpu.memref_slice %arg7[%dma_start3A_66, %dma_start3A_67, %dma_start3A_71] : memref<2x2x80xi32, #tpu.memory_space<vmem>> -> memref<1x1x40xi32, #tpu.memory_space<vmem>>
    %dma_start3A_73 = tpu.memref_squeeze %dma_start3A_72 : memref<1x1x40xi32, #tpu.memory_space<vmem>> -> memref<40xi32, #tpu.memory_space<vmem>>
    %dma_start3A_74 = arith.constant 0 : i32
    %dma_start3A_75 = arith.constant 0 : i32
    %dma_start3A_76 = tpu.memref_slice %arg4[%dma_start3A_74, %dma_start3A_75] : memref<100000x128xf32, #tpu.memory_space<hbm>> -> memref<100000x128xf32, #tpu.memory_space<hbm>>
    tpu.enqueue_indirect_dma source(%dma_start3A_76 : memref<100000x128xf32, #tpu.memory_space<hbm>>) target(%dma_start3A_70 : memref<40x128xf32, #tpu.memory_space<vmem>>) offsets(%dma_start3A_73 : memref<40xi32, #tpu.memory_space<vmem>>) semaphore(%arg18 : memref<!tpu.dma_semaphore, #tpu.memory_space<semaphore_mem>>)
    %dma_start3A_77 = arith.constant 1 : i32
    %dma_start3A_78 = arith.constant 1 : i32
    %dma_start3A_79 = arith.constant 0 : i32
    %dma_start3A_80 = arith.constant 0 : i32
    %dma_start3A_81 = tpu.memref_slice %arg11[%dma_start3A_79, %dma_start3A_80] : memref<80x128xf32, #tpu.memory_space<vmem>> -> memref<40x128xf32, #tpu.memory_space<vmem>>
    %dma_start3A_82 = arith.constant 0 : i32
    %dma_start3A_83 = tpu.memref_slice %arg7[%dma_start3A_77, %dma_start3A_78, %dma_start3A_82] : memref<2x2x80xi32, #tpu.memory_space<vmem>> -> memref<1x1x40xi32, #tpu.memory_space<vmem>>
    %dma_start3A_84 = tpu.memref_squeeze %dma_start3A_83 : memref<1x1x40xi32, #tpu.memory_space<vmem>> -> memref<40xi32, #tpu.memory_space<vmem>>
    %dma_start3A_85 = arith.constant 0 : i32
    %dma_start3A_86 = arith.constant 0 : i32
    %dma_start3A_87 = tpu.memref_slice %arg4[%dma_start3A_85, %dma_start3A_86] : memref<100000x128xf32, #tpu.memory_space<hbm>> -> memref<100000x128xf32, #tpu.memory_space<hbm>>
    tpu.enqueue_indirect_dma source(%dma_start3A_87 : memref<100000x128xf32, #tpu.memory_space<hbm>>) target(%dma_start3A_81 : memref<40x128xf32, #tpu.memory_space<vmem>>) offsets(%dma_start3A_84 : memref<40xi32, #tpu.memory_space<vmem>>) semaphore(%arg18 : memref<!tpu.dma_semaphore, #tpu.memory_space<semaphore_mem>>)
    %dma_start3A_88 = arith.constant 1 : i32
    %dma_start3A_89 = arith.constant 1 : i32
    %dma_start3A_90 = arith.constant 40 : i32
    %dma_start3A_91 = arith.constant 0 : i32
    %dma_start3A_92 = tpu.memref_slice %arg11[%dma_start3A_90, %dma_start3A_91] : memref<80x128xf32, #tpu.memory_space<vmem>> -> memref<40x128xf32, #tpu.memory_space<vmem>>
    %dma_start3A_93 = arith.constant 40 : i32
    %dma_start3A_94 = tpu.memref_slice %arg7[%dma_start3A_88, %dma_start3A_89, %dma_start3A_93] : memref<2x2x80xi32, #tpu.memory_space<vmem>> -> memref<1x1x40xi32, #tpu.memory_space<vmem>>
    %dma_start3A_95 = tpu.memref_squeeze %dma_start3A_94 : memref<1x1x40xi32, #tpu.memory_space<vmem>> -> memref<40xi32, #tpu.memory_space<vmem>>
    %dma_start3A_96 = arith.constant 0 : i32
    %dma_start3A_97 = arith.constant 0 : i32
    %dma_start3A_98 = tpu.memref_slice %arg4[%dma_start3A_96, %dma_start3A_97] : memref<100000x128xf32, #tpu.memory_space<hbm>> -> memref<100000x128xf32, #tpu.memory_space<hbm>>
    tpu.enqueue_indirect_dma source(%dma_start3A_98 : memref<100000x128xf32, #tpu.memory_space<hbm>>) target(%dma_start3A_92 : memref<40x128xf32, #tpu.memory_space<vmem>>) offsets(%dma_start3A_95 : memref<40xi32, #tpu.memory_space<vmem>>) semaphore(%arg18 : memref<!tpu.dma_semaphore, #tpu.memory_space<semaphore_mem>>)
    %scan3A = arith.constant 0 : i32
    %scan3A_99 = arith.constant 0 : i32
    %scan3A_100 = arith.constant 160 : i32
    %scan3A_101 = arith.addi %scan3A_99, %scan3A_100 : i32
    %scan3A_102 = arith.constant 2 : i32
    scf.for %scan3A_325 = %scan3A_99 to %scan3A_101 step %scan3A_102  : i32 {
      %swap3A = arith.index_cast %scan3A_325 : i32 to index
      %swap3A_326 = arith.constant 0 : index
      %swap3A_327 = tpu.vector_load %arg16[%swap3A, %swap3A_326] {strides = array<i32>} : memref<160x160xf32, #tpu.memory_space<vmem>>, vector<16xf32>,
      tpu.vector_store %arg16[%swap3A, %swap3A_326], %broadcast_in_dim3A_3 {strides = array<i32>} : memref<160x160xf32, #tpu.memory_space<vmem>>, vector<16xf32>,
      %swap3A_328 = arith.index_cast %scan3A_325 : i32 to index
      %swap3A_329 = arith.constant 16 : index
      %swap3A_330 = tpu.vector_load %arg16[%swap3A_328, %swap3A_329] {strides = array<i32>} : memref<160x160xf32, #tpu.memory_space<vmem>>, vector<16xf32>,
      tpu.vector_store %arg16[%swap3A_328, %swap3A_329], %broadcast_in_dim3A_3 {strides = array<i32>} : memref<160x160xf32, #tpu.memory_space<vmem>>, vector<16xf32>,
      %swap3A_331 = arith.index_cast %scan3A_325 : i32 to index
      %swap3A_332 = arith.constant 32 : index
      %swap3A_333 = tpu.vector_load %arg16[%swap3A_331, %swap3A_332] {strides = array<i32>} : memref<160x160xf32, #tpu.memory_space<vmem>>, vector<16xf32>,
      tpu.vector_store %arg16[%swap3A_331, %swap3A_332], %broadcast_in_dim3A_3 {strides = array<i32>} : memref<160x160xf32, #tpu.memory_space<vmem>>, vector<16xf32>,
      %swap3A_334 = arith.index_cast %scan3A_325 : i32 to index
      %swap3A_335 = arith.constant 48 : index
      %swap3A_336 = tpu.vector_load %arg16[%swap3A_334, %swap3A_335] {strides = array<i32>} : memref<160x160xf32, #tpu.memory_space<vmem>>, vector<16xf32>,
      tpu.vector_store %arg16[%swap3A_334, %swap3A_335], %broadcast_in_dim3A_3 {strides = array<i32>} : memref<160x160xf32, #tpu.memory_space<vmem>>, vector<16xf32>,
      %swap3A_337 = arith.index_cast %scan3A_325 : i32 to index
      %swap3A_338 = arith.constant 64 : index
      %swap3A_339 = tpu.vector_load %arg16[%swap3A_337, %swap3A_338] {strides = array<i32>} : memref<160x160xf32, #tpu.memory_space<vmem>>, vector<16xf32>,
      tpu.vector_store %arg16[%swap3A_337, %swap3A_338], %broadcast_in_dim3A_3 {strides = array<i32>} : memref<160x160xf32, #tpu.memory_space<vmem>>, vector<16xf32>,
      %swap3A_340 = arith.index_cast %scan3A_325 : i32 to index
      %swap3A_341 = arith.constant 80 : index
      %swap3A_342 = tpu.vector_load %arg16[%swap3A_340, %swap3A_341] {strides = array<i32>} : memref<160x160xf32, #tpu.memory_space<vmem>>, vector<16xf32>,
      tpu.vector_store %arg16[%swap3A_340, %swap3A_341], %broadcast_in_dim3A_3 {strides = array<i32>} : memref<160x160xf32, #tpu.memory_space<vmem>>, vector<16xf32>,
      %swap3A_343 = arith.index_cast %scan3A_325 : i32 to index
      %swap3A_344 = arith.constant 96 : index
      %swap3A_345 = tpu.vector_load %arg16[%swap3A_343, %swap3A_344] {strides = array<i32>} : memref<160x160xf32, #tpu.memory_space<vmem>>, vector<16xf32>,
      tpu.vector_store %arg16[%swap3A_343, %swap3A_344], %broadcast_in_dim3A_3 {strides = array<i32>} : memref<160x160xf32, #tpu.memory_space<vmem>>, vector<16xf32>,
      %swap3A_346 = arith.index_cast %scan3A_325 : i32 to index
      %swap3A_347 = arith.constant 112 : index
      %swap3A_348 = tpu.vector_load %arg16[%swap3A_346, %swap3A_347] {strides = array<i32>} : memref<160x160xf32, #tpu.memory_space<vmem>>, vector<16xf32>,
      tpu.vector_store %arg16[%swap3A_346, %swap3A_347], %broadcast_in_dim3A_3 {strides = array<i32>} : memref<160x160xf32, #tpu.memory_space<vmem>>, vector<16xf32>,
      %swap3A_349 = arith.index_cast %scan3A_325 : i32 to index
      %swap3A_350 = arith.constant 128 : index
      %swap3A_351 = tpu.vector_load %arg16[%swap3A_349, %swap3A_350] {strides = array<i32>} : memref<160x160xf32, #tpu.memory_space<vmem>>, vector<16xf32>,
      tpu.vector_store %arg16[%swap3A_349, %swap3A_350], %broadcast_in_dim3A_3 {strides = array<i32>} : memref<160x160xf32, #tpu.memory_space<vmem>>, vector<16xf32>,
      %swap3A_352 = arith.index_cast %scan3A_325 : i32 to index
      %swap3A_353 = arith.constant 144 : index
      %swap3A_354 = tpu.vector_load %arg16[%swap3A_352, %swap3A_353] {strides = array<i32>} : memref<160x160xf32, #tpu.memory_space<vmem>>, vector<16xf32>,
      tpu.vector_store %arg16[%swap3A_352, %swap3A_353], %broadcast_in_dim3A_3 {strides = array<i32>} : memref<160x160xf32, #tpu.memory_space<vmem>>, vector<16xf32>,
      %scan3A_355 = arith.constant 1 : i32
      %scan3A_356 = arith.addi %scan3A_325, %scan3A_355 : i32
      %swap3A_357 = arith.index_cast %scan3A_356 : i32 to index
      %swap3A_358 = arith.constant 0 : index
      %swap3A_359 = tpu.vector_load %arg16[%swap3A_357, %swap3A_358] {strides = array<i32>} : memref<160x160xf32, #tpu.memory_space<vmem>>, vector<16xf32>,
      tpu.vector_store %arg16[%swap3A_357, %swap3A_358], %broadcast_in_dim3A_3 {strides = array<i32>} : memref<160x160xf32, #tpu.memory_space<vmem>>, vector<16xf32>,
      %swap3A_360 = arith.index_cast %scan3A_356 : i32 to index
      %swap3A_361 = arith.constant 16 : index
      %swap3A_362 = tpu.vector_load %arg16[%swap3A_360, %swap3A_361] {strides = array<i32>} : memref<160x160xf32, #tpu.memory_space<vmem>>, vector<16xf32>,
      tpu.vector_store %arg16[%swap3A_360, %swap3A_361], %broadcast_in_dim3A_3 {strides = array<i32>} : memref<160x160xf32, #tpu.memory_space<vmem>>, vector<16xf32>,
      %swap3A_363 = arith.index_cast %scan3A_356 : i32 to index
      %swap3A_364 = arith.constant 32 : index
      %swap3A_365 = tpu.vector_load %arg16[%swap3A_363, %swap3A_364] {strides = array<i32>} : memref<160x160xf32, #tpu.memory_space<vmem>>, vector<16xf32>,
      tpu.vector_store %arg16[%swap3A_363, %swap3A_364], %broadcast_in_dim3A_3 {strides = array<i32>} : memref<160x160xf32, #tpu.memory_space<vmem>>, vector<16xf32>,
      %swap3A_366 = arith.index_cast %scan3A_356 : i32 to index
      %swap3A_367 = arith.constant 48 : index
      %swap3A_368 = tpu.vector_load %arg16[%swap3A_366, %swap3A_367] {strides = array<i32>} : memref<160x160xf32, #tpu.memory_space<vmem>>, vector<16xf32>,
      tpu.vector_store %arg16[%swap3A_366, %swap3A_367], %broadcast_in_dim3A_3 {strides = array<i32>} : memref<160x160xf32, #tpu.memory_space<vmem>>, vector<16xf32>,
      %swap3A_369 = arith.index_cast %scan3A_356 : i32 to index
      %swap3A_370 = arith.constant 64 : index
      %swap3A_371 = tpu.vector_load %arg16[%swap3A_369, %swap3A_370] {strides = array<i32>} : memref<160x160xf32, #tpu.memory_space<vmem>>, vector<16xf32>,
      tpu.vector_store %arg16[%swap3A_369, %swap3A_370], %broadcast_in_dim3A_3 {strides = array<i32>} : memref<160x160xf32, #tpu.memory_space<vmem>>, vector<16xf32>,
      %swap3A_372 = arith.index_cast %scan3A_356 : i32 to index
      %swap3A_373 = arith.constant 80 : index
      %swap3A_374 = tpu.vector_load %arg16[%swap3A_372, %swap3A_373] {strides = array<i32>} : memref<160x160xf32, #tpu.memory_space<vmem>>, vector<16xf32>,
      tpu.vector_store %arg16[%swap3A_372, %swap3A_373], %broadcast_in_dim3A_3 {strides = array<i32>} : memref<160x160xf32, #tpu.memory_space<vmem>>, vector<16xf32>,
      %swap3A_375 = arith.index_cast %scan3A_356 : i32 to index
      %swap3A_376 = arith.constant 96 : index
      %swap3A_377 = tpu.vector_load %arg16[%swap3A_375, %swap3A_376] {strides = array<i32>} : memref<160x160xf32, #tpu.memory_space<vmem>>, vector<16xf32>,
      tpu.vector_store %arg16[%swap3A_375, %swap3A_376], %broadcast_in_dim3A_3 {strides = array<i32>} : memref<160x160xf32, #tpu.memory_space<vmem>>, vector<16xf32>,
      %swap3A_378 = arith.index_cast %scan3A_356 : i32 to index
      %swap3A_379 = arith.constant 112 : index
      %swap3A_380 = tpu.vector_load %arg16[%swap3A_378, %swap3A_379] {strides = array<i32>} : memref<160x160xf32, #tpu.memory_space<vmem>>, vector<16xf32>,
      tpu.vector_store %arg16[%swap3A_378, %swap3A_379], %broadcast_in_dim3A_3 {strides = array<i32>} : memref<160x160xf32, #tpu.memory_space<vmem>>, vector<16xf32>,
      %swap3A_381 = arith.index_cast %scan3A_356 : i32 to index
      %swap3A_382 = arith.constant 128 : index
      %swap3A_383 = tpu.vector_load %arg16[%swap3A_381, %swap3A_382] {strides = array<i32>} : memref<160x160xf32, #tpu.memory_space<vmem>>, vector<16xf32>,
      tpu.vector_store %arg16[%swap3A_381, %swap3A_382], %broadcast_in_dim3A_3 {strides = array<i32>} : memref<160x160xf32, #tpu.memory_space<vmem>>, vector<16xf32>,
      %swap3A_384 = arith.index_cast %scan3A_356 : i32 to index
      %swap3A_385 = arith.constant 144 : index
      %swap3A_386 = tpu.vector_load %arg16[%swap3A_384, %swap3A_385] {strides = array<i32>} : memref<160x160xf32, #tpu.memory_space<vmem>>, vector<16xf32>,
      tpu.vector_store %arg16[%swap3A_384, %swap3A_385], %broadcast_in_dim3A_3 {strides = array<i32>} : memref<160x160xf32, #tpu.memory_space<vmem>>, vector<16xf32>,
    }
    %scan3A_103 = arith.constant 160 : i32
    %add3A_104 = arith.constant 0 : i32
    %add3A_105 = arith.addi %mul3A_2, %add3A_104 : i32
    %add3A_106 = arith.constant 1 : i32
    %add3A_107 = arith.addi %add3A_105, %add3A_106 : i32
    %dma_start3A_108 = arith.constant 0 : i32
    %dma_start3A_109 = arith.constant 0 : i32
    %dma_start3A_110 = tpu.memref_slice %arg3[%add3A_107, %dma_start3A_108, %dma_start3A_109] : memref<64x2x2400xi32, #tpu.memory_space<hbm>> -> memref<1x2x2400xi32, #tpu.memory_space<hbm>>
    %dma_start3A_111 = tpu.memref_squeeze %dma_start3A_110 : memref<1x2x2400xi32, #tpu.memory_space<hbm>> -> memref<2x2400xi32, #tpu.memory_space<hbm>>
    %dma_start3A_112 = arith.constant 0 : i32
    %dma_start3A_113 = arith.constant 0 : i32
    %dma_start3A_114 = tpu.memref_slice %arg3[%add3A_107, %dma_start3A_112, %dma_start3A_113] : memref<64x2x2400xi32, #tpu.memory_space<hbm>> -> memref<1x2x2400xi32, #tpu.memory_space<hbm>>
    %dma_start3A_115 = tpu.memref_squeeze %dma_start3A_114 : memref<1x2x2400xi32, #tpu.memory_space<hbm>> -> memref<2x2400xi32, #tpu.memory_space<hbm>>
    tpu.enqueue_dma source(%dma_start3A_115 : memref<2x2400xi32, #tpu.memory_space<hbm>>) target(%arg15 : memref<2x2400xi32, #tpu.memory_space<vmem>>) target_semaphore(%arg24 : memref<!tpu.dma_semaphore, #tpu.memory_space<semaphore_mem>>)
    %dma_wait3A = arith.constant 0 : i32
    %dma_wait3A_116 = arith.constant 0 : i32
    %dma_wait3A_117 = tpu.memref_slice %arg3[%mul3A_2, %dma_wait3A, %dma_wait3A_116] : memref<64x2x2400xi32, #tpu.memory_space<hbm>> -> memref<1x2x2400xi32, #tpu.memory_space<hbm>>
    %dma_wait3A_118 = tpu.memref_squeeze %dma_wait3A_117 : memref<1x2x2400xi32, #tpu.memory_space<hbm>> -> memref<2x2400xi32, #tpu.memory_space<hbm>>
    %dma_wait3A_119 = arith.constant 0 : i32
    %dma_wait3A_120 = arith.constant 0 : i32
    %dma_wait3A_121 = tpu.memref_slice %arg3[%mul3A_2, %dma_wait3A_119, %dma_wait3A_120] : memref<64x2x2400xi32, #tpu.memory_space<hbm>> -> memref<1x2x2400xi32, #tpu.memory_space<hbm>>
    %dma_wait3A_122 = tpu.memref_squeeze %dma_wait3A_121 : memref<1x2x2400xi32, #tpu.memory_space<hbm>> -> memref<2x2400xi32, #tpu.memory_space<hbm>>
    tpu.wait_dma2 semaphore(%arg23 : memref<!tpu.dma_semaphore, #tpu.memory_space<semaphore_mem>>) src(%dma_wait3A_122 : memref<2x2400xi32, #tpu.memory_space<hbm>>) dst(%arg14 : memref<2x2400xi32, #tpu.memory_space<vmem>>)
    %broadcast_in_dim3A_123 = arith.constant 1.000000e+00 : f32
    %broadcast_in_dim3A_124 = vector.broadcast %broadcast_in_dim3A_123 : f32 to vector<16xf32>
    %scan3A_125 = arith.constant 0 : i32
    %scan3A_126 = arith.constant 0 : i32
    %scan3A_127 = arith.constant 150 : i32
    %scan3A_128 = arith.addi %scan3A_126, %scan3A_127 : i32
    %scan3A_129 = arith.constant 5 : i32
    scf.for %scan3A_325 = %scan3A_126 to %scan3A_128 step %scan3A_129  : i32 {
      %mul3A_326 = arith.constant 16 : i32
      %mul3A_327 = arith.muli %scan3A_325, %mul3A_326 : i32
      %get3A = arith.constant 0 : i32
      %get3A_328 = arith.index_cast %get3A : i32 to index
      %get3A_329 = arith.index_cast %mul3A_327 : i32 to index
      %get3A_330 = tpu.vector_load %arg14[%get3A_328, %get3A_329] {strides = array<i32>} : memref<2x2400xi32, #tpu.memory_space<vmem>>, vector<16xi32>,
      %mul3A_331 = arith.constant 16 : i32
      %mul3A_332 = arith.muli %scan3A_325, %mul3A_331 : i32
      %get3A_333 = arith.constant 1 : i32
      %get3A_334 = arith.index_cast %get3A_333 : i32 to index
      %get3A_335 = arith.index_cast %mul3A_332 : i32 to index
      %get3A_336 = tpu.vector_load %arg14[%get3A_334, %get3A_335] {strides = array<i32>} : memref<2x2400xi32, #tpu.memory_space<vmem>>, vector<16xi32>,
      tpu.vector_store_idx %arg16[%get3A_336, %get3A_330], %broadcast_in_dim3A_124 {add = true} : memref<160x160xf32, #tpu.memory_space<vmem>>[vector<16xi32>, vector<16xi32>], vector<16xf32>,
      %scan3A_337 = arith.constant 1 : i32
      %scan3A_338 = arith.addi %scan3A_325, %scan3A_337 : i32
      %mul3A_339 = arith.constant 16 : i32
      %mul3A_340 = arith.muli %scan3A_338, %mul3A_339 : i32
      %get3A_341 = arith.constant 0 : i32
      %get3A_342 = arith.index_cast %get3A_341 : i32 to index
      %get3A_343 = arith.index_cast %mul3A_340 : i32 to index
      %get3A_344 = tpu.vector_load %arg14[%get3A_342, %get3A_343] {strides = array<i32>} : memref<2x2400xi32, #tpu.memory_space<vmem>>, vector<16xi32>,
      %mul3A_345 = arith.constant 16 : i32
      %mul3A_346 = arith.muli %scan3A_338, %mul3A_345 : i32
      %get3A_347 = arith.constant 1 : i32
      %get3A_348 = arith.index_cast %get3A_347 : i32 to index
      %get3A_349 = arith.index_cast %mul3A_346 : i32 to index
      %get3A_350 = tpu.vector_load %arg14[%get3A_348, %get3A_349] {strides = array<i32>} : memref<2x2400xi32, #tpu.memory_space<vmem>>, vector<16xi32>,
      tpu.vector_store_idx %arg16[%get3A_350, %get3A_344], %broadcast_in_dim3A_124 {add = true} : memref<160x160xf32, #tpu.memory_space<vmem>>[vector<16xi32>, vector<16xi32>], vector<16xf32>,
      %scan3A_351 = arith.constant 2 : i32
      %scan3A_352 = arith.addi %scan3A_325, %scan3A_351 : i32
      %mul3A_353 = arith.constant 16 : i32
      %mul3A_354 = arith.muli %scan3A_352, %mul3A_353 : i32
      %get3A_355 = arith.constant 0 : i32
      %get3A_356 = arith.index_cast %get3A_355 : i32 to index
      %get3A_357 = arith.index_cast %mul3A_354 : i32 to index
      %get3A_358 = tpu.vector_load %arg14[%get3A_356, %get3A_357] {strides = array<i32>} : memref<2x2400xi32, #tpu.memory_space<vmem>>, vector<16xi32>,
      %mul3A_359 = arith.constant 16 : i32
      %mul3A_360 = arith.muli %scan3A_352, %mul3A_359 : i32
      %get3A_361 = arith.constant 1 : i32
      %get3A_362 = arith.index_cast %get3A_361 : i32 to index
      %get3A_363 = arith.index_cast %mul3A_360 : i32 to index
      %get3A_364 = tpu.vector_load %arg14[%get3A_362, %get3A_363] {strides = array<i32>} : memref<2x2400xi32, #tpu.memory_space<vmem>>, vector<16xi32>,
      tpu.vector_store_idx %arg16[%get3A_364, %get3A_358], %broadcast_in_dim3A_124 {add = true} : memref<160x160xf32, #tpu.memory_space<vmem>>[vector<16xi32>, vector<16xi32>], vector<16xf32>,
      %scan3A_365 = arith.constant 3 : i32
      %scan3A_366 = arith.addi %scan3A_325, %scan3A_365 : i32
      %mul3A_367 = arith.constant 16 : i32
      %mul3A_368 = arith.muli %scan3A_366, %mul3A_367 : i32
      %get3A_369 = arith.constant 0 : i32
      %get3A_370 = arith.index_cast %get3A_369 : i32 to index
      %get3A_371 = arith.index_cast %mul3A_368 : i32 to index
      %get3A_372 = tpu.vector_load %arg14[%get3A_370, %get3A_371] {strides = array<i32>} : memref<2x2400xi32, #tpu.memory_space<vmem>>, vector<16xi32>,
      %mul3A_373 = arith.constant 16 : i32
      %mul3A_374 = arith.muli %scan3A_366, %mul3A_373 : i32
      %get3A_375 = arith.constant 1 : i32
      %get3A_376 = arith.index_cast %get3A_375 : i32 to index
      %get3A_377 = arith.index_cast %mul3A_374 : i32 to index
      %get3A_378 = tpu.vector_load %arg14[%get3A_376, %get3A_377] {strides = array<i32>} : memref<2x2400xi32, #tpu.memory_space<vmem>>, vector<16xi32>,
      tpu.vector_store_idx %arg16[%get3A_378, %get3A_372], %broadcast_in_dim3A_124 {add = true} : memref<160x160xf32, #tpu.memory_space<vmem>>[vector<16xi32>, vector<16xi32>], vector<16xf32>,
      %scan3A_379 = arith.constant 4 : i32
      %scan3A_380 = arith.addi %scan3A_325, %scan3A_379 : i32
      %mul3A_381 = arith.constant 16 : i32
      %mul3A_382 = arith.muli %scan3A_380, %mul3A_381 : i32
      %get3A_383 = arith.constant 0 : i32
      %get3A_384 = arith.index_cast %get3A_383 : i32 to index
      %get3A_385 = arith.index_cast %mul3A_382 : i32 to index
      %get3A_386 = tpu.vector_load %arg14[%get3A_384, %get3A_385] {strides = array<i32>} : memref<2x2400xi32, #tpu.memory_space<vmem>>, vector<16xi32>,
      %mul3A_387 = arith.constant 16 : i32
      %mul3A_388 = arith.muli %scan3A_380, %mul3A_387 : i32
      %get3A_389 = arith.constant 1 : i32
      %get3A_390 = arith.index_cast %get3A_389 : i32 to index
      %get3A_391 = arith.index_cast %mul3A_388 : i32 to index
      %get3A_392 = tpu.vector_load %arg14[%get3A_390, %get3A_391] {strides = array<i32>} : memref<2x2400xi32, #tpu.memory_space<vmem>>, vector<16xi32>,
      tpu.vector_store_idx %arg16[%get3A_392, %get3A_386], %broadcast_in_dim3A_124 {add = true} : memref<160x160xf32, #tpu.memory_space<vmem>>[vector<16xi32>, vector<16xi32>], vector<16xf32>,
    }
    %scan3A_130 = arith.constant 150 : i32
    %dma_start3A_131 = arith.constant 0 : i32
    %dma_start3A_132 = arith.constant 0 : i32
    %dma_start3A_133 = tpu.memref_slice %arg6[%add3A_105, %dma_start3A_131, %dma_start3A_132] : memref<64x160x160xf32, #tpu.memory_space<hbm>> -> memref<1x160x160xf32, #tpu.memory_space<hbm>>
    %dma_start3A_134 = tpu.memref_squeeze %dma_start3A_133 : memref<1x160x160xf32, #tpu.memory_space<hbm>> -> memref<160x160xf32, #tpu.memory_space<hbm>>
    %dma_start3A_135 = arith.constant 0 : i32
    %dma_start3A_136 = arith.constant 0 : i32
    %dma_start3A_137 = tpu.memref_slice %arg6[%add3A_105, %dma_start3A_135, %dma_start3A_136] : memref<64x160x160xf32, #tpu.memory_space<hbm>> -> memref<1x160x160xf32, #tpu.memory_space<hbm>>
    %dma_start3A_138 = tpu.memref_squeeze %dma_start3A_137 : memref<1x160x160xf32, #tpu.memory_space<hbm>> -> memref<160x160xf32, #tpu.memory_space<hbm>>
    tpu.enqueue_dma source(%arg16 : memref<160x160xf32, #tpu.memory_space<vmem>>) target(%dma_start3A_138 : memref<160x160xf32, #tpu.memory_space<hbm>>) target_semaphore(%arg25 : memref<!tpu.dma_semaphore, #tpu.memory_space<semaphore_mem>>)
    %dma_wait3A_139 = arith.constant 0 : i32
    %dma_wait3A_140 = arith.constant 0 : i32
    %dma_wait3A_141 = arith.constant 0 : i32
    %dma_wait3A_142 = arith.constant 0 : i32
    %dma_wait3A_143 = tpu.memref_slice %arg8[%dma_wait3A_141, %dma_wait3A_142] : memref<80x128xf32, #tpu.memory_space<vmem>> -> memref<40x128xf32, #tpu.memory_space<vmem>>
    %dma_wait3A_144 = arith.constant 0 : i32
    %dma_wait3A_145 = tpu.memref_slice %arg7[%dma_wait3A_139, %dma_wait3A_140, %dma_wait3A_144] : memref<2x2x80xi32, #tpu.memory_space<vmem>> -> memref<1x1x40xi32, #tpu.memory_space<vmem>>
    %dma_wait3A_146 = tpu.memref_squeeze %dma_wait3A_145 : memref<1x1x40xi32, #tpu.memory_space<vmem>> -> memref<40xi32, #tpu.memory_space<vmem>>
    %dma_wait3A_147 = arith.constant 0 : i32
    %dma_wait3A_148 = arith.constant 0 : i32
    %dma_wait3A_149 = tpu.memref_slice %arg4[%dma_wait3A_147, %dma_wait3A_148] : memref<100000x128xf32, #tpu.memory_space<hbm>> -> memref<100000x128xf32, #tpu.memory_space<hbm>>
    tpu.wait_indirect_dma semaphore(%arg17 : memref<!tpu.dma_semaphore, #tpu.memory_space<semaphore_mem>>) src(%dma_wait3A_149 : memref<100000x128xf32, #tpu.memory_space<hbm>>) dst(%dma_wait3A_143 : memref<40x128xf32, #tpu.memory_space<vmem>>)
    %dma_wait3A_150 = arith.constant 0 : i32
    %dma_wait3A_151 = arith.constant 0 : i32
    %dma_wait3A_152 = arith.constant 40 : i32
    %dma_wait3A_153 = arith.constant 0 : i32
    %dma_wait3A_154 = tpu.memref_slice %arg8[%dma_wait3A_152, %dma_wait3A_153] : memref<80x128xf32, #tpu.memory_space<vmem>> -> memref<40x128xf32, #tpu.memory_space<vmem>>
    %dma_wait3A_155 = arith.constant 40 : i32
    %dma_wait3A_156 = tpu.memref_slice %arg7[%dma_wait3A_150, %dma_wait3A_151, %dma_wait3A_155] : memref<2x2x80xi32, #tpu.memory_space<vmem>> -> memref<1x1x40xi32, #tpu.memory_space<vmem>>
    %dma_wait3A_157 = tpu.memref_squeeze %dma_wait3A_156 : memref<1x1x40xi32, #tpu.memory_space<vmem>> -> memref<40xi32, #tpu.memory_space<vmem>>
    %dma_wait3A_158 = arith.constant 0 : i32
    %dma_wait3A_159 = arith.constant 0 : i32
    %dma_wait3A_160 = tpu.memref_slice %arg4[%dma_wait3A_158, %dma_wait3A_159] : memref<100000x128xf32, #tpu.memory_space<hbm>> -> memref<100000x128xf32, #tpu.memory_space<hbm>>
    tpu.wait_indirect_dma semaphore(%arg17 : memref<!tpu.dma_semaphore, #tpu.memory_space<semaphore_mem>>) src(%dma_wait3A_160 : memref<100000x128xf32, #tpu.memory_space<hbm>>) dst(%dma_wait3A_154 : memref<40x128xf32, #tpu.memory_space<vmem>>)
    %dma_wait3A_161 = arith.constant 0 : i32
    %dma_wait3A_162 = arith.constant 1 : i32
    %dma_wait3A_163 = arith.constant 0 : i32
    %dma_wait3A_164 = arith.constant 0 : i32
    %dma_wait3A_165 = tpu.memref_slice %arg9[%dma_wait3A_163, %dma_wait3A_164] : memref<80x128xf32, #tpu.memory_space<vmem>> -> memref<40x128xf32, #tpu.memory_space<vmem>>
    %dma_wait3A_166 = arith.constant 0 : i32
    %dma_wait3A_167 = tpu.memref_slice %arg7[%dma_wait3A_161, %dma_wait3A_162, %dma_wait3A_166] : memref<2x2x80xi32, #tpu.memory_space<vmem>> -> memref<1x1x40xi32, #tpu.memory_space<vmem>>
    %dma_wait3A_168 = tpu.memref_squeeze %dma_wait3A_167 : memref<1x1x40xi32, #tpu.memory_space<vmem>> -> memref<40xi32, #tpu.memory_space<vmem>>
    %dma_wait3A_169 = arith.constant 0 : i32
    %dma_wait3A_170 = arith.constant 0 : i32
    %dma_wait3A_171 = tpu.memref_slice %arg4[%dma_wait3A_169, %dma_wait3A_170] : memref<100000x128xf32, #tpu.memory_space<hbm>> -> memref<100000x128xf32, #tpu.memory_space<hbm>>
    tpu.wait_indirect_dma semaphore(%arg17 : memref<!tpu.dma_semaphore, #tpu.memory_space<semaphore_mem>>) src(%dma_wait3A_171 : memref<100000x128xf32, #tpu.memory_space<hbm>>) dst(%dma_wait3A_165 : memref<40x128xf32, #tpu.memory_space<vmem>>)
    %dma_wait3A_172 = arith.constant 0 : i32
    %dma_wait3A_173 = arith.constant 1 : i32
    %dma_wait3A_174 = arith.constant 40 : i32
    %dma_wait3A_175 = arith.constant 0 : i32
    %dma_wait3A_176 = tpu.memref_slice %arg9[%dma_wait3A_174, %dma_wait3A_175] : memref<80x128xf32, #tpu.memory_space<vmem>> -> memref<40x128xf32, #tpu.memory_space<vmem>>
    %dma_wait3A_177 = arith.constant 40 : i32
    %dma_wait3A_178 = tpu.memref_slice %arg7[%dma_wait3A_172, %dma_wait3A_173, %dma_wait3A_177] : memref<2x2x80xi32, #tpu.memory_space<vmem>> -> memref<1x1x40xi32, #tpu.memory_space<vmem>>
    %dma_wait3A_179 = tpu.memref_squeeze %dma_wait3A_178 : memref<1x1x40xi32, #tpu.memory_space<vmem>> -> memref<40xi32, #tpu.memory_space<vmem>>
    %dma_wait3A_180 = arith.constant 0 : i32
    %dma_wait3A_181 = arith.constant 0 : i32
    %dma_wait3A_182 = tpu.memref_slice %arg4[%dma_wait3A_180, %dma_wait3A_181] : memref<100000x128xf32, #tpu.memory_space<hbm>> -> memref<100000x128xf32, #tpu.memory_space<hbm>>
    tpu.wait_indirect_dma semaphore(%arg17 : memref<!tpu.dma_semaphore, #tpu.memory_space<semaphore_mem>>) src(%dma_wait3A_182 : memref<100000x128xf32, #tpu.memory_space<hbm>>) dst(%dma_wait3A_176 : memref<40x128xf32, #tpu.memory_space<vmem>>)
    %add3A_183 = arith.constant 0 : i32
    %add3A_184 = arith.addi %mul3A_2, %add3A_183 : i32
    %mul3A_185 = arith.constant 160 : i32
    %mul3A_186 = arith.muli %add3A_184, %mul3A_185 : i32
    %dma_start3A_187 = arith.constant 0 : i32
    %dma_start3A_188 = tpu.memref_slice %arg5[%mul3A_186, %dma_start3A_187] : memref<10240x128xf32, #tpu.memory_space<hbm>> -> memref<80x128xf32, #tpu.memory_space<hbm>>
    %dma_start3A_189 = arith.constant 0 : i32
    %dma_start3A_190 = tpu.memref_slice %arg5[%mul3A_186, %dma_start3A_189] : memref<10240x128xf32, #tpu.memory_space<hbm>> -> memref<80x128xf32, #tpu.memory_space<hbm>>
    tpu.enqueue_dma source(%arg8 : memref<80x128xf32, #tpu.memory_space<vmem>>) target(%dma_start3A_190 : memref<80x128xf32, #tpu.memory_space<hbm>>) target_semaphore(%arg20 : memref<!tpu.dma_semaphore, #tpu.memory_space<semaphore_mem>>)
    %mul3A_191 = arith.constant 160 : i32
    %mul3A_192 = arith.muli %add3A_184, %mul3A_191 : i32
    %add3A_193 = arith.constant 80 : i32
    %add3A_194 = arith.addi %mul3A_192, %add3A_193 : i32
    %dma_start3A_195 = arith.constant 0 : i32
    %dma_start3A_196 = tpu.memref_slice %arg5[%add3A_194, %dma_start3A_195] : memref<10240x128xf32, #tpu.memory_space<hbm>> -> memref<80x128xf32, #tpu.memory_space<hbm>>
    %dma_start3A_197 = arith.constant 0 : i32
    %dma_start3A_198 = tpu.memref_slice %arg5[%add3A_194, %dma_start3A_197] : memref<10240x128xf32, #tpu.memory_space<hbm>> -> memref<80x128xf32, #tpu.memory_space<hbm>>
    tpu.enqueue_dma source(%arg9 : memref<80x128xf32, #tpu.memory_space<vmem>>) target(%dma_start3A_198 : memref<80x128xf32, #tpu.memory_space<hbm>>) target_semaphore(%arg20 : memref<!tpu.dma_semaphore, #tpu.memory_space<semaphore_mem>>)
    %dma_wait3A_199 = arith.constant 0 : i32
    %dma_wait3A_200 = arith.constant 0 : i32
    %dma_wait3A_201 = tpu.memref_slice %arg6[%add3A_105, %dma_wait3A_199, %dma_wait3A_200] : memref<64x160x160xf32, #tpu.memory_space<hbm>> -> memref<1x160x160xf32, #tpu.memory_space<hbm>>
    %dma_wait3A_202 = tpu.memref_squeeze %dma_wait3A_201 : memref<1x160x160xf32, #tpu.memory_space<hbm>> -> memref<160x160xf32, #tpu.memory_space<hbm>>
    %dma_wait3A_203 = arith.constant 0 : i32
    %dma_wait3A_204 = arith.constant 0 : i32
    %dma_wait3A_205 = tpu.memref_slice %arg6[%add3A_105, %dma_wait3A_203, %dma_wait3A_204] : memref<64x160x160xf32, #tpu.memory_space<hbm>> -> memref<1x160x160xf32, #tpu.memory_space<hbm>>
    %dma_wait3A_206 = tpu.memref_squeeze %dma_wait3A_205 : memref<1x160x160xf32, #tpu.memory_space<hbm>> -> memref<160x160xf32, #tpu.memory_space<hbm>>
    tpu.wait_dma2 semaphore(%arg25 : memref<!tpu.dma_semaphore, #tpu.memory_space<semaphore_mem>>) src(%arg16 : memref<160x160xf32, #tpu.memory_space<vmem>>) dst(%dma_wait3A_206 : memref<160x160xf32, #tpu.memory_space<hbm>>)
    %broadcast_in_dim3A_207 = arith.constant -1.000000e+00 : f32
    %broadcast_in_dim3A_208 = vector.broadcast %broadcast_in_dim3A_207 : f32 to vector<16xf32>
    %scan3A_209 = arith.constant 0 : i32
    %scan3A_210 = arith.constant 0 : i32
    %scan3A_211 = arith.constant 150 : i32
    %scan3A_212 = arith.addi %scan3A_210, %scan3A_211 : i32
    %scan3A_213 = arith.constant 5 : i32
    scf.for %scan3A_325 = %scan3A_210 to %scan3A_212 step %scan3A_213  : i32 {
      %mul3A_326 = arith.constant 16 : i32
      %mul3A_327 = arith.muli %scan3A_325, %mul3A_326 : i32
      %get3A = arith.constant 0 : i32
      %get3A_328 = arith.index_cast %get3A : i32 to index
      %get3A_329 = arith.index_cast %mul3A_327 : i32 to index
      %get3A_330 = tpu.vector_load %arg14[%get3A_328, %get3A_329] {strides = array<i32>} : memref<2x2400xi32, #tpu.memory_space<vmem>>, vector<16xi32>,
      %mul3A_331 = arith.constant 16 : i32
      %mul3A_332 = arith.muli %scan3A_325, %mul3A_331 : i32
      %get3A_333 = arith.constant 1 : i32
      %get3A_334 = arith.index_cast %get3A_333 : i32 to index
      %get3A_335 = arith.index_cast %mul3A_332 : i32 to index
      %get3A_336 = tpu.vector_load %arg14[%get3A_334, %get3A_335] {strides = array<i32>} : memref<2x2400xi32, #tpu.memory_space<vmem>>, vector<16xi32>,
      tpu.vector_store_idx %arg16[%get3A_336, %get3A_330], %broadcast_in_dim3A_208 {add = true} : memref<160x160xf32, #tpu.memory_space<vmem>>[vector<16xi32>, vector<16xi32>], vector<16xf32>,
      %scan3A_337 = arith.constant 1 : i32
      %scan3A_338 = arith.addi %scan3A_325, %scan3A_337 : i32
      %mul3A_339 = arith.constant 16 : i32
      %mul3A_340 = arith.muli %scan3A_338, %mul3A_339 : i32
      %get3A_341 = arith.constant 0 : i32
      %get3A_342 = arith.index_cast %get3A_341 : i32 to index
      %get3A_343 = arith.index_cast %mul3A_340 : i32 to index
      %get3A_344 = tpu.vector_load %arg14[%get3A_342, %get3A_343] {strides = array<i32>} : memref<2x2400xi32, #tpu.memory_space<vmem>>, vector<16xi32>,
      %mul3A_345 = arith.constant 16 : i32
      %mul3A_346 = arith.muli %scan3A_338, %mul3A_345 : i32
      %get3A_347 = arith.constant 1 : i32
      %get3A_348 = arith.index_cast %get3A_347 : i32 to index
      %get3A_349 = arith.index_cast %mul3A_346 : i32 to index
      %get3A_350 = tpu.vector_load %arg14[%get3A_348, %get3A_349] {strides = array<i32>} : memref<2x2400xi32, #tpu.memory_space<vmem>>, vector<16xi32>,
      tpu.vector_store_idx %arg16[%get3A_350, %get3A_344], %broadcast_in_dim3A_208 {add = true} : memref<160x160xf32, #tpu.memory_space<vmem>>[vector<16xi32>, vector<16xi32>], vector<16xf32>,
      %scan3A_351 = arith.constant 2 : i32
      %scan3A_352 = arith.addi %scan3A_325, %scan3A_351 : i32
      %mul3A_353 = arith.constant 16 : i32
      %mul3A_354 = arith.muli %scan3A_352, %mul3A_353 : i32
      %get3A_355 = arith.constant 0 : i32
      %get3A_356 = arith.index_cast %get3A_355 : i32 to index
      %get3A_357 = arith.index_cast %mul3A_354 : i32 to index
      %get3A_358 = tpu.vector_load %arg14[%get3A_356, %get3A_357] {strides = array<i32>} : memref<2x2400xi32, #tpu.memory_space<vmem>>, vector<16xi32>,
      %mul3A_359 = arith.constant 16 : i32
      %mul3A_360 = arith.muli %scan3A_352, %mul3A_359 : i32
      %get3A_361 = arith.constant 1 : i32
      %get3A_362 = arith.index_cast %get3A_361 : i32 to index
      %get3A_363 = arith.index_cast %mul3A_360 : i32 to index
      %get3A_364 = tpu.vector_load %arg14[%get3A_362, %get3A_363] {strides = array<i32>} : memref<2x2400xi32, #tpu.memory_space<vmem>>, vector<16xi32>,
      tpu.vector_store_idx %arg16[%get3A_364, %get3A_358], %broadcast_in_dim3A_208 {add = true} : memref<160x160xf32, #tpu.memory_space<vmem>>[vector<16xi32>, vector<16xi32>], vector<16xf32>,
      %scan3A_365 = arith.constant 3 : i32
      %scan3A_366 = arith.addi %scan3A_325, %scan3A_365 : i32
      %mul3A_367 = arith.constant 16 : i32
      %mul3A_368 = arith.muli %scan3A_366, %mul3A_367 : i32
      %get3A_369 = arith.constant 0 : i32
      %get3A_370 = arith.index_cast %get3A_369 : i32 to index
      %get3A_371 = arith.index_cast %mul3A_368 : i32 to index
      %get3A_372 = tpu.vector_load %arg14[%get3A_370, %get3A_371] {strides = array<i32>} : memref<2x2400xi32, #tpu.memory_space<vmem>>, vector<16xi32>,
      %mul3A_373 = arith.constant 16 : i32
      %mul3A_374 = arith.muli %scan3A_366, %mul3A_373 : i32
      %get3A_375 = arith.constant 1 : i32
      %get3A_376 = arith.index_cast %get3A_375 : i32 to index
      %get3A_377 = arith.index_cast %mul3A_374 : i32 to index
      %get3A_378 = tpu.vector_load %arg14[%get3A_376, %get3A_377] {strides = array<i32>} : memref<2x2400xi32, #tpu.memory_space<vmem>>, vector<16xi32>,
      tpu.vector_store_idx %arg16[%get3A_378, %get3A_372], %broadcast_in_dim3A_208 {add = true} : memref<160x160xf32, #tpu.memory_space<vmem>>[vector<16xi32>, vector<16xi32>], vector<16xf32>,
      %scan3A_379 = arith.constant 4 : i32
      %scan3A_380 = arith.addi %scan3A_325, %scan3A_379 : i32
      %mul3A_381 = arith.constant 16 : i32
      %mul3A_382 = arith.muli %scan3A_380, %mul3A_381 : i32
      %get3A_383 = arith.constant 0 : i32
      %get3A_384 = arith.index_cast %get3A_383 : i32 to index
      %get3A_385 = arith.index_cast %mul3A_382 : i32 to index
      %get3A_386 = tpu.vector_load %arg14[%get3A_384, %get3A_385] {strides = array<i32>} : memref<2x2400xi32, #tpu.memory_space<vmem>>, vector<16xi32>,
      %mul3A_387 = arith.constant 16 : i32
      %mul3A_388 = arith.muli %scan3A_380, %mul3A_387 : i32
      %get3A_389 = arith.constant 1 : i32
      %get3A_390 = arith.index_cast %get3A_389 : i32 to index
      %get3A_391 = arith.index_cast %mul3A_388 : i32 to index
      %get3A_392 = tpu.vector_load %arg14[%get3A_390, %get3A_391] {strides = array<i32>} : memref<2x2400xi32, #tpu.memory_space<vmem>>, vector<16xi32>,
      tpu.vector_store_idx %arg16[%get3A_392, %get3A_386], %broadcast_in_dim3A_208 {add = true} : memref<160x160xf32, #tpu.memory_space<vmem>>[vector<16xi32>, vector<16xi32>], vector<16xf32>,
    }
    %scan3A_214 = arith.constant 150 : i32
    %add3A_215 = arith.constant 1 : i32
    %add3A_216 = arith.addi %mul3A_2, %add3A_215 : i32
    %dma_wait3A_217 = arith.constant 0 : i32
    %dma_wait3A_218 = arith.constant 0 : i32
    %dma_wait3A_219 = tpu.memref_slice %arg3[%add3A_107, %dma_wait3A_217, %dma_wait3A_218] : memref<64x2x2400xi32, #tpu.memory_space<hbm>> -> memref<1x2x2400xi32, #tpu.memory_space<hbm>>
    %dma_wait3A_220 = tpu.memref_squeeze %dma_wait3A_219 : memref<1x2x2400xi32, #tpu.memory_space<hbm>> -> memref<2x2400xi32, #tpu.memory_space<hbm>>
    %dma_wait3A_221 = arith.constant 0 : i32
    %dma_wait3A_222 = arith.constant 0 : i32
    %dma_wait3A_223 = tpu.memref_slice %arg3[%add3A_107, %dma_wait3A_221, %dma_wait3A_222] : memref<64x2x2400xi32, #tpu.memory_space<hbm>> -> memref<1x2x2400xi32, #tpu.memory_space<hbm>>
    %dma_wait3A_224 = tpu.memref_squeeze %dma_wait3A_223 : memref<1x2x2400xi32, #tpu.memory_space<hbm>> -> memref<2x2400xi32, #tpu.memory_space<hbm>>
    tpu.wait_dma2 semaphore(%arg24 : memref<!tpu.dma_semaphore, #tpu.memory_space<semaphore_mem>>) src(%dma_wait3A_224 : memref<2x2400xi32, #tpu.memory_space<hbm>>) dst(%arg15 : memref<2x2400xi32, #tpu.memory_space<vmem>>)
    %broadcast_in_dim3A_225 = arith.constant 1.000000e+00 : f32
    %broadcast_in_dim3A_226 = vector.broadcast %broadcast_in_dim3A_225 : f32 to vector<16xf32>
    %scan3A_227 = arith.constant 0 : i32
    %scan3A_228 = arith.constant 0 : i32
    %scan3A_229 = arith.constant 150 : i32
    %scan3A_230 = arith.addi %scan3A_228, %scan3A_229 : i32
    %scan3A_231 = arith.constant 5 : i32
    scf.for %scan3A_325 = %scan3A_228 to %scan3A_230 step %scan3A_231  : i32 {
      %mul3A_326 = arith.constant 16 : i32
      %mul3A_327 = arith.muli %scan3A_325, %mul3A_326 : i32
      %get3A = arith.constant 0 : i32
      %get3A_328 = arith.index_cast %get3A : i32 to index
      %get3A_329 = arith.index_cast %mul3A_327 : i32 to index
      %get3A_330 = tpu.vector_load %arg15[%get3A_328, %get3A_329] {strides = array<i32>} : memref<2x2400xi32, #tpu.memory_space<vmem>>, vector<16xi32>,
      %mul3A_331 = arith.constant 16 : i32
      %mul3A_332 = arith.muli %scan3A_325, %mul3A_331 : i32
      %get3A_333 = arith.constant 1 : i32
      %get3A_334 = arith.index_cast %get3A_333 : i32 to index
      %get3A_335 = arith.index_cast %mul3A_332 : i32 to index
      %get3A_336 = tpu.vector_load %arg15[%get3A_334, %get3A_335] {strides = array<i32>} : memref<2x2400xi32, #tpu.memory_space<vmem>>, vector<16xi32>,
      tpu.vector_store_idx %arg16[%get3A_336, %get3A_330], %broadcast_in_dim3A_226 {add = true} : memref<160x160xf32, #tpu.memory_space<vmem>>[vector<16xi32>, vector<16xi32>], vector<16xf32>,
      %scan3A_337 = arith.constant 1 : i32
      %scan3A_338 = arith.addi %scan3A_325, %scan3A_337 : i32
      %mul3A_339 = arith.constant 16 : i32
      %mul3A_340 = arith.muli %scan3A_338, %mul3A_339 : i32
      %get3A_341 = arith.constant 0 : i32
      %get3A_342 = arith.index_cast %get3A_341 : i32 to index
      %get3A_343 = arith.index_cast %mul3A_340 : i32 to index
      %get3A_344 = tpu.vector_load %arg15[%get3A_342, %get3A_343] {strides = array<i32>} : memref<2x2400xi32, #tpu.memory_space<vmem>>, vector<16xi32>,
      %mul3A_345 = arith.constant 16 : i32
      %mul3A_346 = arith.muli %scan3A_338, %mul3A_345 : i32
      %get3A_347 = arith.constant 1 : i32
      %get3A_348 = arith.index_cast %get3A_347 : i32 to index
      %get3A_349 = arith.index_cast %mul3A_346 : i32 to index
      %get3A_350 = tpu.vector_load %arg15[%get3A_348, %get3A_349] {strides = array<i32>} : memref<2x2400xi32, #tpu.memory_space<vmem>>, vector<16xi32>,
      tpu.vector_store_idx %arg16[%get3A_350, %get3A_344], %broadcast_in_dim3A_226 {add = true} : memref<160x160xf32, #tpu.memory_space<vmem>>[vector<16xi32>, vector<16xi32>], vector<16xf32>,
      %scan3A_351 = arith.constant 2 : i32
      %scan3A_352 = arith.addi %scan3A_325, %scan3A_351 : i32
      %mul3A_353 = arith.constant 16 : i32
      %mul3A_354 = arith.muli %scan3A_352, %mul3A_353 : i32
      %get3A_355 = arith.constant 0 : i32
      %get3A_356 = arith.index_cast %get3A_355 : i32 to index
      %get3A_357 = arith.index_cast %mul3A_354 : i32 to index
      %get3A_358 = tpu.vector_load %arg15[%get3A_356, %get3A_357] {strides = array<i32>} : memref<2x2400xi32, #tpu.memory_space<vmem>>, vector<16xi32>,
      %mul3A_359 = arith.constant 16 : i32
      %mul3A_360 = arith.muli %scan3A_352, %mul3A_359 : i32
      %get3A_361 = arith.constant 1 : i32
      %get3A_362 = arith.index_cast %get3A_361 : i32 to index
      %get3A_363 = arith.index_cast %mul3A_360 : i32 to index
      %get3A_364 = tpu.vector_load %arg15[%get3A_362, %get3A_363] {strides = array<i32>} : memref<2x2400xi32, #tpu.memory_space<vmem>>, vector<16xi32>,
      tpu.vector_store_idx %arg16[%get3A_364, %get3A_358], %broadcast_in_dim3A_226 {add = true} : memref<160x160xf32, #tpu.memory_space<vmem>>[vector<16xi32>, vector<16xi32>], vector<16xf32>,
      %scan3A_365 = arith.constant 3 : i32
      %scan3A_366 = arith.addi %scan3A_325, %scan3A_365 : i32
      %mul3A_367 = arith.constant 16 : i32
      %mul3A_368 = arith.muli %scan3A_366, %mul3A_367 : i32
      %get3A_369 = arith.constant 0 : i32
      %get3A_370 = arith.index_cast %get3A_369 : i32 to index
      %get3A_371 = arith.index_cast %mul3A_368 : i32 to index
      %get3A_372 = tpu.vector_load %arg15[%get3A_370, %get3A_371] {strides = array<i32>} : memref<2x2400xi32, #tpu.memory_space<vmem>>, vector<16xi32>,
      %mul3A_373 = arith.constant 16 : i32
      %mul3A_374 = arith.muli %scan3A_366, %mul3A_373 : i32
      %get3A_375 = arith.constant 1 : i32
      %get3A_376 = arith.index_cast %get3A_375 : i32 to index
      %get3A_377 = arith.index_cast %mul3A_374 : i32 to index
      %get3A_378 = tpu.vector_load %arg15[%get3A_376, %get3A_377] {strides = array<i32>} : memref<2x2400xi32, #tpu.memory_space<vmem>>, vector<16xi32>,
      tpu.vector_store_idx %arg16[%get3A_378, %get3A_372], %broadcast_in_dim3A_226 {add = true} : memref<160x160xf32, #tpu.memory_space<vmem>>[vector<16xi32>, vector<16xi32>], vector<16xf32>,
      %scan3A_379 = arith.constant 4 : i32
      %scan3A_380 = arith.addi %scan3A_325, %scan3A_379 : i32
      %mul3A_381 = arith.constant 16 : i32
      %mul3A_382 = arith.muli %scan3A_380, %mul3A_381 : i32
      %get3A_383 = arith.constant 0 : i32
      %get3A_384 = arith.index_cast %get3A_383 : i32 to index
      %get3A_385 = arith.index_cast %mul3A_382 : i32 to index
      %get3A_386 = tpu.vector_load %arg15[%get3A_384, %get3A_385] {strides = array<i32>} : memref<2x2400xi32, #tpu.memory_space<vmem>>, vector<16xi32>,
      %mul3A_387 = arith.constant 16 : i32
      %mul3A_388 = arith.muli %scan3A_380, %mul3A_387 : i32
      %get3A_389 = arith.constant 1 : i32
      %get3A_390 = arith.index_cast %get3A_389 : i32 to index
      %get3A_391 = arith.index_cast %mul3A_388 : i32 to index
      %get3A_392 = tpu.vector_load %arg15[%get3A_390, %get3A_391] {strides = array<i32>} : memref<2x2400xi32, #tpu.memory_space<vmem>>, vector<16xi32>,
      tpu.vector_store_idx %arg16[%get3A_392, %get3A_386], %broadcast_in_dim3A_226 {add = true} : memref<160x160xf32, #tpu.memory_space<vmem>>[vector<16xi32>, vector<16xi32>], vector<16xf32>,
    }
    %scan3A_232 = arith.constant 150 : i32
    %dma_start3A_233 = arith.constant 0 : i32
    %dma_start3A_234 = arith.constant 0 : i32
    %dma_start3A_235 = tpu.memref_slice %arg6[%add3A_216, %dma_start3A_233, %dma_start3A_234] : memref<64x160x160xf32, #tpu.memory_space<hbm>> -> memref<1x160x160xf32, #tpu.memory_space<hbm>>
    %dma_start3A_236 = tpu.memref_squeeze %dma_start3A_235 : memref<1x160x160xf32, #tpu.memory_space<hbm>> -> memref<160x160xf32, #tpu.memory_space<hbm>>
    %dma_start3A_237 = arith.constant 0 : i32
    %dma_start3A_238 = arith.constant 0 : i32
    %dma_start3A_239 = tpu.memref_slice %arg6[%add3A_216, %dma_start3A_237, %dma_start3A_238] : memref<64x160x160xf32, #tpu.memory_space<hbm>> -> memref<1x160x160xf32, #tpu.memory_space<hbm>>
    %dma_start3A_240 = tpu.memref_squeeze %dma_start3A_239 : memref<1x160x160xf32, #tpu.memory_space<hbm>> -> memref<160x160xf32, #tpu.memory_space<hbm>>
    tpu.enqueue_dma source(%arg16 : memref<160x160xf32, #tpu.memory_space<vmem>>) target(%dma_start3A_240 : memref<160x160xf32, #tpu.memory_space<hbm>>) target_semaphore(%arg26 : memref<!tpu.dma_semaphore, #tpu.memory_space<semaphore_mem>>)
    %dma_wait3A_241 = arith.constant 1 : i32
    %dma_wait3A_242 = arith.constant 0 : i32
    %dma_wait3A_243 = arith.constant 0 : i32
    %dma_wait3A_244 = arith.constant 0 : i32
    %dma_wait3A_245 = tpu.memref_slice %arg10[%dma_wait3A_243, %dma_wait3A_244] : memref<80x128xf32, #tpu.memory_space<vmem>> -> memref<40x128xf32, #tpu.memory_space<vmem>>
    %dma_wait3A_246 = arith.constant 0 : i32
    %dma_wait3A_247 = tpu.memref_slice %arg7[%dma_wait3A_241, %dma_wait3A_242, %dma_wait3A_246] : memref<2x2x80xi32, #tpu.memory_space<vmem>> -> memref<1x1x40xi32, #tpu.memory_space<vmem>>
    %dma_wait3A_248 = tpu.memref_squeeze %dma_wait3A_247 : memref<1x1x40xi32, #tpu.memory_space<vmem>> -> memref<40xi32, #tpu.memory_space<vmem>>
    %dma_wait3A_249 = arith.constant 0 : i32
    %dma_wait3A_250 = arith.constant 0 : i32
    %dma_wait3A_251 = tpu.memref_slice %arg4[%dma_wait3A_249, %dma_wait3A_250] : memref<100000x128xf32, #tpu.memory_space<hbm>> -> memref<100000x128xf32, #tpu.memory_space<hbm>>
    tpu.wait_indirect_dma semaphore(%arg18 : memref<!tpu.dma_semaphore, #tpu.memory_space<semaphore_mem>>) src(%dma_wait3A_251 : memref<100000x128xf32, #tpu.memory_space<hbm>>) dst(%dma_wait3A_245 : memref<40x128xf32, #tpu.memory_space<vmem>>)
    %dma_wait3A_252 = arith.constant 1 : i32
    %dma_wait3A_253 = arith.constant 0 : i32
    %dma_wait3A_254 = arith.constant 40 : i32
    %dma_wait3A_255 = arith.constant 0 : i32
    %dma_wait3A_256 = tpu.memref_slice %arg10[%dma_wait3A_254, %dma_wait3A_255] : memref<80x128xf32, #tpu.memory_space<vmem>> -> memref<40x128xf32, #tpu.memory_space<vmem>>
    %dma_wait3A_257 = arith.constant 40 : i32
    %dma_wait3A_258 = tpu.memref_slice %arg7[%dma_wait3A_252, %dma_wait3A_253, %dma_wait3A_257] : memref<2x2x80xi32, #tpu.memory_space<vmem>> -> memref<1x1x40xi32, #tpu.memory_space<vmem>>
    %dma_wait3A_259 = tpu.memref_squeeze %dma_wait3A_258 : memref<1x1x40xi32, #tpu.memory_space<vmem>> -> memref<40xi32, #tpu.memory_space<vmem>>
    %dma_wait3A_260 = arith.constant 0 : i32
    %dma_wait3A_261 = arith.constant 0 : i32
    %dma_wait3A_262 = tpu.memref_slice %arg4[%dma_wait3A_260, %dma_wait3A_261] : memref<100000x128xf32, #tpu.memory_space<hbm>> -> memref<100000x128xf32, #tpu.memory_space<hbm>>
    tpu.wait_indirect_dma semaphore(%arg18 : memref<!tpu.dma_semaphore, #tpu.memory_space<semaphore_mem>>) src(%dma_wait3A_262 : memref<100000x128xf32, #tpu.memory_space<hbm>>) dst(%dma_wait3A_256 : memref<40x128xf32, #tpu.memory_space<vmem>>)
    %dma_wait3A_263 = arith.constant 1 : i32
    %dma_wait3A_264 = arith.constant 1 : i32
    %dma_wait3A_265 = arith.constant 0 : i32
    %dma_wait3A_266 = arith.constant 0 : i32
    %dma_wait3A_267 = tpu.memref_slice %arg11[%dma_wait3A_265, %dma_wait3A_266] : memref<80x128xf32, #tpu.memory_space<vmem>> -> memref<40x128xf32, #tpu.memory_space<vmem>>
    %dma_wait3A_268 = arith.constant 0 : i32
    %dma_wait3A_269 = tpu.memref_slice %arg7[%dma_wait3A_263, %dma_wait3A_264, %dma_wait3A_268] : memref<2x2x80xi32, #tpu.memory_space<vmem>> -> memref<1x1x40xi32, #tpu.memory_space<vmem>>
    %dma_wait3A_270 = tpu.memref_squeeze %dma_wait3A_269 : memref<1x1x40xi32, #tpu.memory_space<vmem>> -> memref<40xi32, #tpu.memory_space<vmem>>
    %dma_wait3A_271 = arith.constant 0 : i32
    %dma_wait3A_272 = arith.constant 0 : i32
    %dma_wait3A_273 = tpu.memref_slice %arg4[%dma_wait3A_271, %dma_wait3A_272] : memref<100000x128xf32, #tpu.memory_space<hbm>> -> memref<100000x128xf32, #tpu.memory_space<hbm>>
    tpu.wait_indirect_dma semaphore(%arg18 : memref<!tpu.dma_semaphore, #tpu.memory_space<semaphore_mem>>) src(%dma_wait3A_273 : memref<100000x128xf32, #tpu.memory_space<hbm>>) dst(%dma_wait3A_267 : memref<40x128xf32, #tpu.memory_space<vmem>>)
    %dma_wait3A_274 = arith.constant 1 : i32
    %dma_wait3A_275 = arith.constant 1 : i32
    %dma_wait3A_276 = arith.constant 40 : i32
    %dma_wait3A_277 = arith.constant 0 : i32
    %dma_wait3A_278 = tpu.memref_slice %arg11[%dma_wait3A_276, %dma_wait3A_277] : memref<80x128xf32, #tpu.memory_space<vmem>> -> memref<40x128xf32, #tpu.memory_space<vmem>>
    %dma_wait3A_279 = arith.constant 40 : i32
    %dma_wait3A_280 = tpu.memref_slice %arg7[%dma_wait3A_274, %dma_wait3A_275, %dma_wait3A_279] : memref<2x2x80xi32, #tpu.memory_space<vmem>> -> memref<1x1x40xi32, #tpu.memory_space<vmem>>
    %dma_wait3A_281 = tpu.memref_squeeze %dma_wait3A_280 : memref<1x1x40xi32, #tpu.memory_space<vmem>> -> memref<40xi32, #tpu.memory_space<vmem>>
    %dma_wait3A_282 = arith.constant 0 : i32
    %dma_wait3A_283 = arith.constant 0 : i32
    %dma_wait3A_284 = tpu.memref_slice %arg4[%dma_wait3A_282, %dma_wait3A_283] : memref<100000x128xf32, #tpu.memory_space<hbm>> -> memref<100000x128xf32, #tpu.memory_space<hbm>>
    tpu.wait_indirect_dma semaphore(%arg18 : memref<!tpu.dma_semaphore, #tpu.memory_space<semaphore_mem>>) src(%dma_wait3A_284 : memref<100000x128xf32, #tpu.memory_space<hbm>>) dst(%dma_wait3A_278 : memref<40x128xf32, #tpu.memory_space<vmem>>)
    %add3A_285 = arith.constant 1 : i32
    %add3A_286 = arith.addi %mul3A_2, %add3A_285 : i32
    %mul3A_287 = arith.constant 160 : i32
    %mul3A_288 = arith.muli %add3A_286, %mul3A_287 : i32
    %dma_start3A_289 = arith.constant 0 : i32
    %dma_start3A_290 = tpu.memref_slice %arg5[%mul3A_288, %dma_start3A_289] : memref<10240x128xf32, #tpu.memory_space<hbm>> -> memref<80x128xf32, #tpu.memory_space<hbm>>
    %dma_start3A_291 = arith.constant 0 : i32
    %dma_start3A_292 = tpu.memref_slice %arg5[%mul3A_288, %dma_start3A_291] : memref<10240x128xf32, #tpu.memory_space<hbm>> -> memref<80x128xf32, #tpu.memory_space<hbm>>
    tpu.enqueue_dma source(%arg10 : memref<80x128xf32, #tpu.memory_space<vmem>>) target(%dma_start3A_292 : memref<80x128xf32, #tpu.memory_space<hbm>>) target_semaphore(%arg21 : memref<!tpu.dma_semaphore, #tpu.memory_space<semaphore_mem>>)
    %mul3A_293 = arith.constant 160 : i32
    %mul3A_294 = arith.muli %add3A_286, %mul3A_293 : i32
    %add3A_295 = arith.constant 80 : i32
    %add3A_296 = arith.addi %mul3A_294, %add3A_295 : i32
    %dma_start3A_297 = arith.constant 0 : i32
    %dma_start3A_298 = tpu.memref_slice %arg5[%add3A_296, %dma_start3A_297] : memref<10240x128xf32, #tpu.memory_space<hbm>> -> memref<80x128xf32, #tpu.memory_space<hbm>>
    %dma_start3A_299 = arith.constant 0 : i32
    %dma_start3A_300 = tpu.memref_slice %arg5[%add3A_296, %dma_start3A_299] : memref<10240x128xf32, #tpu.memory_space<hbm>> -> memref<80x128xf32, #tpu.memory_space<hbm>>
    tpu.enqueue_dma source(%arg11 : memref<80x128xf32, #tpu.memory_space<vmem>>) target(%dma_start3A_300 : memref<80x128xf32, #tpu.memory_space<hbm>>) target_semaphore(%arg21 : memref<!tpu.dma_semaphore, #tpu.memory_space<semaphore_mem>>)
    %dma_wait3A_301 = arith.constant 0 : i32
    %dma_wait3A_302 = arith.constant 0 : i32
    %dma_wait3A_303 = tpu.memref_slice %arg6[%add3A_216, %dma_wait3A_301, %dma_wait3A_302] : memref<64x160x160xf32, #tpu.memory_space<hbm>> -> memref<1x160x160xf32, #tpu.memory_space<hbm>>
    %dma_wait3A_304 = tpu.memref_squeeze %dma_wait3A_303 : memref<1x160x160xf32, #tpu.memory_space<hbm>> -> memref<160x160xf32, #tpu.memory_space<hbm>>
    %dma_wait3A_305 = arith.constant 0 : i32
    %dma_wait3A_306 = arith.constant 0 : i32
    %dma_wait3A_307 = tpu.memref_slice %arg6[%add3A_216, %dma_wait3A_305, %dma_wait3A_306] : memref<64x160x160xf32, #tpu.memory_space<hbm>> -> memref<1x160x160xf32, #tpu.memory_space<hbm>>
    %dma_wait3A_308 = tpu.memref_squeeze %dma_wait3A_307 : memref<1x160x160xf32, #tpu.memory_space<hbm>> -> memref<160x160xf32, #tpu.memory_space<hbm>>
    tpu.wait_dma2 semaphore(%arg26 : memref<!tpu.dma_semaphore, #tpu.memory_space<semaphore_mem>>) src(%arg16 : memref<160x160xf32, #tpu.memory_space<vmem>>) dst(%dma_wait3A_308 : memref<160x160xf32, #tpu.memory_space<hbm>>)
    %dma_wait3A_309 = arith.constant 0 : i32
    %dma_wait3A_310 = tpu.memref_slice %arg5[%mul3A_186, %dma_wait3A_309] : memref<10240x128xf32, #tpu.memory_space<hbm>> -> memref<80x128xf32, #tpu.memory_space<hbm>>
    %dma_wait3A_311 = arith.constant 0 : i32
    %dma_wait3A_312 = tpu.memref_slice %arg5[%mul3A_186, %dma_wait3A_311] : memref<10240x128xf32, #tpu.memory_space<hbm>> -> memref<80x128xf32, #tpu.memory_space<hbm>>
    tpu.wait_dma2 semaphore(%arg20 : memref<!tpu.dma_semaphore, #tpu.memory_space<semaphore_mem>>) src(%arg8 : memref<80x128xf32, #tpu.memory_space<vmem>>) dst(%dma_wait3A_312 : memref<80x128xf32, #tpu.memory_space<hbm>>)
    %dma_wait3A_313 = arith.constant 0 : i32
    %dma_wait3A_314 = tpu.memref_slice %arg5[%add3A_194, %dma_wait3A_313] : memref<10240x128xf32, #tpu.memory_space<hbm>> -> memref<80x128xf32, #tpu.memory_space<hbm>>
    %dma_wait3A_315 = arith.constant 0 : i32
    %dma_wait3A_316 = tpu.memref_slice %arg5[%add3A_194, %dma_wait3A_315] : memref<10240x128xf32, #tpu.memory_space<hbm>> -> memref<80x128xf32, #tpu.memory_space<hbm>>
    tpu.wait_dma2 semaphore(%arg20 : memref<!tpu.dma_semaphore, #tpu.memory_space<semaphore_mem>>) src(%arg9 : memref<80x128xf32, #tpu.memory_space<vmem>>) dst(%dma_wait3A_316 : memref<80x128xf32, #tpu.memory_space<hbm>>)
    %dma_wait3A_317 = arith.constant 0 : i32
    %dma_wait3A_318 = tpu.memref_slice %arg5[%mul3A_288, %dma_wait3A_317] : memref<10240x128xf32, #tpu.memory_space<hbm>> -> memref<80x128xf32, #tpu.memory_space<hbm>>
    %dma_wait3A_319 = arith.constant 0 : i32
    %dma_wait3A_320 = tpu.memref_slice %arg5[%mul3A_288, %dma_wait3A_319] : memref<10240x128xf32, #tpu.memory_space<hbm>> -> memref<80x128xf32, #tpu.memory_space<hbm>>
    tpu.wait_dma2 semaphore(%arg21 : memref<!tpu.dma_semaphore, #tpu.memory_space<semaphore_mem>>) src(%arg10 : memref<80x128xf32, #tpu.memory_space<vmem>>) dst(%dma_wait3A_320 : memref<80x128xf32, #tpu.memory_space<hbm>>)
    %dma_wait3A_321 = arith.constant 0 : i32
    %dma_wait3A_322 = tpu.memref_slice %arg5[%add3A_296, %dma_wait3A_321] : memref<10240x128xf32, #tpu.memory_space<hbm>> -> memref<80x128xf32, #tpu.memory_space<hbm>>
    %dma_wait3A_323 = arith.constant 0 : i32
    %dma_wait3A_324 = tpu.memref_slice %arg5[%add3A_296, %dma_wait3A_323] : memref<10240x128xf32, #tpu.memory_space<hbm>> -> memref<80x128xf32, #tpu.memory_space<hbm>>
    tpu.wait_dma2 semaphore(%arg21 : memref<!tpu.dma_semaphore, #tpu.memory_space<semaphore_mem>>) src(%arg11 : memref<80x128xf32, #tpu.memory_space<vmem>>) dst(%dma_wait3A_324 : memref<80x128xf32, #tpu.memory_space<hbm>>)
    return
  }
}

#map = affine_map<(d0, d1) -> (0, 0, 0)>
#map1 = affine_map<(d0, d1) -> (0, 0)>
module attributes {stable_mosaic.version = 14 : i64} {
  func.func @_sc_body(%arg0: i32, %arg1: i32, %arg2: memref<64x2x80xi32, #tpu.memory_space<hbm>>, %arg3: memref<64x2x2400xi32, #tpu.memory_space<hbm>>, %arg4: memref<100000x128xf32, #tpu.memory_space<hbm>>, %arg5: memref<10240x128xf32, #tpu.memory_space<hbm>>, %arg6: memref<64x160x160xf32, #tpu.memory_space<hbm>>, %arg7: memref<2x2x80xi32, #tpu.memory_space<vmem>>, %arg8: memref<80x128xf32, #tpu.memory_space<vmem>>, %arg9: memref<80x128xf32, #tpu.memory_space<vmem>>, %arg10: memref<80x128xf32, #tpu.memory_space<vmem>>, %arg11: memref<80x128xf32, #tpu.memory_space<vmem>>, %arg12: memref<80x128xf32, #tpu.memory_space<vmem>>, %arg13: memref<80x128xf32, #tpu.memory_space<vmem>>, %arg14: memref<2x2400xi32, #tpu.memory_space<vmem>>, %arg15: memref<2x2400xi32, #tpu.memory_space<vmem>>, %arg16: memref<160x160xf32, #tpu.memory_space<vmem>>, %arg17: memref<!tpu.dma_semaphore, #tpu.memory_space<semaphore_mem>>, %arg18: memref<!tpu.dma_semaphore, #tpu.memory_space<semaphore_mem>>, %arg19: memref<!tpu.dma_semaphore, #tpu.memory_space<semaphore_mem>>, %arg20: memref<!tpu.dma_semaphore, #tpu.memory_space<semaphore_mem>>, %arg21: memref<!tpu.dma_semaphore, #tpu.memory_space<semaphore_mem>>, %arg22: memref<!tpu.dma_semaphore, #tpu.memory_space<semaphore_mem>>, %arg23: memref<!tpu.dma_semaphore, #tpu.memory_space<semaphore_mem>>, %arg24: memref<!tpu.dma_semaphore, #tpu.memory_space<semaphore_mem>>, %arg25: memref<!tpu.dma_semaphore, #tpu.memory_space<semaphore_mem>>, %arg26: memref<!tpu.dma_semaphore, #tpu.memory_space<semaphore_mem>>) attributes {dimension_semantics = [#tpu.dimension_semantics<core_parallel>, #tpu.dimension_semantics<subcore_parallel>], iteration_bounds = array<i64: 2, 16>, scalar_prefetch = 0 : i64, scratch_operands = 20 : i64, tpu.core_type = #tpu.core_type<sc_vector_subcore>, window_params = [{transform_indices = #map}, {transform_indices = #map}, {transform_indices = #map1}, {transform_indices = #map1}, {transform_indices = #map}]} {
    %mul3A = arith.constant 2 : i32
    %mul3A_0 = arith.muli %arg1, %mul3A : i32
    %add3A = arith.addi %mul3A_0, %arg0 : i32
    %mul3A_1 = arith.constant 2 : i32
    %mul3A_2 = arith.muli %add3A, %mul3A_1 : i32
    %broadcast_in_dim3A = arith.constant 0.000000e+00 : f32
    %broadcast_in_dim3A_3 = vector.broadcast %broadcast_in_dim3A : f32 to vector<16xf32>
    "tpu.region"() ({
      %run_scoped3A = tpu.sem_alloc : memref<!tpu.dma_semaphore, #tpu.memory_space<semaphore_mem>>
      %dma_start3A_325 = arith.constant 0 : i32
      %dma_start3A_326 = arith.constant 0 : i32
      %dma_start3A_327 = tpu.memref_slice %arg2[%mul3A_2, %dma_start3A_325, %dma_start3A_326] : memref<64x2x80xi32, #tpu.memory_space<hbm>> -> memref<2x2x80xi32, #tpu.memory_space<hbm>>
      %dma_start3A_328 = arith.constant 0 : i32
      %dma_start3A_329 = arith.constant 0 : i32
      %dma_start3A_330 = tpu.memref_slice %arg2[%mul3A_2, %dma_start3A_328, %dma_start3A_329] : memref<64x2x80xi32, #tpu.memory_space<hbm>> -> memref<2x2x80xi32, #tpu.memory_space<hbm>>
      tpu.enqueue_dma source(%dma_start3A_330 : memref<2x2x80xi32, #tpu.memory_space<hbm>>) target(%arg7 : memref<2x2x80xi32, #tpu.memory_space<vmem>>) target_semaphore(%run_scoped3A : memref<!tpu.dma_semaphore, #tpu.memory_space<semaphore_mem>>)
      %dma_wait3A_331 = arith.constant 0 : i32
      %dma_wait3A_332 = arith.constant 0 : i32
      %dma_wait3A_333 = tpu.memref_slice %arg2[%mul3A_2, %dma_wait3A_331, %dma_wait3A_332] : memref<64x2x80xi32, #tpu.memory_space<hbm>> -> memref<2x2x80xi32, #tpu.memory_space<hbm>>
      %dma_wait3A_334 = arith.constant 0 : i32
      %dma_wait3A_335 = arith.constant 0 : i32
      %dma_wait3A_336 = tpu.memref_slice %arg2[%mul3A_2, %dma_wait3A_334, %dma_wait3A_335] : memref<64x2x80xi32, #tpu.memory_space<hbm>> -> memref<2x2x80xi32, #tpu.memory_space<hbm>>
      tpu.wait_dma2 semaphore(%run_scoped3A : memref<!tpu.dma_semaphore, #tpu.memory_space<semaphore_mem>>) src(%dma_wait3A_336 : memref<2x2x80xi32, #tpu.memory_space<hbm>>) dst(%arg7 : memref<2x2x80xi32, #tpu.memory_space<vmem>>)
      tpu.yield
    }) : () -> ()
    %dma_start3A = arith.constant 0 : i32
    %dma_start3A_4 = arith.constant 0 : i32
    %dma_start3A_5 = tpu.memref_slice %arg3[%mul3A_2, %dma_start3A, %dma_start3A_4] : memref<64x2x2400xi32, #tpu.memory_space<hbm>> -> memref<1x2x2400xi32, #tpu.memory_space<hbm>>
    %dma_start3A_6 = tpu.memref_squeeze %dma_start3A_5 : memref<1x2x2400xi32, #tpu.memory_space<hbm>> -> memref<2x2400xi32, #tpu.memory_space<hbm>>
    %dma_start3A_7 = arith.constant 0 : i32
    %dma_start3A_8 = arith.constant 0 : i32
    %dma_start3A_9 = tpu.memref_slice %arg3[%mul3A_2, %dma_start3A_7, %dma_start3A_8] : memref<64x2x2400xi32, #tpu.memory_space<hbm>> -> memref<1x2x2400xi32, #tpu.memory_space<hbm>>
    %dma_start3A_10 = tpu.memref_squeeze %dma_start3A_9 : memref<1x2x2400xi32, #tpu.memory_space<hbm>> -> memref<2x2400xi32, #tpu.memory_space<hbm>>
    tpu.enqueue_dma source(%dma_start3A_10 : memref<2x2400xi32, #tpu.memory_space<hbm>>) target(%arg14 : memref<2x2400xi32, #tpu.memory_space<vmem>>) target_semaphore(%arg23 : memref<!tpu.dma_semaphore, #tpu.memory_space<semaphore_mem>>)
    %dma_start3A_11 = arith.constant 0 : i32
    %dma_start3A_12 = arith.constant 0 : i32
    %dma_start3A_13 = arith.constant 0 : i32
    %dma_start3A_14 = arith.constant 0 : i32
    %dma_start3A_15 = tpu.memref_slice %arg8[%dma_start3A_13, %dma_start3A_14] : memref<80x128xf32, #tpu.memory_space<vmem>> -> memref<40x128xf32, #tpu.memory_space<vmem>>
    %dma_start3A_16 = arith.constant 0 : i32
    %dma_start3A_17 = tpu.memref_slice %arg7[%dma_start3A_11, %dma_start3A_12, %dma_start3A_16] : memref<2x2x80xi32, #tpu.memory_space<vmem>> -> memref<1x1x40xi32, #tpu.memory_space<vmem>>
    %dma_start3A_18 = tpu.memref_squeeze %dma_start3A_17 : memref<1x1x40xi32, #tpu.memory_space<vmem>> -> memref<40xi32, #tpu.memory_space<vmem>>
    %dma_start3A_19 = arith.constant 0 : i32
    %dma_start3A_20 = arith.constant 0 : i32
    %dma_start3A_21 = tpu.memref_slice %arg4[%dma_start3A_19, %dma_start3A_20] : memref<100000x128xf32, #tpu.memory_space<hbm>> -> memref<100000x128xf32, #tpu.memory_space<hbm>>
    tpu.enqueue_indirect_dma source(%dma_start3A_21 : memref<100000x128xf32, #tpu.memory_space<hbm>>) target(%dma_start3A_15 : memref<40x128xf32, #tpu.memory_space<vmem>>) offsets(%dma_start3A_18 : memref<40xi32, #tpu.memory_space<vmem>>) semaphore(%arg17 : memref<!tpu.dma_semaphore, #tpu.memory_space<semaphore_mem>>)
    %dma_start3A_22 = arith.constant 0 : i32
    %dma_start3A_23 = arith.constant 0 : i32
    %dma_start3A_24 = arith.constant 40 : i32
    %dma_start3A_25 = arith.constant 0 : i32
    %dma_start3A_26 = tpu.memref_slice %arg8[%dma_start3A_24, %dma_start3A_25] : memref<80x128xf32, #tpu.memory_space<vmem>> -> memref<40x128xf32, #tpu.memory_space<vmem>>
    %dma_start3A_27 = arith.constant 40 : i32
    %dma_start3A_28 = tpu.memref_slice %arg7[%dma_start3A_22, %dma_start3A_23, %dma_start3A_27] : memref<2x2x80xi32, #tpu.memory_space<vmem>> -> memref<1x1x40xi32, #tpu.memory_space<vmem>>
    %dma_start3A_29 = tpu.memref_squeeze %dma_start3A_28 : memref<1x1x40xi32, #tpu.memory_space<vmem>> -> memref<40xi32, #tpu.memory_space<vmem>>
    %dma_start3A_30 = arith.constant 0 : i32
    %dma_start3A_31 = arith.constant 0 : i32
    %dma_start3A_32 = tpu.memref_slice %arg4[%dma_start3A_30, %dma_start3A_31] : memref<100000x128xf32, #tpu.memory_space<hbm>> -> memref<100000x128xf32, #tpu.memory_space<hbm>>
    tpu.enqueue_indirect_dma source(%dma_start3A_32 : memref<100000x128xf32, #tpu.memory_space<hbm>>) target(%dma_start3A_26 : memref<40x128xf32, #tpu.memory_space<vmem>>) offsets(%dma_start3A_29 : memref<40xi32, #tpu.memory_space<vmem>>) semaphore(%arg17 : memref<!tpu.dma_semaphore, #tpu.memory_space<semaphore_mem>>)
    %dma_start3A_33 = arith.constant 0 : i32
    %dma_start3A_34 = arith.constant 1 : i32
    %dma_start3A_35 = arith.constant 0 : i32
    %dma_start3A_36 = arith.constant 0 : i32
    %dma_start3A_37 = tpu.memref_slice %arg9[%dma_start3A_35, %dma_start3A_36] : memref<80x128xf32, #tpu.memory_space<vmem>> -> memref<40x128xf32, #tpu.memory_space<vmem>>
    %dma_start3A_38 = arith.constant 0 : i32
    %dma_start3A_39 = tpu.memref_slice %arg7[%dma_start3A_33, %dma_start3A_34, %dma_start3A_38] : memref<2x2x80xi32, #tpu.memory_space<vmem>> -> memref<1x1x40xi32, #tpu.memory_space<vmem>>
    %dma_start3A_40 = tpu.memref_squeeze %dma_start3A_39 : memref<1x1x40xi32, #tpu.memory_space<vmem>> -> memref<40xi32, #tpu.memory_space<vmem>>
    %dma_start3A_41 = arith.constant 0 : i32
    %dma_start3A_42 = arith.constant 0 : i32
    %dma_start3A_43 = tpu.memref_slice %arg4[%dma_start3A_41, %dma_start3A_42] : memref<100000x128xf32, #tpu.memory_space<hbm>> -> memref<100000x128xf32, #tpu.memory_space<hbm>>
    tpu.enqueue_indirect_dma source(%dma_start3A_43 : memref<100000x128xf32, #tpu.memory_space<hbm>>) target(%dma_start3A_37 : memref<40x128xf32, #tpu.memory_space<vmem>>) offsets(%dma_start3A_40 : memref<40xi32, #tpu.memory_space<vmem>>) semaphore(%arg17 : memref<!tpu.dma_semaphore, #tpu.memory_space<semaphore_mem>>)
    %dma_start3A_44 = arith.constant 0 : i32
    %dma_start3A_45 = arith.constant 1 : i32
    %dma_start3A_46 = arith.constant 40 : i32
    %dma_start3A_47 = arith.constant 0 : i32
    %dma_start3A_48 = tpu.memref_slice %arg9[%dma_start3A_46, %dma_start3A_47] : memref<80x128xf32, #tpu.memory_space<vmem>> -> memref<40x128xf32, #tpu.memory_space<vmem>>
    %dma_start3A_49 = arith.constant 40 : i32
    %dma_start3A_50 = tpu.memref_slice %arg7[%dma_start3A_44, %dma_start3A_45, %dma_start3A_49] : memref<2x2x80xi32, #tpu.memory_space<vmem>> -> memref<1x1x40xi32, #tpu.memory_space<vmem>>
    %dma_start3A_51 = tpu.memref_squeeze %dma_start3A_50 : memref<1x1x40xi32, #tpu.memory_space<vmem>> -> memref<40xi32, #tpu.memory_space<vmem>>
    %dma_start3A_52 = arith.constant 0 : i32
    %dma_start3A_53 = arith.constant 0 : i32
    %dma_start3A_54 = tpu.memref_slice %arg4[%dma_start3A_52, %dma_start3A_53] : memref<100000x128xf32, #tpu.memory_space<hbm>> -> memref<100000x128xf32, #tpu.memory_space<hbm>>
    tpu.enqueue_indirect_dma source(%dma_start3A_54 : memref<100000x128xf32, #tpu.memory_space<hbm>>) target(%dma_start3A_48 : memref<40x128xf32, #tpu.memory_space<vmem>>) offsets(%dma_start3A_51 : memref<40xi32, #tpu.memory_space<vmem>>) semaphore(%arg17 : memref<!tpu.dma_semaphore, #tpu.memory_space<semaphore_mem>>)
    %dma_start3A_55 = arith.constant 1 : i32
    %dma_start3A_56 = arith.constant 0 : i32
    %dma_start3A_57 = arith.constant 0 : i32
    %dma_start3A_58 = arith.constant 0 : i32
    %dma_start3A_59 = tpu.memref_slice %arg10[%dma_start3A_57, %dma_start3A_58] : memref<80x128xf32, #tpu.memory_space<vmem>> -> memref<40x128xf32, #tpu.memory_space<vmem>>
    %dma_start3A_60 = arith.constant 0 : i32
    %dma_start3A_61 = tpu.memref_slice %arg7[%dma_start3A_55, %dma_start3A_56, %dma_start3A_60] : memref<2x2x80xi32, #tpu.memory_space<vmem>> -> memref<1x1x40xi32, #tpu.memory_space<vmem>>
    %dma_start3A_62 = tpu.memref_squeeze %dma_start3A_61 : memref<1x1x40xi32, #tpu.memory_space<vmem>> -> memref<40xi32, #tpu.memory_space<vmem>>
    %dma_start3A_63 = arith.constant 0 : i32
    %dma_start3A_64 = arith.constant 0 : i32
    %dma_start3A_65 = tpu.memref_slice %arg4[%dma_start3A_63, %dma_start3A_64] : memref<100000x128xf32, #tpu.memory_space<hbm>> -> memref<100000x128xf32, #tpu.memory_space<hbm>>
    tpu.enqueue_indirect_dma source(%dma_start3A_65 : memref<100000x128xf32, #tpu.memory_space<hbm>>) target(%dma_start3A_59 : memref<40x128xf32, #tpu.memory_space<vmem>>) offsets(%dma_start3A_62 : memref<40xi32, #tpu.memory_space<vmem>>) semaphore(%arg18 : memref<!tpu.dma_semaphore, #tpu.memory_space<semaphore_mem>>)
    %dma_start3A_66 = arith.constant 1 : i32
    %dma_start3A_67 = arith.constant 0 : i32
    %dma_start3A_68 = arith.constant 40 : i32
    %dma_start3A_69 = arith.constant 0 : i32
    %dma_start3A_70 = tpu.memref_slice %arg10[%dma_start3A_68, %dma_start3A_69] : memref<80x128xf32, #tpu.memory_space<vmem>> -> memref<40x128xf32, #tpu.memory_space<vmem>>
    %dma_start3A_71 = arith.constant 40 : i32
    %dma_start3A_72 = tpu.memref_slice %arg7[%dma_start3A_66, %dma_start3A_67, %dma_start3A_71] : memref<2x2x80xi32, #tpu.memory_space<vmem>> -> memref<1x1x40xi32, #tpu.memory_space<vmem>>
    %dma_start3A_73 = tpu.memref_squeeze %dma_start3A_72 : memref<1x1x40xi32, #tpu.memory_space<vmem>> -> memref<40xi32, #tpu.memory_space<vmem>>
    %dma_start3A_74 = arith.constant 0 : i32
    %dma_start3A_75 = arith.constant 0 : i32
    %dma_start3A_76 = tpu.memref_slice %arg4[%dma_start3A_74, %dma_start3A_75] : memref<100000x128xf32, #tpu.memory_space<hbm>> -> memref<100000x128xf32, #tpu.memory_space<hbm>>
    tpu.enqueue_indirect_dma source(%dma_start3A_76 : memref<100000x128xf32, #tpu.memory_space<hbm>>) target(%dma_start3A_70 : memref<40x128xf32, #tpu.memory_space<vmem>>) offsets(%dma_start3A_73 : memref<40xi32, #tpu.memory_space<vmem>>) semaphore(%arg18 : memref<!tpu.dma_semaphore, #tpu.memory_space<semaphore_mem>>)
    %dma_start3A_77 = arith.constant 1 : i32
    %dma_start3A_78 = arith.constant 1 : i32
    %dma_start3A_79 = arith.constant 0 : i32
    %dma_start3A_80 = arith.constant 0 : i32
    %dma_start3A_81 = tpu.memref_slice %arg11[%dma_start3A_79, %dma_start3A_80] : memref<80x128xf32, #tpu.memory_space<vmem>> -> memref<40x128xf32, #tpu.memory_space<vmem>>
    %dma_start3A_82 = arith.constant 0 : i32
    %dma_start3A_83 = tpu.memref_slice %arg7[%dma_start3A_77, %dma_start3A_78, %dma_start3A_82] : memref<2x2x80xi32, #tpu.memory_space<vmem>> -> memref<1x1x40xi32, #tpu.memory_space<vmem>>
    %dma_start3A_84 = tpu.memref_squeeze %dma_start3A_83 : memref<1x1x40xi32, #tpu.memory_space<vmem>> -> memref<40xi32, #tpu.memory_space<vmem>>
    %dma_start3A_85 = arith.constant 0 : i32
    %dma_start3A_86 = arith.constant 0 : i32
    %dma_start3A_87 = tpu.memref_slice %arg4[%dma_start3A_85, %dma_start3A_86] : memref<100000x128xf32, #tpu.memory_space<hbm>> -> memref<100000x128xf32, #tpu.memory_space<hbm>>
    tpu.enqueue_indirect_dma source(%dma_start3A_87 : memref<100000x128xf32, #tpu.memory_space<hbm>>) target(%dma_start3A_81 : memref<40x128xf32, #tpu.memory_space<vmem>>) offsets(%dma_start3A_84 : memref<40xi32, #tpu.memory_space<vmem>>) semaphore(%arg18 : memref<!tpu.dma_semaphore, #tpu.memory_space<semaphore_mem>>)
    %dma_start3A_88 = arith.constant 1 : i32
    %dma_start3A_89 = arith.constant 1 : i32
    %dma_start3A_90 = arith.constant 40 : i32
    %dma_start3A_91 = arith.constant 0 : i32
    %dma_start3A_92 = tpu.memref_slice %arg11[%dma_start3A_90, %dma_start3A_91] : memref<80x128xf32, #tpu.memory_space<vmem>> -> memref<40x128xf32, #tpu.memory_space<vmem>>
    %dma_start3A_93 = arith.constant 40 : i32
    %dma_start3A_94 = tpu.memref_slice %arg7[%dma_start3A_88, %dma_start3A_89, %dma_start3A_93] : memref<2x2x80xi32, #tpu.memory_space<vmem>> -> memref<1x1x40xi32, #tpu.memory_space<vmem>>
    %dma_start3A_95 = tpu.memref_squeeze %dma_start3A_94 : memref<1x1x40xi32, #tpu.memory_space<vmem>> -> memref<40xi32, #tpu.memory_space<vmem>>
    %dma_start3A_96 = arith.constant 0 : i32
    %dma_start3A_97 = arith.constant 0 : i32
    %dma_start3A_98 = tpu.memref_slice %arg4[%dma_start3A_96, %dma_start3A_97] : memref<100000x128xf32, #tpu.memory_space<hbm>> -> memref<100000x128xf32, #tpu.memory_space<hbm>>
    tpu.enqueue_indirect_dma source(%dma_start3A_98 : memref<100000x128xf32, #tpu.memory_space<hbm>>) target(%dma_start3A_92 : memref<40x128xf32, #tpu.memory_space<vmem>>) offsets(%dma_start3A_95 : memref<40xi32, #tpu.memory_space<vmem>>) semaphore(%arg18 : memref<!tpu.dma_semaphore, #tpu.memory_space<semaphore_mem>>)
    %scan3A = arith.constant 0 : i32
    %scan3A_99 = arith.constant 0 : i32
    %scan3A_100 = arith.constant 160 : i32
    %scan3A_101 = arith.addi %scan3A_99, %scan3A_100 : i32
    %scan3A_102 = arith.constant 2 : i32
    scf.for %scan3A_325 = %scan3A_99 to %scan3A_101 step %scan3A_102  : i32 {
      %swap3A = arith.index_cast %scan3A_325 : i32 to index
      %swap3A_326 = arith.constant 0 : index
      %swap3A_327 = tpu.vector_load %arg16[%swap3A, %swap3A_326] {strides = array<i32>} : memref<160x160xf32, #tpu.memory_space<vmem>>, vector<16xf32>,
      tpu.vector_store %arg16[%swap3A, %swap3A_326], %broadcast_in_dim3A_3 {strides = array<i32>} : memref<160x160xf32, #tpu.memory_space<vmem>>, vector<16xf32>,
      %swap3A_328 = arith.index_cast %scan3A_325 : i32 to index
      %swap3A_329 = arith.constant 16 : index
      %swap3A_330 = tpu.vector_load %arg16[%swap3A_328, %swap3A_329] {strides = array<i32>} : memref<160x160xf32, #tpu.memory_space<vmem>>, vector<16xf32>,
      tpu.vector_store %arg16[%swap3A_328, %swap3A_329], %broadcast_in_dim3A_3 {strides = array<i32>} : memref<160x160xf32, #tpu.memory_space<vmem>>, vector<16xf32>,
      %swap3A_331 = arith.index_cast %scan3A_325 : i32 to index
      %swap3A_332 = arith.constant 32 : index
      %swap3A_333 = tpu.vector_load %arg16[%swap3A_331, %swap3A_332] {strides = array<i32>} : memref<160x160xf32, #tpu.memory_space<vmem>>, vector<16xf32>,
      tpu.vector_store %arg16[%swap3A_331, %swap3A_332], %broadcast_in_dim3A_3 {strides = array<i32>} : memref<160x160xf32, #tpu.memory_space<vmem>>, vector<16xf32>,
      %swap3A_334 = arith.index_cast %scan3A_325 : i32 to index
      %swap3A_335 = arith.constant 48 : index
      %swap3A_336 = tpu.vector_load %arg16[%swap3A_334, %swap3A_335] {strides = array<i32>} : memref<160x160xf32, #tpu.memory_space<vmem>>, vector<16xf32>,
      tpu.vector_store %arg16[%swap3A_334, %swap3A_335], %broadcast_in_dim3A_3 {strides = array<i32>} : memref<160x160xf32, #tpu.memory_space<vmem>>, vector<16xf32>,
      %swap3A_337 = arith.index_cast %scan3A_325 : i32 to index
      %swap3A_338 = arith.constant 64 : index
      %swap3A_339 = tpu.vector_load %arg16[%swap3A_337, %swap3A_338] {strides = array<i32>} : memref<160x160xf32, #tpu.memory_space<vmem>>, vector<16xf32>,
      tpu.vector_store %arg16[%swap3A_337, %swap3A_338], %broadcast_in_dim3A_3 {strides = array<i32>} : memref<160x160xf32, #tpu.memory_space<vmem>>, vector<16xf32>,
      %swap3A_340 = arith.index_cast %scan3A_325 : i32 to index
      %swap3A_341 = arith.constant 80 : index
      %swap3A_342 = tpu.vector_load %arg16[%swap3A_340, %swap3A_341] {strides = array<i32>} : memref<160x160xf32, #tpu.memory_space<vmem>>, vector<16xf32>,
      tpu.vector_store %arg16[%swap3A_340, %swap3A_341], %broadcast_in_dim3A_3 {strides = array<i32>} : memref<160x160xf32, #tpu.memory_space<vmem>>, vector<16xf32>,
      %swap3A_343 = arith.index_cast %scan3A_325 : i32 to index
      %swap3A_344 = arith.constant 96 : index
      %swap3A_345 = tpu.vector_load %arg16[%swap3A_343, %swap3A_344] {strides = array<i32>} : memref<160x160xf32, #tpu.memory_space<vmem>>, vector<16xf32>,
      tpu.vector_store %arg16[%swap3A_343, %swap3A_344], %broadcast_in_dim3A_3 {strides = array<i32>} : memref<160x160xf32, #tpu.memory_space<vmem>>, vector<16xf32>,
      %swap3A_346 = arith.index_cast %scan3A_325 : i32 to index
      %swap3A_347 = arith.constant 112 : index
      %swap3A_348 = tpu.vector_load %arg16[%swap3A_346, %swap3A_347] {strides = array<i32>} : memref<160x160xf32, #tpu.memory_space<vmem>>, vector<16xf32>,
      tpu.vector_store %arg16[%swap3A_346, %swap3A_347], %broadcast_in_dim3A_3 {strides = array<i32>} : memref<160x160xf32, #tpu.memory_space<vmem>>, vector<16xf32>,
      %swap3A_349 = arith.index_cast %scan3A_325 : i32 to index
      %swap3A_350 = arith.constant 128 : index
      %swap3A_351 = tpu.vector_load %arg16[%swap3A_349, %swap3A_350] {strides = array<i32>} : memref<160x160xf32, #tpu.memory_space<vmem>>, vector<16xf32>,
      tpu.vector_store %arg16[%swap3A_349, %swap3A_350], %broadcast_in_dim3A_3 {strides = array<i32>} : memref<160x160xf32, #tpu.memory_space<vmem>>, vector<16xf32>,
      %swap3A_352 = arith.index_cast %scan3A_325 : i32 to index
      %swap3A_353 = arith.constant 144 : index
      %swap3A_354 = tpu.vector_load %arg16[%swap3A_352, %swap3A_353] {strides = array<i32>} : memref<160x160xf32, #tpu.memory_space<vmem>>, vector<16xf32>,
      tpu.vector_store %arg16[%swap3A_352, %swap3A_353], %broadcast_in_dim3A_3 {strides = array<i32>} : memref<160x160xf32, #tpu.memory_space<vmem>>, vector<16xf32>,
      %scan3A_355 = arith.constant 1 : i32
      %scan3A_356 = arith.addi %scan3A_325, %scan3A_355 : i32
      %swap3A_357 = arith.index_cast %scan3A_356 : i32 to index
      %swap3A_358 = arith.constant 0 : index
      %swap3A_359 = tpu.vector_load %arg16[%swap3A_357, %swap3A_358] {strides = array<i32>} : memref<160x160xf32, #tpu.memory_space<vmem>>, vector<16xf32>,
      tpu.vector_store %arg16[%swap3A_357, %swap3A_358], %broadcast_in_dim3A_3 {strides = array<i32>} : memref<160x160xf32, #tpu.memory_space<vmem>>, vector<16xf32>,
      %swap3A_360 = arith.index_cast %scan3A_356 : i32 to index
      %swap3A_361 = arith.constant 16 : index
      %swap3A_362 = tpu.vector_load %arg16[%swap3A_360, %swap3A_361] {strides = array<i32>} : memref<160x160xf32, #tpu.memory_space<vmem>>, vector<16xf32>,
      tpu.vector_store %arg16[%swap3A_360, %swap3A_361], %broadcast_in_dim3A_3 {strides = array<i32>} : memref<160x160xf32, #tpu.memory_space<vmem>>, vector<16xf32>,
      %swap3A_363 = arith.index_cast %scan3A_356 : i32 to index
      %swap3A_364 = arith.constant 32 : index
      %swap3A_365 = tpu.vector_load %arg16[%swap3A_363, %swap3A_364] {strides = array<i32>} : memref<160x160xf32, #tpu.memory_space<vmem>>, vector<16xf32>,
      tpu.vector_store %arg16[%swap3A_363, %swap3A_364], %broadcast_in_dim3A_3 {strides = array<i32>} : memref<160x160xf32, #tpu.memory_space<vmem>>, vector<16xf32>,
      %swap3A_366 = arith.index_cast %scan3A_356 : i32 to index
      %swap3A_367 = arith.constant 48 : index
      %swap3A_368 = tpu.vector_load %arg16[%swap3A_366, %swap3A_367] {strides = array<i32>} : memref<160x160xf32, #tpu.memory_space<vmem>>, vector<16xf32>,
      tpu.vector_store %arg16[%swap3A_366, %swap3A_367], %broadcast_in_dim3A_3 {strides = array<i32>} : memref<160x160xf32, #tpu.memory_space<vmem>>, vector<16xf32>,
      %swap3A_369 = arith.index_cast %scan3A_356 : i32 to index
      %swap3A_370 = arith.constant 64 : index
      %swap3A_371 = tpu.vector_load %arg16[%swap3A_369, %swap3A_370] {strides = array<i32>} : memref<160x160xf32, #tpu.memory_space<vmem>>, vector<16xf32>,
      tpu.vector_store %arg16[%swap3A_369, %swap3A_370], %broadcast_in_dim3A_3 {strides = array<i32>} : memref<160x160xf32, #tpu.memory_space<vmem>>, vector<16xf32>,
      %swap3A_372 = arith.index_cast %scan3A_356 : i32 to index
      %swap3A_373 = arith.constant 80 : index
      %swap3A_374 = tpu.vector_load %arg16[%swap3A_372, %swap3A_373] {strides = array<i32>} : memref<160x160xf32, #tpu.memory_space<vmem>>, vector<16xf32>,
      tpu.vector_store %arg16[%swap3A_372, %swap3A_373], %broadcast_in_dim3A_3 {strides = array<i32>} : memref<160x160xf32, #tpu.memory_space<vmem>>, vector<16xf32>,
      %swap3A_375 = arith.index_cast %scan3A_356 : i32 to index
      %swap3A_376 = arith.constant 96 : index
      %swap3A_377 = tpu.vector_load %arg16[%swap3A_375, %swap3A_376] {strides = array<i32>} : memref<160x160xf32, #tpu.memory_space<vmem>>, vector<16xf32>,
      tpu.vector_store %arg16[%swap3A_375, %swap3A_376], %broadcast_in_dim3A_3 {strides = array<i32>} : memref<160x160xf32, #tpu.memory_space<vmem>>, vector<16xf32>,
      %swap3A_378 = arith.index_cast %scan3A_356 : i32 to index
      %swap3A_379 = arith.constant 112 : index
      %swap3A_380 = tpu.vector_load %arg16[%swap3A_378, %swap3A_379] {strides = array<i32>} : memref<160x160xf32, #tpu.memory_space<vmem>>, vector<16xf32>,
      tpu.vector_store %arg16[%swap3A_378, %swap3A_379], %broadcast_in_dim3A_3 {strides = array<i32>} : memref<160x160xf32, #tpu.memory_space<vmem>>, vector<16xf32>,
      %swap3A_381 = arith.index_cast %scan3A_356 : i32 to index
      %swap3A_382 = arith.constant 128 : index
      %swap3A_383 = tpu.vector_load %arg16[%swap3A_381, %swap3A_382] {strides = array<i32>} : memref<160x160xf32, #tpu.memory_space<vmem>>, vector<16xf32>,
      tpu.vector_store %arg16[%swap3A_381, %swap3A_382], %broadcast_in_dim3A_3 {strides = array<i32>} : memref<160x160xf32, #tpu.memory_space<vmem>>, vector<16xf32>,
      %swap3A_384 = arith.index_cast %scan3A_356 : i32 to index
      %swap3A_385 = arith.constant 144 : index
      %swap3A_386 = tpu.vector_load %arg16[%swap3A_384, %swap3A_385] {strides = array<i32>} : memref<160x160xf32, #tpu.memory_space<vmem>>, vector<16xf32>,
      tpu.vector_store %arg16[%swap3A_384, %swap3A_385], %broadcast_in_dim3A_3 {strides = array<i32>} : memref<160x160xf32, #tpu.memory_space<vmem>>, vector<16xf32>,
    }
    %scan3A_103 = arith.constant 160 : i32
    %add3A_104 = arith.constant 0 : i32
    %add3A_105 = arith.addi %mul3A_2, %add3A_104 : i32
    %add3A_106 = arith.constant 1 : i32
    %add3A_107 = arith.addi %add3A_105, %add3A_106 : i32
    %dma_start3A_108 = arith.constant 0 : i32
    %dma_start3A_109 = arith.constant 0 : i32
    %dma_start3A_110 = tpu.memref_slice %arg3[%add3A_107, %dma_start3A_108, %dma_start3A_109] : memref<64x2x2400xi32, #tpu.memory_space<hbm>> -> memref<1x2x2400xi32, #tpu.memory_space<hbm>>
    %dma_start3A_111 = tpu.memref_squeeze %dma_start3A_110 : memref<1x2x2400xi32, #tpu.memory_space<hbm>> -> memref<2x2400xi32, #tpu.memory_space<hbm>>
    %dma_start3A_112 = arith.constant 0 : i32
    %dma_start3A_113 = arith.constant 0 : i32
    %dma_start3A_114 = tpu.memref_slice %arg3[%add3A_107, %dma_start3A_112, %dma_start3A_113] : memref<64x2x2400xi32, #tpu.memory_space<hbm>> -> memref<1x2x2400xi32, #tpu.memory_space<hbm>>
    %dma_start3A_115 = tpu.memref_squeeze %dma_start3A_114 : memref<1x2x2400xi32, #tpu.memory_space<hbm>> -> memref<2x2400xi32, #tpu.memory_space<hbm>>
    tpu.enqueue_dma source(%dma_start3A_115 : memref<2x2400xi32, #tpu.memory_space<hbm>>) target(%arg15 : memref<2x2400xi32, #tpu.memory_space<vmem>>) target_semaphore(%arg24 : memref<!tpu.dma_semaphore, #tpu.memory_space<semaphore_mem>>)
    %dma_wait3A = arith.constant 0 : i32
    %dma_wait3A_116 = arith.constant 0 : i32
    %dma_wait3A_117 = tpu.memref_slice %arg3[%mul3A_2, %dma_wait3A, %dma_wait3A_116] : memref<64x2x2400xi32, #tpu.memory_space<hbm>> -> memref<1x2x2400xi32, #tpu.memory_space<hbm>>
    %dma_wait3A_118 = tpu.memref_squeeze %dma_wait3A_117 : memref<1x2x2400xi32, #tpu.memory_space<hbm>> -> memref<2x2400xi32, #tpu.memory_space<hbm>>
    %dma_wait3A_119 = arith.constant 0 : i32
    %dma_wait3A_120 = arith.constant 0 : i32
    %dma_wait3A_121 = tpu.memref_slice %arg3[%mul3A_2, %dma_wait3A_119, %dma_wait3A_120] : memref<64x2x2400xi32, #tpu.memory_space<hbm>> -> memref<1x2x2400xi32, #tpu.memory_space<hbm>>
    %dma_wait3A_122 = tpu.memref_squeeze %dma_wait3A_121 : memref<1x2x2400xi32, #tpu.memory_space<hbm>> -> memref<2x2400xi32, #tpu.memory_space<hbm>>
    tpu.wait_dma2 semaphore(%arg23 : memref<!tpu.dma_semaphore, #tpu.memory_space<semaphore_mem>>) src(%dma_wait3A_122 : memref<2x2400xi32, #tpu.memory_space<hbm>>) dst(%arg14 : memref<2x2400xi32, #tpu.memory_space<vmem>>)
    %broadcast_in_dim3A_123 = arith.constant 1.000000e+00 : f32
    %broadcast_in_dim3A_124 = vector.broadcast %broadcast_in_dim3A_123 : f32 to vector<16xf32>
    %scan3A_125 = arith.constant 0 : i32
    %scan3A_126 = arith.constant 0 : i32
    %scan3A_127 = arith.constant 150 : i32
    %scan3A_128 = arith.addi %scan3A_126, %scan3A_127 : i32
    %scan3A_129 = arith.constant 5 : i32
    scf.for %scan3A_325 = %scan3A_126 to %scan3A_128 step %scan3A_129  : i32 {
      %mul3A_326 = arith.constant 16 : i32
      %mul3A_327 = arith.muli %scan3A_325, %mul3A_326 : i32
      %get3A = arith.constant 0 : i32
      %get3A_328 = arith.index_cast %get3A : i32 to index
      %get3A_329 = arith.index_cast %mul3A_327 : i32 to index
      %get3A_330 = tpu.vector_load %arg14[%get3A_328, %get3A_329] {strides = array<i32>} : memref<2x2400xi32, #tpu.memory_space<vmem>>, vector<16xi32>,
      %mul3A_331 = arith.constant 16 : i32
      %mul3A_332 = arith.muli %scan3A_325, %mul3A_331 : i32
      %get3A_333 = arith.constant 1 : i32
      %get3A_334 = arith.index_cast %get3A_333 : i32 to index
      %get3A_335 = arith.index_cast %mul3A_332 : i32 to index
      %get3A_336 = tpu.vector_load %arg14[%get3A_334, %get3A_335] {strides = array<i32>} : memref<2x2400xi32, #tpu.memory_space<vmem>>, vector<16xi32>,
      tpu.vector_store_idx %arg16[%get3A_336, %get3A_330], %broadcast_in_dim3A_124 {add = true} : memref<160x160xf32, #tpu.memory_space<vmem>>[vector<16xi32>, vector<16xi32>], vector<16xf32>,
      %scan3A_337 = arith.constant 1 : i32
      %scan3A_338 = arith.addi %scan3A_325, %scan3A_337 : i32
      %mul3A_339 = arith.constant 16 : i32
      %mul3A_340 = arith.muli %scan3A_338, %mul3A_339 : i32
      %get3A_341 = arith.constant 0 : i32
      %get3A_342 = arith.index_cast %get3A_341 : i32 to index
      %get3A_343 = arith.index_cast %mul3A_340 : i32 to index
      %get3A_344 = tpu.vector_load %arg14[%get3A_342, %get3A_343] {strides = array<i32>} : memref<2x2400xi32, #tpu.memory_space<vmem>>, vector<16xi32>,
      %mul3A_345 = arith.constant 16 : i32
      %mul3A_346 = arith.muli %scan3A_338, %mul3A_345 : i32
      %get3A_347 = arith.constant 1 : i32
      %get3A_348 = arith.index_cast %get3A_347 : i32 to index
      %get3A_349 = arith.index_cast %mul3A_346 : i32 to index
      %get3A_350 = tpu.vector_load %arg14[%get3A_348, %get3A_349] {strides = array<i32>} : memref<2x2400xi32, #tpu.memory_space<vmem>>, vector<16xi32>,
      tpu.vector_store_idx %arg16[%get3A_350, %get3A_344], %broadcast_in_dim3A_124 {add = true} : memref<160x160xf32, #tpu.memory_space<vmem>>[vector<16xi32>, vector<16xi32>], vector<16xf32>,
      %scan3A_351 = arith.constant 2 : i32
      %scan3A_352 = arith.addi %scan3A_325, %scan3A_351 : i32
      %mul3A_353 = arith.constant 16 : i32
      %mul3A_354 = arith.muli %scan3A_352, %mul3A_353 : i32
      %get3A_355 = arith.constant 0 : i32
      %get3A_356 = arith.index_cast %get3A_355 : i32 to index
      %get3A_357 = arith.index_cast %mul3A_354 : i32 to index
      %get3A_358 = tpu.vector_load %arg14[%get3A_356, %get3A_357] {strides = array<i32>} : memref<2x2400xi32, #tpu.memory_space<vmem>>, vector<16xi32>,
      %mul3A_359 = arith.constant 16 : i32
      %mul3A_360 = arith.muli %scan3A_352, %mul3A_359 : i32
      %get3A_361 = arith.constant 1 : i32
      %get3A_362 = arith.index_cast %get3A_361 : i32 to index
      %get3A_363 = arith.index_cast %mul3A_360 : i32 to index
      %get3A_364 = tpu.vector_load %arg14[%get3A_362, %get3A_363] {strides = array<i32>} : memref<2x2400xi32, #tpu.memory_space<vmem>>, vector<16xi32>,
      tpu.vector_store_idx %arg16[%get3A_364, %get3A_358], %broadcast_in_dim3A_124 {add = true} : memref<160x160xf32, #tpu.memory_space<vmem>>[vector<16xi32>, vector<16xi32>], vector<16xf32>,
      %scan3A_365 = arith.constant 3 : i32
      %scan3A_366 = arith.addi %scan3A_325, %scan3A_365 : i32
      %mul3A_367 = arith.constant 16 : i32
      %mul3A_368 = arith.muli %scan3A_366, %mul3A_367 : i32
      %get3A_369 = arith.constant 0 : i32
      %get3A_370 = arith.index_cast %get3A_369 : i32 to index
      %get3A_371 = arith.index_cast %mul3A_368 : i32 to index
      %get3A_372 = tpu.vector_load %arg14[%get3A_370, %get3A_371] {strides = array<i32>} : memref<2x2400xi32, #tpu.memory_space<vmem>>, vector<16xi32>,
      %mul3A_373 = arith.constant 16 : i32
      %mul3A_374 = arith.muli %scan3A_366, %mul3A_373 : i32
      %get3A_375 = arith.constant 1 : i32
      %get3A_376 = arith.index_cast %get3A_375 : i32 to index
      %get3A_377 = arith.index_cast %mul3A_374 : i32 to index
      %get3A_378 = tpu.vector_load %arg14[%get3A_376, %get3A_377] {strides = array<i32>} : memref<2x2400xi32, #tpu.memory_space<vmem>>, vector<16xi32>,
      tpu.vector_store_idx %arg16[%get3A_378, %get3A_372], %broadcast_in_dim3A_124 {add = true} : memref<160x160xf32, #tpu.memory_space<vmem>>[vector<16xi32>, vector<16xi32>], vector<16xf32>,
      %scan3A_379 = arith.constant 4 : i32
      %scan3A_380 = arith.addi %scan3A_325, %scan3A_379 : i32
      %mul3A_381 = arith.constant 16 : i32
      %mul3A_382 = arith.muli %scan3A_380, %mul3A_381 : i32
      %get3A_383 = arith.constant 0 : i32
      %get3A_384 = arith.index_cast %get3A_383 : i32 to index
      %get3A_385 = arith.index_cast %mul3A_382 : i32 to index
      %get3A_386 = tpu.vector_load %arg14[%get3A_384, %get3A_385] {strides = array<i32>} : memref<2x2400xi32, #tpu.memory_space<vmem>>, vector<16xi32>,
      %mul3A_387 = arith.constant 16 : i32
      %mul3A_388 = arith.muli %scan3A_380, %mul3A_387 : i32
      %get3A_389 = arith.constant 1 : i32
      %get3A_390 = arith.index_cast %get3A_389 : i32 to index
      %get3A_391 = arith.index_cast %mul3A_388 : i32 to index
      %get3A_392 = tpu.vector_load %arg14[%get3A_390, %get3A_391] {strides = array<i32>} : memref<2x2400xi32, #tpu.memory_space<vmem>>, vector<16xi32>,
      tpu.vector_store_idx %arg16[%get3A_392, %get3A_386], %broadcast_in_dim3A_124 {add = true} : memref<160x160xf32, #tpu.memory_space<vmem>>[vector<16xi32>, vector<16xi32>], vector<16xf32>,
    }
    %scan3A_130 = arith.constant 150 : i32
    %dma_start3A_131 = arith.constant 0 : i32
    %dma_start3A_132 = arith.constant 0 : i32
    %dma_start3A_133 = tpu.memref_slice %arg6[%add3A_105, %dma_start3A_131, %dma_start3A_132] : memref<64x160x160xf32, #tpu.memory_space<hbm>> -> memref<1x160x160xf32, #tpu.memory_space<hbm>>
    %dma_start3A_134 = tpu.memref_squeeze %dma_start3A_133 : memref<1x160x160xf32, #tpu.memory_space<hbm>> -> memref<160x160xf32, #tpu.memory_space<hbm>>
    %dma_start3A_135 = arith.constant 0 : i32
    %dma_start3A_136 = arith.constant 0 : i32
    %dma_start3A_137 = tpu.memref_slice %arg6[%add3A_105, %dma_start3A_135, %dma_start3A_136] : memref<64x160x160xf32, #tpu.memory_space<hbm>> -> memref<1x160x160xf32, #tpu.memory_space<hbm>>
    %dma_start3A_138 = tpu.memref_squeeze %dma_start3A_137 : memref<1x160x160xf32, #tpu.memory_space<hbm>> -> memref<160x160xf32, #tpu.memory_space<hbm>>
    tpu.enqueue_dma source(%arg16 : memref<160x160xf32, #tpu.memory_space<vmem>>) target(%dma_start3A_138 : memref<160x160xf32, #tpu.memory_space<hbm>>) target_semaphore(%arg25 : memref<!tpu.dma_semaphore, #tpu.memory_space<semaphore_mem>>)
    %dma_wait3A_139 = arith.constant 0 : i32
    %dma_wait3A_140 = arith.constant 0 : i32
    %dma_wait3A_141 = arith.constant 0 : i32
    %dma_wait3A_142 = arith.constant 0 : i32
    %dma_wait3A_143 = tpu.memref_slice %arg8[%dma_wait3A_141, %dma_wait3A_142] : memref<80x128xf32, #tpu.memory_space<vmem>> -> memref<40x128xf32, #tpu.memory_space<vmem>>
    %dma_wait3A_144 = arith.constant 0 : i32
    %dma_wait3A_145 = tpu.memref_slice %arg7[%dma_wait3A_139, %dma_wait3A_140, %dma_wait3A_144] : memref<2x2x80xi32, #tpu.memory_space<vmem>> -> memref<1x1x40xi32, #tpu.memory_space<vmem>>
    %dma_wait3A_146 = tpu.memref_squeeze %dma_wait3A_145 : memref<1x1x40xi32, #tpu.memory_space<vmem>> -> memref<40xi32, #tpu.memory_space<vmem>>
    %dma_wait3A_147 = arith.constant 0 : i32
    %dma_wait3A_148 = arith.constant 0 : i32
    %dma_wait3A_149 = tpu.memref_slice %arg4[%dma_wait3A_147, %dma_wait3A_148] : memref<100000x128xf32, #tpu.memory_space<hbm>> -> memref<100000x128xf32, #tpu.memory_space<hbm>>
    tpu.wait_indirect_dma semaphore(%arg17 : memref<!tpu.dma_semaphore, #tpu.memory_space<semaphore_mem>>) src(%dma_wait3A_149 : memref<100000x128xf32, #tpu.memory_space<hbm>>) dst(%dma_wait3A_143 : memref<40x128xf32, #tpu.memory_space<vmem>>)
    %dma_wait3A_150 = arith.constant 0 : i32
    %dma_wait3A_151 = arith.constant 0 : i32
    %dma_wait3A_152 = arith.constant 40 : i32
    %dma_wait3A_153 = arith.constant 0 : i32
    %dma_wait3A_154 = tpu.memref_slice %arg8[%dma_wait3A_152, %dma_wait3A_153] : memref<80x128xf32, #tpu.memory_space<vmem>> -> memref<40x128xf32, #tpu.memory_space<vmem>>
    %dma_wait3A_155 = arith.constant 40 : i32
    %dma_wait3A_156 = tpu.memref_slice %arg7[%dma_wait3A_150, %dma_wait3A_151, %dma_wait3A_155] : memref<2x2x80xi32, #tpu.memory_space<vmem>> -> memref<1x1x40xi32, #tpu.memory_space<vmem>>
    %dma_wait3A_157 = tpu.memref_squeeze %dma_wait3A_156 : memref<1x1x40xi32, #tpu.memory_space<vmem>> -> memref<40xi32, #tpu.memory_space<vmem>>
    %dma_wait3A_158 = arith.constant 0 : i32
    %dma_wait3A_159 = arith.constant 0 : i32
    %dma_wait3A_160 = tpu.memref_slice %arg4[%dma_wait3A_158, %dma_wait3A_159] : memref<100000x128xf32, #tpu.memory_space<hbm>> -> memref<100000x128xf32, #tpu.memory_space<hbm>>
    tpu.wait_indirect_dma semaphore(%arg17 : memref<!tpu.dma_semaphore, #tpu.memory_space<semaphore_mem>>) src(%dma_wait3A_160 : memref<100000x128xf32, #tpu.memory_space<hbm>>) dst(%dma_wait3A_154 : memref<40x128xf32, #tpu.memory_space<vmem>>)
    %dma_wait3A_161 = arith.constant 0 : i32
    %dma_wait3A_162 = arith.constant 1 : i32
    %dma_wait3A_163 = arith.constant 0 : i32
    %dma_wait3A_164 = arith.constant 0 : i32
    %dma_wait3A_165 = tpu.memref_slice %arg9[%dma_wait3A_163, %dma_wait3A_164] : memref<80x128xf32, #tpu.memory_space<vmem>> -> memref<40x128xf32, #tpu.memory_space<vmem>>
    %dma_wait3A_166 = arith.constant 0 : i32
    %dma_wait3A_167 = tpu.memref_slice %arg7[%dma_wait3A_161, %dma_wait3A_162, %dma_wait3A_166] : memref<2x2x80xi32, #tpu.memory_space<vmem>> -> memref<1x1x40xi32, #tpu.memory_space<vmem>>
    %dma_wait3A_168 = tpu.memref_squeeze %dma_wait3A_167 : memref<1x1x40xi32, #tpu.memory_space<vmem>> -> memref<40xi32, #tpu.memory_space<vmem>>
    %dma_wait3A_169 = arith.constant 0 : i32
    %dma_wait3A_170 = arith.constant 0 : i32
    %dma_wait3A_171 = tpu.memref_slice %arg4[%dma_wait3A_169, %dma_wait3A_170] : memref<100000x128xf32, #tpu.memory_space<hbm>> -> memref<100000x128xf32, #tpu.memory_space<hbm>>
    tpu.wait_indirect_dma semaphore(%arg17 : memref<!tpu.dma_semaphore, #tpu.memory_space<semaphore_mem>>) src(%dma_wait3A_171 : memref<100000x128xf32, #tpu.memory_space<hbm>>) dst(%dma_wait3A_165 : memref<40x128xf32, #tpu.memory_space<vmem>>)
    %dma_wait3A_172 = arith.constant 0 : i32
    %dma_wait3A_173 = arith.constant 1 : i32
    %dma_wait3A_174 = arith.constant 40 : i32
    %dma_wait3A_175 = arith.constant 0 : i32
    %dma_wait3A_176 = tpu.memref_slice %arg9[%dma_wait3A_174, %dma_wait3A_175] : memref<80x128xf32, #tpu.memory_space<vmem>> -> memref<40x128xf32, #tpu.memory_space<vmem>>
    %dma_wait3A_177 = arith.constant 40 : i32
    %dma_wait3A_178 = tpu.memref_slice %arg7[%dma_wait3A_172, %dma_wait3A_173, %dma_wait3A_177] : memref<2x2x80xi32, #tpu.memory_space<vmem>> -> memref<1x1x40xi32, #tpu.memory_space<vmem>>
    %dma_wait3A_179 = tpu.memref_squeeze %dma_wait3A_178 : memref<1x1x40xi32, #tpu.memory_space<vmem>> -> memref<40xi32, #tpu.memory_space<vmem>>
    %dma_wait3A_180 = arith.constant 0 : i32
    %dma_wait3A_181 = arith.constant 0 : i32
    %dma_wait3A_182 = tpu.memref_slice %arg4[%dma_wait3A_180, %dma_wait3A_181] : memref<100000x128xf32, #tpu.memory_space<hbm>> -> memref<100000x128xf32, #tpu.memory_space<hbm>>
    tpu.wait_indirect_dma semaphore(%arg17 : memref<!tpu.dma_semaphore, #tpu.memory_space<semaphore_mem>>) src(%dma_wait3A_182 : memref<100000x128xf32, #tpu.memory_space<hbm>>) dst(%dma_wait3A_176 : memref<40x128xf32, #tpu.memory_space<vmem>>)
    %add3A_183 = arith.constant 0 : i32
    %add3A_184 = arith.addi %mul3A_2, %add3A_183 : i32
    %mul3A_185 = arith.constant 160 : i32
    %mul3A_186 = arith.muli %add3A_184, %mul3A_185 : i32
    %dma_start3A_187 = arith.constant 0 : i32
    %dma_start3A_188 = tpu.memref_slice %arg5[%mul3A_186, %dma_start3A_187] : memref<10240x128xf32, #tpu.memory_space<hbm>> -> memref<80x128xf32, #tpu.memory_space<hbm>>
    %dma_start3A_189 = arith.constant 0 : i32
    %dma_start3A_190 = tpu.memref_slice %arg5[%mul3A_186, %dma_start3A_189] : memref<10240x128xf32, #tpu.memory_space<hbm>> -> memref<80x128xf32, #tpu.memory_space<hbm>>
    tpu.enqueue_dma source(%arg8 : memref<80x128xf32, #tpu.memory_space<vmem>>) target(%dma_start3A_190 : memref<80x128xf32, #tpu.memory_space<hbm>>) target_semaphore(%arg20 : memref<!tpu.dma_semaphore, #tpu.memory_space<semaphore_mem>>)
    %mul3A_191 = arith.constant 160 : i32
    %mul3A_192 = arith.muli %add3A_184, %mul3A_191 : i32
    %add3A_193 = arith.constant 80 : i32
    %add3A_194 = arith.addi %mul3A_192, %add3A_193 : i32
    %dma_start3A_195 = arith.constant 0 : i32
    %dma_start3A_196 = tpu.memref_slice %arg5[%add3A_194, %dma_start3A_195] : memref<10240x128xf32, #tpu.memory_space<hbm>> -> memref<80x128xf32, #tpu.memory_space<hbm>>
    %dma_start3A_197 = arith.constant 0 : i32
    %dma_start3A_198 = tpu.memref_slice %arg5[%add3A_194, %dma_start3A_197] : memref<10240x128xf32, #tpu.memory_space<hbm>> -> memref<80x128xf32, #tpu.memory_space<hbm>>
    tpu.enqueue_dma source(%arg9 : memref<80x128xf32, #tpu.memory_space<vmem>>) target(%dma_start3A_198 : memref<80x128xf32, #tpu.memory_space<hbm>>) target_semaphore(%arg20 : memref<!tpu.dma_semaphore, #tpu.memory_space<semaphore_mem>>)
    %dma_wait3A_199 = arith.constant 0 : i32
    %dma_wait3A_200 = arith.constant 0 : i32
    %dma_wait3A_201 = tpu.memref_slice %arg6[%add3A_105, %dma_wait3A_199, %dma_wait3A_200] : memref<64x160x160xf32, #tpu.memory_space<hbm>> -> memref<1x160x160xf32, #tpu.memory_space<hbm>>
    %dma_wait3A_202 = tpu.memref_squeeze %dma_wait3A_201 : memref<1x160x160xf32, #tpu.memory_space<hbm>> -> memref<160x160xf32, #tpu.memory_space<hbm>>
    %dma_wait3A_203 = arith.constant 0 : i32
    %dma_wait3A_204 = arith.constant 0 : i32
    %dma_wait3A_205 = tpu.memref_slice %arg6[%add3A_105, %dma_wait3A_203, %dma_wait3A_204] : memref<64x160x160xf32, #tpu.memory_space<hbm>> -> memref<1x160x160xf32, #tpu.memory_space<hbm>>
    %dma_wait3A_206 = tpu.memref_squeeze %dma_wait3A_205 : memref<1x160x160xf32, #tpu.memory_space<hbm>> -> memref<160x160xf32, #tpu.memory_space<hbm>>
    tpu.wait_dma2 semaphore(%arg25 : memref<!tpu.dma_semaphore, #tpu.memory_space<semaphore_mem>>) src(%arg16 : memref<160x160xf32, #tpu.memory_space<vmem>>) dst(%dma_wait3A_206 : memref<160x160xf32, #tpu.memory_space<hbm>>)
    %broadcast_in_dim3A_207 = arith.constant -1.000000e+00 : f32
    %broadcast_in_dim3A_208 = vector.broadcast %broadcast_in_dim3A_207 : f32 to vector<16xf32>
    %scan3A_209 = arith.constant 0 : i32
    %scan3A_210 = arith.constant 0 : i32
    %scan3A_211 = arith.constant 150 : i32
    %scan3A_212 = arith.addi %scan3A_210, %scan3A_211 : i32
    %scan3A_213 = arith.constant 5 : i32
    scf.for %scan3A_325 = %scan3A_210 to %scan3A_212 step %scan3A_213  : i32 {
      %mul3A_326 = arith.constant 16 : i32
      %mul3A_327 = arith.muli %scan3A_325, %mul3A_326 : i32
      %get3A = arith.constant 0 : i32
      %get3A_328 = arith.index_cast %get3A : i32 to index
      %get3A_329 = arith.index_cast %mul3A_327 : i32 to index
      %get3A_330 = tpu.vector_load %arg14[%get3A_328, %get3A_329] {strides = array<i32>} : memref<2x2400xi32, #tpu.memory_space<vmem>>, vector<16xi32>,
      %mul3A_331 = arith.constant 16 : i32
      %mul3A_332 = arith.muli %scan3A_325, %mul3A_331 : i32
      %get3A_333 = arith.constant 1 : i32
      %get3A_334 = arith.index_cast %get3A_333 : i32 to index
      %get3A_335 = arith.index_cast %mul3A_332 : i32 to index
      %get3A_336 = tpu.vector_load %arg14[%get3A_334, %get3A_335] {strides = array<i32>} : memref<2x2400xi32, #tpu.memory_space<vmem>>, vector<16xi32>,
      tpu.vector_store_idx %arg16[%get3A_336, %get3A_330], %broadcast_in_dim3A_208 {add = true} : memref<160x160xf32, #tpu.memory_space<vmem>>[vector<16xi32>, vector<16xi32>], vector<16xf32>,
      %scan3A_337 = arith.constant 1 : i32
      %scan3A_338 = arith.addi %scan3A_325, %scan3A_337 : i32
      %mul3A_339 = arith.constant 16 : i32
      %mul3A_340 = arith.muli %scan3A_338, %mul3A_339 : i32
      %get3A_341 = arith.constant 0 : i32
      %get3A_342 = arith.index_cast %get3A_341 : i32 to index
      %get3A_343 = arith.index_cast %mul3A_340 : i32 to index
      %get3A_344 = tpu.vector_load %arg14[%get3A_342, %get3A_343] {strides = array<i32>} : memref<2x2400xi32, #tpu.memory_space<vmem>>, vector<16xi32>,
      %mul3A_345 = arith.constant 16 : i32
      %mul3A_346 = arith.muli %scan3A_338, %mul3A_345 : i32
      %get3A_347 = arith.constant 1 : i32
      %get3A_348 = arith.index_cast %get3A_347 : i32 to index
      %get3A_349 = arith.index_cast %mul3A_346 : i32 to index
      %get3A_350 = tpu.vector_load %arg14[%get3A_348, %get3A_349] {strides = array<i32>} : memref<2x2400xi32, #tpu.memory_space<vmem>>, vector<16xi32>,
      tpu.vector_store_idx %arg16[%get3A_350, %get3A_344], %broadcast_in_dim3A_208 {add = true} : memref<160x160xf32, #tpu.memory_space<vmem>>[vector<16xi32>, vector<16xi32>], vector<16xf32>,
      %scan3A_351 = arith.constant 2 : i32
      %scan3A_352 = arith.addi %scan3A_325, %scan3A_351 : i32
      %mul3A_353 = arith.constant 16 : i32
      %mul3A_354 = arith.muli %scan3A_352, %mul3A_353 : i32
      %get3A_355 = arith.constant 0 : i32
      %get3A_356 = arith.index_cast %get3A_355 : i32 to index
      %get3A_357 = arith.index_cast %mul3A_354 : i32 to index
      %get3A_358 = tpu.vector_load %arg14[%get3A_356, %get3A_357] {strides = array<i32>} : memref<2x2400xi32, #tpu.memory_space<vmem>>, vector<16xi32>,
      %mul3A_359 = arith.constant 16 : i32
      %mul3A_360 = arith.muli %scan3A_352, %mul3A_359 : i32
      %get3A_361 = arith.constant 1 : i32
      %get3A_362 = arith.index_cast %get3A_361 : i32 to index
      %get3A_363 = arith.index_cast %mul3A_360 : i32 to index
      %get3A_364 = tpu.vector_load %arg14[%get3A_362, %get3A_363] {strides = array<i32>} : memref<2x2400xi32, #tpu.memory_space<vmem>>, vector<16xi32>,
      tpu.vector_store_idx %arg16[%get3A_364, %get3A_358], %broadcast_in_dim3A_208 {add = true} : memref<160x160xf32, #tpu.memory_space<vmem>>[vector<16xi32>, vector<16xi32>], vector<16xf32>,
      %scan3A_365 = arith.constant 3 : i32
      %scan3A_366 = arith.addi %scan3A_325, %scan3A_365 : i32
      %mul3A_367 = arith.constant 16 : i32
      %mul3A_368 = arith.muli %scan3A_366, %mul3A_367 : i32
      %get3A_369 = arith.constant 0 : i32
      %get3A_370 = arith.index_cast %get3A_369 : i32 to index
      %get3A_371 = arith.index_cast %mul3A_368 : i32 to index
      %get3A_372 = tpu.vector_load %arg14[%get3A_370, %get3A_371] {strides = array<i32>} : memref<2x2400xi32, #tpu.memory_space<vmem>>, vector<16xi32>,
      %mul3A_373 = arith.constant 16 : i32
      %mul3A_374 = arith.muli %scan3A_366, %mul3A_373 : i32
      %get3A_375 = arith.constant 1 : i32
      %get3A_376 = arith.index_cast %get3A_375 : i32 to index
      %get3A_377 = arith.index_cast %mul3A_374 : i32 to index
      %get3A_378 = tpu.vector_load %arg14[%get3A_376, %get3A_377] {strides = array<i32>} : memref<2x2400xi32, #tpu.memory_space<vmem>>, vector<16xi32>,
      tpu.vector_store_idx %arg16[%get3A_378, %get3A_372], %broadcast_in_dim3A_208 {add = true} : memref<160x160xf32, #tpu.memory_space<vmem>>[vector<16xi32>, vector<16xi32>], vector<16xf32>,
      %scan3A_379 = arith.constant 4 : i32
      %scan3A_380 = arith.addi %scan3A_325, %scan3A_379 : i32
      %mul3A_381 = arith.constant 16 : i32
      %mul3A_382 = arith.muli %scan3A_380, %mul3A_381 : i32
      %get3A_383 = arith.constant 0 : i32
      %get3A_384 = arith.index_cast %get3A_383 : i32 to index
      %get3A_385 = arith.index_cast %mul3A_382 : i32 to index
      %get3A_386 = tpu.vector_load %arg14[%get3A_384, %get3A_385] {strides = array<i32>} : memref<2x2400xi32, #tpu.memory_space<vmem>>, vector<16xi32>,
      %mul3A_387 = arith.constant 16 : i32
      %mul3A_388 = arith.muli %scan3A_380, %mul3A_387 : i32
      %get3A_389 = arith.constant 1 : i32
      %get3A_390 = arith.index_cast %get3A_389 : i32 to index
      %get3A_391 = arith.index_cast %mul3A_388 : i32 to index
      %get3A_392 = tpu.vector_load %arg14[%get3A_390, %get3A_391] {strides = array<i32>} : memref<2x2400xi32, #tpu.memory_space<vmem>>, vector<16xi32>,
      tpu.vector_store_idx %arg16[%get3A_392, %get3A_386], %broadcast_in_dim3A_208 {add = true} : memref<160x160xf32, #tpu.memory_space<vmem>>[vector<16xi32>, vector<16xi32>], vector<16xf32>,
    }
    %scan3A_214 = arith.constant 150 : i32
    %add3A_215 = arith.constant 1 : i32
    %add3A_216 = arith.addi %mul3A_2, %add3A_215 : i32
    %dma_wait3A_217 = arith.constant 0 : i32
    %dma_wait3A_218 = arith.constant 0 : i32
    %dma_wait3A_219 = tpu.memref_slice %arg3[%add3A_107, %dma_wait3A_217, %dma_wait3A_218] : memref<64x2x2400xi32, #tpu.memory_space<hbm>> -> memref<1x2x2400xi32, #tpu.memory_space<hbm>>
    %dma_wait3A_220 = tpu.memref_squeeze %dma_wait3A_219 : memref<1x2x2400xi32, #tpu.memory_space<hbm>> -> memref<2x2400xi32, #tpu.memory_space<hbm>>
    %dma_wait3A_221 = arith.constant 0 : i32
    %dma_wait3A_222 = arith.constant 0 : i32
    %dma_wait3A_223 = tpu.memref_slice %arg3[%add3A_107, %dma_wait3A_221, %dma_wait3A_222] : memref<64x2x2400xi32, #tpu.memory_space<hbm>> -> memref<1x2x2400xi32, #tpu.memory_space<hbm>>
    %dma_wait3A_224 = tpu.memref_squeeze %dma_wait3A_223 : memref<1x2x2400xi32, #tpu.memory_space<hbm>> -> memref<2x2400xi32, #tpu.memory_space<hbm>>
    tpu.wait_dma2 semaphore(%arg24 : memref<!tpu.dma_semaphore, #tpu.memory_space<semaphore_mem>>) src(%dma_wait3A_224 : memref<2x2400xi32, #tpu.memory_space<hbm>>) dst(%arg15 : memref<2x2400xi32, #tpu.memory_space<vmem>>)
    %broadcast_in_dim3A_225 = arith.constant 1.000000e+00 : f32
    %broadcast_in_dim3A_226 = vector.broadcast %broadcast_in_dim3A_225 : f32 to vector<16xf32>
    %scan3A_227 = arith.constant 0 : i32
    %scan3A_228 = arith.constant 0 : i32
    %scan3A_229 = arith.constant 150 : i32
    %scan3A_230 = arith.addi %scan3A_228, %scan3A_229 : i32
    %scan3A_231 = arith.constant 5 : i32
    scf.for %scan3A_325 = %scan3A_228 to %scan3A_230 step %scan3A_231  : i32 {
      %mul3A_326 = arith.constant 16 : i32
      %mul3A_327 = arith.muli %scan3A_325, %mul3A_326 : i32
      %get3A = arith.constant 0 : i32
      %get3A_328 = arith.index_cast %get3A : i32 to index
      %get3A_329 = arith.index_cast %mul3A_327 : i32 to index
      %get3A_330 = tpu.vector_load %arg15[%get3A_328, %get3A_329] {strides = array<i32>} : memref<2x2400xi32, #tpu.memory_space<vmem>>, vector<16xi32>,
      %mul3A_331 = arith.constant 16 : i32
      %mul3A_332 = arith.muli %scan3A_325, %mul3A_331 : i32
      %get3A_333 = arith.constant 1 : i32
      %get3A_334 = arith.index_cast %get3A_333 : i32 to index
      %get3A_335 = arith.index_cast %mul3A_332 : i32 to index
      %get3A_336 = tpu.vector_load %arg15[%get3A_334, %get3A_335] {strides = array<i32>} : memref<2x2400xi32, #tpu.memory_space<vmem>>, vector<16xi32>,
      tpu.vector_store_idx %arg16[%get3A_336, %get3A_330], %broadcast_in_dim3A_226 {add = true} : memref<160x160xf32, #tpu.memory_space<vmem>>[vector<16xi32>, vector<16xi32>], vector<16xf32>,
      %scan3A_337 = arith.constant 1 : i32
      %scan3A_338 = arith.addi %scan3A_325, %scan3A_337 : i32
      %mul3A_339 = arith.constant 16 : i32
      %mul3A_340 = arith.muli %scan3A_338, %mul3A_339 : i32
      %get3A_341 = arith.constant 0 : i32
      %get3A_342 = arith.index_cast %get3A_341 : i32 to index
      %get3A_343 = arith.index_cast %mul3A_340 : i32 to index
      %get3A_344 = tpu.vector_load %arg15[%get3A_342, %get3A_343] {strides = array<i32>} : memref<2x2400xi32, #tpu.memory_space<vmem>>, vector<16xi32>,
      %mul3A_345 = arith.constant 16 : i32
      %mul3A_346 = arith.muli %scan3A_338, %mul3A_345 : i32
      %get3A_347 = arith.constant 1 : i32
      %get3A_348 = arith.index_cast %get3A_347 : i32 to index
      %get3A_349 = arith.index_cast %mul3A_346 : i32 to index
      %get3A_350 = tpu.vector_load %arg15[%get3A_348, %get3A_349] {strides = array<i32>} : memref<2x2400xi32, #tpu.memory_space<vmem>>, vector<16xi32>,
      tpu.vector_store_idx %arg16[%get3A_350, %get3A_344], %broadcast_in_dim3A_226 {add = true} : memref<160x160xf32, #tpu.memory_space<vmem>>[vector<16xi32>, vector<16xi32>], vector<16xf32>,
      %scan3A_351 = arith.constant 2 : i32
      %scan3A_352 = arith.addi %scan3A_325, %scan3A_351 : i32
      %mul3A_353 = arith.constant 16 : i32
      %mul3A_354 = arith.muli %scan3A_352, %mul3A_353 : i32
      %get3A_355 = arith.constant 0 : i32
      %get3A_356 = arith.index_cast %get3A_355 : i32 to index
      %get3A_357 = arith.index_cast %mul3A_354 : i32 to index
      %get3A_358 = tpu.vector_load %arg15[%get3A_356, %get3A_357] {strides = array<i32>} : memref<2x2400xi32, #tpu.memory_space<vmem>>, vector<16xi32>,
      %mul3A_359 = arith.constant 16 : i32
      %mul3A_360 = arith.muli %scan3A_352, %mul3A_359 : i32
      %get3A_361 = arith.constant 1 : i32
      %get3A_362 = arith.index_cast %get3A_361 : i32 to index
      %get3A_363 = arith.index_cast %mul3A_360 : i32 to index
      %get3A_364 = tpu.vector_load %arg15[%get3A_362, %get3A_363] {strides = array<i32>} : memref<2x2400xi32, #tpu.memory_space<vmem>>, vector<16xi32>,
      tpu.vector_store_idx %arg16[%get3A_364, %get3A_358], %broadcast_in_dim3A_226 {add = true} : memref<160x160xf32, #tpu.memory_space<vmem>>[vector<16xi32>, vector<16xi32>], vector<16xf32>,
      %scan3A_365 = arith.constant 3 : i32
      %scan3A_366 = arith.addi %scan3A_325, %scan3A_365 : i32
      %mul3A_367 = arith.constant 16 : i32
      %mul3A_368 = arith.muli %scan3A_366, %mul3A_367 : i32
      %get3A_369 = arith.constant 0 : i32
      %get3A_370 = arith.index_cast %get3A_369 : i32 to index
      %get3A_371 = arith.index_cast %mul3A_368 : i32 to index
      %get3A_372 = tpu.vector_load %arg15[%get3A_370, %get3A_371] {strides = array<i32>} : memref<2x2400xi32, #tpu.memory_space<vmem>>, vector<16xi32>,
      %mul3A_373 = arith.constant 16 : i32
      %mul3A_374 = arith.muli %scan3A_366, %mul3A_373 : i32
      %get3A_375 = arith.constant 1 : i32
      %get3A_376 = arith.index_cast %get3A_375 : i32 to index
      %get3A_377 = arith.index_cast %mul3A_374 : i32 to index
      %get3A_378 = tpu.vector_load %arg15[%get3A_376, %get3A_377] {strides = array<i32>} : memref<2x2400xi32, #tpu.memory_space<vmem>>, vector<16xi32>,
      tpu.vector_store_idx %arg16[%get3A_378, %get3A_372], %broadcast_in_dim3A_226 {add = true} : memref<160x160xf32, #tpu.memory_space<vmem>>[vector<16xi32>, vector<16xi32>], vector<16xf32>,
      %scan3A_379 = arith.constant 4 : i32
      %scan3A_380 = arith.addi %scan3A_325, %scan3A_379 : i32
      %mul3A_381 = arith.constant 16 : i32
      %mul3A_382 = arith.muli %scan3A_380, %mul3A_381 : i32
      %get3A_383 = arith.constant 0 : i32
      %get3A_384 = arith.index_cast %get3A_383 : i32 to index
      %get3A_385 = arith.index_cast %mul3A_382 : i32 to index
      %get3A_386 = tpu.vector_load %arg15[%get3A_384, %get3A_385] {strides = array<i32>} : memref<2x2400xi32, #tpu.memory_space<vmem>>, vector<16xi32>,
      %mul3A_387 = arith.constant 16 : i32
      %mul3A_388 = arith.muli %scan3A_380, %mul3A_387 : i32
      %get3A_389 = arith.constant 1 : i32
      %get3A_390 = arith.index_cast %get3A_389 : i32 to index
      %get3A_391 = arith.index_cast %mul3A_388 : i32 to index
      %get3A_392 = tpu.vector_load %arg15[%get3A_390, %get3A_391] {strides = array<i32>} : memref<2x2400xi32, #tpu.memory_space<vmem>>, vector<16xi32>,
      tpu.vector_store_idx %arg16[%get3A_392, %get3A_386], %broadcast_in_dim3A_226 {add = true} : memref<160x160xf32, #tpu.memory_space<vmem>>[vector<16xi32>, vector<16xi32>], vector<16xf32>,
    }
    %scan3A_232 = arith.constant 150 : i32
    %dma_start3A_233 = arith.constant 0 : i32
    %dma_start3A_234 = arith.constant 0 : i32
    %dma_start3A_235 = tpu.memref_slice %arg6[%add3A_216, %dma_start3A_233, %dma_start3A_234] : memref<64x160x160xf32, #tpu.memory_space<hbm>> -> memref<1x160x160xf32, #tpu.memory_space<hbm>>
    %dma_start3A_236 = tpu.memref_squeeze %dma_start3A_235 : memref<1x160x160xf32, #tpu.memory_space<hbm>> -> memref<160x160xf32, #tpu.memory_space<hbm>>
    %dma_start3A_237 = arith.constant 0 : i32
    %dma_start3A_238 = arith.constant 0 : i32
    %dma_start3A_239 = tpu.memref_slice %arg6[%add3A_216, %dma_start3A_237, %dma_start3A_238] : memref<64x160x160xf32, #tpu.memory_space<hbm>> -> memref<1x160x160xf32, #tpu.memory_space<hbm>>
    %dma_start3A_240 = tpu.memref_squeeze %dma_start3A_239 : memref<1x160x160xf32, #tpu.memory_space<hbm>> -> memref<160x160xf32, #tpu.memory_space<hbm>>
    tpu.enqueue_dma source(%arg16 : memref<160x160xf32, #tpu.memory_space<vmem>>) target(%dma_start3A_240 : memref<160x160xf32, #tpu.memory_space<hbm>>) target_semaphore(%arg26 : memref<!tpu.dma_semaphore, #tpu.memory_space<semaphore_mem>>)
    %dma_wait3A_241 = arith.constant 1 : i32
    %dma_wait3A_242 = arith.constant 0 : i32
    %dma_wait3A_243 = arith.constant 0 : i32
    %dma_wait3A_244 = arith.constant 0 : i32
    %dma_wait3A_245 = tpu.memref_slice %arg10[%dma_wait3A_243, %dma_wait3A_244] : memref<80x128xf32, #tpu.memory_space<vmem>> -> memref<40x128xf32, #tpu.memory_space<vmem>>
    %dma_wait3A_246 = arith.constant 0 : i32
    %dma_wait3A_247 = tpu.memref_slice %arg7[%dma_wait3A_241, %dma_wait3A_242, %dma_wait3A_246] : memref<2x2x80xi32, #tpu.memory_space<vmem>> -> memref<1x1x40xi32, #tpu.memory_space<vmem>>
    %dma_wait3A_248 = tpu.memref_squeeze %dma_wait3A_247 : memref<1x1x40xi32, #tpu.memory_space<vmem>> -> memref<40xi32, #tpu.memory_space<vmem>>
    %dma_wait3A_249 = arith.constant 0 : i32
    %dma_wait3A_250 = arith.constant 0 : i32
    %dma_wait3A_251 = tpu.memref_slice %arg4[%dma_wait3A_249, %dma_wait3A_250] : memref<100000x128xf32, #tpu.memory_space<hbm>> -> memref<100000x128xf32, #tpu.memory_space<hbm>>
    tpu.wait_indirect_dma semaphore(%arg18 : memref<!tpu.dma_semaphore, #tpu.memory_space<semaphore_mem>>) src(%dma_wait3A_251 : memref<100000x128xf32, #tpu.memory_space<hbm>>) dst(%dma_wait3A_245 : memref<40x128xf32, #tpu.memory_space<vmem>>)
    %dma_wait3A_252 = arith.constant 1 : i32
    %dma_wait3A_253 = arith.constant 0 : i32
    %dma_wait3A_254 = arith.constant 40 : i32
    %dma_wait3A_255 = arith.constant 0 : i32
    %dma_wait3A_256 = tpu.memref_slice %arg10[%dma_wait3A_254, %dma_wait3A_255] : memref<80x128xf32, #tpu.memory_space<vmem>> -> memref<40x128xf32, #tpu.memory_space<vmem>>
    %dma_wait3A_257 = arith.constant 40 : i32
    %dma_wait3A_258 = tpu.memref_slice %arg7[%dma_wait3A_252, %dma_wait3A_253, %dma_wait3A_257] : memref<2x2x80xi32, #tpu.memory_space<vmem>> -> memref<1x1x40xi32, #tpu.memory_space<vmem>>
    %dma_wait3A_259 = tpu.memref_squeeze %dma_wait3A_258 : memref<1x1x40xi32, #tpu.memory_space<vmem>> -> memref<40xi32, #tpu.memory_space<vmem>>
    %dma_wait3A_260 = arith.constant 0 : i32
    %dma_wait3A_261 = arith.constant 0 : i32
    %dma_wait3A_262 = tpu.memref_slice %arg4[%dma_wait3A_260, %dma_wait3A_261] : memref<100000x128xf32, #tpu.memory_space<hbm>> -> memref<100000x128xf32, #tpu.memory_space<hbm>>
    tpu.wait_indirect_dma semaphore(%arg18 : memref<!tpu.dma_semaphore, #tpu.memory_space<semaphore_mem>>) src(%dma_wait3A_262 : memref<100000x128xf32, #tpu.memory_space<hbm>>) dst(%dma_wait3A_256 : memref<40x128xf32, #tpu.memory_space<vmem>>)
    %dma_wait3A_263 = arith.constant 1 : i32
    %dma_wait3A_264 = arith.constant 1 : i32
    %dma_wait3A_265 = arith.constant 0 : i32
    %dma_wait3A_266 = arith.constant 0 : i32
    %dma_wait3A_267 = tpu.memref_slice %arg11[%dma_wait3A_265, %dma_wait3A_266] : memref<80x128xf32, #tpu.memory_space<vmem>> -> memref<40x128xf32, #tpu.memory_space<vmem>>
    %dma_wait3A_268 = arith.constant 0 : i32
    %dma_wait3A_269 = tpu.memref_slice %arg7[%dma_wait3A_263, %dma_wait3A_264, %dma_wait3A_268] : memref<2x2x80xi32, #tpu.memory_space<vmem>> -> memref<1x1x40xi32, #tpu.memory_space<vmem>>
    %dma_wait3A_270 = tpu.memref_squeeze %dma_wait3A_269 : memref<1x1x40xi32, #tpu.memory_space<vmem>> -> memref<40xi32, #tpu.memory_space<vmem>>
    %dma_wait3A_271 = arith.constant 0 : i32
    %dma_wait3A_272 = arith.constant 0 : i32
    %dma_wait3A_273 = tpu.memref_slice %arg4[%dma_wait3A_271, %dma_wait3A_272] : memref<100000x128xf32, #tpu.memory_space<hbm>> -> memref<100000x128xf32, #tpu.memory_space<hbm>>
    tpu.wait_indirect_dma semaphore(%arg18 : memref<!tpu.dma_semaphore, #tpu.memory_space<semaphore_mem>>) src(%dma_wait3A_273 : memref<100000x128xf32, #tpu.memory_space<hbm>>) dst(%dma_wait3A_267 : memref<40x128xf32, #tpu.memory_space<vmem>>)
    %dma_wait3A_274 = arith.constant 1 : i32
    %dma_wait3A_275 = arith.constant 1 : i32
    %dma_wait3A_276 = arith.constant 40 : i32
    %dma_wait3A_277 = arith.constant 0 : i32
    %dma_wait3A_278 = tpu.memref_slice %arg11[%dma_wait3A_276, %dma_wait3A_277] : memref<80x128xf32, #tpu.memory_space<vmem>> -> memref<40x128xf32, #tpu.memory_space<vmem>>
    %dma_wait3A_279 = arith.constant 40 : i32
    %dma_wait3A_280 = tpu.memref_slice %arg7[%dma_wait3A_274, %dma_wait3A_275, %dma_wait3A_279] : memref<2x2x80xi32, #tpu.memory_space<vmem>> -> memref<1x1x40xi32, #tpu.memory_space<vmem>>
    %dma_wait3A_281 = tpu.memref_squeeze %dma_wait3A_280 : memref<1x1x40xi32, #tpu.memory_space<vmem>> -> memref<40xi32, #tpu.memory_space<vmem>>
    %dma_wait3A_282 = arith.constant 0 : i32
    %dma_wait3A_283 = arith.constant 0 : i32
    %dma_wait3A_284 = tpu.memref_slice %arg4[%dma_wait3A_282, %dma_wait3A_283] : memref<100000x128xf32, #tpu.memory_space<hbm>> -> memref<100000x128xf32, #tpu.memory_space<hbm>>
    tpu.wait_indirect_dma semaphore(%arg18 : memref<!tpu.dma_semaphore, #tpu.memory_space<semaphore_mem>>) src(%dma_wait3A_284 : memref<100000x128xf32, #tpu.memory_space<hbm>>) dst(%dma_wait3A_278 : memref<40x128xf32, #tpu.memory_space<vmem>>)
    %add3A_285 = arith.constant 1 : i32
    %add3A_286 = arith.addi %mul3A_2, %add3A_285 : i32
    %mul3A_287 = arith.constant 160 : i32
    %mul3A_288 = arith.muli %add3A_286, %mul3A_287 : i32
    %dma_start3A_289 = arith.constant 0 : i32
    %dma_start3A_290 = tpu.memref_slice %arg5[%mul3A_288, %dma_start3A_289] : memref<10240x128xf32, #tpu.memory_space<hbm>> -> memref<80x128xf32, #tpu.memory_space<hbm>>
    %dma_start3A_291 = arith.constant 0 : i32
    %dma_start3A_292 = tpu.memref_slice %arg5[%mul3A_288, %dma_start3A_291] : memref<10240x128xf32, #tpu.memory_space<hbm>> -> memref<80x128xf32, #tpu.memory_space<hbm>>
    tpu.enqueue_dma source(%arg10 : memref<80x128xf32, #tpu.memory_space<vmem>>) target(%dma_start3A_292 : memref<80x128xf32, #tpu.memory_space<hbm>>) target_semaphore(%arg21 : memref<!tpu.dma_semaphore, #tpu.memory_space<semaphore_mem>>)
    %mul3A_293 = arith.constant 160 : i32
    %mul3A_294 = arith.muli %add3A_286, %mul3A_293 : i32
    %add3A_295 = arith.constant 80 : i32
    %add3A_296 = arith.addi %mul3A_294, %add3A_295 : i32
    %dma_start3A_297 = arith.constant 0 : i32
    %dma_start3A_298 = tpu.memref_slice %arg5[%add3A_296, %dma_start3A_297] : memref<10240x128xf32, #tpu.memory_space<hbm>> -> memref<80x128xf32, #tpu.memory_space<hbm>>
    %dma_start3A_299 = arith.constant 0 : i32
    %dma_start3A_300 = tpu.memref_slice %arg5[%add3A_296, %dma_start3A_299] : memref<10240x128xf32, #tpu.memory_space<hbm>> -> memref<80x128xf32, #tpu.memory_space<hbm>>
    tpu.enqueue_dma source(%arg11 : memref<80x128xf32, #tpu.memory_space<vmem>>) target(%dma_start3A_300 : memref<80x128xf32, #tpu.memory_space<hbm>>) target_semaphore(%arg21 : memref<!tpu.dma_semaphore, #tpu.memory_space<semaphore_mem>>)
    %dma_wait3A_301 = arith.constant 0 : i32
    %dma_wait3A_302 = arith.constant 0 : i32
    %dma_wait3A_303 = tpu.memref_slice %arg6[%add3A_216, %dma_wait3A_301, %dma_wait3A_302] : memref<64x160x160xf32, #tpu.memory_space<hbm>> -> memref<1x160x160xf32, #tpu.memory_space<hbm>>
    %dma_wait3A_304 = tpu.memref_squeeze %dma_wait3A_303 : memref<1x160x160xf32, #tpu.memory_space<hbm>> -> memref<160x160xf32, #tpu.memory_space<hbm>>
    %dma_wait3A_305 = arith.constant 0 : i32
    %dma_wait3A_306 = arith.constant 0 : i32
    %dma_wait3A_307 = tpu.memref_slice %arg6[%add3A_216, %dma_wait3A_305, %dma_wait3A_306] : memref<64x160x160xf32, #tpu.memory_space<hbm>> -> memref<1x160x160xf32, #tpu.memory_space<hbm>>
    %dma_wait3A_308 = tpu.memref_squeeze %dma_wait3A_307 : memref<1x160x160xf32, #tpu.memory_space<hbm>> -> memref<160x160xf32, #tpu.memory_space<hbm>>
    tpu.wait_dma2 semaphore(%arg26 : memref<!tpu.dma_semaphore, #tpu.memory_space<semaphore_mem>>) src(%arg16 : memref<160x160xf32, #tpu.memory_space<vmem>>) dst(%dma_wait3A_308 : memref<160x160xf32, #tpu.memory_space<hbm>>)
    %dma_wait3A_309 = arith.constant 0 : i32
    %dma_wait3A_310 = tpu.memref_slice %arg5[%mul3A_186, %dma_wait3A_309] : memref<10240x128xf32, #tpu.memory_space<hbm>> -> memref<80x128xf32, #tpu.memory_space<hbm>>
    %dma_wait3A_311 = arith.constant 0 : i32
    %dma_wait3A_312 = tpu.memref_slice %arg5[%mul3A_186, %dma_wait3A_311] : memref<10240x128xf32, #tpu.memory_space<hbm>> -> memref<80x128xf32, #tpu.memory_space<hbm>>
    tpu.wait_dma2 semaphore(%arg20 : memref<!tpu.dma_semaphore, #tpu.memory_space<semaphore_mem>>) src(%arg8 : memref<80x128xf32, #tpu.memory_space<vmem>>) dst(%dma_wait3A_312 : memref<80x128xf32, #tpu.memory_space<hbm>>)
    %dma_wait3A_313 = arith.constant 0 : i32
    %dma_wait3A_314 = tpu.memref_slice %arg5[%add3A_194, %dma_wait3A_313] : memref<10240x128xf32, #tpu.memory_space<hbm>> -> memref<80x128xf32, #tpu.memory_space<hbm>>
    %dma_wait3A_315 = arith.constant 0 : i32
    %dma_wait3A_316 = tpu.memref_slice %arg5[%add3A_194, %dma_wait3A_315] : memref<10240x128xf32, #tpu.memory_space<hbm>> -> memref<80x128xf32, #tpu.memory_space<hbm>>
    tpu.wait_dma2 semaphore(%arg20 : memref<!tpu.dma_semaphore, #tpu.memory_space<semaphore_mem>>) src(%arg9 : memref<80x128xf32, #tpu.memory_space<vmem>>) dst(%dma_wait3A_316 : memref<80x128xf32, #tpu.memory_space<hbm>>)
    %dma_wait3A_317 = arith.constant 0 : i32
    %dma_wait3A_318 = tpu.memref_slice %arg5[%mul3A_288, %dma_wait3A_317] : memref<10240x128xf32, #tpu.memory_space<hbm>> -> memref<80x128xf32, #tpu.memory_space<hbm>>
    %dma_wait3A_319 = arith.constant 0 : i32
    %dma_wait3A_320 = tpu.memref_slice %arg5[%mul3A_288, %dma_wait3A_319] : memref<10240x128xf32, #tpu.memory_space<hbm>> -> memref<80x128xf32, #tpu.memory_space<hbm>>
    tpu.wait_dma2 semaphore(%arg21 : memref<!tpu.dma_semaphore, #tpu.memory_space<semaphore_mem>>) src(%arg10 : memref<80x128xf32, #tpu.memory_space<vmem>>) dst(%dma_wait3A_320 : memref<80x128xf32, #tpu.memory_space<hbm>>)
    %dma_wait3A_321 = arith.constant 0 : i32
    %dma_wait3A_322 = tpu.memref_slice %arg5[%add3A_296, %dma_wait3A_321] : memref<10240x128xf32, #tpu.memory_space<hbm>> -> memref<80x128xf32, #tpu.memory_space<hbm>>
    %dma_wait3A_323 = arith.constant 0 : i32
    %dma_wait3A_324 = tpu.memref_slice %arg5[%add3A_296, %dma_wait3A_323] : memref<10240x128xf32, #tpu.memory_space<hbm>> -> memref<80x128xf32, #tpu.memory_space<hbm>>
    tpu.wait_dma2 semaphore(%arg21 : memref<!tpu.dma_semaphore, #tpu.memory_space<semaphore_mem>>) src(%arg11 : memref<80x128xf32, #tpu.memory_space<vmem>>) dst(%dma_wait3A_324 : memref<80x128xf32, #tpu.memory_space<hbm>>)
    return
  }
}

module attributes {stable_mosaic.version = 14 : i64} {
  func.func @_tc_body(%arg0: i32, %arg1: memref<32x160x160xf32, #tpu.memory_space<vmem>>, %arg2: memref<32x160x128xf32, #tpu.memory_space<vmem>>, %arg3: memref<128x128xf32, #tpu.memory_space<vmem>>, %arg4: memref<1x128xf32, #tpu.memory_space<vmem>>, %arg5: memref<1x128xf32, #tpu.memory_space<vmem>>, %arg6: memref<1x128xf32, #tpu.memory_space<vmem>>, %arg7: memref<128x128xf32, #tpu.memory_space<vmem>>, %arg8: memref<1x128xf32, #tpu.memory_space<vmem>>, %arg9: memref<1x128xf32, #tpu.memory_space<vmem>>, %arg10: memref<32x128xf32, #tpu.memory_space<vmem>>, %arg11: memref<32x160xf32, #tpu.memory_space<vmem>>) attributes {dimension_semantics = [#tpu.dimension_semantics<arbitrary>], iteration_bounds = array<i64: 2>, scalar_prefetch = 0 : i64, scratch_operands = 0 : i64, tpu.core_type = #tpu.core_type<tc>, window_params = [{transform_indices = @transform_0, window_bounds = array<i64: 32, 160, 160>}, {transform_indices = @transform_1, window_bounds = array<i64: 32, 160, 128>}, {pipeline_mode = #tpu.pipeline_mode<synchronous>, transform_indices = @transform_2, window_bounds = array<i64: 128, 128>}, {pipeline_mode = #tpu.pipeline_mode<synchronous>, transform_indices = @transform_3, window_bounds = array<i64: 1, 128>}, {pipeline_mode = #tpu.pipeline_mode<synchronous>, transform_indices = @transform_4, window_bounds = array<i64: 1, 128>}, {pipeline_mode = #tpu.pipeline_mode<synchronous>, transform_indices = @transform_5, window_bounds = array<i64: 1, 128>}, {pipeline_mode = #tpu.pipeline_mode<synchronous>, transform_indices = @transform_6, window_bounds = array<i64: 128, 128>}, {pipeline_mode = #tpu.pipeline_mode<synchronous>, transform_indices = @transform_7, window_bounds = array<i64: 1, 128>}, {pipeline_mode = #tpu.pipeline_mode<synchronous>, transform_indices = @transform_8, window_bounds = array<i64: 1, 128>}, {transform_indices = @transform_9, window_bounds = array<i64: 32, 128>}, {transform_indices = @transform_10, window_bounds = array<i64: 32, 160>}]} {
    %iota3A = tpu.iota {dimensions = array<i32: 1>} : vector<1x160x1xi32>
    %lt3A = arith.constant 150 : i32
    %lt3A_0 = vector.broadcast %lt3A : i32 to vector<1x160x1xi32>
    %lt3A_1 = arith.cmpi slt, %iota3A, %lt3A_0 : vector<1x160x1xi32>
    %convert_element_type3A = arith.extui %lt3A_1 : vector<1x160x1xi1> to vector<1x160x1xi32>
    %convert_element_type3A_2 = arith.sitofp %convert_element_type3A : vector<1x160x1xi32> to vector<1x160x1xf32>
    %get3A = arith.constant 0 : index
    %get3A_3 = arith.constant 0 : index
    %get3A_4 = arith.constant 0 : index
    %get3A_5 = vector.load %arg1[%get3A, %get3A_3, %get3A_4] : memref<32x160x160xf32, #tpu.memory_space<vmem>>, vector<32x160x160xf32>
    %reduce_sum3A = arith.constant dense<0.000000e+00> : vector<32x160xf32>
    %reduce_sum3A_6 = vector.multi_reduction <add>, %get3A_5, %reduce_sum3A [2] : vector<32x160x160xf32> to vector<32x160xf32>
    %broadcast_in_dim3A = vector.shape_cast %reduce_sum3A_6 : vector<32x160xf32> to vector<32x160x1xf32>
    %add3A = vector.broadcast %convert_element_type3A_2 : vector<1x160x1xf32> to vector<32x160x1xf32>
    %add3A_7 = arith.addf %broadcast_in_dim3A, %add3A : vector<32x160x1xf32>
    %gt3A = arith.constant 0.000000e+00 : f32
    %gt3A_8 = vector.broadcast %gt3A : f32 to vector<32x160x1xf32>
    %gt3A_9 = arith.cmpf ogt, %add3A_7, %gt3A_8 : vector<32x160x1xf32>
    %rsqrt3A = math.rsqrt %add3A_7 : vector<32x160x1xf32>
    %jit3A = arith.constant 0.000000e+00 : f32
    %broadcast_in_dim3A_10 = vector.broadcast %jit3A : f32 to vector<32x160x1xf32>
    %select_n3A = arith.select %gt3A_9, %rsqrt3A, %broadcast_in_dim3A_10 : vector<32x160x1xi1>, vector<32x160x1xf32>
    %iota3A_11 = tpu.iota {dimensions = array<i32: 0>} : vector<160x160xi32>
    %iota3A_12 = tpu.iota {dimensions = array<i32: 1>} : vector<160x160xi32>
    %eq3A = arith.cmpi eq, %iota3A_11, %iota3A_12 : vector<160x160xi32>
    %lt3A_13 = arith.constant 150 : i32
    %lt3A_14 = vector.broadcast %lt3A_13 : i32 to vector<160x160xi32>
    %lt3A_15 = arith.cmpi slt, %iota3A_11, %lt3A_14 : vector<160x160xi32>
    %and3A = arith.andi %eq3A, %lt3A_15 : vector<160x160xi1>
    %jit3A_16 = arith.constant 1.000000e+00 : f32
    %jit3A_17 = arith.constant 0.000000e+00 : f32
    %broadcast_in_dim3A_18 = vector.broadcast %jit3A_16 : f32 to vector<160x160xf32>
    %broadcast_in_dim3A_19 = vector.broadcast %jit3A_17 : f32 to vector<160x160xf32>
    %select_n3A_20 = arith.select %and3A, %broadcast_in_dim3A_18, %broadcast_in_dim3A_19 : vector<160x160xi1>, vector<160x160xf32>
    %get3A_21 = arith.constant 0 : index
    %get3A_22 = arith.constant 0 : index
    %get3A_23 = arith.constant 0 : index
    %get3A_24 = vector.load %arg2[%get3A_21, %get3A_22, %get3A_23] : memref<32x160x128xf32, #tpu.memory_space<vmem>>, vector<32x160x128xf32>
    %reshape3A = vector.shape_cast %get3A_24 : vector<32x160x128xf32> to vector<5120x128xf32>
    %get3A_25 = arith.constant 0 : index
    %get3A_26 = arith.constant 0 : index
    %get3A_27 = vector.load %arg3[%get3A_25, %get3A_26] : memref<128x128xf32, #tpu.memory_space<vmem>>, vector<128x128xf32>
    %dot_general3A = arith.constant dense<0.000000e+00> : vector<5120x128xf32>
    %dot_general3A_28 = tpu.matmul %reshape3A, %get3A_27, %dot_general3A {dimension_numbers = #tpu.dot_dimension_numbers<[1], [0], [0], [1], [0, 0, 1, 1], [], []>, transpose_lhs_hint = false} : vector<5120x128xf32>, vector<128x128xf32>, vector<5120x128xf32> -> vector<5120x128xf32>
    %reshape3A_29 = vector.shape_cast %dot_general3A_28 : vector<5120x128xf32> to vector<32x160x128xf32>
    %mul3A = vector.broadcast %select_n3A : vector<32x160x1xf32> to vector<32x160x128xf32>
    %mul3A_30 = arith.mulf %reshape3A_29, %mul3A : vector<32x160x128xf32>
    %slice3A = vector.extract_strided_slice %get3A_5 {offsets = [0, 0, 0], sizes = [1, 160, 160], strides = [1, 1, 1]} : vector<32x160x160xf32> to vector<1x160x160xf32>
    %squeeze3A = vector.shape_cast %slice3A : vector<1x160x160xf32> to vector<160x160xf32>
    %add3A_31 = arith.addf %squeeze3A, %select_n3A_20 : vector<160x160xf32>
    %slice3A_32 = vector.extract_strided_slice %mul3A_30 {offsets = [0, 0, 0], sizes = [1, 160, 128], strides = [1, 1, 1]} : vector<32x160x128xf32> to vector<1x160x128xf32>
    %squeeze3A_33 = vector.shape_cast %slice3A_32 : vector<1x160x128xf32> to vector<160x128xf32>
    %dot_general3A_34 = arith.constant dense<0.000000e+00> : vector<160x128xf32>
    %dot_general3A_35 = tpu.matmul %add3A_31, %squeeze3A_33, %dot_general3A_34 {dimension_numbers = #tpu.dot_dimension_numbers<[1], [0], [0], [1], [0, 0, 1, 1], [], []>, transpose_lhs_hint = false} : vector<160x160xf32>, vector<160x128xf32>, vector<160x128xf32> -> vector<160x128xf32>
    %slice3A_36 = vector.extract_strided_slice %get3A_5 {offsets = [1, 0, 0], sizes = [1, 160, 160], strides = [1, 1, 1]} : vector<32x160x160xf32> to vector<1x160x160xf32>
    %squeeze3A_37 = vector.shape_cast %slice3A_36 : vector<1x160x160xf32> to vector<160x160xf32>
    %add3A_38 = arith.addf %squeeze3A_37, %select_n3A_20 : vector<160x160xf32>
    %slice3A_39 = vector.extract_strided_slice %mul3A_30 {offsets = [1, 0, 0], sizes = [1, 160, 128], strides = [1, 1, 1]} : vector<32x160x128xf32> to vector<1x160x128xf32>
    %squeeze3A_40 = vector.shape_cast %slice3A_39 : vector<1x160x128xf32> to vector<160x128xf32>
    %dot_general3A_41 = arith.constant dense<0.000000e+00> : vector<160x128xf32>
    %dot_general3A_42 = tpu.matmul %add3A_38, %squeeze3A_40, %dot_general3A_41 {dimension_numbers = #tpu.dot_dimension_numbers<[1], [0], [0], [1], [0, 0, 1, 1], [], []>, transpose_lhs_hint = false} : vector<160x160xf32>, vector<160x128xf32>, vector<160x128xf32> -> vector<160x128xf32>
    %slice3A_43 = vector.extract_strided_slice %get3A_5 {offsets = [2, 0, 0], sizes = [1, 160, 160], strides = [1, 1, 1]} : vector<32x160x160xf32> to vector<1x160x160xf32>
    %squeeze3A_44 = vector.shape_cast %slice3A_43 : vector<1x160x160xf32> to vector<160x160xf32>
    %add3A_45 = arith.addf %squeeze3A_44, %select_n3A_20 : vector<160x160xf32>
    %slice3A_46 = vector.extract_strided_slice %mul3A_30 {offsets = [2, 0, 0], sizes = [1, 160, 128], strides = [1, 1, 1]} : vector<32x160x128xf32> to vector<1x160x128xf32>
    %squeeze3A_47 = vector.shape_cast %slice3A_46 : vector<1x160x128xf32> to vector<160x128xf32>
    %dot_general3A_48 = arith.constant dense<0.000000e+00> : vector<160x128xf32>
    %dot_general3A_49 = tpu.matmul %add3A_45, %squeeze3A_47, %dot_general3A_48 {dimension_numbers = #tpu.dot_dimension_numbers<[1], [0], [0], [1], [0, 0, 1, 1], [], []>, transpose_lhs_hint = false} : vector<160x160xf32>, vector<160x128xf32>, vector<160x128xf32> -> vector<160x128xf32>
    %slice3A_50 = vector.extract_strided_slice %get3A_5 {offsets = [3, 0, 0], sizes = [1, 160, 160], strides = [1, 1, 1]} : vector<32x160x160xf32> to vector<1x160x160xf32>
    %squeeze3A_51 = vector.shape_cast %slice3A_50 : vector<1x160x160xf32> to vector<160x160xf32>
    %add3A_52 = arith.addf %squeeze3A_51, %select_n3A_20 : vector<160x160xf32>
    %slice3A_53 = vector.extract_strided_slice %mul3A_30 {offsets = [3, 0, 0], sizes = [1, 160, 128], strides = [1, 1, 1]} : vector<32x160x128xf32> to vector<1x160x128xf32>
    %squeeze3A_54 = vector.shape_cast %slice3A_53 : vector<1x160x128xf32> to vector<160x128xf32>
    %dot_general3A_55 = arith.constant dense<0.000000e+00> : vector<160x128xf32>
    %dot_general3A_56 = tpu.matmul %add3A_52, %squeeze3A_54, %dot_general3A_55 {dimension_numbers = #tpu.dot_dimension_numbers<[1], [0], [0], [1], [0, 0, 1, 1], [], []>, transpose_lhs_hint = false} : vector<160x160xf32>, vector<160x128xf32>, vector<160x128xf32> -> vector<160x128xf32>
    %slice3A_57 = vector.extract_strided_slice %get3A_5 {offsets = [4, 0, 0], sizes = [1, 160, 160], strides = [1, 1, 1]} : vector<32x160x160xf32> to vector<1x160x160xf32>
    %squeeze3A_58 = vector.shape_cast %slice3A_57 : vector<1x160x160xf32> to vector<160x160xf32>
    %add3A_59 = arith.addf %squeeze3A_58, %select_n3A_20 : vector<160x160xf32>
    %slice3A_60 = vector.extract_strided_slice %mul3A_30 {offsets = [4, 0, 0], sizes = [1, 160, 128], strides = [1, 1, 1]} : vector<32x160x128xf32> to vector<1x160x128xf32>
    %squeeze3A_61 = vector.shape_cast %slice3A_60 : vector<1x160x128xf32> to vector<160x128xf32>
    %dot_general3A_62 = arith.constant dense<0.000000e+00> : vector<160x128xf32>
    %dot_general3A_63 = tpu.matmul %add3A_59, %squeeze3A_61, %dot_general3A_62 {dimension_numbers = #tpu.dot_dimension_numbers<[1], [0], [0], [1], [0, 0, 1, 1], [], []>, transpose_lhs_hint = false} : vector<160x160xf32>, vector<160x128xf32>, vector<160x128xf32> -> vector<160x128xf32>
    %slice3A_64 = vector.extract_strided_slice %get3A_5 {offsets = [5, 0, 0], sizes = [1, 160, 160], strides = [1, 1, 1]} : vector<32x160x160xf32> to vector<1x160x160xf32>
    %squeeze3A_65 = vector.shape_cast %slice3A_64 : vector<1x160x160xf32> to vector<160x160xf32>
    %add3A_66 = arith.addf %squeeze3A_65, %select_n3A_20 : vector<160x160xf32>
    %slice3A_67 = vector.extract_strided_slice %mul3A_30 {offsets = [5, 0, 0], sizes = [1, 160, 128], strides = [1, 1, 1]} : vector<32x160x128xf32> to vector<1x160x128xf32>
    %squeeze3A_68 = vector.shape_cast %slice3A_67 : vector<1x160x128xf32> to vector<160x128xf32>
    %dot_general3A_69 = arith.constant dense<0.000000e+00> : vector<160x128xf32>
    %dot_general3A_70 = tpu.matmul %add3A_66, %squeeze3A_68, %dot_general3A_69 {dimension_numbers = #tpu.dot_dimension_numbers<[1], [0], [0], [1], [0, 0, 1, 1], [], []>, transpose_lhs_hint = false} : vector<160x160xf32>, vector<160x128xf32>, vector<160x128xf32> -> vector<160x128xf32>
    %slice3A_71 = vector.extract_strided_slice %get3A_5 {offsets = [6, 0, 0], sizes = [1, 160, 160], strides = [1, 1, 1]} : vector<32x160x160xf32> to vector<1x160x160xf32>
    %squeeze3A_72 = vector.shape_cast %slice3A_71 : vector<1x160x160xf32> to vector<160x160xf32>
    %add3A_73 = arith.addf %squeeze3A_72, %select_n3A_20 : vector<160x160xf32>
    %slice3A_74 = vector.extract_strided_slice %mul3A_30 {offsets = [6, 0, 0], sizes = [1, 160, 128], strides = [1, 1, 1]} : vector<32x160x128xf32> to vector<1x160x128xf32>
    %squeeze3A_75 = vector.shape_cast %slice3A_74 : vector<1x160x128xf32> to vector<160x128xf32>
    %dot_general3A_76 = arith.constant dense<0.000000e+00> : vector<160x128xf32>
    %dot_general3A_77 = tpu.matmul %add3A_73, %squeeze3A_75, %dot_general3A_76 {dimension_numbers = #tpu.dot_dimension_numbers<[1], [0], [0], [1], [0, 0, 1, 1], [], []>, transpose_lhs_hint = false} : vector<160x160xf32>, vector<160x128xf32>, vector<160x128xf32> -> vector<160x128xf32>
    %slice3A_78 = vector.extract_strided_slice %get3A_5 {offsets = [7, 0, 0], sizes = [1, 160, 160], strides = [1, 1, 1]} : vector<32x160x160xf32> to vector<1x160x160xf32>
    %squeeze3A_79 = vector.shape_cast %slice3A_78 : vector<1x160x160xf32> to vector<160x160xf32>
    %add3A_80 = arith.addf %squeeze3A_79, %select_n3A_20 : vector<160x160xf32>
    %slice3A_81 = vector.extract_strided_slice %mul3A_30 {offsets = [7, 0, 0], sizes = [1, 160, 128], strides = [1, 1, 1]} : vector<32x160x128xf32> to vector<1x160x128xf32>
    %squeeze3A_82 = vector.shape_cast %slice3A_81 : vector<1x160x128xf32> to vector<160x128xf32>
    %dot_general3A_83 = arith.constant dense<0.000000e+00> : vector<160x128xf32>
    %dot_general3A_84 = tpu.matmul %add3A_80, %squeeze3A_82, %dot_general3A_83 {dimension_numbers = #tpu.dot_dimension_numbers<[1], [0], [0], [1], [0, 0, 1, 1], [], []>, transpose_lhs_hint = false} : vector<160x160xf32>, vector<160x128xf32>, vector<160x128xf32> -> vector<160x128xf32>
    %slice3A_85 = vector.extract_strided_slice %get3A_5 {offsets = [8, 0, 0], sizes = [1, 160, 160], strides = [1, 1, 1]} : vector<32x160x160xf32> to vector<1x160x160xf32>
    %squeeze3A_86 = vector.shape_cast %slice3A_85 : vector<1x160x160xf32> to vector<160x160xf32>
    %add3A_87 = arith.addf %squeeze3A_86, %select_n3A_20 : vector<160x160xf32>
    %slice3A_88 = vector.extract_strided_slice %mul3A_30 {offsets = [8, 0, 0], sizes = [1, 160, 128], strides = [1, 1, 1]} : vector<32x160x128xf32> to vector<1x160x128xf32>
    %squeeze3A_89 = vector.shape_cast %slice3A_88 : vector<1x160x128xf32> to vector<160x128xf32>
    %dot_general3A_90 = arith.constant dense<0.000000e+00> : vector<160x128xf32>
    %dot_general3A_91 = tpu.matmul %add3A_87, %squeeze3A_89, %dot_general3A_90 {dimension_numbers = #tpu.dot_dimension_numbers<[1], [0], [0], [1], [0, 0, 1, 1], [], []>, transpose_lhs_hint = false} : vector<160x160xf32>, vector<160x128xf32>, vector<160x128xf32> -> vector<160x128xf32>
    %slice3A_92 = vector.extract_strided_slice %get3A_5 {offsets = [9, 0, 0], sizes = [1, 160, 160], strides = [1, 1, 1]} : vector<32x160x160xf32> to vector<1x160x160xf32>
    %squeeze3A_93 = vector.shape_cast %slice3A_92 : vector<1x160x160xf32> to vector<160x160xf32>
    %add3A_94 = arith.addf %squeeze3A_93, %select_n3A_20 : vector<160x160xf32>
    %slice3A_95 = vector.extract_strided_slice %mul3A_30 {offsets = [9, 0, 0], sizes = [1, 160, 128], strides = [1, 1, 1]} : vector<32x160x128xf32> to vector<1x160x128xf32>
    %squeeze3A_96 = vector.shape_cast %slice3A_95 : vector<1x160x128xf32> to vector<160x128xf32>
    %dot_general3A_97 = arith.constant dense<0.000000e+00> : vector<160x128xf32>
    %dot_general3A_98 = tpu.matmul %add3A_94, %squeeze3A_96, %dot_general3A_97 {dimension_numbers = #tpu.dot_dimension_numbers<[1], [0], [0], [1], [0, 0, 1, 1], [], []>, transpose_lhs_hint = false} : vector<160x160xf32>, vector<160x128xf32>, vector<160x128xf32> -> vector<160x128xf32>
    %slice3A_99 = vector.extract_strided_slice %get3A_5 {offsets = [10, 0, 0], sizes = [1, 160, 160], strides = [1, 1, 1]} : vector<32x160x160xf32> to vector<1x160x160xf32>
    %squeeze3A_100 = vector.shape_cast %slice3A_99 : vector<1x160x160xf32> to vector<160x160xf32>
    %add3A_101 = arith.addf %squeeze3A_100, %select_n3A_20 : vector<160x160xf32>
    %slice3A_102 = vector.extract_strided_slice %mul3A_30 {offsets = [10, 0, 0], sizes = [1, 160, 128], strides = [1, 1, 1]} : vector<32x160x128xf32> to vector<1x160x128xf32>
    %squeeze3A_103 = vector.shape_cast %slice3A_102 : vector<1x160x128xf32> to vector<160x128xf32>
    %dot_general3A_104 = arith.constant dense<0.000000e+00> : vector<160x128xf32>
    %dot_general3A_105 = tpu.matmul %add3A_101, %squeeze3A_103, %dot_general3A_104 {dimension_numbers = #tpu.dot_dimension_numbers<[1], [0], [0], [1], [0, 0, 1, 1], [], []>, transpose_lhs_hint = false} : vector<160x160xf32>, vector<160x128xf32>, vector<160x128xf32> -> vector<160x128xf32>
    %slice3A_106 = vector.extract_strided_slice %get3A_5 {offsets = [11, 0, 0], sizes = [1, 160, 160], strides = [1, 1, 1]} : vector<32x160x160xf32> to vector<1x160x160xf32>
    %squeeze3A_107 = vector.shape_cast %slice3A_106 : vector<1x160x160xf32> to vector<160x160xf32>
    %add3A_108 = arith.addf %squeeze3A_107, %select_n3A_20 : vector<160x160xf32>
    %slice3A_109 = vector.extract_strided_slice %mul3A_30 {offsets = [11, 0, 0], sizes = [1, 160, 128], strides = [1, 1, 1]} : vector<32x160x128xf32> to vector<1x160x128xf32>
    %squeeze3A_110 = vector.shape_cast %slice3A_109 : vector<1x160x128xf32> to vector<160x128xf32>
    %dot_general3A_111 = arith.constant dense<0.000000e+00> : vector<160x128xf32>
    %dot_general3A_112 = tpu.matmul %add3A_108, %squeeze3A_110, %dot_general3A_111 {dimension_numbers = #tpu.dot_dimension_numbers<[1], [0], [0], [1], [0, 0, 1, 1], [], []>, transpose_lhs_hint = false} : vector<160x160xf32>, vector<160x128xf32>, vector<160x128xf32> -> vector<160x128xf32>
    %slice3A_113 = vector.extract_strided_slice %get3A_5 {offsets = [12, 0, 0], sizes = [1, 160, 160], strides = [1, 1, 1]} : vector<32x160x160xf32> to vector<1x160x160xf32>
    %squeeze3A_114 = vector.shape_cast %slice3A_113 : vector<1x160x160xf32> to vector<160x160xf32>
    %add3A_115 = arith.addf %squeeze3A_114, %select_n3A_20 : vector<160x160xf32>
    %slice3A_116 = vector.extract_strided_slice %mul3A_30 {offsets = [12, 0, 0], sizes = [1, 160, 128], strides = [1, 1, 1]} : vector<32x160x128xf32> to vector<1x160x128xf32>
    %squeeze3A_117 = vector.shape_cast %slice3A_116 : vector<1x160x128xf32> to vector<160x128xf32>
    %dot_general3A_118 = arith.constant dense<0.000000e+00> : vector<160x128xf32>
    %dot_general3A_119 = tpu.matmul %add3A_115, %squeeze3A_117, %dot_general3A_118 {dimension_numbers = #tpu.dot_dimension_numbers<[1], [0], [0], [1], [0, 0, 1, 1], [], []>, transpose_lhs_hint = false} : vector<160x160xf32>, vector<160x128xf32>, vector<160x128xf32> -> vector<160x128xf32>
    %slice3A_120 = vector.extract_strided_slice %get3A_5 {offsets = [13, 0, 0], sizes = [1, 160, 160], strides = [1, 1, 1]} : vector<32x160x160xf32> to vector<1x160x160xf32>
    %squeeze3A_121 = vector.shape_cast %slice3A_120 : vector<1x160x160xf32> to vector<160x160xf32>
    %add3A_122 = arith.addf %squeeze3A_121, %select_n3A_20 : vector<160x160xf32>
    %slice3A_123 = vector.extract_strided_slice %mul3A_30 {offsets = [13, 0, 0], sizes = [1, 160, 128], strides = [1, 1, 1]} : vector<32x160x128xf32> to vector<1x160x128xf32>
    %squeeze3A_124 = vector.shape_cast %slice3A_123 : vector<1x160x128xf32> to vector<160x128xf32>
    %dot_general3A_125 = arith.constant dense<0.000000e+00> : vector<160x128xf32>
    %dot_general3A_126 = tpu.matmul %add3A_122, %squeeze3A_124, %dot_general3A_125 {dimension_numbers = #tpu.dot_dimension_numbers<[1], [0], [0], [1], [0, 0, 1, 1], [], []>, transpose_lhs_hint = false} : vector<160x160xf32>, vector<160x128xf32>, vector<160x128xf32> -> vector<160x128xf32>
    %slice3A_127 = vector.extract_strided_slice %get3A_5 {offsets = [14, 0, 0], sizes = [1, 160, 160], strides = [1, 1, 1]} : vector<32x160x160xf32> to vector<1x160x160xf32>
    %squeeze3A_128 = vector.shape_cast %slice3A_127 : vector<1x160x160xf32> to vector<160x160xf32>
    %add3A_129 = arith.addf %squeeze3A_128, %select_n3A_20 : vector<160x160xf32>
    %slice3A_130 = vector.extract_strided_slice %mul3A_30 {offsets = [14, 0, 0], sizes = [1, 160, 128], strides = [1, 1, 1]} : vector<32x160x128xf32> to vector<1x160x128xf32>
    %squeeze3A_131 = vector.shape_cast %slice3A_130 : vector<1x160x128xf32> to vector<160x128xf32>
    %dot_general3A_132 = arith.constant dense<0.000000e+00> : vector<160x128xf32>
    %dot_general3A_133 = tpu.matmul %add3A_129, %squeeze3A_131, %dot_general3A_132 {dimension_numbers = #tpu.dot_dimension_numbers<[1], [0], [0], [1], [0, 0, 1, 1], [], []>, transpose_lhs_hint = false} : vector<160x160xf32>, vector<160x128xf32>, vector<160x128xf32> -> vector<160x128xf32>
    %slice3A_134 = vector.extract_strided_slice %get3A_5 {offsets = [15, 0, 0], sizes = [1, 160, 160], strides = [1, 1, 1]} : vector<32x160x160xf32> to vector<1x160x160xf32>
    %squeeze3A_135 = vector.shape_cast %slice3A_134 : vector<1x160x160xf32> to vector<160x160xf32>
    %add3A_136 = arith.addf %squeeze3A_135, %select_n3A_20 : vector<160x160xf32>
    %slice3A_137 = vector.extract_strided_slice %mul3A_30 {offsets = [15, 0, 0], sizes = [1, 160, 128], strides = [1, 1, 1]} : vector<32x160x128xf32> to vector<1x160x128xf32>
    %squeeze3A_138 = vector.shape_cast %slice3A_137 : vector<1x160x128xf32> to vector<160x128xf32>
    %dot_general3A_139 = arith.constant dense<0.000000e+00> : vector<160x128xf32>
    %dot_general3A_140 = tpu.matmul %add3A_136, %squeeze3A_138, %dot_general3A_139 {dimension_numbers = #tpu.dot_dimension_numbers<[1], [0], [0], [1], [0, 0, 1, 1], [], []>, transpose_lhs_hint = false} : vector<160x160xf32>, vector<160x128xf32>, vector<160x128xf32> -> vector<160x128xf32>
    %slice3A_141 = vector.extract_strided_slice %get3A_5 {offsets = [16, 0, 0], sizes = [1, 160, 160], strides = [1, 1, 1]} : vector<32x160x160xf32> to vector<1x160x160xf32>
    %squeeze3A_142 = vector.shape_cast %slice3A_141 : vector<1x160x160xf32> to vector<160x160xf32>
    %add3A_143 = arith.addf %squeeze3A_142, %select_n3A_20 : vector<160x160xf32>
    %slice3A_144 = vector.extract_strided_slice %mul3A_30 {offsets = [16, 0, 0], sizes = [1, 160, 128], strides = [1, 1, 1]} : vector<32x160x128xf32> to vector<1x160x128xf32>
    %squeeze3A_145 = vector.shape_cast %slice3A_144 : vector<1x160x128xf32> to vector<160x128xf32>
    %dot_general3A_146 = arith.constant dense<0.000000e+00> : vector<160x128xf32>
    %dot_general3A_147 = tpu.matmul %add3A_143, %squeeze3A_145, %dot_general3A_146 {dimension_numbers = #tpu.dot_dimension_numbers<[1], [0], [0], [1], [0, 0, 1, 1], [], []>, transpose_lhs_hint = false} : vector<160x160xf32>, vector<160x128xf32>, vector<160x128xf32> -> vector<160x128xf32>
    %slice3A_148 = vector.extract_strided_slice %get3A_5 {offsets = [17, 0, 0], sizes = [1, 160, 160], strides = [1, 1, 1]} : vector<32x160x160xf32> to vector<1x160x160xf32>
    %squeeze3A_149 = vector.shape_cast %slice3A_148 : vector<1x160x160xf32> to vector<160x160xf32>
    %add3A_150 = arith.addf %squeeze3A_149, %select_n3A_20 : vector<160x160xf32>
    %slice3A_151 = vector.extract_strided_slice %mul3A_30 {offsets = [17, 0, 0], sizes = [1, 160, 128], strides = [1, 1, 1]} : vector<32x160x128xf32> to vector<1x160x128xf32>
    %squeeze3A_152 = vector.shape_cast %slice3A_151 : vector<1x160x128xf32> to vector<160x128xf32>
    %dot_general3A_153 = arith.constant dense<0.000000e+00> : vector<160x128xf32>
    %dot_general3A_154 = tpu.matmul %add3A_150, %squeeze3A_152, %dot_general3A_153 {dimension_numbers = #tpu.dot_dimension_numbers<[1], [0], [0], [1], [0, 0, 1, 1], [], []>, transpose_lhs_hint = false} : vector<160x160xf32>, vector<160x128xf32>, vector<160x128xf32> -> vector<160x128xf32>
    %slice3A_155 = vector.extract_strided_slice %get3A_5 {offsets = [18, 0, 0], sizes = [1, 160, 160], strides = [1, 1, 1]} : vector<32x160x160xf32> to vector<1x160x160xf32>
    %squeeze3A_156 = vector.shape_cast %slice3A_155 : vector<1x160x160xf32> to vector<160x160xf32>
    %add3A_157 = arith.addf %squeeze3A_156, %select_n3A_20 : vector<160x160xf32>
    %slice3A_158 = vector.extract_strided_slice %mul3A_30 {offsets = [18, 0, 0], sizes = [1, 160, 128], strides = [1, 1, 1]} : vector<32x160x128xf32> to vector<1x160x128xf32>
    %squeeze3A_159 = vector.shape_cast %slice3A_158 : vector<1x160x128xf32> to vector<160x128xf32>
    %dot_general3A_160 = arith.constant dense<0.000000e+00> : vector<160x128xf32>
    %dot_general3A_161 = tpu.matmul %add3A_157, %squeeze3A_159, %dot_general3A_160 {dimension_numbers = #tpu.dot_dimension_numbers<[1], [0], [0], [1], [0, 0, 1, 1], [], []>, transpose_lhs_hint = false} : vector<160x160xf32>, vector<160x128xf32>, vector<160x128xf32> -> vector<160x128xf32>
    %slice3A_162 = vector.extract_strided_slice %get3A_5 {offsets = [19, 0, 0], sizes = [1, 160, 160], strides = [1, 1, 1]} : vector<32x160x160xf32> to vector<1x160x160xf32>
    %squeeze3A_163 = vector.shape_cast %slice3A_162 : vector<1x160x160xf32> to vector<160x160xf32>
    %add3A_164 = arith.addf %squeeze3A_163, %select_n3A_20 : vector<160x160xf32>
    %slice3A_165 = vector.extract_strided_slice %mul3A_30 {offsets = [19, 0, 0], sizes = [1, 160, 128], strides = [1, 1, 1]} : vector<32x160x128xf32> to vector<1x160x128xf32>
    %squeeze3A_166 = vector.shape_cast %slice3A_165 : vector<1x160x128xf32> to vector<160x128xf32>
    %dot_general3A_167 = arith.constant dense<0.000000e+00> : vector<160x128xf32>
    %dot_general3A_168 = tpu.matmul %add3A_164, %squeeze3A_166, %dot_general3A_167 {dimension_numbers = #tpu.dot_dimension_numbers<[1], [0], [0], [1], [0, 0, 1, 1], [], []>, transpose_lhs_hint = false} : vector<160x160xf32>, vector<160x128xf32>, vector<160x128xf32> -> vector<160x128xf32>
    %slice3A_169 = vector.extract_strided_slice %get3A_5 {offsets = [20, 0, 0], sizes = [1, 160, 160], strides = [1, 1, 1]} : vector<32x160x160xf32> to vector<1x160x160xf32>
    %squeeze3A_170 = vector.shape_cast %slice3A_169 : vector<1x160x160xf32> to vector<160x160xf32>
    %add3A_171 = arith.addf %squeeze3A_170, %select_n3A_20 : vector<160x160xf32>
    %slice3A_172 = vector.extract_strided_slice %mul3A_30 {offsets = [20, 0, 0], sizes = [1, 160, 128], strides = [1, 1, 1]} : vector<32x160x128xf32> to vector<1x160x128xf32>
    %squeeze3A_173 = vector.shape_cast %slice3A_172 : vector<1x160x128xf32> to vector<160x128xf32>
    %dot_general3A_174 = arith.constant dense<0.000000e+00> : vector<160x128xf32>
    %dot_general3A_175 = tpu.matmul %add3A_171, %squeeze3A_173, %dot_general3A_174 {dimension_numbers = #tpu.dot_dimension_numbers<[1], [0], [0], [1], [0, 0, 1, 1], [], []>, transpose_lhs_hint = false} : vector<160x160xf32>, vector<160x128xf32>, vector<160x128xf32> -> vector<160x128xf32>
    %slice3A_176 = vector.extract_strided_slice %get3A_5 {offsets = [21, 0, 0], sizes = [1, 160, 160], strides = [1, 1, 1]} : vector<32x160x160xf32> to vector<1x160x160xf32>
    %squeeze3A_177 = vector.shape_cast %slice3A_176 : vector<1x160x160xf32> to vector<160x160xf32>
    %add3A_178 = arith.addf %squeeze3A_177, %select_n3A_20 : vector<160x160xf32>
    %slice3A_179 = vector.extract_strided_slice %mul3A_30 {offsets = [21, 0, 0], sizes = [1, 160, 128], strides = [1, 1, 1]} : vector<32x160x128xf32> to vector<1x160x128xf32>
    %squeeze3A_180 = vector.shape_cast %slice3A_179 : vector<1x160x128xf32> to vector<160x128xf32>
    %dot_general3A_181 = arith.constant dense<0.000000e+00> : vector<160x128xf32>
    %dot_general3A_182 = tpu.matmul %add3A_178, %squeeze3A_180, %dot_general3A_181 {dimension_numbers = #tpu.dot_dimension_numbers<[1], [0], [0], [1], [0, 0, 1, 1], [], []>, transpose_lhs_hint = false} : vector<160x160xf32>, vector<160x128xf32>, vector<160x128xf32> -> vector<160x128xf32>
    %slice3A_183 = vector.extract_strided_slice %get3A_5 {offsets = [22, 0, 0], sizes = [1, 160, 160], strides = [1, 1, 1]} : vector<32x160x160xf32> to vector<1x160x160xf32>
    %squeeze3A_184 = vector.shape_cast %slice3A_183 : vector<1x160x160xf32> to vector<160x160xf32>
    %add3A_185 = arith.addf %squeeze3A_184, %select_n3A_20 : vector<160x160xf32>
    %slice3A_186 = vector.extract_strided_slice %mul3A_30 {offsets = [22, 0, 0], sizes = [1, 160, 128], strides = [1, 1, 1]} : vector<32x160x128xf32> to vector<1x160x128xf32>
    %squeeze3A_187 = vector.shape_cast %slice3A_186 : vector<1x160x128xf32> to vector<160x128xf32>
    %dot_general3A_188 = arith.constant dense<0.000000e+00> : vector<160x128xf32>
    %dot_general3A_189 = tpu.matmul %add3A_185, %squeeze3A_187, %dot_general3A_188 {dimension_numbers = #tpu.dot_dimension_numbers<[1], [0], [0], [1], [0, 0, 1, 1], [], []>, transpose_lhs_hint = false} : vector<160x160xf32>, vector<160x128xf32>, vector<160x128xf32> -> vector<160x128xf32>
    %slice3A_190 = vector.extract_strided_slice %get3A_5 {offsets = [23, 0, 0], sizes = [1, 160, 160], strides = [1, 1, 1]} : vector<32x160x160xf32> to vector<1x160x160xf32>
    %squeeze3A_191 = vector.shape_cast %slice3A_190 : vector<1x160x160xf32> to vector<160x160xf32>
    %add3A_192 = arith.addf %squeeze3A_191, %select_n3A_20 : vector<160x160xf32>
    %slice3A_193 = vector.extract_strided_slice %mul3A_30 {offsets = [23, 0, 0], sizes = [1, 160, 128], strides = [1, 1, 1]} : vector<32x160x128xf32> to vector<1x160x128xf32>
    %squeeze3A_194 = vector.shape_cast %slice3A_193 : vector<1x160x128xf32> to vector<160x128xf32>
    %dot_general3A_195 = arith.constant dense<0.000000e+00> : vector<160x128xf32>
    %dot_general3A_196 = tpu.matmul %add3A_192, %squeeze3A_194, %dot_general3A_195 {dimension_numbers = #tpu.dot_dimension_numbers<[1], [0], [0], [1], [0, 0, 1, 1], [], []>, transpose_lhs_hint = false} : vector<160x160xf32>, vector<160x128xf32>, vector<160x128xf32> -> vector<160x128xf32>
    %slice3A_197 = vector.extract_strided_slice %get3A_5 {offsets = [24, 0, 0], sizes = [1, 160, 160], strides = [1, 1, 1]} : vector<32x160x160xf32> to vector<1x160x160xf32>
    %squeeze3A_198 = vector.shape_cast %slice3A_197 : vector<1x160x160xf32> to vector<160x160xf32>
    %add3A_199 = arith.addf %squeeze3A_198, %select_n3A_20 : vector<160x160xf32>
    %slice3A_200 = vector.extract_strided_slice %mul3A_30 {offsets = [24, 0, 0], sizes = [1, 160, 128], strides = [1, 1, 1]} : vector<32x160x128xf32> to vector<1x160x128xf32>
    %squeeze3A_201 = vector.shape_cast %slice3A_200 : vector<1x160x128xf32> to vector<160x128xf32>
    %dot_general3A_202 = arith.constant dense<0.000000e+00> : vector<160x128xf32>
    %dot_general3A_203 = tpu.matmul %add3A_199, %squeeze3A_201, %dot_general3A_202 {dimension_numbers = #tpu.dot_dimension_numbers<[1], [0], [0], [1], [0, 0, 1, 1], [], []>, transpose_lhs_hint = false} : vector<160x160xf32>, vector<160x128xf32>, vector<160x128xf32> -> vector<160x128xf32>
    %slice3A_204 = vector.extract_strided_slice %get3A_5 {offsets = [25, 0, 0], sizes = [1, 160, 160], strides = [1, 1, 1]} : vector<32x160x160xf32> to vector<1x160x160xf32>
    %squeeze3A_205 = vector.shape_cast %slice3A_204 : vector<1x160x160xf32> to vector<160x160xf32>
    %add3A_206 = arith.addf %squeeze3A_205, %select_n3A_20 : vector<160x160xf32>
    %slice3A_207 = vector.extract_strided_slice %mul3A_30 {offsets = [25, 0, 0], sizes = [1, 160, 128], strides = [1, 1, 1]} : vector<32x160x128xf32> to vector<1x160x128xf32>
    %squeeze3A_208 = vector.shape_cast %slice3A_207 : vector<1x160x128xf32> to vector<160x128xf32>
    %dot_general3A_209 = arith.constant dense<0.000000e+00> : vector<160x128xf32>
    %dot_general3A_210 = tpu.matmul %add3A_206, %squeeze3A_208, %dot_general3A_209 {dimension_numbers = #tpu.dot_dimension_numbers<[1], [0], [0], [1], [0, 0, 1, 1], [], []>, transpose_lhs_hint = false} : vector<160x160xf32>, vector<160x128xf32>, vector<160x128xf32> -> vector<160x128xf32>
    %slice3A_211 = vector.extract_strided_slice %get3A_5 {offsets = [26, 0, 0], sizes = [1, 160, 160], strides = [1, 1, 1]} : vector<32x160x160xf32> to vector<1x160x160xf32>
    %squeeze3A_212 = vector.shape_cast %slice3A_211 : vector<1x160x160xf32> to vector<160x160xf32>
    %add3A_213 = arith.addf %squeeze3A_212, %select_n3A_20 : vector<160x160xf32>
    %slice3A_214 = vector.extract_strided_slice %mul3A_30 {offsets = [26, 0, 0], sizes = [1, 160, 128], strides = [1, 1, 1]} : vector<32x160x128xf32> to vector<1x160x128xf32>
    %squeeze3A_215 = vector.shape_cast %slice3A_214 : vector<1x160x128xf32> to vector<160x128xf32>
    %dot_general3A_216 = arith.constant dense<0.000000e+00> : vector<160x128xf32>
    %dot_general3A_217 = tpu.matmul %add3A_213, %squeeze3A_215, %dot_general3A_216 {dimension_numbers = #tpu.dot_dimension_numbers<[1], [0], [0], [1], [0, 0, 1, 1], [], []>, transpose_lhs_hint = false} : vector<160x160xf32>, vector<160x128xf32>, vector<160x128xf32> -> vector<160x128xf32>
    %slice3A_218 = vector.extract_strided_slice %get3A_5 {offsets = [27, 0, 0], sizes = [1, 160, 160], strides = [1, 1, 1]} : vector<32x160x160xf32> to vector<1x160x160xf32>
    %squeeze3A_219 = vector.shape_cast %slice3A_218 : vector<1x160x160xf32> to vector<160x160xf32>
    %add3A_220 = arith.addf %squeeze3A_219, %select_n3A_20 : vector<160x160xf32>
    %slice3A_221 = vector.extract_strided_slice %mul3A_30 {offsets = [27, 0, 0], sizes = [1, 160, 128], strides = [1, 1, 1]} : vector<32x160x128xf32> to vector<1x160x128xf32>
    %squeeze3A_222 = vector.shape_cast %slice3A_221 : vector<1x160x128xf32> to vector<160x128xf32>
    %dot_general3A_223 = arith.constant dense<0.000000e+00> : vector<160x128xf32>
    %dot_general3A_224 = tpu.matmul %add3A_220, %squeeze3A_222, %dot_general3A_223 {dimension_numbers = #tpu.dot_dimension_numbers<[1], [0], [0], [1], [0, 0, 1, 1], [], []>, transpose_lhs_hint = false} : vector<160x160xf32>, vector<160x128xf32>, vector<160x128xf32> -> vector<160x128xf32>
    %slice3A_225 = vector.extract_strided_slice %get3A_5 {offsets = [28, 0, 0], sizes = [1, 160, 160], strides = [1, 1, 1]} : vector<32x160x160xf32> to vector<1x160x160xf32>
    %squeeze3A_226 = vector.shape_cast %slice3A_225 : vector<1x160x160xf32> to vector<160x160xf32>
    %add3A_227 = arith.addf %squeeze3A_226, %select_n3A_20 : vector<160x160xf32>
    %slice3A_228 = vector.extract_strided_slice %mul3A_30 {offsets = [28, 0, 0], sizes = [1, 160, 128], strides = [1, 1, 1]} : vector<32x160x128xf32> to vector<1x160x128xf32>
    %squeeze3A_229 = vector.shape_cast %slice3A_228 : vector<1x160x128xf32> to vector<160x128xf32>
    %dot_general3A_230 = arith.constant dense<0.000000e+00> : vector<160x128xf32>
    %dot_general3A_231 = tpu.matmul %add3A_227, %squeeze3A_229, %dot_general3A_230 {dimension_numbers = #tpu.dot_dimension_numbers<[1], [0], [0], [1], [0, 0, 1, 1], [], []>, transpose_lhs_hint = false} : vector<160x160xf32>, vector<160x128xf32>, vector<160x128xf32> -> vector<160x128xf32>
    %slice3A_232 = vector.extract_strided_slice %get3A_5 {offsets = [29, 0, 0], sizes = [1, 160, 160], strides = [1, 1, 1]} : vector<32x160x160xf32> to vector<1x160x160xf32>
    %squeeze3A_233 = vector.shape_cast %slice3A_232 : vector<1x160x160xf32> to vector<160x160xf32>
    %add3A_234 = arith.addf %squeeze3A_233, %select_n3A_20 : vector<160x160xf32>
    %slice3A_235 = vector.extract_strided_slice %mul3A_30 {offsets = [29, 0, 0], sizes = [1, 160, 128], strides = [1, 1, 1]} : vector<32x160x128xf32> to vector<1x160x128xf32>
    %squeeze3A_236 = vector.shape_cast %slice3A_235 : vector<1x160x128xf32> to vector<160x128xf32>
    %dot_general3A_237 = arith.constant dense<0.000000e+00> : vector<160x128xf32>
    %dot_general3A_238 = tpu.matmul %add3A_234, %squeeze3A_236, %dot_general3A_237 {dimension_numbers = #tpu.dot_dimension_numbers<[1], [0], [0], [1], [0, 0, 1, 1], [], []>, transpose_lhs_hint = false} : vector<160x160xf32>, vector<160x128xf32>, vector<160x128xf32> -> vector<160x128xf32>
    %slice3A_239 = vector.extract_strided_slice %get3A_5 {offsets = [30, 0, 0], sizes = [1, 160, 160], strides = [1, 1, 1]} : vector<32x160x160xf32> to vector<1x160x160xf32>
    %squeeze3A_240 = vector.shape_cast %slice3A_239 : vector<1x160x160xf32> to vector<160x160xf32>
    %add3A_241 = arith.addf %squeeze3A_240, %select_n3A_20 : vector<160x160xf32>
    %slice3A_242 = vector.extract_strided_slice %mul3A_30 {offsets = [30, 0, 0], sizes = [1, 160, 128], strides = [1, 1, 1]} : vector<32x160x128xf32> to vector<1x160x128xf32>
    %squeeze3A_243 = vector.shape_cast %slice3A_242 : vector<1x160x128xf32> to vector<160x128xf32>
    %dot_general3A_244 = arith.constant dense<0.000000e+00> : vector<160x128xf32>
    %dot_general3A_245 = tpu.matmul %add3A_241, %squeeze3A_243, %dot_general3A_244 {dimension_numbers = #tpu.dot_dimension_numbers<[1], [0], [0], [1], [0, 0, 1, 1], [], []>, transpose_lhs_hint = false} : vector<160x160xf32>, vector<160x128xf32>, vector<160x128xf32> -> vector<160x128xf32>
    %slice3A_246 = vector.extract_strided_slice %get3A_5 {offsets = [31, 0, 0], sizes = [1, 160, 160], strides = [1, 1, 1]} : vector<32x160x160xf32> to vector<1x160x160xf32>
    %squeeze3A_247 = vector.shape_cast %slice3A_246 : vector<1x160x160xf32> to vector<160x160xf32>
    %add3A_248 = arith.addf %squeeze3A_247, %select_n3A_20 : vector<160x160xf32>
    %slice3A_249 = vector.extract_strided_slice %mul3A_30 {offsets = [31, 0, 0], sizes = [1, 160, 128], strides = [1, 1, 1]} : vector<32x160x128xf32> to vector<1x160x128xf32>
    %squeeze3A_250 = vector.shape_cast %slice3A_249 : vector<1x160x128xf32> to vector<160x128xf32>
    %dot_general3A_251 = arith.constant dense<0.000000e+00> : vector<160x128xf32>
    %dot_general3A_252 = tpu.matmul %add3A_248, %squeeze3A_250, %dot_general3A_251 {dimension_numbers = #tpu.dot_dimension_numbers<[1], [0], [0], [1], [0, 0, 1, 1], [], []>, transpose_lhs_hint = false} : vector<160x160xf32>, vector<160x128xf32>, vector<160x128xf32> -> vector<160x128xf32>
    %stack3A = vector.shape_cast %dot_general3A_35 : vector<160x128xf32> to vector<1x160x128xf32>
    %stack3A_253 = vector.shape_cast %dot_general3A_42 : vector<160x128xf32> to vector<1x160x128xf32>
    %stack3A_254 = vector.shape_cast %dot_general3A_49 : vector<160x128xf32> to vector<1x160x128xf32>
    %stack3A_255 = vector.shape_cast %dot_general3A_56 : vector<160x128xf32> to vector<1x160x128xf32>
    %stack3A_256 = vector.shape_cast %dot_general3A_63 : vector<160x128xf32> to vector<1x160x128xf32>
    %stack3A_257 = vector.shape_cast %dot_general3A_70 : vector<160x128xf32> to vector<1x160x128xf32>
    %stack3A_258 = vector.shape_cast %dot_general3A_77 : vector<160x128xf32> to vector<1x160x128xf32>
    %stack3A_259 = vector.shape_cast %dot_general3A_84 : vector<160x128xf32> to vector<1x160x128xf32>
    %stack3A_260 = vector.shape_cast %dot_general3A_91 : vector<160x128xf32> to vector<1x160x128xf32>
    %stack3A_261 = vector.shape_cast %dot_general3A_98 : vector<160x128xf32> to vector<1x160x128xf32>
    %stack3A_262 = vector.shape_cast %dot_general3A_105 : vector<160x128xf32> to vector<1x160x128xf32>
    %stack3A_263 = vector.shape_cast %dot_general3A_112 : vector<160x128xf32> to vector<1x160x128xf32>
    %stack3A_264 = vector.shape_cast %dot_general3A_119 : vector<160x128xf32> to vector<1x160x128xf32>
    %stack3A_265 = vector.shape_cast %dot_general3A_126 : vector<160x128xf32> to vector<1x160x128xf32>
    %stack3A_266 = vector.shape_cast %dot_general3A_133 : vector<160x128xf32> to vector<1x160x128xf32>
    %stack3A_267 = vector.shape_cast %dot_general3A_140 : vector<160x128xf32> to vector<1x160x128xf32>
    %stack3A_268 = vector.shape_cast %dot_general3A_147 : vector<160x128xf32> to vector<1x160x128xf32>
    %stack3A_269 = vector.shape_cast %dot_general3A_154 : vector<160x128xf32> to vector<1x160x128xf32>
    %stack3A_270 = vector.shape_cast %dot_general3A_161 : vector<160x128xf32> to vector<1x160x128xf32>
    %stack3A_271 = vector.shape_cast %dot_general3A_168 : vector<160x128xf32> to vector<1x160x128xf32>
    %stack3A_272 = vector.shape_cast %dot_general3A_175 : vector<160x128xf32> to vector<1x160x128xf32>
    %stack3A_273 = vector.shape_cast %dot_general3A_182 : vector<160x128xf32> to vector<1x160x128xf32>
    %stack3A_274 = vector.shape_cast %dot_general3A_189 : vector<160x128xf32> to vector<1x160x128xf32>
    %stack3A_275 = vector.shape_cast %dot_general3A_196 : vector<160x128xf32> to vector<1x160x128xf32>
    %stack3A_276 = vector.shape_cast %dot_general3A_203 : vector<160x128xf32> to vector<1x160x128xf32>
    %stack3A_277 = vector.shape_cast %dot_general3A_210 : vector<160x128xf32> to vector<1x160x128xf32>
    %stack3A_278 = vector.shape_cast %dot_general3A_217 : vector<160x128xf32> to vector<1x160x128xf32>
    %stack3A_279 = vector.shape_cast %dot_general3A_224 : vector<160x128xf32> to vector<1x160x128xf32>
    %stack3A_280 = vector.shape_cast %dot_general3A_231 : vector<160x128xf32> to vector<1x160x128xf32>
    %stack3A_281 = vector.shape_cast %dot_general3A_238 : vector<160x128xf32> to vector<1x160x128xf32>
    %stack3A_282 = vector.shape_cast %dot_general3A_245 : vector<160x128xf32> to vector<1x160x128xf32>
    %stack3A_283 = vector.shape_cast %dot_general3A_252 : vector<160x128xf32> to vector<1x160x128xf32>
    %stack3A_284 = tpu.concatenate %stack3A, %stack3A_253, %stack3A_254, %stack3A_255, %stack3A_256, %stack3A_257, %stack3A_258, %stack3A_259, %stack3A_260, %stack3A_261, %stack3A_262, %stack3A_263, %stack3A_264, %stack3A_265, %stack3A_266, %stack3A_267, %stack3A_268, %stack3A_269, %stack3A_270, %stack3A_271, %stack3A_272, %stack3A_273, %stack3A_274, %stack3A_275, %stack3A_276, %stack3A_277, %stack3A_278, %stack3A_279, %stack3A_280, %stack3A_281, %stack3A_282, %stack3A_283 in 0 : vector<1x160x128xf32>, vector<1x160x128xf32>, vector<1x160x128xf32>, vector<1x160x128xf32>, vector<1x160x128xf32>, vector<1x160x128xf32>, vector<1x160x128xf32>, vector<1x160x128xf32>, vector<1x160x128xf32>, vector<1x160x128xf32>, vector<1x160x128xf32>, vector<1x160x128xf32>, vector<1x160x128xf32>, vector<1x160x128xf32>, vector<1x160x128xf32>, vector<1x160x128xf32>, vector<1x160x128xf32>, vector<1x160x128xf32>, vector<1x160x128xf32>, vector<1x160x128xf32>, vector<1x160x128xf32>, vector<1x160x128xf32>, vector<1x160x128xf32>, vector<1x160x128xf32>, vector<1x160x128xf32>, vector<1x160x128xf32>, vector<1x160x128xf32>, vector<1x160x128xf32>, vector<1x160x128xf32>, vector<1x160x128xf32>, vector<1x160x128xf32>, vector<1x160x128xf32> -> vector<32x160x128xf32>
    %mul3A_285 = vector.broadcast %select_n3A : vector<32x160x1xf32> to vector<32x160x128xf32>
    %mul3A_286 = arith.mulf %stack3A_284, %mul3A_285 : vector<32x160x128xf32>
    %get3A_287 = arith.constant 0 : index
    %get3A_288 = arith.constant 0 : index
    %get3A_289 = vector.load %arg4[%get3A_287, %get3A_288] : memref<1x128xf32, #tpu.memory_space<vmem>>, vector<1x128xf32>
    %broadcast_in_dim3A_290 = vector.shape_cast %get3A_289 : vector<1x128xf32> to vector<1x1x128xf32>
    %add3A_291 = vector.broadcast %broadcast_in_dim3A_290 : vector<1x1x128xf32> to vector<32x160x128xf32>
    %add3A_292 = arith.addf %mul3A_286, %add3A_291 : vector<32x160x128xf32>
    %reduce_sum3A_293 = arith.constant dense<0.000000e+00> : vector<32x160xf32>
    %reduce_sum3A_294 = vector.multi_reduction <add>, %add3A_292, %reduce_sum3A_293 [2] : vector<32x160x128xf32> to vector<32x160xf32>
    %broadcast_in_dim3A_295 = vector.shape_cast %reduce_sum3A_294 : vector<32x160xf32> to vector<32x160x1xf32>
    %div3A = arith.constant 1.280000e+02 : f32
    %div3A_296 = vector.broadcast %div3A : f32 to vector<32x160x1xf32>
    %div3A_297 = arith.divf %broadcast_in_dim3A_295, %div3A_296 : vector<32x160x1xf32>
    %sub3A = vector.broadcast %div3A_297 : vector<32x160x1xf32> to vector<32x160x128xf32>
    %sub3A_298 = arith.subf %add3A_292, %sub3A : vector<32x160x128xf32>
    %integer_pow3A = arith.mulf %sub3A_298, %sub3A_298 : vector<32x160x128xf32>
    %reduce_sum3A_299 = arith.constant dense<0.000000e+00> : vector<32x160xf32>
    %reduce_sum3A_300 = vector.multi_reduction <add>, %integer_pow3A, %reduce_sum3A_299 [2] : vector<32x160x128xf32> to vector<32x160xf32>
    %broadcast_in_dim3A_301 = vector.shape_cast %reduce_sum3A_300 : vector<32x160xf32> to vector<32x160x1xf32>
    %div3A_302 = arith.constant 1.280000e+02 : f32
    %div3A_303 = vector.broadcast %div3A_302 : f32 to vector<32x160x1xf32>
    %div3A_304 = arith.divf %broadcast_in_dim3A_301, %div3A_303 : vector<32x160x1xf32>
    %sub3A_305 = vector.broadcast %div3A_297 : vector<32x160x1xf32> to vector<32x160x128xf32>
    %sub3A_306 = arith.subf %add3A_292, %sub3A_305 : vector<32x160x128xf32>
    %add3A_307 = arith.constant 9.99999974E-6 : f32
    %add3A_308 = vector.broadcast %add3A_307 : f32 to vector<32x160x1xf32>
    %add3A_309 = arith.addf %div3A_304, %add3A_308 : vector<32x160x1xf32>
    %rsqrt3A_310 = math.rsqrt %add3A_309 : vector<32x160x1xf32>
    %mul3A_311 = vector.broadcast %rsqrt3A_310 : vector<32x160x1xf32> to vector<32x160x128xf32>
    %mul3A_312 = arith.mulf %sub3A_306, %mul3A_311 : vector<32x160x128xf32>
    %get3A_313 = arith.constant 0 : index
    %get3A_314 = arith.constant 0 : index
    %get3A_315 = vector.load %arg5[%get3A_313, %get3A_314] : memref<1x128xf32, #tpu.memory_space<vmem>>, vector<1x128xf32>
    %broadcast_in_dim3A_316 = vector.shape_cast %get3A_315 : vector<1x128xf32> to vector<1x1x128xf32>
    %mul3A_317 = vector.broadcast %broadcast_in_dim3A_316 : vector<1x1x128xf32> to vector<32x160x128xf32>
    %mul3A_318 = arith.mulf %mul3A_312, %mul3A_317 : vector<32x160x128xf32>
    %get3A_319 = arith.constant 0 : index
    %get3A_320 = arith.constant 0 : index
    %get3A_321 = vector.load %arg6[%get3A_319, %get3A_320] : memref<1x128xf32, #tpu.memory_space<vmem>>, vector<1x128xf32>
    %broadcast_in_dim3A_322 = vector.shape_cast %get3A_321 : vector<1x128xf32> to vector<1x1x128xf32>
    %add3A_323 = vector.broadcast %broadcast_in_dim3A_322 : vector<1x1x128xf32> to vector<32x160x128xf32>
    %add3A_324 = arith.addf %mul3A_318, %add3A_323 : vector<32x160x128xf32>
    %reshape3A_325 = vector.shape_cast %add3A_324 : vector<32x160x128xf32> to vector<5120x128xf32>
    %get3A_326 = arith.constant 0 : index
    %get3A_327 = arith.constant 0 : index
    %get3A_328 = vector.load %arg7[%get3A_326, %get3A_327] : memref<128x128xf32, #tpu.memory_space<vmem>>, vector<128x128xf32>
    %dot_general3A_329 = arith.constant dense<0.000000e+00> : vector<5120x128xf32>
    %dot_general3A_330 = tpu.matmul %reshape3A_325, %get3A_328, %dot_general3A_329 {dimension_numbers = #tpu.dot_dimension_numbers<[1], [1], [0], [0], [0, 0, 1, 0], [], []>, transpose_lhs_hint = false} : vector<5120x128xf32>, vector<128x128xf32>, vector<5120x128xf32> -> vector<5120x128xf32>
    %get3A_331 = arith.constant 0 : index
    %get3A_332 = arith.constant 0 : index
    %get3A_333 = vector.load %arg8[%get3A_331, %get3A_332] : memref<1x128xf32, #tpu.memory_space<vmem>>, vector<1x128xf32>
    %add3A_334 = vector.broadcast %get3A_333 : vector<1x128xf32> to vector<5120x128xf32>
    %add3A_335 = arith.addf %dot_general3A_330, %add3A_334 : vector<5120x128xf32>
    %tanh3A = math.tanh %add3A_335 : vector<5120x128xf32>
    %reshape3A_336 = vector.shape_cast %tanh3A : vector<5120x128xf32> to vector<32x160x128xf32>
    %get3A_337 = arith.constant 0 : index
    %get3A_338 = arith.constant 0 : index
    %get3A_339 = vector.load %arg9[%get3A_337, %get3A_338] : memref<1x128xf32, #tpu.memory_space<vmem>>, vector<1x128xf32>
    %broadcast_in_dim3A_340 = vector.shape_cast %get3A_339 : vector<1x128xf32> to vector<1x1x128xf32>
    %mul3A_341 = vector.broadcast %broadcast_in_dim3A_340 : vector<1x1x128xf32> to vector<32x160x128xf32>
    %mul3A_342 = arith.mulf %reshape3A_336, %mul3A_341 : vector<32x160x128xf32>
    %reduce_sum3A_343 = arith.constant dense<0.000000e+00> : vector<32x160xf32>
    %reduce_sum3A_344 = vector.multi_reduction <add>, %mul3A_342, %reduce_sum3A_343 [2] : vector<32x160x128xf32> to vector<32x160xf32>
    %iota3A_345 = tpu.iota {dimensions = array<i32: 1>} : vector<32x160xi32>
    %lt3A_346 = arith.constant 150 : i32
    %lt3A_347 = vector.broadcast %lt3A_346 : i32 to vector<32x160xi32>
    %lt3A_348 = arith.cmpi slt, %iota3A_345, %lt3A_347 : vector<32x160xi32>
    %jit3A_349 = arith.constant -1.000000e+30 : f32
    %broadcast_in_dim3A_350 = vector.broadcast %jit3A_349 : f32 to vector<32x160xf32>
    %select_n3A_351 = arith.select %lt3A_348, %reduce_sum3A_344, %broadcast_in_dim3A_350 : vector<32x160xi1>, vector<32x160xf32>
    %reduce_max3A = arith.constant dense<0xFF800000> : vector<32xf32>
    %reduce_max3A_352 = vector.multi_reduction <maximumf>, %select_n3A_351, %reduce_max3A [1] : vector<32x160xf32> to vector<32xf32>
    %broadcast_in_dim3A_353 = vector.shape_cast %reduce_max3A_352 : vector<32xf32> to vector<32x1xf32>
    %sub3A_354 = vector.broadcast %broadcast_in_dim3A_353 : vector<32x1xf32> to vector<32x160xf32>
    %sub3A_355 = arith.subf %select_n3A_351, %sub3A_354 : vector<32x160xf32>
    %exp3A = math.exp %sub3A_355 : vector<32x160xf32>
    %reduce_sum3A_356 = arith.constant dense<0.000000e+00> : vector<32xf32>
    %reduce_sum3A_357 = vector.multi_reduction <add>, %exp3A, %reduce_sum3A_356 [1] : vector<32x160xf32> to vector<32xf32>
    %broadcast_in_dim3A_358 = vector.shape_cast %reduce_sum3A_357 : vector<32xf32> to vector<32x1xf32>
    %div3A_359 = vector.broadcast %broadcast_in_dim3A_358 : vector<32x1xf32> to vector<32x160xf32>
    %div3A_360 = arith.divf %exp3A, %div3A_359 : vector<32x160xf32>
    %swap3A = arith.constant 0 : index
    %swap3A_361 = arith.constant 0 : index
    %swap3A_362 = vector.load %arg11[%swap3A, %swap3A_361] : memref<32x160xf32, #tpu.memory_space<vmem>>, vector<32x160xf32>
    tpu.vector_store %arg11[%swap3A, %swap3A_361], %div3A_360 {strides = array<i32>} : memref<32x160xf32, #tpu.memory_space<vmem>>, vector<32x160xf32>,
    %broadcast_in_dim3A_363 = vector.shape_cast %div3A_360 : vector<32x160xf32> to vector<32x160x1xf32>
    %mul3A_364 = vector.broadcast %broadcast_in_dim3A_363 : vector<32x160x1xf32> to vector<32x160x128xf32>
    %mul3A_365 = arith.mulf %add3A_292, %mul3A_364 : vector<32x160x128xf32>
    %reduce_sum3A_366 = arith.constant dense<0.000000e+00> : vector<32x128xf32>
    %reduce_sum3A_367 = vector.multi_reduction <add>, %mul3A_365, %reduce_sum3A_366 [1] : vector<32x160x128xf32> to vector<32x128xf32>
    %swap3A_368 = arith.constant 0 : index
    %swap3A_369 = arith.constant 0 : index
    %swap3A_370 = vector.load %arg10[%swap3A_368, %swap3A_369] : memref<32x128xf32, #tpu.memory_space<vmem>>, vector<32x128xf32>
    tpu.vector_store %arg10[%swap3A_368, %swap3A_369], %reduce_sum3A_367 {strides = array<i32>} : memref<32x128xf32, #tpu.memory_space<vmem>>, vector<32x128xf32>,
    return
  }
  func.func @transform_0(%arg0: i32) -> (i32, i32, i32) {
    %c0_i32 = arith.constant 0 : i32
    %c0_i32_0 = arith.constant 0 : i32
    %c0_i32_1 = arith.constant 0 : i32
    return %arg0, %c0_i32, %c0_i32_0 : i32, i32, i32
  }
  func.func @transform_1(%arg0: i32) -> (i32, i32, i32) {
    %c0_i32 = arith.constant 0 : i32
    %c0_i32_0 = arith.constant 0 : i32
    %c0_i32_1 = arith.constant 0 : i32
    return %arg0, %c0_i32, %c0_i32_0 : i32, i32, i32
  }
  func.func @transform_2(%arg0: i32) -> (i32, i32) {
    %c0_i32 = arith.constant 0 : i32
    %c0_i32_0 = arith.constant 0 : i32
    %c0_i32_1 = arith.constant 0 : i32
    return %c0_i32, %c0_i32_0 : i32, i32
  }
  func.func @transform_3(%arg0: i32) -> (i32, i32) {
    %c0_i32 = arith.constant 0 : i32
    %c0_i32_0 = arith.constant 0 : i32
    %c0_i32_1 = arith.constant 0 : i32
    return %c0_i32, %c0_i32_0 : i32, i32
  }
  func.func @transform_4(%arg0: i32) -> (i32, i32) {
    %c0_i32 = arith.constant 0 : i32
    %c0_i32_0 = arith.constant 0 : i32
    %c0_i32_1 = arith.constant 0 : i32
    return %c0_i32, %c0_i32_0 : i32, i32
  }
  func.func @transform_5(%arg0: i32) -> (i32, i32) {
    %c0_i32 = arith.constant 0 : i32
    %c0_i32_0 = arith.constant 0 : i32
    %c0_i32_1 = arith.constant 0 : i32
    return %c0_i32, %c0_i32_0 : i32, i32
  }
  func.func @transform_6(%arg0: i32) -> (i32, i32) {
    %c0_i32 = arith.constant 0 : i32
    %c0_i32_0 = arith.constant 0 : i32
    %c0_i32_1 = arith.constant 0 : i32
    return %c0_i32, %c0_i32_0 : i32, i32
  }
  func.func @transform_7(%arg0: i32) -> (i32, i32) {
    %c0_i32 = arith.constant 0 : i32
    %c0_i32_0 = arith.constant 0 : i32
    %c0_i32_1 = arith.constant 0 : i32
    return %c0_i32, %c0_i32_0 : i32, i32
  }
  func.func @transform_8(%arg0: i32) -> (i32, i32) {
    %c0_i32 = arith.constant 0 : i32
    %c0_i32_0 = arith.constant 0 : i32
    %c0_i32_1 = arith.constant 0 : i32
    return %c0_i32, %c0_i32_0 : i32, i32
  }
  func.func @transform_9(%arg0: i32) -> (i32, i32) {
    %c0_i32 = arith.constant 0 : i32
    %c0_i32_0 = arith.constant 0 : i32
    return %arg0, %c0_i32 : i32, i32
  }
  func.func @transform_10(%arg0: i32) -> (i32, i32) {
    %c0_i32 = arith.constant 0 : i32
    %c0_i32_0 = arith.constant 0 : i32
    return %arg0, %c0_i32 : i32, i32
  }
}

</mosaic_0001>

<sc_bundles>
// kernel: kernel.10.cloned.1.call-start
scs
__scs_entry_jumppad:
0x0: {  	(pc) =	sbr.rel $0x88, $3  }
0x1: {  	(tag) =	ssettag $0x0;
	lr =	simm.s32 $0x1  }
0x2: {  	[smem:$0x3F97] =	sst lr;
	_ =	strace $0xD0000000  }
0x3: {  	_ = 	snop  }
0x4: {  	_ = 	snop  }
0x5: {  	_ = 	snop  }
0x6: {  	_ = 	snop  }
0x7: {  	_ = 	snop  }
__scs_overlays_trampoline_lowered:
0x8: {  	[smem:$0x3FA6] =	sst s0  }
0x9: {  	[smem:$0x3FA7] =	sst s1  }
0xa: {  	[smem:$0x3FA8] =	sst s2  }
0xb: {  	[smem:$0x3FA9] =	sst s3  }
0xc: {  	[smem:$0x3FAA] =	sst s4  }
0xd: {  	[smem:$0x3FAB] =	sst s5  }
0xe: {  	[smem:$0x3FAC] =	sst s6  }
0xf: {  	[smem:$0x3FAD] =	sst s7  }
0x10: {  	[smem:$0x3FAE] =	sst s8  }
0x11: {  	[smem:$0x3FAF] =	sst s9;
	s0 =	simm.s32 @!p0 $0x0  }
0x12: {  	s1 =	sld [smem:$0x3F95];
	s0 =	simm.s32 @p0 $0x1  }
0x13: {  	[smem:$0x3FB0] =	sst s0;
	s0 =	simm.s32 @!p1 $0x0  }
0x14: {  	s2 =	sld [smem:$0x3F94];
	s0 =	simm.s32 @p1 $0x1  }
0x15: {  	[smem:$0x3FB1] =	sst s0;
	s0 =	simm.s32 @!p2 $0x0  }
0x16: {  	s3 =	sld [smem:$0x3FDB];
	s0 =	simm.s32 @p2 $0x1  }
0x17: {  	s4 =	simm.s32 $0x1BF5;
	[smem:$0x3FB3] =	sst s0  }
0x18: {  	s0 =	sld [smem:$0x3F96];
	_ =	swait.ge [sflag:s4], $0x0  }
0x19: {  	s7 =	sld [smem:$0x3F97]  }
0x1a: {  	s8 =	sadd.s32 $0xFFFFE003, lr  }
0x1b: {  	s9 =	sadd.s32 $0xFFFFFEF7, lr;
	s5 =	simm.s32 $0xFFFFFFFF;
	p2 =	slt.u32 s8, $0xFFFFF086  }
0x1c: {  	p1 =	slt.u32 s9, $0xF7A;
	s5 =	simm.s32 @!p2 $0x0  }
0x1d: {  	s5 =	simm.s32 @p1 $0x1;
	p0 =	seq.s32 s7, s2  }
0x1e: {  	s7 =	smul.u32 @!p0 $0xF7A, s2;
	p2 =	seq.s32 @!p0 s5, $0x0  }
0x1f: {  	s9 =	smul.u32 $0xF7A, s1;
	s8 =	simm.s32 @!p0 $0x1BF5;
	p2 =	por !p2, p0  }
0x20: {  	[sflag:s8] =	ssyncset.s32 @!p0 $0xFFFFF086;
	s6 =	sadd.s32 @!p0 s3, s7;
	s7 =	simm.s32 @!p0 $0x108  }
0x21: {  	s3 =	sadd.s32 s3, s9;
	s6 =	sadd.s32 @!p0 $0x88, s6;
	s7 =	simm.s32 @p2 $0x1082  }
0x22: {  	[simem:s7], [sflag:s8] =	dma.local @!p0 [hbm:s6], $0xF7A  }
0x23: {  	s9 =	sor.u32 $0xD0000000, s2;
	s6 =	simm.s32 $0x108;
	_ =	swait.ge @!p0 [sflag:s8], $0x0  }
0x24: {  	s3 =	sadd.s32 $0x88, s3;
	s6 =	simm.s32 @!p1 $0x1082;
	[sflag:s4] =	ssyncset.s32 $0xFFFFF086  }
0x25: {  	[simem:s6], [sflag:s4] =	dma.local [hbm:s3], $0xF7A  }
0x26: {  	[smem:$0x3F97] =	sst s1;
	(tag) =	ssettag s2;
	_ =	strace s9  }
0x27: {  	s1 =	sld [smem:$0x3FA7]  }
0x28: {  	s2 =	sld [smem:$0x3FA8]  }
0x29: {  	s4 =	sld [smem:$0x3FAA]  }
0x2a: {  	p0 =	seq.s32 s5, $0x0;
	s5 =	sld [smem:$0x3FAB]  }
0x2b: {  	s6 =	sld [smem:$0x3FAC]  }
0x2c: {  	s7 =	sld [smem:$0x3FAD]  }
0x2d: {  	s3 =	simm.s32 $0x108;
	s8 =	sld [smem:$0x3FAE]  }
0x2e: {  	s3 =	simm.s32 @!p0 $0x1082;
	s9 =	sld [smem:$0x3FAF]  }
0x2f: {  	lr =	sadd.s32 s0, s3;
	s0 =	sld [smem:$0x3FA6]  }
0x30: {  	s3 =	sld [smem:$0x3FA9]  }
0x31: {  	[smem:$0x3FB2] =	sst s10  }
0x32: {  	s10 =	sld [smem:$0x3FB0];
	_ =	sdelay $0x3  }
0x33: {  	p0 =	seq.s32 s10, $0x1;
	s10 =	sld [smem:$0x3FB2];
	_ =	sdelay $0x3  }
0x34: {  	[smem:$0x3FB2] =	sst s10  }
0x35: {  	s10 =	sld [smem:$0x3FB1];
	_ =	sdelay $0x3  }
0x36: {  	p1 =	seq.s32 s10, $0x1;
	s10 =	sld [smem:$0x3FB2];
	_ =	sdelay $0x3  }
0x37: {  	[smem:$0x3FB2] =	sst s10  }
0x38: {  	s10 =	sld [smem:$0x3FB3]  }
0x39: {  	_ = 	snop;
	(pc) =	sbr.ind lr, $3  }
0x3a: {  	_ = 	snop  }
0x3b: {  	_ = 	snop  }
0x3c: {  	p2 =	seq.s32 s10, $0x1;
	s10 =	sld [smem:$0x3FB2]  }
0x3d: {  	_ =	shalt  }
0x3e: {  	_ =	shalt  }
0x3f: {  	_ =	shalt  }
0x40: {  	_ =	shalt  }
0x41: {  	_ =	shalt  }
0x42: {  	_ =	shalt  }
0x43: {  	_ =	shalt  }
0x44: {  	_ =	shalt  }
0x45: {  	_ =	shalt  }
0x46: {  	_ =	shalt  }
0x47: {  	_ =	shalt  }
0x48: {  	_ =	shalt  }
0x49: {  	_ =	shalt  }
0x4a: {  	_ =	shalt  }
0x4b: {  	_ =	shalt  }
0x4c: {  	_ =	shalt  }
0x4d: {  	_ =	shalt  }
0x4e: {  	_ =	shalt  }
0x4f: {  	_ =	shalt  }
0x50: {  	_ =	shalt  }
0x51: {  	_ =	shalt  }
0x52: {  	_ =	shalt  }
0x53: {  	_ =	shalt  }
0x54: {  	_ =	shalt  }
0x55: {  	_ =	shalt  }
0x56: {  	_ =	shalt  }
0x57: {  	_ =	shalt  }
0x58: {  	_ =	shalt  }
0x59: {  	_ =	shalt  }
0x5a: {  	_ =	shalt  }
0x5b: {  	_ =	shalt  }
0x5c: {  	_ =	shalt  }
0x5d: {  	_ =	shalt  }
0x5e: {  	_ =	shalt  }
0x5f: {  	_ =	shalt  }
0x60: {  	_ =	shalt  }
0x61: {  	_ =	shalt  }
0x62: {  	_ =	shalt  }
0x63: {  	_ =	shalt  }
0x64: {  	_ =	shalt  }
0x65: {  	_ =	shalt  }
0x66: {  	_ =	shalt  }
0x67: {  	_ =	shalt  }
0x68: {  	_ =	shalt  }
0x69: {  	_ =	shalt  }
0x6a: {  	_ =	shalt  }
0x6b: {  	_ =	shalt  }
0x6c: {  	_ =	shalt  }
0x6d: {  	_ =	shalt  }
0x6e: {  	_ =	shalt  }
0x6f: {  	_ =	shalt  }
0x70: {  	_ =	shalt  }
0x71: {  	_ =	shalt  }
0x72: {  	_ =	shalt  }
0x73: {  	_ =	shalt  }
0x74: {  	_ =	shalt  }
0x75: {  	_ =	shalt  }
0x76: {  	_ =	shalt  }
0x77: {  	_ =	shalt  }
0x78: {  	_ =	shalt  }
0x79: {  	_ =	shalt  }
0x7a: {  	_ =	shalt  }
0x7b: {  	_ =	shalt  }
0x7c: {  	_ =	shalt  }
0x7d: {  	_ =	shalt  }
0x7e: {  	_ =	shalt  }
0x7f: {  	_ =	shalt  }
0x80: {  	_ =	shalt  }
0x81: {  	_ =	shalt  }
0x82: {  	_ =	shalt  }
0x83: {  	_ =	shalt  }
0x84: {  	_ =	shalt  }
0x85: {  	_ =	shalt  }
0x86: {  	_ =	shalt  }
0x87: {  	_ =	shalt  }
.Lfunc_end0:
.L_simem_size_0:
called_computation_lowered:
.L_overlay_start_0:
0x88: {  	s2 =	sld [smem:$0x3FD9]  }
0x89: {  	s3 =	sld [smem:$0x3FFE];
	_ =	sdelay $0x1  }
0x8a: {  	s1 =	srdreg.scid  }
0x8b: {  	s0 =	sand.u32 $0x1, s1  }
0x8c: {  	s17 =	sshll.u32 s0, $0xA;
	s2 =	sadd.s32 s3, s2  }
0x8d: {  	s2 =	sadd.s32 s2, s17  }
0x8e: {  	[smem:$0x3FBE] =	sst s2  }
0x8f: {  	_ = 	snop  }
0x90: {  	s18 =	sld [smem:$0x3FC7];
	(tm) =	ssettm $0x1  }
0x91: {  	s19 =	sld [smem:$0x3FFB];
	_ =	sdelay $0x3  }
0x92: {  	_ =	strace s19  }
0x93: {  	s2 =	sld [smem:$0x3FFC];
	_ =	sdelay $0x3  }
0x94: {  	_ =	strace s2  }
0x95: {  	s2 =	sld [smem:$0x3FFD];
	_ =	sdelay $0x3  }
0x96: {  	_ =	strace s2  }
0x97: {  	_ =	strace $0x8FFFFFFF  }
0x98: {  	s20 =	sld [smem:$0x3FDB];
	_ =	sdelay $0x1  }
0x99: {  	s4 =	simm.s32 $_scs_section_size  }
0x9a: {  	s5 =	simm.s32 $_size__tile_overlayer_lowered;
	s6 =	simm.s32 $_tile_overlayer_lowered  }
0x9b: {  	s7 =	simm.s32 $0x1BFF;
	s21 =	sshll.u32 s6, $0x1;
	s4 =	sadd.s32 s4, s20  }
0x9c: {  	s22 =	simm.s32 $0x0;
	s5 =	sshll.u32 s5, $0x1;
	s6 =	sadd.s32 s21, s4  }
0x9d: {  	[timem:s22], [sflag:s7] =	dma.local [hbm:s6], s5  }
0x9e: {  	_ =	swait.ge [sflag:s7], s5  }
0x9f: {  	s5 =	ssub.s32 $0x0, s5;
	[sflag:s7] =	ssyncset.done $0x0  }
0xa0: {  	[sflag:s7] =	ssyncadd.s32 s5;
	_ =	sdelay $0x1  }
0xa1: {  	s23 =	simm.s32 $0x1B8B  }
0xa2: {  	_ =	swait.ge [sflag:s23], $0x1  }
0xa3: {  	[sflag:s23] =	ssyncset.done $0x0  }
0xa4: {  	[sflag:s23] =	ssyncadd.s32 $0xFFFFFFFF  }
0xa5: {  	s5 =	sld [smem:$0x0]  }
0xa6: {  	s6 =	sand.u32 $0xFFFFFFFE, s1  }
0xa7: {  	p0 =	sne.s32 s1, s6  }
0xa8: {  	s6 =	sshll.u32 @p0 s6, $0xE  }
0xa9: {  	s6 =	sadd.s32 @p0 $0x11B8D, s6;
	s7 =	sshll.u32 @p0 s5, $0x11  }
0xaa: {  	s6 =	sor.u32 @p0 s7, s6  }
0xab: {  	[sflag:s6] =	ssyncadd.remote.s32 @p0 $0x1;
	_ =	sdelay $0x1  }
0xac: {  	s6 =	simm.s32 @p0 $0x1B8D  }
0xad: {  	_ =	swait.eq @p0 [sflag:s6], $0x1  }
0xae: {  	[sflag:s6] =	ssyncadd.s32 @p0 $0xFFFFFFFF  }
0xaf: {  	s7 =	sshll.u32 @!p0 s1, $0xE  }
0xb0: {  	s7 =	sor.u32 @!p0 $0x4000, s7;
	s6 =	simm.s32 @!p0 $0x1B8D  }
0xb1: {  	s5 =	sshll.u32 @!p0 s5, $0x11;
	s7 =	sadd.s32 @!p0 $0x11B8D, s7;
	_ =	swait.eq @!p0 [sflag:s6], $0x1  }
0xb2: {  	s5 =	sor.u32 @!p0 s5, s7;
	[sflag:s6] =	ssyncadd.s32 @!p0 $0xFFFFFFFF  }
0xb3: {  	s25 =	simm.s32 $0x1B8E;
	s24 =	sld [smem:$0x3FFE];
	[sflag:s5] =	ssyncadd.remote.s32 @!p0 $0x1  }
0xb4: {  	s26 =	simm.s32 $execute0_lowered;
	[smem:$0x3FD2] =	sst s25  }
0xb5: {  	s6 =	sshll.u32 s26, $0x1;
	_ =	strace $0x8000004F;
	[dreg:$0x1] =	wrdreg $0xFFFFFFFF  }
0xb6: {  	s28 =	simm.s32 $_size_execute0_lowered;
	s4 =	sadd.s32 s4, s6;
	[dreg:$0x0] =	wrdreg $0x0  }
0xb7: {  	s6 =	sshll.u32 s28, $0x1;
	[dreg:$0x2] =	wrdreg s4  }
0xb8: {  	[dreg:$0x3] =	wrdreg s6  }
0xb9: {  	[dreg:$0x4] =	wrdreg $0xC0  }
0xba: {  	_ =	task [dreg:s22], $0x5FFFF  }
0xbb: {  	[dreg:$0x1] =	wrdreg $0xFFFFFFFF  }
0xbc: {  	[dreg:$0x0] =	wrdreg $0x60  }
0xbd: {  	[dreg:$0x2] =	wrdreg s24  }
0xbe: {  	[dreg:$0x3] =	wrdreg s18  }
0xbf: {  	[dreg:$0x4] =	wrdreg $0x9  }
0xc0: {  	_ =	task.clear_ibuf [dreg:s22], $0x5FFFF;
	_ =	strace $0x9000004F  }
0xc1: {  	s29 =	simm.s32 $0x9;
	_ =	strace $0x80000051  }
0xc2: {  	_ =	swait.ge [sflag:s29], $0x1  }
0xc3: {  	[sflag:s29] =	ssyncadd.s32 $0xFFFFFFFF  }
0xc4: {  	_ =	strace $0x90000051  }
0xc5: {  	_ =	sfence  }
0xc6: {  	s30 =	sld [smem:$0x0];
	_ =	sdelay $0x2  }
0xc7: {  	s31 =	sshll.u32 s1, $0xD;
	s1 =	sshrl.u32 s1, $0x2  }
0xc8: {  	s4 =	sand.u32 $0x4000, s31;
	s1 =	sadd.s32 s1, s30  }
0xc9: {  	s0 =	sor.u32 s4, s0;
	s1 =	sshll.u32 s1, $0x11  }
0xca: {  	s0 =	sor.u32 s1, s0  }
0xcb: {  	s0 =	sadd.s32 $0x8F2B, s0  }
0xcc: {  	[sflag:s0] =	ssyncadd.remote.s32 $0x1  }
0xcd: {  	_ =	sfence.sel $0xFFFF  }
0xce: {  	[dreg:$0x0] =	wrdreg $0xFFFFFFFF;
	(pc) =	sbr.abs _section_cstart, $3  }
0xcf: {  	[dreg:$0x1] =	wrdreg $0xFFFFFFFF  }
0xd0: {  	_ =	task.clear_ibuf [dreg:s22], $0x2FFFF;
	_ =	strace $0x9FFFFFFF  }
0xd1: {  	(tm) =	ssettm $0x7FFFFFFF  }
tec
execute0_lowered:
.L_overlay_start_1:
0x0: {  	(tag) =	ssettag $0x1  }
0x1: {  	s0 =	rddreg [dreg:$0x0]  }
0x2: {  	s2 =	rddreg [dreg:$0x1];
	s1 =	srdreg.scid  }
0x3: {  	s4 =	stileid.u32;
	s3 =	simm.s32 $0x0;
	s16 =	simm.s32 $0x28  }
0x4: {  	s17 =	simm.s32 $0x200;
	s20 =	simm.s32 $0x2A00;
	s29 =	simm.s32 $0x7A00  }
0x5: {  	s18 =	simm.s32 $0x1;
	s1 =	sand.u32 $0x1, s1;
	s4 =	sshll.u32 s4, $0x1  }
0x6: {  	s19 =	simm.s32 $0x7;
	s21 =	simm.s32 $0x6;
	s4 =	sor.u32 s1, s4  }
0x7: {  	s22 =	simm.s32 $0x2;
	s23 =	simm.s32 $0x8;
	s6 =	smul.u32 $0x4C0, s4  }
0x8: {  	s28 =	simm.s32 $0x0;
	s9 =	sadd.s32 $0x18A400, s0;
	s10 =	smul.u32 $0x2800, s4  }
0x9: {  	[smem:$0x7FF] =	sst s3;
	s12 =	sadd.s32 $0x1E3C00, s0;
	s13 =	smul.u32 $0x1400, s4  }
0xa: {  	s5 =	sshll.u32 s4, $0x6;
	s8 =	sshllo.u32 s4, $0x1;
	s4 =	smul.u32 $0xA000, s4  }
0xb: {  	_ =	strace $0x80000050;
	s1 =	ssub.s32 $0x2, s1;
	s7 =	smul.u32 $0x260, s8  }
0xc: {  	s11 =	sshrl.u32 s1, $0x1;
	s5 =	sadd.s32 s5, s0;
	s25 =	smul.u32 $0x1400, s8  }
0xd: {  	s0 =	sadd.s32 $0x193C00, s0;
	s1 =	ssub.s32 s1, s11;
	s14 =	smul.u32 $0x5000, s8  }
0xe: {  	s15 =	smul.u32 $0xA00, s8;
	s5 =	sadd.s32 $0x189C00, s5;
	s24 =	sadd.s32 s9, s6  }
0xf: {  	s4 =	sshrl.u32 s4, $0x3;
	s8 =	sadd.s32 s12, s13;
	[dreg:$0x3] =	wrdreg s5  }
0x10: {  	s13 =	smax.u32 s1, $0x1;
	s1 =	simm.s32 $0x5;
	[dreg:$0x4] =	wrdreg s24  }
0x11: {  	s26 =	sadd.s32 s9, s7;
	s7 =	sadd.s32 s0, s10;
	s4 =	sadd.s32 s12, s4  }
0x12: {  	s30 =	sshrl.u32 s14, $0x3;
	s10 =	sadd.s32 s0, s25;
	s11 =	sadd.s32 s12, s15  }
0x13: {  	s14 =	simm.s32 $0x9;
	s24 =	simm.s32 $0x5200;
	s15 =	simm.s32 $0xC800  }
0x14: {  	s25 =	simm.s32 $0x3;
	[dreg:$0x5] =	wrdreg s26;
	s31 =	sadd.s32 s12, s30  }
0x15: {  	v0 =	vimm.f32 $0.0e+00;
	v1 =	vimm.f32 $1.000000000e+00;
	v2 =	vimm.f32 $-1.000000000e+00;
	s9 =	sadd.s32 $0x500, s4;
	s26 =	simm.s32 $0x4;
	s12 =	sadd.s32 $0x500, s31  }
.LBB2_1:
0x16: {  	s0 =	rddreg [dreg:$0x3]  }
0x17: {  	[tilespmem:s3], [sflag:$0x9] =	stream.linear.gather [hbm4b:s0+s3], $0x200, $0x38;
	[tilespmem:$0x16800] =	vst v63  }
0x18: {  	_ =	swait.ge [sflag:s14], $0x200  }
0x19: {  	[sflag:s14] =	ssyncset.done $0x0  }
0x1a: {  	s4 =	simm.s32 $0xA200;
	s5 =	rddreg [dreg:$0x4];
	[sflag:s14] =	ssyncadd.s32 $0xFFFFFE00  }
0x1b: {  	[tilespmem:s4], [sflag:$0x5] =	stream.linear.gather [hbm4b:s5+s3], $0x1300, $0x38;
	[tilespmem:$0x16800] =	vst v63  }
0x1c: {  	_ = 	snop  }
0x1d: {  	[tilespmem:s17], [sflag:$0x1] =	stream.indirect.gather [hbm4b:s2+s16], $0x80, s3, s16, $0xb8;
	[tilespmem:$0x16800] =	vst v63  }
0x1e: {  	s6 =	simm.s32 $0x1600  }
0x1f: {  	[tilespmem:s6], [sflag:$0x1] =	stream.indirect.gather [hbm4b:s2+s16], $0x80, s16, s16, $0xb8;
	[tilespmem:$0x16800] =	vst v63  }
0x20: {  	s4 =	simm.s32 $0x80  }
0x21: {  	[tilespmem:s20], [sflag:$0x1] =	stream.indirect.gather [hbm4b:s2+s16], $0x80, s4, s16, $0xb8;
	[tilespmem:$0x16800] =	vst v63  }
0x22: {  	s5 =	simm.s32 $0xA8;
	s6 =	simm.s32 $0x3E00  }
0x23: {  	[tilespmem:s6], [sflag:$0x1] =	stream.indirect.gather [hbm4b:s2+s16], $0x80, s5, s16, $0xb8;
	[tilespmem:$0x16800] =	vst v63  }
0x24: {  	s4 =	simm.s32 $0x100  }
0x25: {  	[tilespmem:s24], [sflag:$0x2] =	stream.indirect.gather [hbm4b:s2+s16], $0x80, s4, s16, $0xb8;
	[tilespmem:$0x16800] =	vst v63  }
0x26: {  	s5 =	simm.s32 $0x128;
	s6 =	simm.s32 $0x6600  }
0x27: {  	[tilespmem:s6], [sflag:$0x2] =	stream.indirect.gather [hbm4b:s2+s16], $0x80, s5, s16, $0xb8;
	[tilespmem:$0x16800] =	vst v63  }
0x28: {  	s4 =	simm.s32 $0x180  }
0x29: {  	[tilespmem:s29], [sflag:$0x2] =	stream.indirect.gather [hbm4b:s2+s16], $0x80, s4, s16, $0xb8;
	[tilespmem:$0x16800] =	vst v63  }
0x2a: {  	s5 =	simm.s32 $0x1A8;
	s6 =	simm.s32 $0x8E00  }
0x2b: {  	[tilespmem:s6], [sflag:$0x2] =	stream.indirect.gather [hbm4b:s2+s16], $0x80, s5, s16, $0xb8;
	[tilespmem:$0x16800] =	vst v63  }
0x2c: {  	s5 =	sand.u32 $0xF800, s3;
	s6 =	sand.u32 $0x300, s3  }
0x2d: {  	s0 =	sor.u32 s6, s5  }
0x2e: {  	[tilespmem:s0+$0xCC90] =	vst v0  }
0x2f: {  	[tilespmem:s0+$0xC800] =	vst v0  }
0x30: {  	[tilespmem:s0+$0xC810] =	vst v0  }
0x31: {  	[tilespmem:s0+$0xC820] =	vst v0  }
0x32: {  	[tilespmem:s0+$0xC830] =	vst v0  }
0x33: {  	[tilespmem:s0+$0xC840] =	vst v0  }
0x34: {  	[tilespmem:s0+$0xC850] =	vst v0  }
0x35: {  	[tilespmem:s0+$0xC860] =	vst v0  }
0x36: {  	[tilespmem:s0+$0xC870] =	vst v0  }
0x37: {  	[tilespmem:s0+$0xCC00] =	vst v0  }
0x38: {  	[tilespmem:s0+$0xCC10] =	vst v0  }
0x39: {  	[tilespmem:s0+$0xC880] =	vst v0  }
0x3a: {  	[tilespmem:s0+$0xC890] =	vst v0  }
0x3b: {  	[tilespmem:s0+$0xC8A0] =	vst v0  }
0x3c: {  	[tilespmem:s0+$0xC8B0] =	vst v0  }
0x3d: {  	[tilespmem:s0+$0xC8C0] =	vst v0  }
0x3e: {  	[tilespmem:s0+$0xC8D0] =	vst v0  }
0x3f: {  	s30 =	simm.s32 $0x0;
	s31 =	simm.s32 $0x100;
	s4 =	simm.s32 $0x200;
	[tilespmem:s0+$0xC8E0] =	vst v0  }
.LBB2_2:
0x40: {  	s5 =	sand.u32 $0xF800, s4;
	s6 =	sand.u32 $0x300, s31;
	s30 =	sadd.s32 $0x2, s30;
	[tilespmem:s0+$0xC8F0] =	vst v0  }
0x41: {  	p0 =	slt.u32 s30, $0x9E;
	[tilespmem:s0+$0xCC80] =	vst v0;
	s0 =	sor.u32 s6, s5  }
0x42: {  	[tilespmem:s0+$0xCC90] =	vst v0  }
0x43: {  	[tilespmem:s0+$0xC800] =	vst v0  }
0x44: {  	[tilespmem:s0+$0xC810] =	vst v0  }
0x45: {  	[tilespmem:s0+$0xC820] =	vst v0  }
0x46: {  	[tilespmem:s0+$0xC830] =	vst v0  }
0x47: {  	[tilespmem:s0+$0xC840] =	vst v0  }
0x48: {  	[tilespmem:s0+$0xC850] =	vst v0  }
0x49: {  	[tilespmem:s0+$0xC860] =	vst v0  }
0x4a: {  	[tilespmem:s0+$0xC870] =	vst v0  }
0x4b: {  	[tilespmem:s0+$0xCC00] =	vst v0  }
0x4c: {  	[tilespmem:s0+$0xCC10] =	vst v0  }
0x4d: {  	[tilespmem:s0+$0xC880] =	vst v0  }
0x4e: {  	[tilespmem:s0+$0xC890] =	vst v0  }
.Ltmp0:
0x4f: {  	[tilespmem:s0+$0xC8A0] =	vst v0;
	(pc) =	sbr.rel @p0 .LBB2_2-.Ltmp0, $4  }
0x50: {  	[tilespmem:s0+$0xC8B0] =	vst v0  }
0x51: {  	[tilespmem:s0+$0xC8C0] =	vst v0  }
0x52: {  	[tilespmem:s0+$0xC8D0] =	vst v0  }
0x53: {  	s31 =	sadd.s32 $0x100, s31;
	s4 =	sadd.s32 $0x200, s4;
	[tilespmem:s0+$0xC8E0] =	vst v0  }
0x54: {  	[tilespmem:s0+$0xC8F0] =	vst v0  }
0x55: {  	[tilespmem:s0+$0xCC80] =	vst v0;
	s30 =	simm.s32 $0x0;
	s6 =	rddreg [dreg:$0x5];
	s4 =	simm.s32 $0xB500  }
0x56: {  	[tilespmem:s4], [sflag:$0x6] =	stream.linear.gather [hbm4b:s6+s30], $0x1300, $0x38;
	[tilespmem:$0x16800] =	vst v63  }
0x57: {  	_ =	swait.ge [sflag:s1], $0x1300  }
0x58: {  	[sflag:s1] =	ssyncset.done $0x0  }
0x59: {  	s31 =	simm.s32 $0xFFFFFFFB;
	s0 =	simm.s32 $0x40;
	[sflag:s1] =	ssyncadd.s32 $0xFFFFED00  }
.LBB2_4:
0x5a: {  	s4 =	sadd.s32 $0xFFFFFFC0, s0  }
0x5b: {  	s5 =	sand.u32 $0x1F00, s30;
	s4 =	sand.u32 $0x70, s4  }
0x5c: {  	s4 =	sor.u32 s4, s5  }
0x5d: {  	v3 =	vld [tilespmem:s4+$0xA200]  }
0x5e: {  	v4 =	vld [tilespmem:s4+$0xA280];
	_ =	sdelay $0x4  }
0x5f: {  	v5 =	vshll.u32 v4, $0x8;
	v6 =	vshll.u32 v3, $0x3  }
0x60: {  	v4 =	vshll.u32 v4, $0x7;
	v5 =	vand.u32 $0xFFFFF800, v5;
	v6 =	vand.u32 $0xFFFFFC00, v6  }
0x61: {  	v4 =	vand.u32 $0x380, v4;
	v5 =	vadd.s32 v6, v5  }
0x62: {  	v3 =	vand.u32 $0x7F, v3;
	v4 =	vor.u32 v4, v5  }
0x63: {  	v3 =	vor.u32 v3, v4;
	_ =	sdelay $0x2  }
0x64: {  	s6 =	sadd.s32 $0x20, s30;
	s5 =	sadd.s32 $0xFFFFFFD0, s0  }
0x65: {  	s4 =	sand.u32 $0x70, s5;
	s5 =	sand.u32 $0x3F00, s6  }
0x66: {  	s4 =	sor.u32 s4, s5;
	[tilespmem:v3+s15+$0x0] =	vst.idx.add.f32.msk $0xffff, v1  }
0x67: {  	v3 =	vld [tilespmem:s4+$0xA200]  }
0x68: {  	v52 =	vld [tilespmem:s4+$0xA280];
	_ =	sdelay $0x4  }
0x69: {  	v53 =	vshll.u32 v52, $0x8;
	v54 =	vshll.u32 v3, $0x3  }
0x6a: {  	v4 =	vshll.u32 v52, $0x7;
	v5 =	vand.u32 $0xFFFFF800, v53;
	v6 =	vand.u32 $0xFFFFFC00, v54  }
0x6b: {  	v4 =	vand.u32 $0x380, v4;
	v5 =	vadd.s32 v6, v5  }
0x6c: {  	v3 =	vand.u32 $0x7F, v3;
	v4 =	vor.u32 v4, v5  }
0x6d: {  	v3 =	vor.u32 v3, v4;
	_ =	sdelay $0x2  }
0x6e: {  	s6 =	sadd.s32 $0x40, s30;
	s5 =	sadd.s32 $0xFFFFFFE0, s0  }
0x6f: {  	s4 =	sand.u32 $0x70, s5;
	s5 =	sand.u32 $0x3F00, s6  }
0x70: {  	s4 =	sor.u32 s4, s5;
	[tilespmem:v3+s15+$0x0] =	vst.idx.add.f32.msk $0xffff, v1  }
0x71: {  	v3 =	vld [tilespmem:s4+$0xA200]  }
0x72: {  	v55 =	vld [tilespmem:s4+$0xA280];
	_ =	sdelay $0x4  }
0x73: {  	v56 =	vshll.u32 v55, $0x8;
	v57 =	vshll.u32 v3, $0x3  }
0x74: {  	v4 =	vshll.u32 v55, $0x7;
	v5 =	vand.u32 $0xFFFFF800, v56;
	v6 =	vand.u32 $0xFFFFFC00, v57  }
0x75: {  	v4 =	vand.u32 $0x380, v4;
	v5 =	vadd.s32 v6, v5  }
0x76: {  	v3 =	vand.u32 $0x7F, v3;
	v4 =	vor.u32 v4, v5  }
0x77: {  	v3 =	vor.u32 v3, v4;
	_ =	sdelay $0x2  }
0x78: {  	s6 =	sadd.s32 $0x60, s30;
	s5 =	sadd.s32 $0xFFFFFFF0, s0  }
0x79: {  	s4 =	sand.u32 $0x70, s5;
	s5 =	sand.u32 $0x3F00, s6  }
0x7a: {  	s4 =	sor.u32 s4, s5;
	[tilespmem:v3+s15+$0x0] =	vst.idx.add.f32.msk $0xffff, v1  }
0x7b: {  	v3 =	vld [tilespmem:s4+$0xA200]  }
0x7c: {  	v58 =	vld [tilespmem:s4+$0xA280];
	_ =	sdelay $0x4  }
0x7d: {  	v59 =	vshll.u32 v58, $0x8;
	v60 =	vshll.u32 v3, $0x3  }
0x7e: {  	v4 =	vshll.u32 v58, $0x7;
	v5 =	vand.u32 $0xFFFFF800, v59;
	v6 =	vand.u32 $0xFFFFFC00, v60  }
0x7f: {  	v4 =	vand.u32 $0x380, v4;
	v5 =	vadd.s32 v6, v5  }
0x80: {  	v3 =	vand.u32 $0x7F, v3;
	v4 =	vor.u32 v4, v5  }
0x81: {  	v3 =	vor.u32 v3, v4;
	_ =	sdelay $0x2  }
0x82: {  	s5 =	sadd.s32 $0x80, s30  }
0x83: {  	s6 =	sand.u32 $0x70, s0;
	s4 =	sand.u32 $0x3F00, s5  }
0x84: {  	s4 =	sor.u32 s6, s4;
	[tilespmem:v3+s15+$0x0] =	vst.idx.add.f32.msk $0xffff, v1  }
0x85: {  	v3 =	vld [tilespmem:s4+$0xA200]  }
0x86: {  	v61 =	vld [tilespmem:s4+$0xA280];
	_ =	sdelay $0x4  }
0x87: {  	v62 =	vshll.u32 v61, $0x8;
	v63 =	vshll.u32 v3, $0x3  }
0x88: {  	v4 =	vshll.u32 v61, $0x7;
	v5 =	vand.u32 $0xFFFFF800, v62;
	v6 =	vand.u32 $0xFFFFFC00, v63  }
0x89: {  	v4 =	vand.u32 $0x380, v4;
	v5 =	vadd.s32 v6, v5  }
0x8a: {  	s31 =	sadd.s32 $0x5, s31;
	v3 =	vand.u32 $0x7F, v3;
	v4 =	vor.u32 v4, v5  }
0x8b: {  	p0 =	slt.u32 s31, $0x91;
	v3 =	vor.u32 v3, v4  }
.Ltmp1:
0x8c: {  	_ = 	snop;
	(pc) =	sbr.rel @p0 .LBB2_4-.Ltmp1, $2  }
0x8d: {  	_ =	sdelay $0x2  }
0x8e: {  	s0 =	sadd.s32 $0x50, s0;
	s30 =	sadd.s32 $0xA0, s30;
	[tilespmem:v3+s15+$0x0] =	vst.idx.add.f32.msk $0xffff, v1  }
0x8f: {  	s30 =	simm.s32 $0x0  }
0x90: {  	[hbm4b:s7+s30] =	stream.linear.scatter [tilespmem:s15], [sflag:$0x7], $0xA000, $0x38;
	[tilespmem:$0x16800] =	vst v63  }
0x91: {  	_ =	swait.ge [sflag:s18], $0x1400  }
0x92: {  	[sflag:s18] =	ssyncset.done $0x0  }
0x93: {  	[sflag:s18] =	ssyncadd.s32 $0xFFFFEC00  }
0x94: {  	_ =	swait.ge [sflag:s18], $0x1400  }
0x95: {  	[sflag:s18] =	ssyncset.done $0x0  }
0x96: {  	[sflag:s18] =	ssyncadd.s32 $0xFFFFEC00  }
0x97: {  	_ =	swait.ge [sflag:s18], $0x1400  }
0x98: {  	[sflag:s18] =	ssyncset.done $0x0  }
0x99: {  	[sflag:s18] =	ssyncadd.s32 $0xFFFFEC00  }
0x9a: {  	_ =	swait.ge [sflag:s18], $0x1400  }
0x9b: {  	[sflag:s18] =	ssyncset.done $0x0  }
0x9c: {  	[sflag:s18] =	ssyncadd.s32 $0xFFFFEC00  }
0x9d: {  	[hbm4b:s8+s30] =	stream.linear.scatter [tilespmem:s17], [sflag:$0x3], $0x2800, $0x38;
	[tilespmem:$0x16800] =	vst v63  }
0x9e: {  	_ = 	snop  }
0x9f: {  	[hbm4b:s9+s30] =	stream.linear.scatter [tilespmem:s20], [sflag:$0x3], $0x2800, $0x38;
	[tilespmem:$0x16800] =	vst v63  }
0xa0: {  	_ =	swait.ge [sflag:s19], $0xA000  }
0xa1: {  	[sflag:s19] =	ssyncset.done $0x0  }
0xa2: {  	s31 =	simm.s32 $0xFFFFFFFB;
	s0 =	simm.s32 $0x40;
	[sflag:s19] =	ssyncadd.s32 $0xFFFF6000  }
.LBB2_6:
0xa3: {  	s4 =	sadd.s32 $0xFFFFFFC0, s0  }
0xa4: {  	s5 =	sand.u32 $0x1F00, s30;
	s4 =	sand.u32 $0x70, s4  }
0xa5: {  	s4 =	sor.u32 s4, s5  }
0xa6: {  	v3 =	vld [tilespmem:s4+$0xA200]  }
0xa7: {  	v4 =	vld [tilespmem:s4+$0xA280];
	_ =	sdelay $0x4  }
0xa8: {  	v5 =	vshll.u32 v4, $0x8;
	v6 =	vshll.u32 v3, $0x3  }
0xa9: {  	v4 =	vshll.u32 v4, $0x7;
	v5 =	vand.u32 $0xFFFFF800, v5;
	v6 =	vand.u32 $0xFFFFFC00, v6  }
0xaa: {  	v4 =	vand.u32 $0x380, v4;
	v5 =	vadd.s32 v6, v5  }
0xab: {  	v3 =	vand.u32 $0x7F, v3;
	v4 =	vor.u32 v4, v5  }
0xac: {  	v3 =	vor.u32 v3, v4;
	_ =	sdelay $0x2  }
0xad: {  	s6 =	sadd.s32 $0x20, s30;
	s5 =	sadd.s32 $0xFFFFFFD0, s0  }
0xae: {  	s4 =	sand.u32 $0x70, s5;
	s5 =	sand.u32 $0x3F00, s6  }
0xaf: {  	s4 =	sor.u32 s4, s5;
	[tilespmem:v3+s15+$0x0] =	vst.idx.add.f32.msk $0xffff, v2  }
0xb0: {  	v3 =	vld [tilespmem:s4+$0xA200]  }
0xb1: {  	v52 =	vld [tilespmem:s4+$0xA280];
	_ =	sdelay $0x4  }
0xb2: {  	v53 =	vshll.u32 v52, $0x8;
	v54 =	vshll.u32 v3, $0x3  }
0xb3: {  	v4 =	vshll.u32 v52, $0x7;
	v5 =	vand.u32 $0xFFFFF800, v53;
	v6 =	vand.u32 $0xFFFFFC00, v54  }
0xb4: {  	v4 =	vand.u32 $0x380, v4;
	v5 =	vadd.s32 v6, v5  }
0xb5: {  	v3 =	vand.u32 $0x7F, v3;
	v4 =	vor.u32 v4, v5  }
0xb6: {  	v3 =	vor.u32 v3, v4;
	_ =	sdelay $0x2  }
0xb7: {  	s6 =	sadd.s32 $0x40, s30;
	s5 =	sadd.s32 $0xFFFFFFE0, s0  }
0xb8: {  	s4 =	sand.u32 $0x70, s5;
	s5 =	sand.u32 $0x3F00, s6  }
0xb9: {  	s4 =	sor.u32 s4, s5;
	[tilespmem:v3+s15+$0x0] =	vst.idx.add.f32.msk $0xffff, v2  }
0xba: {  	v3 =	vld [tilespmem:s4+$0xA200]  }
0xbb: {  	v55 =	vld [tilespmem:s4+$0xA280];
	_ =	sdelay $0x4  }
0xbc: {  	v56 =	vshll.u32 v55, $0x8;
	v57 =	vshll.u32 v3, $0x3  }
0xbd: {  	v4 =	vshll.u32 v55, $0x7;
	v5 =	vand.u32 $0xFFFFF800, v56;
	v6 =	vand.u32 $0xFFFFFC00, v57  }
0xbe: {  	v4 =	vand.u32 $0x380, v4;
	v5 =	vadd.s32 v6, v5  }
0xbf: {  	v3 =	vand.u32 $0x7F, v3;
	v4 =	vor.u32 v4, v5  }
0xc0: {  	v3 =	vor.u32 v3, v4;
	_ =	sdelay $0x2  }
0xc1: {  	s6 =	sadd.s32 $0x60, s30;
	s5 =	sadd.s32 $0xFFFFFFF0, s0  }
0xc2: {  	s4 =	sand.u32 $0x70, s5;
	s5 =	sand.u32 $0x3F00, s6  }
0xc3: {  	s4 =	sor.u32 s4, s5;
	[tilespmem:v3+s15+$0x0] =	vst.idx.add.f32.msk $0xffff, v2  }
0xc4: {  	v3 =	vld [tilespmem:s4+$0xA200]  }
0xc5: {  	v58 =	vld [tilespmem:s4+$0xA280];
	_ =	sdelay $0x4  }
0xc6: {  	v59 =	vshll.u32 v58, $0x8;
	v60 =	vshll.u32 v3, $0x3  }
0xc7: {  	v4 =	vshll.u32 v58, $0x7;
	v5 =	vand.u32 $0xFFFFF800, v59;
	v6 =	vand.u32 $0xFFFFFC00, v60  }
0xc8: {  	v4 =	vand.u32 $0x380, v4;
	v5 =	vadd.s32 v6, v5  }
0xc9: {  	v3 =	vand.u32 $0x7F, v3;
	v4 =	vor.u32 v4, v5  }
0xca: {  	v3 =	vor.u32 v3, v4;
	_ =	sdelay $0x2  }
0xcb: {  	s5 =	sadd.s32 $0x80, s30  }
0xcc: {  	s6 =	sand.u32 $0x70, s0;
	s4 =	sand.u32 $0x3F00, s5  }
0xcd: {  	s4 =	sor.u32 s6, s4;
	[tilespmem:v3+s15+$0x0] =	vst.idx.add.f32.msk $0xffff, v2  }
0xce: {  	v3 =	vld [tilespmem:s4+$0xA200]  }
0xcf: {  	v61 =	vld [tilespmem:s4+$0xA280];
	_ =	sdelay $0x4  }
0xd0: {  	v62 =	vshll.u32 v61, $0x8;
	v63 =	vshll.u32 v3, $0x3  }
0xd1: {  	v4 =	vshll.u32 v61, $0x7;
	v5 =	vand.u32 $0xFFFFF800, v62;
	v6 =	vand.u32 $0xFFFFFC00, v63  }
0xd2: {  	v4 =	vand.u32 $0x380, v4;
	v5 =	vadd.s32 v6, v5  }
0xd3: {  	s31 =	sadd.s32 $0x5, s31;
	v3 =	vand.u32 $0x7F, v3;
	v4 =	vor.u32 v4, v5  }
0xd4: {  	p0 =	slt.u32 s31, $0x91;
	v3 =	vor.u32 v3, v4  }
.Ltmp2:
0xd5: {  	_ = 	snop;
	(pc) =	sbr.rel @p0 .LBB2_6-.Ltmp2, $2  }
0xd6: {  	_ =	sdelay $0x2  }
0xd7: {  	s0 =	sadd.s32 $0x50, s0;
	s30 =	sadd.s32 $0xA0, s30;
	[tilespmem:v3+s15+$0x0] =	vst.idx.add.f32.msk $0xffff, v2  }
0xd8: {  	_ =	swait.ge [sflag:s21], $0x1300  }
0xd9: {  	s30 =	simm.s32 $0xFFFFFFFB;
	[sflag:s21] =	ssyncset.done $0x0  }
0xda: {  	s31 =	simm.s32 $0x0;
	s0 =	simm.s32 $0x40;
	[sflag:s21] =	ssyncadd.s32 $0xFFFFED00  }
.LBB2_8:
0xdb: {  	s4 =	sadd.s32 $0xFFFFFFC0, s0  }
0xdc: {  	s5 =	sand.u32 $0x1F00, s31;
	s4 =	sand.u32 $0x70, s4  }
0xdd: {  	s4 =	sor.u32 s4, s5  }
0xde: {  	v3 =	vld [tilespmem:s4+$0xB500]  }
0xdf: {  	v4 =	vld [tilespmem:s4+$0xB580];
	_ =	sdelay $0x4  }
0xe0: {  	v5 =	vshll.u32 v4, $0x8;
	v6 =	vshll.u32 v3, $0x3  }
0xe1: {  	v4 =	vshll.u32 v4, $0x7;
	v5 =	vand.u32 $0xFFFFF800, v5;
	v6 =	vand.u32 $0xFFFFFC00, v6  }
0xe2: {  	v4 =	vand.u32 $0x380, v4;
	v5 =	vadd.s32 v6, v5  }
0xe3: {  	v3 =	vand.u32 $0x7F, v3;
	v4 =	vor.u32 v4, v5  }
0xe4: {  	v3 =	vor.u32 v3, v4;
	_ =	sdelay $0x2  }
0xe5: {  	s6 =	sadd.s32 $0x20, s31;
	s5 =	sadd.s32 $0xFFFFFFD0, s0  }
0xe6: {  	s4 =	sand.u32 $0x70, s5;
	s5 =	sand.u32 $0x3F00, s6  }
0xe7: {  	s4 =	sor.u32 s4, s5;
	[tilespmem:v3+s15+$0x0] =	vst.idx.add.f32.msk $0xffff, v1  }
0xe8: {  	v3 =	vld [tilespmem:s4+$0xB500]  }
0xe9: {  	v52 =	vld [tilespmem:s4+$0xB580];
	_ =	sdelay $0x4  }
0xea: {  	v53 =	vshll.u32 v52, $0x8;
	v54 =	vshll.u32 v3, $0x3  }
0xeb: {  	v4 =	vshll.u32 v52, $0x7;
	v5 =	vand.u32 $0xFFFFF800, v53;
	v6 =	vand.u32 $0xFFFFFC00, v54  }
0xec: {  	v4 =	vand.u32 $0x380, v4;
	v5 =	vadd.s32 v6, v5  }
0xed: {  	v3 =	vand.u32 $0x7F, v3;
	v4 =	vor.u32 v4, v5  }
0xee: {  	v3 =	vor.u32 v3, v4;
	_ =	sdelay $0x2  }
0xef: {  	s6 =	sadd.s32 $0x40, s31;
	s5 =	sadd.s32 $0xFFFFFFE0, s0  }
0xf0: {  	s4 =	sand.u32 $0x70, s5;
	s5 =	sand.u32 $0x3F00, s6  }
0xf1: {  	s4 =	sor.u32 s4, s5;
	[tilespmem:v3+s15+$0x0] =	vst.idx.add.f32.msk $0xffff, v1  }
0xf2: {  	v3 =	vld [tilespmem:s4+$0xB500]  }
0xf3: {  	v55 =	vld [tilespmem:s4+$0xB580];
	_ =	sdelay $0x4  }
0xf4: {  	v56 =	vshll.u32 v55, $0x8;
	v57 =	vshll.u32 v3, $0x3  }
0xf5: {  	v4 =	vshll.u32 v55, $0x7;
	v5 =	vand.u32 $0xFFFFF800, v56;
	v6 =	vand.u32 $0xFFFFFC00, v57  }
0xf6: {  	v4 =	vand.u32 $0x380, v4;
	v5 =	vadd.s32 v6, v5  }
0xf7: {  	v3 =	vand.u32 $0x7F, v3;
	v4 =	vor.u32 v4, v5  }
0xf8: {  	v3 =	vor.u32 v3, v4;
	_ =	sdelay $0x2  }
0xf9: {  	s6 =	sadd.s32 $0x60, s31;
	s5 =	sadd.s32 $0xFFFFFFF0, s0  }
0xfa: {  	s4 =	sand.u32 $0x70, s5;
	s5 =	sand.u32 $0x3F00, s6  }
0xfb: {  	s4 =	sor.u32 s4, s5;
	[tilespmem:v3+s15+$0x0] =	vst.idx.add.f32.msk $0xffff, v1  }
0xfc: {  	v3 =	vld [tilespmem:s4+$0xB500]  }
0xfd: {  	v58 =	vld [tilespmem:s4+$0xB580];
	_ =	sdelay $0x4  }
0xfe: {  	v59 =	vshll.u32 v58, $0x8;
	v60 =	vshll.u32 v3, $0x3  }
0xff: {  	v4 =	vshll.u32 v58, $0x7;
	v5 =	vand.u32 $0xFFFFF800, v59;
	v6 =	vand.u32 $0xFFFFFC00, v60  }
0x100: {  	v4 =	vand.u32 $0x380, v4;
	v5 =	vadd.s32 v6, v5  }
0x101: {  	v3 =	vand.u32 $0x7F, v3;
	v4 =	vor.u32 v4, v5  }
0x102: {  	v3 =	vor.u32 v3, v4;
	_ =	sdelay $0x2  }
0x103: {  	s5 =	sadd.s32 $0x80, s31  }
0x104: {  	s6 =	sand.u32 $0x70, s0;
	s4 =	sand.u32 $0x3F00, s5  }
0x105: {  	s4 =	sor.u32 s6, s4;
	[tilespmem:v3+s15+$0x0] =	vst.idx.add.f32.msk $0xffff, v1  }
0x106: {  	v3 =	vld [tilespmem:s4+$0xB500]  }
0x107: {  	v61 =	vld [tilespmem:s4+$0xB580];
	_ =	sdelay $0x4  }
0x108: {  	v62 =	vshll.u32 v61, $0x8;
	v63 =	vshll.u32 v3, $0x3  }
0x109: {  	v4 =	vshll.u32 v61, $0x7;
	v5 =	vand.u32 $0xFFFFF800, v62;
	v6 =	vand.u32 $0xFFFFFC00, v63  }
0x10a: {  	v4 =	vand.u32 $0x380, v4;
	v5 =	vadd.s32 v6, v5  }
0x10b: {  	s30 =	sadd.s32 $0x5, s30;
	v3 =	vand.u32 $0x7F, v3;
	v4 =	vor.u32 v4, v5  }
0x10c: {  	p0 =	slt.u32 s30, $0x91;
	v3 =	vor.u32 v3, v4  }
.Ltmp3:
0x10d: {  	_ = 	snop;
	(pc) =	sbr.rel @p0 .LBB2_8-.Ltmp3, $2  }
0x10e: {  	_ =	sdelay $0x2  }
0x10f: {  	s0 =	sadd.s32 $0x50, s0;
	s31 =	sadd.s32 $0xA0, s31;
	[tilespmem:v3+s15+$0x0] =	vst.idx.add.f32.msk $0xffff, v1  }
0x110: {  	[hbm4b:s10+s3] =	stream.linear.scatter [tilespmem:s15], [sflag:$0x8], $0xA000, $0x38;
	[tilespmem:$0x16800] =	vst v63  }
0x111: {  	_ =	swait.ge [sflag:s22], $0x1400  }
0x112: {  	[sflag:s22] =	ssyncset.done $0x0  }
0x113: {  	[sflag:s22] =	ssyncadd.s32 $0xFFFFEC00  }
0x114: {  	_ =	swait.ge [sflag:s22], $0x1400  }
0x115: {  	[sflag:s22] =	ssyncset.done $0x0  }
0x116: {  	[sflag:s22] =	ssyncadd.s32 $0xFFFFEC00  }
0x117: {  	_ =	swait.ge [sflag:s22], $0x1400  }
0x118: {  	[sflag:s22] =	ssyncset.done $0x0  }
0x119: {  	[sflag:s22] =	ssyncadd.s32 $0xFFFFEC00  }
0x11a: {  	_ =	swait.ge [sflag:s22], $0x1400  }
0x11b: {  	[sflag:s22] =	ssyncset.done $0x0  }
0x11c: {  	[sflag:s22] =	ssyncadd.s32 $0xFFFFEC00  }
0x11d: {  	[hbm4b:s11+s3] =	stream.linear.scatter [tilespmem:s24], [sflag:$0x4], $0x2800, $0x38;
	[tilespmem:$0x16800] =	vst v63  }
0x11e: {  	_ = 	snop  }
0x11f: {  	[hbm4b:s12+s3] =	stream.linear.scatter [tilespmem:s29], [sflag:$0x4], $0x2800, $0x38;
	[tilespmem:$0x16800] =	vst v63  }
0x120: {  	_ =	swait.ge [sflag:s23], $0xA000  }
0x121: {  	[sflag:s23] =	ssyncset.done $0x0  }
0x122: {  	[sflag:s23] =	ssyncadd.s32 $0xFFFF6000  }
0x123: {  	_ =	swait.ge [sflag:s25], $0x2800  }
0x124: {  	[sflag:s25] =	ssyncset.done $0x0  }
0x125: {  	[sflag:s25] =	ssyncadd.s32 $0xFFFFD800  }
0x126: {  	_ =	swait.ge [sflag:s25], $0x2800  }
0x127: {  	[sflag:s25] =	ssyncset.done $0x0  }
0x128: {  	s28 =	sadd.s32 $0x1, s28;
	[sflag:s25] =	ssyncadd.s32 $0xFFFFD800  }
0x129: {  	p0 =	sne.s32 s28, s13;
	_ =	swait.ge [sflag:s26], $0x2800  }
.Ltmp4:
0x12a: {  	[sflag:s26] =	ssyncset.done $0x0;
	(pc) =	sbr.rel @p0 .LBB2_1-.Ltmp4, $4  }
0x12b: {  	[sflag:s26] =	ssyncadd.s32 $0xFFFFD800  }
0x12c: {  	_ =	swait.ge [sflag:s26], $0x2800  }
0x12d: {  	[sflag:s26] =	ssyncset.done $0x0  }
0x12e: {  	[sflag:s26] =	ssyncadd.s32 $0xFFFFD800  }
0x12f: {  	_ =	sfence.sel $0x180000  }
0x130: {  	[bflag:$0x0] =	sbarrier.arrive $0xFFFF  }
0x131: {  	_ =	strace $0x90000050  }
0x132: {  	s0 =	stileid.u32;
	[bflag:$0x2] =	sbarrier.arrive $0xFFFF  }
0x133: {  	p0 =	sne.s32 s0, $0x0;
	s0 =	rddreg [dreg:$0x2]  }
0x134: {  	s0 =	sadd.s32 @!p0 $0x100000, s0  }
0x135: {  	[sflag:s0] =	ssyncadd.tile.s32 @!p0 $0x1;
	_ =	shalt  }
.Lfunc_end2:
_tile_overlayer_lowered:
.L_overlay_start_2:
0x136: {  	(tag) =	ssettag $0x2  }
0x137: {  	s0 =	rddreg [dreg:$0x0];
	s2 =	stileid.u32  }
0x138: {  	s1 =	rddreg [dreg:$0x1];
	p0 =	sne.s32 s2, $0x0  }
0x139: {  	s3 =	rddreg [dreg:$0x2];
	[bflag:$0x3] =	sbarrier.arrive $0xFFFF;
	s2 =	simm.s32 @!p0 $0x1C09  }
0x13a: {  	[timem:s3], [sflag:s2] =	dma.local @!p0 [hbm:s0], s1  }
0x13b: {  	s0 =	simm.s32 @!p0 $0x9  }
0x13c: {  	_ =	swait.ge @!p0 [sflag:s0], s1  }
0x13d: {  	s1 =	ssub.s32 @!p0 $0x0, s1;
	[sflag:s0] =	ssyncset.done @!p0 $0x0  }
0x13e: {  	[sflag:s0] =	ssyncadd.s32 @!p0 s1  }
0x13f: {  	[bflag:$0x3] =	sbarrier.arrive $0xFFFF  }
0x140: {  	_ =	shalt  }

// kernel: kernel.13.cloned.1.call-start
scs
__scs_entry_jumppad:
0x0: {  	(pc) =	sbr.rel $0x88, $3  }
0x1: {  	(tag) =	ssettag $0x0;
	lr =	simm.s32 $0x1  }
0x2: {  	[smem:$0x3F97] =	sst lr;
	_ =	strace $0xD0000000  }
0x3: {  	_ = 	snop  }
0x4: {  	_ = 	snop  }
0x5: {  	_ = 	snop  }
0x6: {  	_ = 	snop  }
0x7: {  	_ = 	snop  }
__scs_overlays_trampoline_lowered:
0x8: {  	[smem:$0x3FA6] =	sst s0  }
0x9: {  	[smem:$0x3FA7] =	sst s1  }
0xa: {  	[smem:$0x3FA8] =	sst s2  }
0xb: {  	[smem:$0x3FA9] =	sst s3  }
0xc: {  	[smem:$0x3FAA] =	sst s4  }
0xd: {  	[smem:$0x3FAB] =	sst s5  }
0xe: {  	[smem:$0x3FAC] =	sst s6  }
0xf: {  	[smem:$0x3FAD] =	sst s7  }
0x10: {  	[smem:$0x3FAE] =	sst s8  }
0x11: {  	[smem:$0x3FAF] =	sst s9;
	s0 =	simm.s32 @!p0 $0x0  }
0x12: {  	s1 =	sld [smem:$0x3F95];
	s0 =	simm.s32 @p0 $0x1  }
0x13: {  	[smem:$0x3FB0] =	sst s0;
	s0 =	simm.s32 @!p1 $0x0  }
0x14: {  	s2 =	sld [smem:$0x3F94];
	s0 =	simm.s32 @p1 $0x1  }
0x15: {  	[smem:$0x3FB1] =	sst s0;
	s0 =	simm.s32 @!p2 $0x0  }
0x16: {  	s3 =	sld [smem:$0x3FDB];
	s0 =	simm.s32 @p2 $0x1  }
0x17: {  	s4 =	simm.s32 $0x1BF5;
	[smem:$0x3FB3] =	sst s0  }
0x18: {  	s0 =	sld [smem:$0x3F96];
	_ =	swait.ge [sflag:s4], $0x0  }
0x19: {  	s7 =	sld [smem:$0x3F97]  }
0x1a: {  	s8 =	sadd.s32 $0xFFFFE003, lr  }
0x1b: {  	s9 =	sadd.s32 $0xFFFFFEF7, lr;
	s5 =	simm.s32 $0xFFFFFFFF;
	p2 =	slt.u32 s8, $0xFFFFF086  }
0x1c: {  	p1 =	slt.u32 s9, $0xF7A;
	s5 =	simm.s32 @!p2 $0x0  }
0x1d: {  	s5 =	simm.s32 @p1 $0x1;
	p0 =	seq.s32 s7, s2  }
0x1e: {  	s7 =	smul.u32 @!p0 $0xF7A, s2;
	p2 =	seq.s32 @!p0 s5, $0x0  }
0x1f: {  	s9 =	smul.u32 $0xF7A, s1;
	s8 =	simm.s32 @!p0 $0x1BF5;
	p2 =	por !p2, p0  }
0x20: {  	[sflag:s8] =	ssyncset.s32 @!p0 $0xFFFFF086;
	s6 =	sadd.s32 @!p0 s3, s7;
	s7 =	simm.s32 @!p0 $0x108  }
0x21: {  	s3 =	sadd.s32 s3, s9;
	s6 =	sadd.s32 @!p0 $0x88, s6;
	s7 =	simm.s32 @p2 $0x1082  }
0x22: {  	[simem:s7], [sflag:s8] =	dma.local @!p0 [hbm:s6], $0xF7A  }
0x23: {  	s9 =	sor.u32 $0xD0000000, s2;
	s6 =	simm.s32 $0x108;
	_ =	swait.ge @!p0 [sflag:s8], $0x0  }
0x24: {  	s3 =	sadd.s32 $0x88, s3;
	s6 =	simm.s32 @!p1 $0x1082;
	[sflag:s4] =	ssyncset.s32 $0xFFFFF086  }
0x25: {  	[simem:s6], [sflag:s4] =	dma.local [hbm:s3], $0xF7A  }
0x26: {  	[smem:$0x3F97] =	sst s1;
	(tag) =	ssettag s2;
	_ =	strace s9  }
0x27: {  	s1 =	sld [smem:$0x3FA7]  }
0x28: {  	s2 =	sld [smem:$0x3FA8]  }
0x29: {  	s4 =	sld [smem:$0x3FAA]  }
0x2a: {  	p0 =	seq.s32 s5, $0x0;
	s5 =	sld [smem:$0x3FAB]  }
0x2b: {  	s6 =	sld [smem:$0x3FAC]  }
0x2c: {  	s7 =	sld [smem:$0x3FAD]  }
0x2d: {  	s3 =	simm.s32 $0x108;
	s8 =	sld [smem:$0x3FAE]  }
0x2e: {  	s3 =	simm.s32 @!p0 $0x1082;
	s9 =	sld [smem:$0x3FAF]  }
0x2f: {  	lr =	sadd.s32 s0, s3;
	s0 =	sld [smem:$0x3FA6]  }
0x30: {  	s3 =	sld [smem:$0x3FA9]  }
0x31: {  	[smem:$0x3FB2] =	sst s10  }
0x32: {  	s10 =	sld [smem:$0x3FB0];
	_ =	sdelay $0x3  }
0x33: {  	p0 =	seq.s32 s10, $0x1;
	s10 =	sld [smem:$0x3FB2];
	_ =	sdelay $0x3  }
0x34: {  	[smem:$0x3FB2] =	sst s10  }
0x35: {  	s10 =	sld [smem:$0x3FB1];
	_ =	sdelay $0x3  }
0x36: {  	p1 =	seq.s32 s10, $0x1;
	s10 =	sld [smem:$0x3FB2];
	_ =	sdelay $0x3  }
0x37: {  	[smem:$0x3FB2] =	sst s10  }
0x38: {  	s10 =	sld [smem:$0x3FB3]  }
0x39: {  	_ = 	snop;
	(pc) =	sbr.ind lr, $3  }
0x3a: {  	_ = 	snop  }
0x3b: {  	_ = 	snop  }
0x3c: {  	p2 =	seq.s32 s10, $0x1;
	s10 =	sld [smem:$0x3FB2]  }
0x3d: {  	_ =	shalt  }
0x3e: {  	_ =	shalt  }
0x3f: {  	_ =	shalt  }
0x40: {  	_ =	shalt  }
0x41: {  	_ =	shalt  }
0x42: {  	_ =	shalt  }
0x43: {  	_ =	shalt  }
0x44: {  	_ =	shalt  }
0x45: {  	_ =	shalt  }
0x46: {  	_ =	shalt  }
0x47: {  	_ =	shalt  }
0x48: {  	_ =	shalt  }
0x49: {  	_ =	shalt  }
0x4a: {  	_ =	shalt  }
0x4b: {  	_ =	shalt  }
0x4c: {  	_ =	shalt  }
0x4d: {  	_ =	shalt  }
0x4e: {  	_ =	shalt  }
0x4f: {  	_ =	shalt  }
0x50: {  	_ =	shalt  }
0x51: {  	_ =	shalt  }
0x52: {  	_ =	shalt  }
0x53: {  	_ =	shalt  }
0x54: {  	_ =	shalt  }
0x55: {  	_ =	shalt  }
0x56: {  	_ =	shalt  }
0x57: {  	_ =	shalt  }
0x58: {  	_ =	shalt  }
0x59: {  	_ =	shalt  }
0x5a: {  	_ =	shalt  }
0x5b: {  	_ =	shalt  }
0x5c: {  	_ =	shalt  }
0x5d: {  	_ =	shalt  }
0x5e: {  	_ =	shalt  }
0x5f: {  	_ =	shalt  }
0x60: {  	_ =	shalt  }
0x61: {  	_ =	shalt  }
0x62: {  	_ =	shalt  }
0x63: {  	_ =	shalt  }
0x64: {  	_ =	shalt  }
0x65: {  	_ =	shalt  }
0x66: {  	_ =	shalt  }
0x67: {  	_ =	shalt  }
0x68: {  	_ =	shalt  }
0x69: {  	_ =	shalt  }
0x6a: {  	_ =	shalt  }
0x6b: {  	_ =	shalt  }
0x6c: {  	_ =	shalt  }
0x6d: {  	_ =	shalt  }
0x6e: {  	_ =	shalt  }
0x6f: {  	_ =	shalt  }
0x70: {  	_ =	shalt  }
0x71: {  	_ =	shalt  }
0x72: {  	_ =	shalt  }
0x73: {  	_ =	shalt  }
0x74: {  	_ =	shalt  }
0x75: {  	_ =	shalt  }
0x76: {  	_ =	shalt  }
0x77: {  	_ =	shalt  }
0x78: {  	_ =	shalt  }
0x79: {  	_ =	shalt  }
0x7a: {  	_ =	shalt  }
0x7b: {  	_ =	shalt  }
0x7c: {  	_ =	shalt  }
0x7d: {  	_ =	shalt  }
0x7e: {  	_ =	shalt  }
0x7f: {  	_ =	shalt  }
0x80: {  	_ =	shalt  }
0x81: {  	_ =	shalt  }
0x82: {  	_ =	shalt  }
0x83: {  	_ =	shalt  }
0x84: {  	_ =	shalt  }
0x85: {  	_ =	shalt  }
0x86: {  	_ =	shalt  }
0x87: {  	_ =	shalt  }
.Lfunc_end0:
.L_simem_size_0:
called_computation.1_lowered:
.L_overlay_start_0:
0x88: {  	s2 =	sld [smem:$0x3FD9]  }
0x89: {  	s3 =	sld [smem:$0x3FFE];
	_ =	sdelay $0x1  }
0x8a: {  	s1 =	srdreg.scid  }
0x8b: {  	s0 =	sand.u32 $0x1, s1  }
0x8c: {  	s17 =	sshll.u32 s0, $0xA;
	s2 =	sadd.s32 s3, s2  }
0x8d: {  	s2 =	sadd.s32 s2, s17  }
0x8e: {  	[smem:$0x3FBE] =	sst s2  }
0x8f: {  	_ = 	snop  }
0x90: {  	s18 =	sld [smem:$0x3FC7];
	(tm) =	ssettm $0x1  }
0x91: {  	s19 =	sld [smem:$0x3FFB];
	_ =	sdelay $0x3  }
0x92: {  	_ =	strace s19  }
0x93: {  	s2 =	sld [smem:$0x3FFC];
	_ =	sdelay $0x3  }
0x94: {  	_ =	strace s2  }
0x95: {  	s2 =	sld [smem:$0x3FFD];
	_ =	sdelay $0x3  }
0x96: {  	_ =	strace s2  }
0x97: {  	_ =	strace $0x8FFFFFFF  }
0x98: {  	s20 =	sld [smem:$0x3FDB];
	_ =	sdelay $0x1  }
0x99: {  	s4 =	simm.s32 $_scs_section_size  }
0x9a: {  	s5 =	simm.s32 $_size__tile_overlayer_lowered;
	s6 =	simm.s32 $_tile_overlayer_lowered  }
0x9b: {  	s7 =	simm.s32 $0x1BFF;
	s21 =	sshll.u32 s6, $0x1;
	s4 =	sadd.s32 s4, s20  }
0x9c: {  	s22 =	simm.s32 $0x0;
	s5 =	sshll.u32 s5, $0x1;
	s6 =	sadd.s32 s21, s4  }
0x9d: {  	[timem:s22], [sflag:s7] =	dma.local [hbm:s6], s5  }
0x9e: {  	_ =	swait.ge [sflag:s7], s5  }
0x9f: {  	s5 =	ssub.s32 $0x0, s5;
	[sflag:s7] =	ssyncset.done $0x0  }
0xa0: {  	[sflag:s7] =	ssyncadd.s32 s5;
	_ =	sdelay $0x1  }
0xa1: {  	s23 =	simm.s32 $0x1B8B  }
0xa2: {  	_ =	swait.ge [sflag:s23], $0x1  }
0xa3: {  	[sflag:s23] =	ssyncset.done $0x0  }
0xa4: {  	[sflag:s23] =	ssyncadd.s32 $0xFFFFFFFF  }
0xa5: {  	s5 =	sld [smem:$0x0]  }
0xa6: {  	s6 =	sand.u32 $0xFFFFFFFE, s1  }
0xa7: {  	p0 =	sne.s32 s1, s6  }
0xa8: {  	s6 =	sshll.u32 @p0 s6, $0xE  }
0xa9: {  	s6 =	sadd.s32 @p0 $0x11B8D, s6;
	s7 =	sshll.u32 @p0 s5, $0x11  }
0xaa: {  	s6 =	sor.u32 @p0 s7, s6  }
0xab: {  	[sflag:s6] =	ssyncadd.remote.s32 @p0 $0x1;
	_ =	sdelay $0x1  }
0xac: {  	s6 =	simm.s32 @p0 $0x1B8D  }
0xad: {  	_ =	swait.eq @p0 [sflag:s6], $0x1  }
0xae: {  	[sflag:s6] =	ssyncadd.s32 @p0 $0xFFFFFFFF  }
0xaf: {  	s7 =	sshll.u32 @!p0 s1, $0xE  }
0xb0: {  	s7 =	sor.u32 @!p0 $0x4000, s7;
	s6 =	simm.s32 @!p0 $0x1B8D  }
0xb1: {  	s5 =	sshll.u32 @!p0 s5, $0x11;
	s7 =	sadd.s32 @!p0 $0x11B8D, s7;
	_ =	swait.eq @!p0 [sflag:s6], $0x1  }
0xb2: {  	s5 =	sor.u32 @!p0 s5, s7;
	[sflag:s6] =	ssyncadd.s32 @!p0 $0xFFFFFFFF  }
0xb3: {  	s25 =	simm.s32 $0x1B8E;
	s24 =	sld [smem:$0x3FFE];
	[sflag:s5] =	ssyncadd.remote.s32 @!p0 $0x1  }
0xb4: {  	s26 =	simm.s32 $execute0_lowered;
	[smem:$0x3FD2] =	sst s25  }
0xb5: {  	s6 =	sshll.u32 s26, $0x1;
	_ =	strace $0x80000049;
	[dreg:$0x1] =	wrdreg $0xFFFFFFFF  }
0xb6: {  	s28 =	simm.s32 $_size_execute0_lowered;
	s4 =	sadd.s32 s4, s6;
	[dreg:$0x0] =	wrdreg $0x0  }
0xb7: {  	s6 =	sshll.u32 s28, $0x1;
	[dreg:$0x2] =	wrdreg s4  }
0xb8: {  	[dreg:$0x3] =	wrdreg s6  }
0xb9: {  	[dreg:$0x4] =	wrdreg $0xC0  }
0xba: {  	_ =	task [dreg:s22], $0x5FFFF  }
0xbb: {  	[dreg:$0x1] =	wrdreg $0xFFFFFFFF  }
0xbc: {  	[dreg:$0x0] =	wrdreg $0x60  }
0xbd: {  	[dreg:$0x2] =	wrdreg s24  }
0xbe: {  	[dreg:$0x3] =	wrdreg s18  }
0xbf: {  	[dreg:$0x4] =	wrdreg $0xA  }
0xc0: {  	_ =	task.clear_ibuf [dreg:s22], $0x5FFFF;
	_ =	strace $0x90000049  }
0xc1: {  	s29 =	simm.s32 $0xA;
	_ =	strace $0x8000004B  }
0xc2: {  	_ =	swait.ge [sflag:s29], $0x1  }
0xc3: {  	[sflag:s29] =	ssyncadd.s32 $0xFFFFFFFF  }
0xc4: {  	_ =	strace $0x9000004B  }
0xc5: {  	_ =	sfence  }
0xc6: {  	s30 =	sld [smem:$0x0];
	_ =	sdelay $0x2  }
0xc7: {  	s31 =	sshll.u32 s1, $0xD;
	s1 =	sshrl.u32 s1, $0x2  }
0xc8: {  	s4 =	sand.u32 $0x4000, s31;
	s1 =	sadd.s32 s1, s30  }
0xc9: {  	s0 =	sor.u32 s4, s0;
	s1 =	sshll.u32 s1, $0x11  }
0xca: {  	s0 =	sor.u32 s1, s0  }
0xcb: {  	s0 =	sadd.s32 $0x8F2B, s0  }
0xcc: {  	[sflag:s0] =	ssyncadd.remote.s32 $0x1  }
0xcd: {  	_ =	sfence.sel $0xFFFF  }
0xce: {  	[dreg:$0x0] =	wrdreg $0xFFFFFFFF;
	(pc) =	sbr.abs _section_cstart, $3  }
0xcf: {  	[dreg:$0x1] =	wrdreg $0xFFFFFFFF  }
0xd0: {  	_ =	task.clear_ibuf [dreg:s22], $0x2FFFF;
	_ =	strace $0x9FFFFFFF  }
0xd1: {  	(tm) =	ssettm $0x7FFFFFFF  }
tec
execute0_lowered:
.L_overlay_start_1:
0x0: {  	(tag) =	ssettag $0x1  }
0x1: {  	s0 =	rddreg [dreg:$0x0]  }
0x2: {  	s2 =	rddreg [dreg:$0x1];
	s1 =	srdreg.scid  }
0x3: {  	s4 =	stileid.u32;
	s3 =	simm.s32 $0x0;
	s16 =	simm.s32 $0x28  }
0x4: {  	s17 =	simm.s32 $0x200;
	s20 =	simm.s32 $0x2A00;
	s29 =	simm.s32 $0x7A00  }
0x5: {  	s18 =	simm.s32 $0x1;
	s1 =	sand.u32 $0x1, s1;
	s4 =	sshll.u32 s4, $0x1  }
0x6: {  	s19 =	simm.s32 $0x7;
	s21 =	simm.s32 $0x6;
	s4 =	sor.u32 s1, s4  }
0x7: {  	s22 =	simm.s32 $0x2;
	s23 =	simm.s32 $0x8;
	s6 =	smul.u32 $0x4C0, s4  }
0x8: {  	s28 =	simm.s32 $0x0;
	[smem:$0x7FF] =	sst s3;
	s10 =	smul.u32 $0x2800, s4  }
0x9: {  	s9 =	sadd.s32 $0x86C00, s0;
	s12 =	sadd.s32 $0xE0400, s0;
	s13 =	smul.u32 $0x1400, s4  }
0xa: {  	s5 =	sshll.u32 s4, $0x6;
	s8 =	sshllo.u32 s4, $0x1;
	s4 =	smul.u32 $0xA000, s4  }
0xb: {  	_ =	strace $0x8000004A;
	s1 =	ssub.s32 $0x2, s1;
	s7 =	smul.u32 $0x260, s8  }
0xc: {  	s11 =	sshrl.u32 s1, $0x1;
	s5 =	sadd.s32 s5, s0;
	s25 =	smul.u32 $0x1400, s8  }
0xd: {  	s0 =	sadd.s32 $0x90400, s0;
	s1 =	ssub.s32 s1, s11;
	s14 =	smul.u32 $0x5000, s8  }
0xe: {  	s15 =	smul.u32 $0xA00, s8;
	s5 =	sadd.s32 $0x86400, s5;
	s24 =	sadd.s32 s9, s6  }
0xf: {  	s4 =	sshrl.u32 s4, $0x3;
	s8 =	sadd.s32 s12, s13;
	[dreg:$0x3] =	wrdreg s5  }
0x10: {  	s13 =	smax.u32 s1, $0x1;
	s1 =	simm.s32 $0x5;
	[dreg:$0x4] =	wrdreg s24  }
0x11: {  	s26 =	sadd.s32 s9, s7;
	s7 =	sadd.s32 s0, s10;
	s4 =	sadd.s32 s12, s4  }
0x12: {  	s30 =	sshrl.u32 s14, $0x3;
	s10 =	sadd.s32 s0, s25;
	s11 =	sadd.s32 s12, s15  }
0x13: {  	s14 =	simm.s32 $0x9;
	s24 =	simm.s32 $0x5200;
	s15 =	simm.s32 $0xC800  }
0x14: {  	s25 =	simm.s32 $0x3;
	[dreg:$0x5] =	wrdreg s26;
	s31 =	sadd.s32 s12, s30  }
0x15: {  	v0 =	vimm.f32 $0.0e+00;
	v1 =	vimm.f32 $1.000000000e+00;
	v2 =	vimm.f32 $-1.000000000e+00;
	s9 =	sadd.s32 $0x500, s4;
	s26 =	simm.s32 $0x4;
	s12 =	sadd.s32 $0x500, s31  }
.LBB2_1:
0x16: {  	s0 =	rddreg [dreg:$0x3]  }
0x17: {  	[tilespmem:s3], [sflag:$0x9] =	stream.linear.gather [hbm4b:s0+s3], $0x200, $0x38;
	[tilespmem:$0x16800] =	vst v63  }
0x18: {  	_ =	swait.ge [sflag:s14], $0x200  }
0x19: {  	[sflag:s14] =	ssyncset.done $0x0  }
0x1a: {  	s4 =	simm.s32 $0xA200;
	s5 =	rddreg [dreg:$0x4];
	[sflag:s14] =	ssyncadd.s32 $0xFFFFFE00  }
0x1b: {  	[tilespmem:s4], [sflag:$0x5] =	stream.linear.gather [hbm4b:s5+s3], $0x1300, $0x38;
	[tilespmem:$0x16800] =	vst v63  }
0x1c: {  	_ = 	snop  }
0x1d: {  	[tilespmem:s17], [sflag:$0x1] =	stream.indirect.gather [hbm4b:s2+s16], $0x80, s3, s16, $0xb8;
	[tilespmem:$0x16800] =	vst v63  }
0x1e: {  	s6 =	simm.s32 $0x1600  }
0x1f: {  	[tilespmem:s6], [sflag:$0x1] =	stream.indirect.gather [hbm4b:s2+s16], $0x80, s16, s16, $0xb8;
	[tilespmem:$0x16800] =	vst v63  }
0x20: {  	s4 =	simm.s32 $0x80  }
0x21: {  	[tilespmem:s20], [sflag:$0x1] =	stream.indirect.gather [hbm4b:s2+s16], $0x80, s4, s16, $0xb8;
	[tilespmem:$0x16800] =	vst v63  }
0x22: {  	s5 =	simm.s32 $0xA8;
	s6 =	simm.s32 $0x3E00  }
0x23: {  	[tilespmem:s6], [sflag:$0x1] =	stream.indirect.gather [hbm4b:s2+s16], $0x80, s5, s16, $0xb8;
	[tilespmem:$0x16800] =	vst v63  }
0x24: {  	s4 =	simm.s32 $0x100  }
0x25: {  	[tilespmem:s24], [sflag:$0x2] =	stream.indirect.gather [hbm4b:s2+s16], $0x80, s4, s16, $0xb8;
	[tilespmem:$0x16800] =	vst v63  }
0x26: {  	s5 =	simm.s32 $0x128;
	s6 =	simm.s32 $0x6600  }
0x27: {  	[tilespmem:s6], [sflag:$0x2] =	stream.indirect.gather [hbm4b:s2+s16], $0x80, s5, s16, $0xb8;
	[tilespmem:$0x16800] =	vst v63  }
0x28: {  	s4 =	simm.s32 $0x180  }
0x29: {  	[tilespmem:s29], [sflag:$0x2] =	stream.indirect.gather [hbm4b:s2+s16], $0x80, s4, s16, $0xb8;
	[tilespmem:$0x16800] =	vst v63  }
0x2a: {  	s5 =	simm.s32 $0x1A8;
	s6 =	simm.s32 $0x8E00  }
0x2b: {  	[tilespmem:s6], [sflag:$0x2] =	stream.indirect.gather [hbm4b:s2+s16], $0x80, s5, s16, $0xb8;
	[tilespmem:$0x16800] =	vst v63  }
0x2c: {  	s5 =	sand.u32 $0xF800, s3;
	s6 =	sand.u32 $0x300, s3  }
0x2d: {  	s0 =	sor.u32 s6, s5  }
0x2e: {  	[tilespmem:s0+$0xCC90] =	vst v0  }
0x2f: {  	[tilespmem:s0+$0xC800] =	vst v0  }
0x30: {  	[tilespmem:s0+$0xC810] =	vst v0  }
0x31: {  	[tilespmem:s0+$0xC820] =	vst v0  }
0x32: {  	[tilespmem:s0+$0xC830] =	vst v0  }
0x33: {  	[tilespmem:s0+$0xC840] =	vst v0  }
0x34: {  	[tilespmem:s0+$0xC850] =	vst v0  }
0x35: {  	[tilespmem:s0+$0xC860] =	vst v0  }
0x36: {  	[tilespmem:s0+$0xC870] =	vst v0  }
0x37: {  	[tilespmem:s0+$0xCC00] =	vst v0  }
0x38: {  	[tilespmem:s0+$0xCC10] =	vst v0  }
0x39: {  	[tilespmem:s0+$0xC880] =	vst v0  }
0x3a: {  	[tilespmem:s0+$0xC890] =	vst v0  }
0x3b: {  	[tilespmem:s0+$0xC8A0] =	vst v0  }
0x3c: {  	[tilespmem:s0+$0xC8B0] =	vst v0  }
0x3d: {  	[tilespmem:s0+$0xC8C0] =	vst v0  }
0x3e: {  	[tilespmem:s0+$0xC8D0] =	vst v0  }
0x3f: {  	s30 =	simm.s32 $0x0;
	s31 =	simm.s32 $0x100;
	s4 =	simm.s32 $0x200;
	[tilespmem:s0+$0xC8E0] =	vst v0  }
.LBB2_2:
0x40: {  	s5 =	sand.u32 $0xF800, s4;
	s6 =	sand.u32 $0x300, s31;
	s30 =	sadd.s32 $0x2, s30;
	[tilespmem:s0+$0xC8F0] =	vst v0  }
0x41: {  	p0 =	slt.u32 s30, $0x9E;
	[tilespmem:s0+$0xCC80] =	vst v0;
	s0 =	sor.u32 s6, s5  }
0x42: {  	[tilespmem:s0+$0xCC90] =	vst v0  }
0x43: {  	[tilespmem:s0+$0xC800] =	vst v0  }
0x44: {  	[tilespmem:s0+$0xC810] =	vst v0  }
0x45: {  	[tilespmem:s0+$0xC820] =	vst v0  }
0x46: {  	[tilespmem:s0+$0xC830] =	vst v0  }
0x47: {  	[tilespmem:s0+$0xC840] =	vst v0  }
0x48: {  	[tilespmem:s0+$0xC850] =	vst v0  }
0x49: {  	[tilespmem:s0+$0xC860] =	vst v0  }
0x4a: {  	[tilespmem:s0+$0xC870] =	vst v0  }
0x4b: {  	[tilespmem:s0+$0xCC00] =	vst v0  }
0x4c: {  	[tilespmem:s0+$0xCC10] =	vst v0  }
0x4d: {  	[tilespmem:s0+$0xC880] =	vst v0  }
0x4e: {  	[tilespmem:s0+$0xC890] =	vst v0  }
.Ltmp0:
0x4f: {  	[tilespmem:s0+$0xC8A0] =	vst v0;
	(pc) =	sbr.rel @p0 .LBB2_2-.Ltmp0, $4  }
0x50: {  	[tilespmem:s0+$0xC8B0] =	vst v0  }
0x51: {  	[tilespmem:s0+$0xC8C0] =	vst v0  }
0x52: {  	[tilespmem:s0+$0xC8D0] =	vst v0  }
0x53: {  	s31 =	sadd.s32 $0x100, s31;
	s4 =	sadd.s32 $0x200, s4;
	[tilespmem:s0+$0xC8E0] =	vst v0  }
0x54: {  	[tilespmem:s0+$0xC8F0] =	vst v0  }
0x55: {  	[tilespmem:s0+$0xCC80] =	vst v0;
	s30 =	simm.s32 $0x0;
	s6 =	rddreg [dreg:$0x5];
	s4 =	simm.s32 $0xB500  }
0x56: {  	[tilespmem:s4], [sflag:$0x6] =	stream.linear.gather [hbm4b:s6+s30], $0x1300, $0x38;
	[tilespmem:$0x16800] =	vst v63  }
0x57: {  	_ =	swait.ge [sflag:s1], $0x1300  }
0x58: {  	[sflag:s1] =	ssyncset.done $0x0  }
0x59: {  	s31 =	simm.s32 $0xFFFFFFFB;
	s0 =	simm.s32 $0x40;
	[sflag:s1] =	ssyncadd.s32 $0xFFFFED00  }
.LBB2_4:
0x5a: {  	s4 =	sadd.s32 $0xFFFFFFC0, s0  }
0x5b: {  	s5 =	sand.u32 $0x1F00, s30;
	s4 =	sand.u32 $0x70, s4  }
0x5c: {  	s4 =	sor.u32 s4, s5  }
0x5d: {  	v3 =	vld [tilespmem:s4+$0xA200]  }
0x5e: {  	v4 =	vld [tilespmem:s4+$0xA280];
	_ =	sdelay $0x4  }
0x5f: {  	v5 =	vshll.u32 v4, $0x8;
	v6 =	vshll.u32 v3, $0x3  }
0x60: {  	v4 =	vshll.u32 v4, $0x7;
	v5 =	vand.u32 $0xFFFFF800, v5;
	v6 =	vand.u32 $0xFFFFFC00, v6  }
0x61: {  	v4 =	vand.u32 $0x380, v4;
	v5 =	vadd.s32 v6, v5  }
0x62: {  	v3 =	vand.u32 $0x7F, v3;
	v4 =	vor.u32 v4, v5  }
0x63: {  	v3 =	vor.u32 v3, v4;
	_ =	sdelay $0x2  }
0x64: {  	s6 =	sadd.s32 $0x20, s30;
	s5 =	sadd.s32 $0xFFFFFFD0, s0  }
0x65: {  	s4 =	sand.u32 $0x70, s5;
	s5 =	sand.u32 $0x3F00, s6  }
0x66: {  	s4 =	sor.u32 s4, s5;
	[tilespmem:v3+s15+$0x0] =	vst.idx.add.f32.msk $0xffff, v1  }
0x67: {  	v3 =	vld [tilespmem:s4+$0xA200]  }
0x68: {  	v52 =	vld [tilespmem:s4+$0xA280];
	_ =	sdelay $0x4  }
0x69: {  	v53 =	vshll.u32 v52, $0x8;
	v54 =	vshll.u32 v3, $0x3  }
0x6a: {  	v4 =	vshll.u32 v52, $0x7;
	v5 =	vand.u32 $0xFFFFF800, v53;
	v6 =	vand.u32 $0xFFFFFC00, v54  }
0x6b: {  	v4 =	vand.u32 $0x380, v4;
	v5 =	vadd.s32 v6, v5  }
0x6c: {  	v3 =	vand.u32 $0x7F, v3;
	v4 =	vor.u32 v4, v5  }
0x6d: {  	v3 =	vor.u32 v3, v4;
	_ =	sdelay $0x2  }
0x6e: {  	s6 =	sadd.s32 $0x40, s30;
	s5 =	sadd.s32 $0xFFFFFFE0, s0  }
0x6f: {  	s4 =	sand.u32 $0x70, s5;
	s5 =	sand.u32 $0x3F00, s6  }
0x70: {  	s4 =	sor.u32 s4, s5;
	[tilespmem:v3+s15+$0x0] =	vst.idx.add.f32.msk $0xffff, v1  }
0x71: {  	v3 =	vld [tilespmem:s4+$0xA200]  }
0x72: {  	v55 =	vld [tilespmem:s4+$0xA280];
	_ =	sdelay $0x4  }
0x73: {  	v56 =	vshll.u32 v55, $0x8;
	v57 =	vshll.u32 v3, $0x3  }
0x74: {  	v4 =	vshll.u32 v55, $0x7;
	v5 =	vand.u32 $0xFFFFF800, v56;
	v6 =	vand.u32 $0xFFFFFC00, v57  }
0x75: {  	v4 =	vand.u32 $0x380, v4;
	v5 =	vadd.s32 v6, v5  }
0x76: {  	v3 =	vand.u32 $0x7F, v3;
	v4 =	vor.u32 v4, v5  }
0x77: {  	v3 =	vor.u32 v3, v4;
	_ =	sdelay $0x2  }
0x78: {  	s6 =	sadd.s32 $0x60, s30;
	s5 =	sadd.s32 $0xFFFFFFF0, s0  }
0x79: {  	s4 =	sand.u32 $0x70, s5;
	s5 =	sand.u32 $0x3F00, s6  }
0x7a: {  	s4 =	sor.u32 s4, s5;
	[tilespmem:v3+s15+$0x0] =	vst.idx.add.f32.msk $0xffff, v1  }
0x7b: {  	v3 =	vld [tilespmem:s4+$0xA200]  }
0x7c: {  	v58 =	vld [tilespmem:s4+$0xA280];
	_ =	sdelay $0x4  }
0x7d: {  	v59 =	vshll.u32 v58, $0x8;
	v60 =	vshll.u32 v3, $0x3  }
0x7e: {  	v4 =	vshll.u32 v58, $0x7;
	v5 =	vand.u32 $0xFFFFF800, v59;
	v6 =	vand.u32 $0xFFFFFC00, v60  }
0x7f: {  	v4 =	vand.u32 $0x380, v4;
	v5 =	vadd.s32 v6, v5  }
0x80: {  	v3 =	vand.u32 $0x7F, v3;
	v4 =	vor.u32 v4, v5  }
0x81: {  	v3 =	vor.u32 v3, v4;
	_ =	sdelay $0x2  }
0x82: {  	s5 =	sadd.s32 $0x80, s30  }
0x83: {  	s6 =	sand.u32 $0x70, s0;
	s4 =	sand.u32 $0x3F00, s5  }
0x84: {  	s4 =	sor.u32 s6, s4;
	[tilespmem:v3+s15+$0x0] =	vst.idx.add.f32.msk $0xffff, v1  }
0x85: {  	v3 =	vld [tilespmem:s4+$0xA200]  }
0x86: {  	v61 =	vld [tilespmem:s4+$0xA280];
	_ =	sdelay $0x4  }
0x87: {  	v62 =	vshll.u32 v61, $0x8;
	v63 =	vshll.u32 v3, $0x3  }
0x88: {  	v4 =	vshll.u32 v61, $0x7;
	v5 =	vand.u32 $0xFFFFF800, v62;
	v6 =	vand.u32 $0xFFFFFC00, v63  }
0x89: {  	v4 =	vand.u32 $0x380, v4;
	v5 =	vadd.s32 v6, v5  }
0x8a: {  	s31 =	sadd.s32 $0x5, s31;
	v3 =	vand.u32 $0x7F, v3;
	v4 =	vor.u32 v4, v5  }
0x8b: {  	p0 =	slt.u32 s31, $0x91;
	v3 =	vor.u32 v3, v4  }
.Ltmp1:
0x8c: {  	_ = 	snop;
	(pc) =	sbr.rel @p0 .LBB2_4-.Ltmp1, $2  }
0x8d: {  	_ =	sdelay $0x2  }
0x8e: {  	s0 =	sadd.s32 $0x50, s0;
	s30 =	sadd.s32 $0xA0, s30;
	[tilespmem:v3+s15+$0x0] =	vst.idx.add.f32.msk $0xffff, v1  }
0x8f: {  	s30 =	simm.s32 $0x0  }
0x90: {  	[hbm4b:s7+s30] =	stream.linear.scatter [tilespmem:s15], [sflag:$0x7], $0xA000, $0x38;
	[tilespmem:$0x16800] =	vst v63  }
0x91: {  	_ =	swait.ge [sflag:s18], $0x1400  }
0x92: {  	[sflag:s18] =	ssyncset.done $0x0  }
0x93: {  	[sflag:s18] =	ssyncadd.s32 $0xFFFFEC00  }
0x94: {  	_ =	swait.ge [sflag:s18], $0x1400  }
0x95: {  	[sflag:s18] =	ssyncset.done $0x0  }
0x96: {  	[sflag:s18] =	ssyncadd.s32 $0xFFFFEC00  }
0x97: {  	_ =	swait.ge [sflag:s18], $0x1400  }
0x98: {  	[sflag:s18] =	ssyncset.done $0x0  }
0x99: {  	[sflag:s18] =	ssyncadd.s32 $0xFFFFEC00  }
0x9a: {  	_ =	swait.ge [sflag:s18], $0x1400  }
0x9b: {  	[sflag:s18] =	ssyncset.done $0x0  }
0x9c: {  	[sflag:s18] =	ssyncadd.s32 $0xFFFFEC00  }
0x9d: {  	[hbm4b:s8+s30] =	stream.linear.scatter [tilespmem:s17], [sflag:$0x3], $0x2800, $0x38;
	[tilespmem:$0x16800] =	vst v63  }
0x9e: {  	_ = 	snop  }
0x9f: {  	[hbm4b:s9+s30] =	stream.linear.scatter [tilespmem:s20], [sflag:$0x3], $0x2800, $0x38;
	[tilespmem:$0x16800] =	vst v63  }
0xa0: {  	_ =	swait.ge [sflag:s19], $0xA000  }
0xa1: {  	[sflag:s19] =	ssyncset.done $0x0  }
0xa2: {  	s31 =	simm.s32 $0xFFFFFFFB;
	s0 =	simm.s32 $0x40;
	[sflag:s19] =	ssyncadd.s32 $0xFFFF6000  }
.LBB2_6:
0xa3: {  	s4 =	sadd.s32 $0xFFFFFFC0, s0  }
0xa4: {  	s5 =	sand.u32 $0x1F00, s30;
	s4 =	sand.u32 $0x70, s4  }
0xa5: {  	s4 =	sor.u32 s4, s5  }
0xa6: {  	v3 =	vld [tilespmem:s4+$0xA200]  }
0xa7: {  	v4 =	vld [tilespmem:s4+$0xA280];
	_ =	sdelay $0x4  }
0xa8: {  	v5 =	vshll.u32 v4, $0x8;
	v6 =	vshll.u32 v3, $0x3  }
0xa9: {  	v4 =	vshll.u32 v4, $0x7;
	v5 =	vand.u32 $0xFFFFF800, v5;
	v6 =	vand.u32 $0xFFFFFC00, v6  }
0xaa: {  	v4 =	vand.u32 $0x380, v4;
	v5 =	vadd.s32 v6, v5  }
0xab: {  	v3 =	vand.u32 $0x7F, v3;
	v4 =	vor.u32 v4, v5  }
0xac: {  	v3 =	vor.u32 v3, v4;
	_ =	sdelay $0x2  }
0xad: {  	s6 =	sadd.s32 $0x20, s30;
	s5 =	sadd.s32 $0xFFFFFFD0, s0  }
0xae: {  	s4 =	sand.u32 $0x70, s5;
	s5 =	sand.u32 $0x3F00, s6  }
0xaf: {  	s4 =	sor.u32 s4, s5;
	[tilespmem:v3+s15+$0x0] =	vst.idx.add.f32.msk $0xffff, v2  }
0xb0: {  	v3 =	vld [tilespmem:s4+$0xA200]  }
0xb1: {  	v52 =	vld [tilespmem:s4+$0xA280];
	_ =	sdelay $0x4  }
0xb2: {  	v53 =	vshll.u32 v52, $0x8;
	v54 =	vshll.u32 v3, $0x3  }
0xb3: {  	v4 =	vshll.u32 v52, $0x7;
	v5 =	vand.u32 $0xFFFFF800, v53;
	v6 =	vand.u32 $0xFFFFFC00, v54  }
0xb4: {  	v4 =	vand.u32 $0x380, v4;
	v5 =	vadd.s32 v6, v5  }
0xb5: {  	v3 =	vand.u32 $0x7F, v3;
	v4 =	vor.u32 v4, v5  }
0xb6: {  	v3 =	vor.u32 v3, v4;
	_ =	sdelay $0x2  }
0xb7: {  	s6 =	sadd.s32 $0x40, s30;
	s5 =	sadd.s32 $0xFFFFFFE0, s0  }
0xb8: {  	s4 =	sand.u32 $0x70, s5;
	s5 =	sand.u32 $0x3F00, s6  }
0xb9: {  	s4 =	sor.u32 s4, s5;
	[tilespmem:v3+s15+$0x0] =	vst.idx.add.f32.msk $0xffff, v2  }
0xba: {  	v3 =	vld [tilespmem:s4+$0xA200]  }
0xbb: {  	v55 =	vld [tilespmem:s4+$0xA280];
	_ =	sdelay $0x4  }
0xbc: {  	v56 =	vshll.u32 v55, $0x8;
	v57 =	vshll.u32 v3, $0x3  }
0xbd: {  	v4 =	vshll.u32 v55, $0x7;
	v5 =	vand.u32 $0xFFFFF800, v56;
	v6 =	vand.u32 $0xFFFFFC00, v57  }
0xbe: {  	v4 =	vand.u32 $0x380, v4;
	v5 =	vadd.s32 v6, v5  }
0xbf: {  	v3 =	vand.u32 $0x7F, v3;
	v4 =	vor.u32 v4, v5  }
0xc0: {  	v3 =	vor.u32 v3, v4;
	_ =	sdelay $0x2  }
0xc1: {  	s6 =	sadd.s32 $0x60, s30;
	s5 =	sadd.s32 $0xFFFFFFF0, s0  }
0xc2: {  	s4 =	sand.u32 $0x70, s5;
	s5 =	sand.u32 $0x3F00, s6  }
0xc3: {  	s4 =	sor.u32 s4, s5;
	[tilespmem:v3+s15+$0x0] =	vst.idx.add.f32.msk $0xffff, v2  }
0xc4: {  	v3 =	vld [tilespmem:s4+$0xA200]  }
0xc5: {  	v58 =	vld [tilespmem:s4+$0xA280];
	_ =	sdelay $0x4  }
0xc6: {  	v59 =	vshll.u32 v58, $0x8;
	v60 =	vshll.u32 v3, $0x3  }
0xc7: {  	v4 =	vshll.u32 v58, $0x7;
	v5 =	vand.u32 $0xFFFFF800, v59;
	v6 =	vand.u32 $0xFFFFFC00, v60  }
0xc8: {  	v4 =	vand.u32 $0x380, v4;
	v5 =	vadd.s32 v6, v5  }
0xc9: {  	v3 =	vand.u32 $0x7F, v3;
	v4 =	vor.u32 v4, v5  }
0xca: {  	v3 =	vor.u32 v3, v4;
	_ =	sdelay $0x2  }
0xcb: {  	s5 =	sadd.s32 $0x80, s30  }
0xcc: {  	s6 =	sand.u32 $0x70, s0;
	s4 =	sand.u32 $0x3F00, s5  }
0xcd: {  	s4 =	sor.u32 s6, s4;
	[tilespmem:v3+s15+$0x0] =	vst.idx.add.f32.msk $0xffff, v2  }
0xce: {  	v3 =	vld [tilespmem:s4+$0xA200]  }
0xcf: {  	v61 =	vld [tilespmem:s4+$0xA280];
	_ =	sdelay $0x4  }
0xd0: {  	v62 =	vshll.u32 v61, $0x8;
	v63 =	vshll.u32 v3, $0x3  }
0xd1: {  	v4 =	vshll.u32 v61, $0x7;
	v5 =	vand.u32 $0xFFFFF800, v62;
	v6 =	vand.u32 $0xFFFFFC00, v63  }
0xd2: {  	v4 =	vand.u32 $0x380, v4;
	v5 =	vadd.s32 v6, v5  }
0xd3: {  	s31 =	sadd.s32 $0x5, s31;
	v3 =	vand.u32 $0x7F, v3;
	v4 =	vor.u32 v4, v5  }
0xd4: {  	p0 =	slt.u32 s31, $0x91;
	v3 =	vor.u32 v3, v4  }
.Ltmp2:
0xd5: {  	_ = 	snop;
	(pc) =	sbr.rel @p0 .LBB2_6-.Ltmp2, $2  }
0xd6: {  	_ =	sdelay $0x2  }
0xd7: {  	s0 =	sadd.s32 $0x50, s0;
	s30 =	sadd.s32 $0xA0, s30;
	[tilespmem:v3+s15+$0x0] =	vst.idx.add.f32.msk $0xffff, v2  }
0xd8: {  	_ =	swait.ge [sflag:s21], $0x1300  }
0xd9: {  	s30 =	simm.s32 $0xFFFFFFFB;
	[sflag:s21] =	ssyncset.done $0x0  }
0xda: {  	s31 =	simm.s32 $0x0;
	s0 =	simm.s32 $0x40;
	[sflag:s21] =	ssyncadd.s32 $0xFFFFED00  }
.LBB2_8:
0xdb: {  	s4 =	sadd.s32 $0xFFFFFFC0, s0  }
0xdc: {  	s5 =	sand.u32 $0x1F00, s31;
	s4 =	sand.u32 $0x70, s4  }
0xdd: {  	s4 =	sor.u32 s4, s5  }
0xde: {  	v3 =	vld [tilespmem:s4+$0xB500]  }
0xdf: {  	v4 =	vld [tilespmem:s4+$0xB580];
	_ =	sdelay $0x4  }
0xe0: {  	v5 =	vshll.u32 v4, $0x8;
	v6 =	vshll.u32 v3, $0x3  }
0xe1: {  	v4 =	vshll.u32 v4, $0x7;
	v5 =	vand.u32 $0xFFFFF800, v5;
	v6 =	vand.u32 $0xFFFFFC00, v6  }
0xe2: {  	v4 =	vand.u32 $0x380, v4;
	v5 =	vadd.s32 v6, v5  }
0xe3: {  	v3 =	vand.u32 $0x7F, v3;
	v4 =	vor.u32 v4, v5  }
0xe4: {  	v3 =	vor.u32 v3, v4;
	_ =	sdelay $0x2  }
0xe5: {  	s6 =	sadd.s32 $0x20, s31;
	s5 =	sadd.s32 $0xFFFFFFD0, s0  }
0xe6: {  	s4 =	sand.u32 $0x70, s5;
	s5 =	sand.u32 $0x3F00, s6  }
0xe7: {  	s4 =	sor.u32 s4, s5;
	[tilespmem:v3+s15+$0x0] =	vst.idx.add.f32.msk $0xffff, v1  }
0xe8: {  	v3 =	vld [tilespmem:s4+$0xB500]  }
0xe9: {  	v52 =	vld [tilespmem:s4+$0xB580];
	_ =	sdelay $0x4  }
0xea: {  	v53 =	vshll.u32 v52, $0x8;
	v54 =	vshll.u32 v3, $0x3  }
0xeb: {  	v4 =	vshll.u32 v52, $0x7;
	v5 =	vand.u32 $0xFFFFF800, v53;
	v6 =	vand.u32 $0xFFFFFC00, v54  }
0xec: {  	v4 =	vand.u32 $0x380, v4;
	v5 =	vadd.s32 v6, v5  }
0xed: {  	v3 =	vand.u32 $0x7F, v3;
	v4 =	vor.u32 v4, v5  }
0xee: {  	v3 =	vor.u32 v3, v4;
	_ =	sdelay $0x2  }
0xef: {  	s6 =	sadd.s32 $0x40, s31;
	s5 =	sadd.s32 $0xFFFFFFE0, s0  }
0xf0: {  	s4 =	sand.u32 $0x70, s5;
	s5 =	sand.u32 $0x3F00, s6  }
0xf1: {  	s4 =	sor.u32 s4, s5;
	[tilespmem:v3+s15+$0x0] =	vst.idx.add.f32.msk $0xffff, v1  }
0xf2: {  	v3 =	vld [tilespmem:s4+$0xB500]  }
0xf3: {  	v55 =	vld [tilespmem:s4+$0xB580];
	_ =	sdelay $0x4  }
0xf4: {  	v56 =	vshll.u32 v55, $0x8;
	v57 =	vshll.u32 v3, $0x3  }
0xf5: {  	v4 =	vshll.u32 v55, $0x7;
	v5 =	vand.u32 $0xFFFFF800, v56;
	v6 =	vand.u32 $0xFFFFFC00, v57  }
0xf6: {  	v4 =	vand.u32 $0x380, v4;
	v5 =	vadd.s32 v6, v5  }
0xf7: {  	v3 =	vand.u32 $0x7F, v3;
	v4 =	vor.u32 v4, v5  }
0xf8: {  	v3 =	vor.u32 v3, v4;
	_ =	sdelay $0x2  }
0xf9: {  	s6 =	sadd.s32 $0x60, s31;
	s5 =	sadd.s32 $0xFFFFFFF0, s0  }
0xfa: {  	s4 =	sand.u32 $0x70, s5;
	s5 =	sand.u32 $0x3F00, s6  }
0xfb: {  	s4 =	sor.u32 s4, s5;
	[tilespmem:v3+s15+$0x0] =	vst.idx.add.f32.msk $0xffff, v1  }
0xfc: {  	v3 =	vld [tilespmem:s4+$0xB500]  }
0xfd: {  	v58 =	vld [tilespmem:s4+$0xB580];
	_ =	sdelay $0x4  }
0xfe: {  	v59 =	vshll.u32 v58, $0x8;
	v60 =	vshll.u32 v3, $0x3  }
0xff: {  	v4 =	vshll.u32 v58, $0x7;
	v5 =	vand.u32 $0xFFFFF800, v59;
	v6 =	vand.u32 $0xFFFFFC00, v60  }
0x100: {  	v4 =	vand.u32 $0x380, v4;
	v5 =	vadd.s32 v6, v5  }
0x101: {  	v3 =	vand.u32 $0x7F, v3;
	v4 =	vor.u32 v4, v5  }
0x102: {  	v3 =	vor.u32 v3, v4;
	_ =	sdelay $0x2  }
0x103: {  	s5 =	sadd.s32 $0x80, s31  }
0x104: {  	s6 =	sand.u32 $0x70, s0;
	s4 =	sand.u32 $0x3F00, s5  }
0x105: {  	s4 =	sor.u32 s6, s4;
	[tilespmem:v3+s15+$0x0] =	vst.idx.add.f32.msk $0xffff, v1  }
0x106: {  	v3 =	vld [tilespmem:s4+$0xB500]  }
0x107: {  	v61 =	vld [tilespmem:s4+$0xB580];
	_ =	sdelay $0x4  }
0x108: {  	v62 =	vshll.u32 v61, $0x8;
	v63 =	vshll.u32 v3, $0x3  }
0x109: {  	v4 =	vshll.u32 v61, $0x7;
	v5 =	vand.u32 $0xFFFFF800, v62;
	v6 =	vand.u32 $0xFFFFFC00, v63  }
0x10a: {  	v4 =	vand.u32 $0x380, v4;
	v5 =	vadd.s32 v6, v5  }
0x10b: {  	s30 =	sadd.s32 $0x5, s30;
	v3 =	vand.u32 $0x7F, v3;
	v4 =	vor.u32 v4, v5  }
0x10c: {  	p0 =	slt.u32 s30, $0x91;
	v3 =	vor.u32 v3, v4  }
.Ltmp3:
0x10d: {  	_ = 	snop;
	(pc) =	sbr.rel @p0 .LBB2_8-.Ltmp3, $2  }
0x10e: {  	_ =	sdelay $0x2  }
0x10f: {  	s0 =	sadd.s32 $0x50, s0;
	s31 =	sadd.s32 $0xA0, s31;
	[tilespmem:v3+s15+$0x0] =	vst.idx.add.f32.msk $0xffff, v1  }
0x110: {  	[hbm4b:s10+s3] =	stream.linear.scatter [tilespmem:s15], [sflag:$0x8], $0xA000, $0x38;
	[tilespmem:$0x16800] =	vst v63  }
0x111: {  	_ =	swait.ge [sflag:s22], $0x1400  }
0x112: {  	[sflag:s22] =	ssyncset.done $0x0  }
0x113: {  	[sflag:s22] =	ssyncadd.s32 $0xFFFFEC00  }
0x114: {  	_ =	swait.ge [sflag:s22], $0x1400  }
0x115: {  	[sflag:s22] =	ssyncset.done $0x0  }
0x116: {  	[sflag:s22] =	ssyncadd.s32 $0xFFFFEC00  }
0x117: {  	_ =	swait.ge [sflag:s22], $0x1400  }
0x118: {  	[sflag:s22] =	ssyncset.done $0x0  }
0x119: {  	[sflag:s22] =	ssyncadd.s32 $0xFFFFEC00  }
0x11a: {  	_ =	swait.ge [sflag:s22], $0x1400  }
0x11b: {  	[sflag:s22] =	ssyncset.done $0x0  }
0x11c: {  	[sflag:s22] =	ssyncadd.s32 $0xFFFFEC00  }
0x11d: {  	[hbm4b:s11+s3] =	stream.linear.scatter [tilespmem:s24], [sflag:$0x4], $0x2800, $0x38;
	[tilespmem:$0x16800] =	vst v63  }
0x11e: {  	_ = 	snop  }
0x11f: {  	[hbm4b:s12+s3] =	stream.linear.scatter [tilespmem:s29], [sflag:$0x4], $0x2800, $0x38;
	[tilespmem:$0x16800] =	vst v63  }
0x120: {  	_ =	swait.ge [sflag:s23], $0xA000  }
0x121: {  	[sflag:s23] =	ssyncset.done $0x0  }
0x122: {  	[sflag:s23] =	ssyncadd.s32 $0xFFFF6000  }
0x123: {  	_ =	swait.ge [sflag:s25], $0x2800  }
0x124: {  	[sflag:s25] =	ssyncset.done $0x0  }
0x125: {  	[sflag:s25] =	ssyncadd.s32 $0xFFFFD800  }
0x126: {  	_ =	swait.ge [sflag:s25], $0x2800  }
0x127: {  	[sflag:s25] =	ssyncset.done $0x0  }
0x128: {  	s28 =	sadd.s32 $0x1, s28;
	[sflag:s25] =	ssyncadd.s32 $0xFFFFD800  }
0x129: {  	p0 =	sne.s32 s28, s13;
	_ =	swait.ge [sflag:s26], $0x2800  }
.Ltmp4:
0x12a: {  	[sflag:s26] =	ssyncset.done $0x0;
	(pc) =	sbr.rel @p0 .LBB2_1-.Ltmp4, $4  }
0x12b: {  	[sflag:s26] =	ssyncadd.s32 $0xFFFFD800  }
0x12c: {  	_ =	swait.ge [sflag:s26], $0x2800  }
0x12d: {  	[sflag:s26] =	ssyncset.done $0x0  }
0x12e: {  	[sflag:s26] =	ssyncadd.s32 $0xFFFFD800  }
0x12f: {  	_ =	sfence.sel $0x180000  }
0x130: {  	[bflag:$0x0] =	sbarrier.arrive $0xFFFF  }
0x131: {  	_ =	strace $0x9000004A  }
0x132: {  	s0 =	stileid.u32;
	[bflag:$0x2] =	sbarrier.arrive $0xFFFF  }
0x133: {  	p0 =	sne.s32 s0, $0x0;
	s0 =	rddreg [dreg:$0x2]  }
0x134: {  	s0 =	sadd.s32 @!p0 $0x100000, s0  }
0x135: {  	[sflag:s0] =	ssyncadd.tile.s32 @!p0 $0x1;
	_ =	shalt  }
.Lfunc_end2:
_tile_overlayer_lowered:
.L_overlay_start_2:
0x136: {  	(tag) =	ssettag $0x2  }
0x137: {  	s0 =	rddreg [dreg:$0x0];
	s2 =	stileid.u32  }
0x138: {  	s1 =	rddreg [dreg:$0x1];
	p0 =	sne.s32 s2, $0x0  }
0x139: {  	s3 =	rddreg [dreg:$0x2];
	[bflag:$0x3] =	sbarrier.arrive $0xFFFF;
	s2 =	simm.s32 @!p0 $0x1C09  }
0x13a: {  	[timem:s3], [sflag:s2] =	dma.local @!p0 [hbm:s0], s1  }
0x13b: {  	s0 =	simm.s32 @!p0 $0x9  }
0x13c: {  	_ =	swait.ge @!p0 [sflag:s0], s1  }
0x13d: {  	s1 =	ssub.s32 @!p0 $0x0, s1;
	[sflag:s0] =	ssyncset.done @!p0 $0x0  }
0x13e: {  	[sflag:s0] =	ssyncadd.s32 @!p0 s1  }
0x13f: {  	[bflag:$0x3] =	sbarrier.arrive $0xFFFF  }
0x140: {  	_ =	shalt  }

// kernel: kernel.16.cloned.1.call-start
scs
__scs_entry_jumppad:
0x0: {  	(pc) =	sbr.rel $0x88, $3  }
0x1: {  	(tag) =	ssettag $0x0;
	lr =	simm.s32 $0x1  }
0x2: {  	[smem:$0x3F97] =	sst lr;
	_ =	strace $0xD0000000  }
0x3: {  	_ = 	snop  }
0x4: {  	_ = 	snop  }
0x5: {  	_ = 	snop  }
0x6: {  	_ = 	snop  }
0x7: {  	_ = 	snop  }
__scs_overlays_trampoline_lowered:
0x8: {  	[smem:$0x3FA6] =	sst s0  }
0x9: {  	[smem:$0x3FA7] =	sst s1  }
0xa: {  	[smem:$0x3FA8] =	sst s2  }
0xb: {  	[smem:$0x3FA9] =	sst s3  }
0xc: {  	[smem:$0x3FAA] =	sst s4  }
0xd: {  	[smem:$0x3FAB] =	sst s5  }
0xe: {  	[smem:$0x3FAC] =	sst s6  }
0xf: {  	[smem:$0x3FAD] =	sst s7  }
0x10: {  	[smem:$0x3FAE] =	sst s8  }
0x11: {  	[smem:$0x3FAF] =	sst s9;
	s0 =	simm.s32 @!p0 $0x0  }
0x12: {  	s1 =	sld [smem:$0x3F95];
	s0 =	simm.s32 @p0 $0x1  }
0x13: {  	[smem:$0x3FB0] =	sst s0;
	s0 =	simm.s32 @!p1 $0x0  }
0x14: {  	s2 =	sld [smem:$0x3F94];
	s0 =	simm.s32 @p1 $0x1  }
0x15: {  	[smem:$0x3FB1] =	sst s0;
	s0 =	simm.s32 @!p2 $0x0  }
0x16: {  	s3 =	sld [smem:$0x3FDB];
	s0 =	simm.s32 @p2 $0x1  }
0x17: {  	s4 =	simm.s32 $0x1BF5;
	[smem:$0x3FB3] =	sst s0  }
0x18: {  	s0 =	sld [smem:$0x3F96];
	_ =	swait.ge [sflag:s4], $0x0  }
0x19: {  	s7 =	sld [smem:$0x3F97]  }
0x1a: {  	s8 =	sadd.s32 $0xFFFFE003, lr  }
0x1b: {  	s9 =	sadd.s32 $0xFFFFFEF7, lr;
	s5 =	simm.s32 $0xFFFFFFFF;
	p2 =	slt.u32 s8, $0xFFFFF086  }
0x1c: {  	p1 =	slt.u32 s9, $0xF7A;
	s5 =	simm.s32 @!p2 $0x0  }
0x1d: {  	s5 =	simm.s32 @p1 $0x1;
	p0 =	seq.s32 s7, s2  }
0x1e: {  	s7 =	smul.u32 @!p0 $0xF7A, s2;
	p2 =	seq.s32 @!p0 s5, $0x0  }
0x1f: {  	s9 =	smul.u32 $0xF7A, s1;
	s8 =	simm.s32 @!p0 $0x1BF5;
	p2 =	por !p2, p0  }
0x20: {  	[sflag:s8] =	ssyncset.s32 @!p0 $0xFFFFF086;
	s6 =	sadd.s32 @!p0 s3, s7;
	s7 =	simm.s32 @!p0 $0x108  }
0x21: {  	s3 =	sadd.s32 s3, s9;
	s6 =	sadd.s32 @!p0 $0x88, s6;
	s7 =	simm.s32 @p2 $0x1082  }
0x22: {  	[simem:s7], [sflag:s8] =	dma.local @!p0 [hbm:s6], $0xF7A  }
0x23: {  	s9 =	sor.u32 $0xD0000000, s2;
	s6 =	simm.s32 $0x108;
	_ =	swait.ge @!p0 [sflag:s8], $0x0  }
0x24: {  	s3 =	sadd.s32 $0x88, s3;
	s6 =	simm.s32 @!p1 $0x1082;
	[sflag:s4] =	ssyncset.s32 $0xFFFFF086  }
0x25: {  	[simem:s6], [sflag:s4] =	dma.local [hbm:s3], $0xF7A  }
0x26: {  	[smem:$0x3F97] =	sst s1;
	(tag) =	ssettag s2;
	_ =	strace s9  }
0x27: {  	s1 =	sld [smem:$0x3FA7]  }
0x28: {  	s2 =	sld [smem:$0x3FA8]  }
0x29: {  	s4 =	sld [smem:$0x3FAA]  }
0x2a: {  	p0 =	seq.s32 s5, $0x0;
	s5 =	sld [smem:$0x3FAB]  }
0x2b: {  	s6 =	sld [smem:$0x3FAC]  }
0x2c: {  	s7 =	sld [smem:$0x3FAD]  }
0x2d: {  	s3 =	simm.s32 $0x108;
	s8 =	sld [smem:$0x3FAE]  }
0x2e: {  	s3 =	simm.s32 @!p0 $0x1082;
	s9 =	sld [smem:$0x3FAF]  }
0x2f: {  	lr =	sadd.s32 s0, s3;
	s0 =	sld [smem:$0x3FA6]  }
0x30: {  	s3 =	sld [smem:$0x3FA9]  }
0x31: {  	[smem:$0x3FB2] =	sst s10  }
0x32: {  	s10 =	sld [smem:$0x3FB0];
	_ =	sdelay $0x3  }
0x33: {  	p0 =	seq.s32 s10, $0x1;
	s10 =	sld [smem:$0x3FB2];
	_ =	sdelay $0x3  }
0x34: {  	[smem:$0x3FB2] =	sst s10  }
0x35: {  	s10 =	sld [smem:$0x3FB1];
	_ =	sdelay $0x3  }
0x36: {  	p1 =	seq.s32 s10, $0x1;
	s10 =	sld [smem:$0x3FB2];
	_ =	sdelay $0x3  }
0x37: {  	[smem:$0x3FB2] =	sst s10  }
0x38: {  	s10 =	sld [smem:$0x3FB3]  }
0x39: {  	_ = 	snop;
	(pc) =	sbr.ind lr, $3  }
0x3a: {  	_ = 	snop  }
0x3b: {  	_ = 	snop  }
0x3c: {  	p2 =	seq.s32 s10, $0x1;
	s10 =	sld [smem:$0x3FB2]  }
0x3d: {  	_ =	shalt  }
0x3e: {  	_ =	shalt  }
0x3f: {  	_ =	shalt  }
0x40: {  	_ =	shalt  }
0x41: {  	_ =	shalt  }
0x42: {  	_ =	shalt  }
0x43: {  	_ =	shalt  }
0x44: {  	_ =	shalt  }
0x45: {  	_ =	shalt  }
0x46: {  	_ =	shalt  }
0x47: {  	_ =	shalt  }
0x48: {  	_ =	shalt  }
0x49: {  	_ =	shalt  }
0x4a: {  	_ =	shalt  }
0x4b: {  	_ =	shalt  }
0x4c: {  	_ =	shalt  }
0x4d: {  	_ =	shalt  }
0x4e: {  	_ =	shalt  }
0x4f: {  	_ =	shalt  }
0x50: {  	_ =	shalt  }
0x51: {  	_ =	shalt  }
0x52: {  	_ =	shalt  }
0x53: {  	_ =	shalt  }
0x54: {  	_ =	shalt  }
0x55: {  	_ =	shalt  }
0x56: {  	_ =	shalt  }
0x57: {  	_ =	shalt  }
0x58: {  	_ =	shalt  }
0x59: {  	_ =	shalt  }
0x5a: {  	_ =	shalt  }
0x5b: {  	_ =	shalt  }
0x5c: {  	_ =	shalt  }
0x5d: {  	_ =	shalt  }
0x5e: {  	_ =	shalt  }
0x5f: {  	_ =	shalt  }
0x60: {  	_ =	shalt  }
0x61: {  	_ =	shalt  }
0x62: {  	_ =	shalt  }
0x63: {  	_ =	shalt  }
0x64: {  	_ =	shalt  }
0x65: {  	_ =	shalt  }
0x66: {  	_ =	shalt  }
0x67: {  	_ =	shalt  }
0x68: {  	_ =	shalt  }
0x69: {  	_ =	shalt  }
0x6a: {  	_ =	shalt  }
0x6b: {  	_ =	shalt  }
0x6c: {  	_ =	shalt  }
0x6d: {  	_ =	shalt  }
0x6e: {  	_ =	shalt  }
0x6f: {  	_ =	shalt  }
0x70: {  	_ =	shalt  }
0x71: {  	_ =	shalt  }
0x72: {  	_ =	shalt  }
0x73: {  	_ =	shalt  }
0x74: {  	_ =	shalt  }
0x75: {  	_ =	shalt  }
0x76: {  	_ =	shalt  }
0x77: {  	_ =	shalt  }
0x78: {  	_ =	shalt  }
0x79: {  	_ =	shalt  }
0x7a: {  	_ =	shalt  }
0x7b: {  	_ =	shalt  }
0x7c: {  	_ =	shalt  }
0x7d: {  	_ =	shalt  }
0x7e: {  	_ =	shalt  }
0x7f: {  	_ =	shalt  }
0x80: {  	_ =	shalt  }
0x81: {  	_ =	shalt  }
0x82: {  	_ =	shalt  }
0x83: {  	_ =	shalt  }
0x84: {  	_ =	shalt  }
0x85: {  	_ =	shalt  }
0x86: {  	_ =	shalt  }
0x87: {  	_ =	shalt  }
.Lfunc_end0:
.L_simem_size_0:
called_computation.2_lowered:
.L_overlay_start_0:
0x88: {  	s2 =	sld [smem:$0x3FD9]  }
0x89: {  	s3 =	sld [smem:$0x3FFE];
	_ =	sdelay $0x1  }
0x8a: {  	s1 =	srdreg.scid  }
0x8b: {  	s0 =	sand.u32 $0x1, s1  }
0x8c: {  	s15 =	sshll.u32 s0, $0xA;
	s2 =	sadd.s32 s3, s2  }
0x8d: {  	s2 =	sadd.s32 s2, s15  }
0x8e: {  	[smem:$0x3FBE] =	sst s2  }
0x8f: {  	_ = 	snop  }
0x90: {  	s16 =	sld [smem:$0x3FD0];
	_ =	sdelay $0x2  }
0x91: {  	s4 =	simm.s32 $0xD;
	s5 =	simm.s32 $0x10;
	s2 =	sld [smem:$0x3FC7]  }
0x92: {  	[smem:s5], [sflag:s4] =	dma.local [hbm:s16], $0x1  }
0x93: {  	_ =	swait.eq [sflag:s4], $0x1  }
0x94: {  	[sflag:s4] =	ssyncset.done $0x0  }
0x95: {  	[sflag:s4] =	ssyncadd.s32 $0xFFFFFFFF  }
0x96: {  	s17 =	sld [smem:$0x11];
	(tm) =	ssettm $0x1  }
0x97: {  	s18 =	sld [smem:$0x3FFB];
	_ =	sdelay $0x3  }
0x98: {  	_ =	strace s18  }
0x99: {  	s3 =	sld [smem:$0x3FFC];
	_ =	sdelay $0x3  }
0x9a: {  	_ =	strace s3  }
0x9b: {  	s3 =	sld [smem:$0x3FFD];
	_ =	sdelay $0x3  }
0x9c: {  	_ =	strace s3  }
0x9d: {  	_ =	strace $0x8FFFFFFF  }
0x9e: {  	s19 =	sld [smem:$0x3FDB];
	_ =	sdelay $0x1  }
0x9f: {  	s20 =	simm.s32 $_scs_section_size  }
0xa0: {  	s6 =	simm.s32 $_size__tile_overlayer_lowered;
	s7 =	simm.s32 $_tile_overlayer_lowered  }
0xa1: {  	s8 =	simm.s32 $0x1BFF;
	s21 =	sshll.u32 s7, $0x1;
	s5 =	sadd.s32 s20, s19  }
0xa2: {  	s22 =	simm.s32 $0x0;
	s6 =	sshll.u32 s6, $0x1;
	s7 =	sadd.s32 s21, s5  }
0xa3: {  	[timem:s22], [sflag:s8] =	dma.local [hbm:s7], s6  }
0xa4: {  	_ =	swait.ge [sflag:s8], s6  }
0xa5: {  	s6 =	ssub.s32 $0x0, s6;
	[sflag:s8] =	ssyncset.done $0x0  }
0xa6: {  	[sflag:s8] =	ssyncadd.s32 s6;
	_ =	sdelay $0x1  }
0xa7: {  	s23 =	simm.s32 $0x1B8B  }
0xa8: {  	_ =	swait.ge [sflag:s23], $0x1  }
0xa9: {  	[sflag:s23] =	ssyncset.done $0x0  }
0xaa: {  	[sflag:s23] =	ssyncadd.s32 $0xFFFFFFFF  }
0xab: {  	s6 =	sld [smem:$0x0]  }
0xac: {  	s7 =	sand.u32 $0xFFFFFFFE, s1  }
0xad: {  	p0 =	sne.s32 s1, s7  }
0xae: {  	s7 =	sshll.u32 @p0 s7, $0xE  }
0xaf: {  	s7 =	sadd.s32 @p0 $0x11B8D, s7;
	s8 =	sshll.u32 @p0 s6, $0x11  }
0xb0: {  	s7 =	sor.u32 @p0 s8, s7  }
0xb1: {  	[sflag:s7] =	ssyncadd.remote.s32 @p0 $0x1;
	_ =	sdelay $0x1  }
0xb2: {  	s7 =	simm.s32 @p0 $0x1B8D  }
0xb3: {  	_ =	swait.eq @p0 [sflag:s7], $0x1  }
0xb4: {  	[sflag:s7] =	ssyncadd.s32 @p0 $0xFFFFFFFF  }
0xb5: {  	s8 =	sshll.u32 @!p0 s1, $0xE  }
0xb6: {  	s8 =	sor.u32 @!p0 $0x4000, s8;
	s7 =	simm.s32 @!p0 $0x1B8D  }
0xb7: {  	s6 =	sshll.u32 @!p0 s6, $0x11;
	s8 =	sadd.s32 @!p0 $0x11B8D, s8;
	_ =	swait.eq @!p0 [sflag:s7], $0x1  }
0xb8: {  	s6 =	sor.u32 @!p0 s6, s8;
	[sflag:s7] =	ssyncadd.s32 @!p0 $0xFFFFFFFF  }
0xb9: {  	s25 =	simm.s32 $0x1B8E;
	s24 =	sld [smem:$0x3FFE];
	[sflag:s6] =	ssyncadd.remote.s32 @!p0 $0x1  }
0xba: {  	s26 =	simm.s32 $execute0_lowered;
	[smem:$0x3FD2] =	sst s25  }
0xbb: {  	s7 =	sshll.u32 s26, $0x1;
	_ =	strace $0x8000004C;
	[dreg:$0x1] =	wrdreg $0xFFFFFFFF  }
0xbc: {  	s28 =	simm.s32 $_size_execute0_lowered;
	s5 =	sadd.s32 s5, s7;
	[dreg:$0x0] =	wrdreg $0x0  }
0xbd: {  	s7 =	sshll.u32 s28, $0x1;
	[dreg:$0x2] =	wrdreg s5  }
0xbe: {  	[dreg:$0x3] =	wrdreg s7  }
0xbf: {  	[dreg:$0x4] =	wrdreg $0xC0  }
0xc0: {  	_ =	task [dreg:s22], $0x5FFFF  }
0xc1: {  	[dreg:$0x1] =	wrdreg $0xFFFFFFFF  }
0xc2: {  	[dreg:$0x0] =	wrdreg $0x60  }
0xc3: {  	[dreg:$0x2] =	wrdreg s17  }
0xc4: {  	[dreg:$0x3] =	wrdreg s24  }
0xc5: {  	[dreg:$0x4] =	wrdreg s2  }
0xc6: {  	[dreg:$0x5] =	wrdreg $0xB  }
0xc7: {  	_ =	task.clear_ibuf [dreg:s22], $0x6FFFF;
	_ =	strace $0x9000004C  }
0xc8: {  	s29 =	simm.s32 $0xB;
	_ =	strace $0x8000004E  }
0xc9: {  	_ =	swait.ge [sflag:s29], $0x1  }
0xca: {  	[sflag:s29] =	ssyncadd.s32 $0xFFFFFFFF  }
0xcb: {  	_ =	strace $0x9000004E  }
0xcc: {  	_ =	sfence  }
0xcd: {  	s30 =	sld [smem:$0x0];
	_ =	sdelay $0x2  }
0xce: {  	s31 =	sshll.u32 s1, $0xD;
	s1 =	sshrl.u32 s1, $0x2  }
0xcf: {  	s4 =	sand.u32 $0x4000, s31;
	s1 =	sadd.s32 s1, s30  }
0xd0: {  	s0 =	sor.u32 s4, s0;
	s1 =	sshll.u32 s1, $0x11  }
0xd1: {  	s0 =	sor.u32 s1, s0  }
0xd2: {  	s0 =	sadd.s32 $0x8F2B, s0  }
0xd3: {  	[sflag:s0] =	ssyncadd.remote.s32 $0x1  }
0xd4: {  	_ =	sfence.sel $0xFFFF  }
0xd5: {  	[dreg:$0x0] =	wrdreg $0xFFFFFFFF;
	(pc) =	sbr.abs _section_cstart, $3  }
0xd6: {  	[dreg:$0x1] =	wrdreg $0xFFFFFFFF  }
0xd7: {  	_ =	task.clear_ibuf [dreg:s22], $0x2FFFF;
	_ =	strace $0x9FFFFFFF  }
0xd8: {  	(tm) =	ssettm $0x7FFFFFFF  }
0xd9: {  	_ =	shalt  }
tec
execute0_lowered:
.L_overlay_start_1:
0x0: {  	(tag) =	ssettag $0x1  }
0x1: {  	s0 =	rddreg [dreg:$0x0]  }
0x2: {  	s1 =	rddreg [dreg:$0x1]  }
0x3: {  	s2 =	rddreg [dreg:$0x2]  }
0x4: {  	s4 =	srdreg.scid;
	s5 =	stileid.u32;
	s3 =	simm.s32 $0x0  }
0x5: {  	s16 =	simm.s32 $0x28;
	s4 =	sand.u32 $0x1, s4;
	s5 =	sshll.u32 s5, $0x1  }
0x6: {  	s17 =	simm.s32 $0x200;
	s29 =	simm.s32 $0x7A00;
	s5 =	sor.u32 s4, s5  }
0x7: {  	s15 =	simm.s32 $0xC800;
	s18 =	simm.s32 $0x1;
	s6 =	smul.u32 $0x4C0, s5  }
0x8: {  	s19 =	simm.s32 $0x7;
	s28 =	simm.s32 $0x0;
	s10 =	smul.u32 $0x2800, s5  }
0x9: {  	[smem:$0x7FF] =	sst s3;
	s7 =	sadd.s32 $0x108400, s1;
	s13 =	smul.u32 $0x1400, s5  }
0xa: {  	s12 =	sadd.s32 $0x161C00, s1;
	s8 =	sshllo.u32 s5, $0x1;
	s14 =	smul.u32 $0xA000, s5  }
0xb: {  	s1 =	sadd.s32 $0x111C00, s1;
	s4 =	ssub.s32 $0x2, s4;
	s9 =	smul.u32 $0x260, s8  }
0xc: {  	_ =	strace $0x8000004D;
	s11 =	sshrl.u32 s4, $0x1;
	s22 =	smul.u32 $0x1400, s8  }
0xd: {  	s20 =	sshll.u32 s5, $0x6;
	s4 =	ssub.s32 s4, s11;
	s25 =	smul.u32 $0x5000, s8  }
0xe: {  	s0 =	sadd.s32 s0, s20;
	s26 =	smul.u32 $0xA00, s8;
	s20 =	simm.s32 $0x2A00  }
0xf: {  	[dreg:$0x4] =	wrdreg s0;
	s21 =	sadd.s32 s7, s6;
	s24 =	sshrl.u32 s14, $0x3  }
0x10: {  	s8 =	sadd.s32 s12, s13;
	s13 =	smax.u32 s4, $0x1;
	s14 =	simm.s32 $0x9  }
0x11: {  	[dreg:$0x5] =	wrdreg s21;
	s23 =	sadd.s32 s7, s9;
	s7 =	sadd.s32 s1, s10  }
0x12: {  	s9 =	sadd.s32 s12, s24;
	s30 =	sshrl.u32 s25, $0x3;
	s10 =	sadd.s32 s1, s22  }
0x13: {  	s11 =	sadd.s32 s12, s26;
	s24 =	simm.s32 $0x5200;
	s1 =	simm.s32 $0x5  }
0x14: {  	s21 =	simm.s32 $0x6;
	s22 =	simm.s32 $0x2;
	s25 =	simm.s32 $0x3  }
0x15: {  	s26 =	simm.s32 $0x4;
	[dreg:$0x6] =	wrdreg s23;
	s31 =	sadd.s32 s12, s30  }
0x16: {  	v0 =	vimm.f32 $0.0e+00;
	v1 =	vimm.f32 $1.000000000e+00;
	v2 =	vimm.f32 $-1.000000000e+00;
	s9 =	sadd.s32 $0x500, s9;
	s23 =	simm.s32 $0x8;
	s12 =	sadd.s32 $0x500, s31  }
.LBB2_1:
0x17: {  	s0 =	rddreg [dreg:$0x4]  }
0x18: {  	[tilespmem:s3], [sflag:$0x9] =	stream.linear.gather [hbm4b:s0+s3], $0x200, $0x38;
	[tilespmem:$0x16800] =	vst v63  }
0x19: {  	_ =	swait.ge [sflag:s14], $0x200  }
0x1a: {  	[sflag:s14] =	ssyncset.done $0x0  }
0x1b: {  	s4 =	simm.s32 $0xA200;
	s5 =	rddreg [dreg:$0x5];
	[sflag:s14] =	ssyncadd.s32 $0xFFFFFE00  }
0x1c: {  	[tilespmem:s4], [sflag:$0x5] =	stream.linear.gather [hbm4b:s5+s3], $0x1300, $0x38;
	[tilespmem:$0x16800] =	vst v63  }
0x1d: {  	_ = 	snop  }
0x1e: {  	[tilespmem:s17], [sflag:$0x1] =	stream.indirect.gather [hbm4b:s2+s16], $0x80, s3, s16, $0xb8;
	[tilespmem:$0x16800] =	vst v63  }
0x1f: {  	s6 =	simm.s32 $0x1600  }
0x20: {  	[tilespmem:s6], [sflag:$0x1] =	stream.indirect.gather [hbm4b:s2+s16], $0x80, s16, s16, $0xb8;
	[tilespmem:$0x16800] =	vst v63  }
0x21: {  	s4 =	simm.s32 $0x80  }
0x22: {  	[tilespmem:s20], [sflag:$0x1] =	stream.indirect.gather [hbm4b:s2+s16], $0x80, s4, s16, $0xb8;
	[tilespmem:$0x16800] =	vst v63  }
0x23: {  	s5 =	simm.s32 $0xA8;
	s6 =	simm.s32 $0x3E00  }
0x24: {  	[tilespmem:s6], [sflag:$0x1] =	stream.indirect.gather [hbm4b:s2+s16], $0x80, s5, s16, $0xb8;
	[tilespmem:$0x16800] =	vst v63  }
0x25: {  	s4 =	simm.s32 $0x100  }
0x26: {  	[tilespmem:s24], [sflag:$0x2] =	stream.indirect.gather [hbm4b:s2+s16], $0x80, s4, s16, $0xb8;
	[tilespmem:$0x16800] =	vst v63  }
0x27: {  	s5 =	simm.s32 $0x128;
	s6 =	simm.s32 $0x6600  }
0x28: {  	[tilespmem:s6], [sflag:$0x2] =	stream.indirect.gather [hbm4b:s2+s16], $0x80, s5, s16, $0xb8;
	[tilespmem:$0x16800] =	vst v63  }
0x29: {  	s4 =	simm.s32 $0x180  }
0x2a: {  	[tilespmem:s29], [sflag:$0x2] =	stream.indirect.gather [hbm4b:s2+s16], $0x80, s4, s16, $0xb8;
	[tilespmem:$0x16800] =	vst v63  }
0x2b: {  	s5 =	simm.s32 $0x1A8;
	s6 =	simm.s32 $0x8E00  }
0x2c: {  	[tilespmem:s6], [sflag:$0x2] =	stream.indirect.gather [hbm4b:s2+s16], $0x80, s5, s16, $0xb8;
	[tilespmem:$0x16800] =	vst v63  }
0x2d: {  	s5 =	sand.u32 $0xF800, s3;
	s6 =	sand.u32 $0x300, s3  }
0x2e: {  	s0 =	sor.u32 s6, s5  }
0x2f: {  	[tilespmem:s0+$0xCC90] =	vst v0  }
0x30: {  	[tilespmem:s0+$0xC800] =	vst v0  }
0x31: {  	[tilespmem:s0+$0xC810] =	vst v0  }
0x32: {  	[tilespmem:s0+$0xC820] =	vst v0  }
0x33: {  	[tilespmem:s0+$0xC830] =	vst v0  }
0x34: {  	[tilespmem:s0+$0xC840] =	vst v0  }
0x35: {  	[tilespmem:s0+$0xC850] =	vst v0  }
0x36: {  	[tilespmem:s0+$0xC860] =	vst v0  }
0x37: {  	[tilespmem:s0+$0xC870] =	vst v0  }
0x38: {  	[tilespmem:s0+$0xCC00] =	vst v0  }
0x39: {  	[tilespmem:s0+$0xCC10] =	vst v0  }
0x3a: {  	[tilespmem:s0+$0xC880] =	vst v0  }
0x3b: {  	[tilespmem:s0+$0xC890] =	vst v0  }
0x3c: {  	[tilespmem:s0+$0xC8A0] =	vst v0  }
0x3d: {  	[tilespmem:s0+$0xC8B0] =	vst v0  }
0x3e: {  	[tilespmem:s0+$0xC8C0] =	vst v0  }
0x3f: {  	[tilespmem:s0+$0xC8D0] =	vst v0  }
0x40: {  	s30 =	simm.s32 $0x0;
	s31 =	simm.s32 $0x100;
	s4 =	simm.s32 $0x200;
	[tilespmem:s0+$0xC8E0] =	vst v0  }
.LBB2_2:
0x41: {  	s5 =	sand.u32 $0xF800, s4;
	s6 =	sand.u32 $0x300, s31;
	s30 =	sadd.s32 $0x2, s30;
	[tilespmem:s0+$0xC8F0] =	vst v0  }
0x42: {  	p0 =	slt.u32 s30, $0x9E;
	[tilespmem:s0+$0xCC80] =	vst v0;
	s0 =	sor.u32 s6, s5  }
0x43: {  	[tilespmem:s0+$0xCC90] =	vst v0  }
0x44: {  	[tilespmem:s0+$0xC800] =	vst v0  }
0x45: {  	[tilespmem:s0+$0xC810] =	vst v0  }
0x46: {  	[tilespmem:s0+$0xC820] =	vst v0  }
0x47: {  	[tilespmem:s0+$0xC830] =	vst v0  }
0x48: {  	[tilespmem:s0+$0xC840] =	vst v0  }
0x49: {  	[tilespmem:s0+$0xC850] =	vst v0  }
0x4a: {  	[tilespmem:s0+$0xC860] =	vst v0  }
0x4b: {  	[tilespmem:s0+$0xC870] =	vst v0  }
0x4c: {  	[tilespmem:s0+$0xCC00] =	vst v0  }
0x4d: {  	[tilespmem:s0+$0xCC10] =	vst v0  }
0x4e: {  	[tilespmem:s0+$0xC880] =	vst v0  }
0x4f: {  	[tilespmem:s0+$0xC890] =	vst v0  }
.Ltmp0:
0x50: {  	[tilespmem:s0+$0xC8A0] =	vst v0;
	(pc) =	sbr.rel @p0 .LBB2_2-.Ltmp0, $4  }
0x51: {  	[tilespmem:s0+$0xC8B0] =	vst v0  }
0x52: {  	[tilespmem:s0+$0xC8C0] =	vst v0  }
0x53: {  	[tilespmem:s0+$0xC8D0] =	vst v0  }
0x54: {  	s31 =	sadd.s32 $0x100, s31;
	s4 =	sadd.s32 $0x200, s4;
	[tilespmem:s0+$0xC8E0] =	vst v0  }
0x55: {  	[tilespmem:s0+$0xC8F0] =	vst v0  }
0x56: {  	[tilespmem:s0+$0xCC80] =	vst v0;
	s30 =	simm.s32 $0x0;
	s6 =	rddreg [dreg:$0x6];
	s4 =	simm.s32 $0xB500  }
0x57: {  	[tilespmem:s4], [sflag:$0x6] =	stream.linear.gather [hbm4b:s6+s30], $0x1300, $0x38;
	[tilespmem:$0x16800] =	vst v63  }
0x58: {  	_ =	swait.ge [sflag:s1], $0x1300  }
0x59: {  	[sflag:s1] =	ssyncset.done $0x0  }
0x5a: {  	s31 =	simm.s32 $0xFFFFFFFB;
	s0 =	simm.s32 $0x40;
	[sflag:s1] =	ssyncadd.s32 $0xFFFFED00  }
.LBB2_4:
0x5b: {  	s4 =	sadd.s32 $0xFFFFFFC0, s0  }
0x5c: {  	s5 =	sand.u32 $0x1F00, s30;
	s4 =	sand.u32 $0x70, s4  }
0x5d: {  	s4 =	sor.u32 s4, s5  }
0x5e: {  	v3 =	vld [tilespmem:s4+$0xA200]  }
0x5f: {  	v4 =	vld [tilespmem:s4+$0xA280];
	_ =	sdelay $0x4  }
0x60: {  	v5 =	vshll.u32 v4, $0x8;
	v6 =	vshll.u32 v3, $0x3  }
0x61: {  	v4 =	vshll.u32 v4, $0x7;
	v5 =	vand.u32 $0xFFFFF800, v5;
	v6 =	vand.u32 $0xFFFFFC00, v6  }
0x62: {  	v4 =	vand.u32 $0x380, v4;
	v5 =	vadd.s32 v6, v5  }
0x63: {  	v3 =	vand.u32 $0x7F, v3;
	v4 =	vor.u32 v4, v5  }
0x64: {  	v3 =	vor.u32 v3, v4;
	_ =	sdelay $0x2  }
0x65: {  	s6 =	sadd.s32 $0x20, s30;
	s5 =	sadd.s32 $0xFFFFFFD0, s0  }
0x66: {  	s4 =	sand.u32 $0x70, s5;
	s5 =	sand.u32 $0x3F00, s6  }
0x67: {  	s4 =	sor.u32 s4, s5;
	[tilespmem:v3+s15+$0x0] =	vst.idx.add.f32.msk $0xffff, v1  }
0x68: {  	v3 =	vld [tilespmem:s4+$0xA200]  }
0x69: {  	v52 =	vld [tilespmem:s4+$0xA280];
	_ =	sdelay $0x4  }
0x6a: {  	v53 =	vshll.u32 v52, $0x8;
	v54 =	vshll.u32 v3, $0x3  }
0x6b: {  	v4 =	vshll.u32 v52, $0x7;
	v5 =	vand.u32 $0xFFFFF800, v53;
	v6 =	vand.u32 $0xFFFFFC00, v54  }
0x6c: {  	v4 =	vand.u32 $0x380, v4;
	v5 =	vadd.s32 v6, v5  }
0x6d: {  	v3 =	vand.u32 $0x7F, v3;
	v4 =	vor.u32 v4, v5  }
0x6e: {  	v3 =	vor.u32 v3, v4;
	_ =	sdelay $0x2  }
0x6f: {  	s6 =	sadd.s32 $0x40, s30;
	s5 =	sadd.s32 $0xFFFFFFE0, s0  }
0x70: {  	s4 =	sand.u32 $0x70, s5;
	s5 =	sand.u32 $0x3F00, s6  }
0x71: {  	s4 =	sor.u32 s4, s5;
	[tilespmem:v3+s15+$0x0] =	vst.idx.add.f32.msk $0xffff, v1  }
0x72: {  	v3 =	vld [tilespmem:s4+$0xA200]  }
0x73: {  	v55 =	vld [tilespmem:s4+$0xA280];
	_ =	sdelay $0x4  }
0x74: {  	v56 =	vshll.u32 v55, $0x8;
	v57 =	vshll.u32 v3, $0x3  }
0x75: {  	v4 =	vshll.u32 v55, $0x7;
	v5 =	vand.u32 $0xFFFFF800, v56;
	v6 =	vand.u32 $0xFFFFFC00, v57  }
0x76: {  	v4 =	vand.u32 $0x380, v4;
	v5 =	vadd.s32 v6, v5  }
0x77: {  	v3 =	vand.u32 $0x7F, v3;
	v4 =	vor.u32 v4, v5  }
0x78: {  	v3 =	vor.u32 v3, v4;
	_ =	sdelay $0x2  }
0x79: {  	s6 =	sadd.s32 $0x60, s30;
	s5 =	sadd.s32 $0xFFFFFFF0, s0  }
0x7a: {  	s4 =	sand.u32 $0x70, s5;
	s5 =	sand.u32 $0x3F00, s6  }
0x7b: {  	s4 =	sor.u32 s4, s5;
	[tilespmem:v3+s15+$0x0] =	vst.idx.add.f32.msk $0xffff, v1  }
0x7c: {  	v3 =	vld [tilespmem:s4+$0xA200]  }
0x7d: {  	v58 =	vld [tilespmem:s4+$0xA280];
	_ =	sdelay $0x4  }
0x7e: {  	v59 =	vshll.u32 v58, $0x8;
	v60 =	vshll.u32 v3, $0x3  }
0x7f: {  	v4 =	vshll.u32 v58, $0x7;
	v5 =	vand.u32 $0xFFFFF800, v59;
	v6 =	vand.u32 $0xFFFFFC00, v60  }
0x80: {  	v4 =	vand.u32 $0x380, v4;
	v5 =	vadd.s32 v6, v5  }
0x81: {  	v3 =	vand.u32 $0x7F, v3;
	v4 =	vor.u32 v4, v5  }
0x82: {  	v3 =	vor.u32 v3, v4;
	_ =	sdelay $0x2  }
0x83: {  	s5 =	sadd.s32 $0x80, s30  }
0x84: {  	s6 =	sand.u32 $0x70, s0;
	s4 =	sand.u32 $0x3F00, s5  }
0x85: {  	s4 =	sor.u32 s6, s4;
	[tilespmem:v3+s15+$0x0] =	vst.idx.add.f32.msk $0xffff, v1  }
0x86: {  	v3 =	vld [tilespmem:s4+$0xA200]  }
0x87: {  	v61 =	vld [tilespmem:s4+$0xA280];
	_ =	sdelay $0x4  }
0x88: {  	v62 =	vshll.u32 v61, $0x8;
	v63 =	vshll.u32 v3, $0x3  }
0x89: {  	v4 =	vshll.u32 v61, $0x7;
	v5 =	vand.u32 $0xFFFFF800, v62;
	v6 =	vand.u32 $0xFFFFFC00, v63  }
0x8a: {  	v4 =	vand.u32 $0x380, v4;
	v5 =	vadd.s32 v6, v5  }
0x8b: {  	s31 =	sadd.s32 $0x5, s31;
	v3 =	vand.u32 $0x7F, v3;
	v4 =	vor.u32 v4, v5  }
0x8c: {  	p0 =	slt.u32 s31, $0x91;
	v3 =	vor.u32 v3, v4  }
.Ltmp1:
0x8d: {  	_ = 	snop;
	(pc) =	sbr.rel @p0 .LBB2_4-.Ltmp1, $2  }
0x8e: {  	_ =	sdelay $0x2  }
0x8f: {  	s0 =	sadd.s32 $0x50, s0;
	s30 =	sadd.s32 $0xA0, s30;
	[tilespmem:v3+s15+$0x0] =	vst.idx.add.f32.msk $0xffff, v1  }
0x90: {  	s30 =	simm.s32 $0x0  }
0x91: {  	[hbm4b:s7+s30] =	stream.linear.scatter [tilespmem:s15], [sflag:$0x7], $0xA000, $0x38;
	[tilespmem:$0x16800] =	vst v63  }
0x92: {  	_ =	swait.ge [sflag:s18], $0x1400  }
0x93: {  	[sflag:s18] =	ssyncset.done $0x0  }
0x94: {  	[sflag:s18] =	ssyncadd.s32 $0xFFFFEC00  }
0x95: {  	_ =	swait.ge [sflag:s18], $0x1400  }
0x96: {  	[sflag:s18] =	ssyncset.done $0x0  }
0x97: {  	[sflag:s18] =	ssyncadd.s32 $0xFFFFEC00  }
0x98: {  	_ =	swait.ge [sflag:s18], $0x1400  }
0x99: {  	[sflag:s18] =	ssyncset.done $0x0  }
0x9a: {  	[sflag:s18] =	ssyncadd.s32 $0xFFFFEC00  }
0x9b: {  	_ =	swait.ge [sflag:s18], $0x1400  }
0x9c: {  	[sflag:s18] =	ssyncset.done $0x0  }
0x9d: {  	[sflag:s18] =	ssyncadd.s32 $0xFFFFEC00  }
0x9e: {  	[hbm4b:s8+s30] =	stream.linear.scatter [tilespmem:s17], [sflag:$0x3], $0x2800, $0x38;
	[tilespmem:$0x16800] =	vst v63  }
0x9f: {  	_ = 	snop  }
0xa0: {  	[hbm4b:s9+s30] =	stream.linear.scatter [tilespmem:s20], [sflag:$0x3], $0x2800, $0x38;
	[tilespmem:$0x16800] =	vst v63  }
0xa1: {  	_ =	swait.ge [sflag:s19], $0xA000  }
0xa2: {  	[sflag:s19] =	ssyncset.done $0x0  }
0xa3: {  	s31 =	simm.s32 $0xFFFFFFFB;
	s0 =	simm.s32 $0x40;
	[sflag:s19] =	ssyncadd.s32 $0xFFFF6000  }
.LBB2_6:
0xa4: {  	s4 =	sadd.s32 $0xFFFFFFC0, s0  }
0xa5: {  	s5 =	sand.u32 $0x1F00, s30;
	s4 =	sand.u32 $0x70, s4  }
0xa6: {  	s4 =	sor.u32 s4, s5  }
0xa7: {  	v3 =	vld [tilespmem:s4+$0xA200]  }
0xa8: {  	v4 =	vld [tilespmem:s4+$0xA280];
	_ =	sdelay $0x4  }
0xa9: {  	v5 =	vshll.u32 v4, $0x8;
	v6 =	vshll.u32 v3, $0x3  }
0xaa: {  	v4 =	vshll.u32 v4, $0x7;
	v5 =	vand.u32 $0xFFFFF800, v5;
	v6 =	vand.u32 $0xFFFFFC00, v6  }
0xab: {  	v4 =	vand.u32 $0x380, v4;
	v5 =	vadd.s32 v6, v5  }
0xac: {  	v3 =	vand.u32 $0x7F, v3;
	v4 =	vor.u32 v4, v5  }
0xad: {  	v3 =	vor.u32 v3, v4;
	_ =	sdelay $0x2  }
0xae: {  	s6 =	sadd.s32 $0x20, s30;
	s5 =	sadd.s32 $0xFFFFFFD0, s0  }
0xaf: {  	s4 =	sand.u32 $0x70, s5;
	s5 =	sand.u32 $0x3F00, s6  }
0xb0: {  	s4 =	sor.u32 s4, s5;
	[tilespmem:v3+s15+$0x0] =	vst.idx.add.f32.msk $0xffff, v2  }
0xb1: {  	v3 =	vld [tilespmem:s4+$0xA200]  }
0xb2: {  	v52 =	vld [tilespmem:s4+$0xA280];
	_ =	sdelay $0x4  }
0xb3: {  	v53 =	vshll.u32 v52, $0x8;
	v54 =	vshll.u32 v3, $0x3  }
0xb4: {  	v4 =	vshll.u32 v52, $0x7;
	v5 =	vand.u32 $0xFFFFF800, v53;
	v6 =	vand.u32 $0xFFFFFC00, v54  }
0xb5: {  	v4 =	vand.u32 $0x380, v4;
	v5 =	vadd.s32 v6, v5  }
0xb6: {  	v3 =	vand.u32 $0x7F, v3;
	v4 =	vor.u32 v4, v5  }
0xb7: {  	v3 =	vor.u32 v3, v4;
	_ =	sdelay $0x2  }
0xb8: {  	s6 =	sadd.s32 $0x40, s30;
	s5 =	sadd.s32 $0xFFFFFFE0, s0  }
0xb9: {  	s4 =	sand.u32 $0x70, s5;
	s5 =	sand.u32 $0x3F00, s6  }
0xba: {  	s4 =	sor.u32 s4, s5;
	[tilespmem:v3+s15+$0x0] =	vst.idx.add.f32.msk $0xffff, v2  }
0xbb: {  	v3 =	vld [tilespmem:s4+$0xA200]  }
0xbc: {  	v55 =	vld [tilespmem:s4+$0xA280];
	_ =	sdelay $0x4  }
0xbd: {  	v56 =	vshll.u32 v55, $0x8;
	v57 =	vshll.u32 v3, $0x3  }
0xbe: {  	v4 =	vshll.u32 v55, $0x7;
	v5 =	vand.u32 $0xFFFFF800, v56;
	v6 =	vand.u32 $0xFFFFFC00, v57  }
0xbf: {  	v4 =	vand.u32 $0x380, v4;
	v5 =	vadd.s32 v6, v5  }
0xc0: {  	v3 =	vand.u32 $0x7F, v3;
	v4 =	vor.u32 v4, v5  }
0xc1: {  	v3 =	vor.u32 v3, v4;
	_ =	sdelay $0x2  }
0xc2: {  	s6 =	sadd.s32 $0x60, s30;
	s5 =	sadd.s32 $0xFFFFFFF0, s0  }
0xc3: {  	s4 =	sand.u32 $0x70, s5;
	s5 =	sand.u32 $0x3F00, s6  }
0xc4: {  	s4 =	sor.u32 s4, s5;
	[tilespmem:v3+s15+$0x0] =	vst.idx.add.f32.msk $0xffff, v2  }
0xc5: {  	v3 =	vld [tilespmem:s4+$0xA200]  }
0xc6: {  	v58 =	vld [tilespmem:s4+$0xA280];
	_ =	sdelay $0x4  }
0xc7: {  	v59 =	vshll.u32 v58, $0x8;
	v60 =	vshll.u32 v3, $0x3  }
0xc8: {  	v4 =	vshll.u32 v58, $0x7;
	v5 =	vand.u32 $0xFFFFF800, v59;
	v6 =	vand.u32 $0xFFFFFC00, v60  }
0xc9: {  	v4 =	vand.u32 $0x380, v4;
	v5 =	vadd.s32 v6, v5  }
0xca: {  	v3 =	vand.u32 $0x7F, v3;
	v4 =	vor.u32 v4, v5  }
0xcb: {  	v3 =	vor.u32 v3, v4;
	_ =	sdelay $0x2  }
0xcc: {  	s5 =	sadd.s32 $0x80, s30  }
0xcd: {  	s6 =	sand.u32 $0x70, s0;
	s4 =	sand.u32 $0x3F00, s5  }
0xce: {  	s4 =	sor.u32 s6, s4;
	[tilespmem:v3+s15+$0x0] =	vst.idx.add.f32.msk $0xffff, v2  }
0xcf: {  	v3 =	vld [tilespmem:s4+$0xA200]  }
0xd0: {  	v61 =	vld [tilespmem:s4+$0xA280];
	_ =	sdelay $0x4  }
0xd1: {  	v62 =	vshll.u32 v61, $0x8;
	v63 =	vshll.u32 v3, $0x3  }
0xd2: {  	v4 =	vshll.u32 v61, $0x7;
	v5 =	vand.u32 $0xFFFFF800, v62;
	v6 =	vand.u32 $0xFFFFFC00, v63  }
0xd3: {  	v4 =	vand.u32 $0x380, v4;
	v5 =	vadd.s32 v6, v5  }
0xd4: {  	s31 =	sadd.s32 $0x5, s31;
	v3 =	vand.u32 $0x7F, v3;
	v4 =	vor.u32 v4, v5  }
0xd5: {  	p0 =	slt.u32 s31, $0x91;
	v3 =	vor.u32 v3, v4  }
.Ltmp2:
0xd6: {  	_ = 	snop;
	(pc) =	sbr.rel @p0 .LBB2_6-.Ltmp2, $2  }
0xd7: {  	_ =	sdelay $0x2  }
0xd8: {  	s0 =	sadd.s32 $0x50, s0;
	s30 =	sadd.s32 $0xA0, s30;
	[tilespmem:v3+s15+$0x0] =	vst.idx.add.f32.msk $0xffff, v2  }
0xd9: {  	_ =	swait.ge [sflag:s21], $0x1300  }
0xda: {  	s30 =	simm.s32 $0xFFFFFFFB;
	[sflag:s21] =	ssyncset.done $0x0  }
0xdb: {  	s31 =	simm.s32 $0x0;
	s0 =	simm.s32 $0x40;
	[sflag:s21] =	ssyncadd.s32 $0xFFFFED00  }
.LBB2_8:
0xdc: {  	s4 =	sadd.s32 $0xFFFFFFC0, s0  }
0xdd: {  	s5 =	sand.u32 $0x1F00, s31;
	s4 =	sand.u32 $0x70, s4  }
0xde: {  	s4 =	sor.u32 s4, s5  }
0xdf: {  	v3 =	vld [tilespmem:s4+$0xB500]  }
0xe0: {  	v4 =	vld [tilespmem:s4+$0xB580];
	_ =	sdelay $0x4  }
0xe1: {  	v5 =	vshll.u32 v4, $0x8;
	v6 =	vshll.u32 v3, $0x3  }
0xe2: {  	v4 =	vshll.u32 v4, $0x7;
	v5 =	vand.u32 $0xFFFFF800, v5;
	v6 =	vand.u32 $0xFFFFFC00, v6  }
0xe3: {  	v4 =	vand.u32 $0x380, v4;
	v5 =	vadd.s32 v6, v5  }
0xe4: {  	v3 =	vand.u32 $0x7F, v3;
	v4 =	vor.u32 v4, v5  }
0xe5: {  	v3 =	vor.u32 v3, v4;
	_ =	sdelay $0x2  }
0xe6: {  	s6 =	sadd.s32 $0x20, s31;
	s5 =	sadd.s32 $0xFFFFFFD0, s0  }
0xe7: {  	s4 =	sand.u32 $0x70, s5;
	s5 =	sand.u32 $0x3F00, s6  }
0xe8: {  	s4 =	sor.u32 s4, s5;
	[tilespmem:v3+s15+$0x0] =	vst.idx.add.f32.msk $0xffff, v1  }
0xe9: {  	v3 =	vld [tilespmem:s4+$0xB500]  }
0xea: {  	v52 =	vld [tilespmem:s4+$0xB580];
	_ =	sdelay $0x4  }
0xeb: {  	v53 =	vshll.u32 v52, $0x8;
	v54 =	vshll.u32 v3, $0x3  }
0xec: {  	v4 =	vshll.u32 v52, $0x7;
	v5 =	vand.u32 $0xFFFFF800, v53;
	v6 =	vand.u32 $0xFFFFFC00, v54  }
0xed: {  	v4 =	vand.u32 $0x380, v4;
	v5 =	vadd.s32 v6, v5  }
0xee: {  	v3 =	vand.u32 $0x7F, v3;
	v4 =	vor.u32 v4, v5  }
0xef: {  	v3 =	vor.u32 v3, v4;
	_ =	sdelay $0x2  }
0xf0: {  	s6 =	sadd.s32 $0x40, s31;
	s5 =	sadd.s32 $0xFFFFFFE0, s0  }
0xf1: {  	s4 =	sand.u32 $0x70, s5;
	s5 =	sand.u32 $0x3F00, s6  }
0xf2: {  	s4 =	sor.u32 s4, s5;
	[tilespmem:v3+s15+$0x0] =	vst.idx.add.f32.msk $0xffff, v1  }
0xf3: {  	v3 =	vld [tilespmem:s4+$0xB500]  }
0xf4: {  	v55 =	vld [tilespmem:s4+$0xB580];
	_ =	sdelay $0x4  }
0xf5: {  	v56 =	vshll.u32 v55, $0x8;
	v57 =	vshll.u32 v3, $0x3  }
0xf6: {  	v4 =	vshll.u32 v55, $0x7;
	v5 =	vand.u32 $0xFFFFF800, v56;
	v6 =	vand.u32 $0xFFFFFC00, v57  }
0xf7: {  	v4 =	vand.u32 $0x380, v4;
	v5 =	vadd.s32 v6, v5  }
0xf8: {  	v3 =	vand.u32 $0x7F, v3;
	v4 =	vor.u32 v4, v5  }
0xf9: {  	v3 =	vor.u32 v3, v4;
	_ =	sdelay $0x2  }
0xfa: {  	s6 =	sadd.s32 $0x60, s31;
	s5 =	sadd.s32 $0xFFFFFFF0, s0  }
0xfb: {  	s4 =	sand.u32 $0x70, s5;
	s5 =	sand.u32 $0x3F00, s6  }
0xfc: {  	s4 =	sor.u32 s4, s5;
	[tilespmem:v3+s15+$0x0] =	vst.idx.add.f32.msk $0xffff, v1  }
0xfd: {  	v3 =	vld [tilespmem:s4+$0xB500]  }
0xfe: {  	v58 =	vld [tilespmem:s4+$0xB580];
	_ =	sdelay $0x4  }
0xff: {  	v59 =	vshll.u32 v58, $0x8;
	v60 =	vshll.u32 v3, $0x3  }
0x100: {  	v4 =	vshll.u32 v58, $0x7;
	v5 =	vand.u32 $0xFFFFF800, v59;
	v6 =	vand.u32 $0xFFFFFC00, v60  }
0x101: {  	v4 =	vand.u32 $0x380, v4;
	v5 =	vadd.s32 v6, v5  }
0x102: {  	v3 =	vand.u32 $0x7F, v3;
	v4 =	vor.u32 v4, v5  }
0x103: {  	v3 =	vor.u32 v3, v4;
	_ =	sdelay $0x2  }
0x104: {  	s5 =	sadd.s32 $0x80, s31  }
0x105: {  	s6 =	sand.u32 $0x70, s0;
	s4 =	sand.u32 $0x3F00, s5  }
0x106: {  	s4 =	sor.u32 s6, s4;
	[tilespmem:v3+s15+$0x0] =	vst.idx.add.f32.msk $0xffff, v1  }
0x107: {  	v3 =	vld [tilespmem:s4+$0xB500]  }
0x108: {  	v61 =	vld [tilespmem:s4+$0xB580];
	_ =	sdelay $0x4  }
0x109: {  	v62 =	vshll.u32 v61, $0x8;
	v63 =	vshll.u32 v3, $0x3  }
0x10a: {  	v4 =	vshll.u32 v61, $0x7;
	v5 =	vand.u32 $0xFFFFF800, v62;
	v6 =	vand.u32 $0xFFFFFC00, v63  }
0x10b: {  	v4 =	vand.u32 $0x380, v4;
	v5 =	vadd.s32 v6, v5  }
0x10c: {  	s30 =	sadd.s32 $0x5, s30;
	v3 =	vand.u32 $0x7F, v3;
	v4 =	vor.u32 v4, v5  }
0x10d: {  	p0 =	slt.u32 s30, $0x91;
	v3 =	vor.u32 v3, v4  }
.Ltmp3:
0x10e: {  	_ = 	snop;
	(pc) =	sbr.rel @p0 .LBB2_8-.Ltmp3, $2  }
0x10f: {  	_ =	sdelay $0x2  }
0x110: {  	s0 =	sadd.s32 $0x50, s0;
	s31 =	sadd.s32 $0xA0, s31;
	[tilespmem:v3+s15+$0x0] =	vst.idx.add.f32.msk $0xffff, v1  }
0x111: {  	[hbm4b:s10+s3] =	stream.linear.scatter [tilespmem:s15], [sflag:$0x8], $0xA000, $0x38;
	[tilespmem:$0x16800] =	vst v63  }
0x112: {  	_ =	swait.ge [sflag:s22], $0x1400  }
0x113: {  	[sflag:s22] =	ssyncset.done $0x0  }
0x114: {  	[sflag:s22] =	ssyncadd.s32 $0xFFFFEC00  }
0x115: {  	_ =	swait.ge [sflag:s22], $0x1400  }
0x116: {  	[sflag:s22] =	ssyncset.done $0x0  }
0x117: {  	[sflag:s22] =	ssyncadd.s32 $0xFFFFEC00  }
0x118: {  	_ =	swait.ge [sflag:s22], $0x1400  }
0x119: {  	[sflag:s22] =	ssyncset.done $0x0  }
0x11a: {  	[sflag:s22] =	ssyncadd.s32 $0xFFFFEC00  }
0x11b: {  	_ =	swait.ge [sflag:s22], $0x1400  }
0x11c: {  	[sflag:s22] =	ssyncset.done $0x0  }
0x11d: {  	[sflag:s22] =	ssyncadd.s32 $0xFFFFEC00  }
0x11e: {  	[hbm4b:s11+s3] =	stream.linear.scatter [tilespmem:s24], [sflag:$0x4], $0x2800, $0x38;
	[tilespmem:$0x16800] =	vst v63  }
0x11f: {  	_ = 	snop  }
0x120: {  	[hbm4b:s12+s3] =	stream.linear.scatter [tilespmem:s29], [sflag:$0x4], $0x2800, $0x38;
	[tilespmem:$0x16800] =	vst v63  }
0x121: {  	_ =	swait.ge [sflag:s23], $0xA000  }
0x122: {  	[sflag:s23] =	ssyncset.done $0x0  }
0x123: {  	[sflag:s23] =	ssyncadd.s32 $0xFFFF6000  }
0x124: {  	_ =	swait.ge [sflag:s25], $0x2800  }
0x125: {  	[sflag:s25] =	ssyncset.done $0x0  }
0x126: {  	[sflag:s25] =	ssyncadd.s32 $0xFFFFD800  }
0x127: {  	_ =	swait.ge [sflag:s25], $0x2800  }
0x128: {  	[sflag:s25] =	ssyncset.done $0x0  }
0x129: {  	s28 =	sadd.s32 $0x1, s28;
	[sflag:s25] =	ssyncadd.s32 $0xFFFFD800  }
0x12a: {  	p0 =	sne.s32 s28, s13;
	_ =	swait.ge [sflag:s26], $0x2800  }
.Ltmp4:
0x12b: {  	[sflag:s26] =	ssyncset.done $0x0;
	(pc) =	sbr.rel @p0 .LBB2_1-.Ltmp4, $4  }
0x12c: {  	[sflag:s26] =	ssyncadd.s32 $0xFFFFD800  }
0x12d: {  	_ =	swait.ge [sflag:s26], $0x2800  }
0x12e: {  	[sflag:s26] =	ssyncset.done $0x0  }
0x12f: {  	[sflag:s26] =	ssyncadd.s32 $0xFFFFD800  }
0x130: {  	_ =	sfence.sel $0x180000  }
0x131: {  	[bflag:$0x0] =	sbarrier.arrive $0xFFFF  }
0x132: {  	_ =	strace $0x9000004D  }
0x133: {  	s0 =	stileid.u32;
	[bflag:$0x2] =	sbarrier.arrive $0xFFFF  }
0x134: {  	p0 =	sne.s32 s0, $0x0;
	s0 =	rddreg [dreg:$0x3]  }
0x135: {  	s0 =	sadd.s32 @!p0 $0x100000, s0  }
0x136: {  	[sflag:s0] =	ssyncadd.tile.s32 @!p0 $0x1;
	_ =	shalt  }
.Lfunc_end2:
_tile_overlayer_lowered:
.L_overlay_start_2:
0x137: {  	(tag) =	ssettag $0x2  }
0x138: {  	s0 =	rddreg [dreg:$0x0];
	s2 =	stileid.u32  }
0x139: {  	s1 =	rddreg [dreg:$0x1];
	p0 =	sne.s32 s2, $0x0  }
0x13a: {  	s3 =	rddreg [dreg:$0x2];
	[bflag:$0x3] =	sbarrier.arrive $0xFFFF;
	s2 =	simm.s32 @!p0 $0x1C09  }
0x13b: {  	[timem:s3], [sflag:s2] =	dma.local @!p0 [hbm:s0], s1  }
0x13c: {  	s0 =	simm.s32 @!p0 $0x9  }
0x13d: {  	_ =	swait.ge @!p0 [sflag:s0], s1  }
0x13e: {  	s1 =	ssub.s32 @!p0 $0x0, s1;
	[sflag:s0] =	ssyncset.done @!p0 $0x0  }
0x13f: {  	[sflag:s0] =	ssyncadd.s32 @!p0 s1  }
0x140: {  	[bflag:$0x3] =	sbarrier.arrive $0xFFFF  }
0x141: {  	_ =	shalt  }

// kernel: kernel.19.cloned.1.call-start
scs
__scs_entry_jumppad:
0x0: {  	(pc) =	sbr.rel $0x88, $3  }
0x1: {  	(tag) =	ssettag $0x0;
	lr =	simm.s32 $0x1  }
0x2: {  	[smem:$0x3F97] =	sst lr;
	_ =	strace $0xD0000000  }
0x3: {  	_ = 	snop  }
0x4: {  	_ = 	snop  }
0x5: {  	_ = 	snop  }
0x6: {  	_ = 	snop  }
0x7: {  	_ = 	snop  }
__scs_overlays_trampoline_lowered:
0x8: {  	[smem:$0x3FA6] =	sst s0  }
0x9: {  	[smem:$0x3FA7] =	sst s1  }
0xa: {  	[smem:$0x3FA8] =	sst s2  }
0xb: {  	[smem:$0x3FA9] =	sst s3  }
0xc: {  	[smem:$0x3FAA] =	sst s4  }
0xd: {  	[smem:$0x3FAB] =	sst s5  }
0xe: {  	[smem:$0x3FAC] =	sst s6  }
0xf: {  	[smem:$0x3FAD] =	sst s7  }
0x10: {  	[smem:$0x3FAE] =	sst s8  }
0x11: {  	[smem:$0x3FAF] =	sst s9;
	s0 =	simm.s32 @!p0 $0x0  }
0x12: {  	s1 =	sld [smem:$0x3F95];
	s0 =	simm.s32 @p0 $0x1  }
0x13: {  	[smem:$0x3FB0] =	sst s0;
	s0 =	simm.s32 @!p1 $0x0  }
0x14: {  	s2 =	sld [smem:$0x3F94];
	s0 =	simm.s32 @p1 $0x1  }
0x15: {  	[smem:$0x3FB1] =	sst s0;
	s0 =	simm.s32 @!p2 $0x0  }
0x16: {  	s3 =	sld [smem:$0x3FDB];
	s0 =	simm.s32 @p2 $0x1  }
0x17: {  	s4 =	simm.s32 $0x1BF5;
	[smem:$0x3FB3] =	sst s0  }
0x18: {  	s0 =	sld [smem:$0x3F96];
	_ =	swait.ge [sflag:s4], $0x0  }
0x19: {  	s7 =	sld [smem:$0x3F97]  }
0x1a: {  	s8 =	sadd.s32 $0xFFFFE003, lr  }
0x1b: {  	s9 =	sadd.s32 $0xFFFFFEF7, lr;
	s5 =	simm.s32 $0xFFFFFFFF;
	p2 =	slt.u32 s8, $0xFFFFF086  }
0x1c: {  	p1 =	slt.u32 s9, $0xF7A;
	s5 =	simm.s32 @!p2 $0x0  }
0x1d: {  	s5 =	simm.s32 @p1 $0x1;
	p0 =	seq.s32 s7, s2  }
0x1e: {  	s7 =	smul.u32 @!p0 $0xF7A, s2;
	p2 =	seq.s32 @!p0 s5, $0x0  }
0x1f: {  	s9 =	smul.u32 $0xF7A, s1;
	s8 =	simm.s32 @!p0 $0x1BF5;
	p2 =	por !p2, p0  }
0x20: {  	[sflag:s8] =	ssyncset.s32 @!p0 $0xFFFFF086;
	s6 =	sadd.s32 @!p0 s3, s7;
	s7 =	simm.s32 @!p0 $0x108  }
0x21: {  	s3 =	sadd.s32 s3, s9;
	s6 =	sadd.s32 @!p0 $0x88, s6;
	s7 =	simm.s32 @p2 $0x1082  }
0x22: {  	[simem:s7], [sflag:s8] =	dma.local @!p0 [hbm:s6], $0xF7A  }
0x23: {  	s9 =	sor.u32 $0xD0000000, s2;
	s6 =	simm.s32 $0x108;
	_ =	swait.ge @!p0 [sflag:s8], $0x0  }
0x24: {  	s3 =	sadd.s32 $0x88, s3;
	s6 =	simm.s32 @!p1 $0x1082;
	[sflag:s4] =	ssyncset.s32 $0xFFFFF086  }
0x25: {  	[simem:s6], [sflag:s4] =	dma.local [hbm:s3], $0xF7A  }
0x26: {  	[smem:$0x3F97] =	sst s1;
	(tag) =	ssettag s2;
	_ =	strace s9  }
0x27: {  	s1 =	sld [smem:$0x3FA7]  }
0x28: {  	s2 =	sld [smem:$0x3FA8]  }
0x29: {  	s4 =	sld [smem:$0x3FAA]  }
0x2a: {  	p0 =	seq.s32 s5, $0x0;
	s5 =	sld [smem:$0x3FAB]  }
0x2b: {  	s6 =	sld [smem:$0x3FAC]  }
0x2c: {  	s7 =	sld [smem:$0x3FAD]  }
0x2d: {  	s3 =	simm.s32 $0x108;
	s8 =	sld [smem:$0x3FAE]  }
0x2e: {  	s3 =	simm.s32 @!p0 $0x1082;
	s9 =	sld [smem:$0x3FAF]  }
0x2f: {  	lr =	sadd.s32 s0, s3;
	s0 =	sld [smem:$0x3FA6]  }
0x30: {  	s3 =	sld [smem:$0x3FA9]  }
0x31: {  	[smem:$0x3FB2] =	sst s10  }
0x32: {  	s10 =	sld [smem:$0x3FB0];
	_ =	sdelay $0x3  }
0x33: {  	p0 =	seq.s32 s10, $0x1;
	s10 =	sld [smem:$0x3FB2];
	_ =	sdelay $0x3  }
0x34: {  	[smem:$0x3FB2] =	sst s10  }
0x35: {  	s10 =	sld [smem:$0x3FB1];
	_ =	sdelay $0x3  }
0x36: {  	p1 =	seq.s32 s10, $0x1;
	s10 =	sld [smem:$0x3FB2];
	_ =	sdelay $0x3  }
0x37: {  	[smem:$0x3FB2] =	sst s10  }
0x38: {  	s10 =	sld [smem:$0x3FB3]  }
0x39: {  	_ = 	snop;
	(pc) =	sbr.ind lr, $3  }
0x3a: {  	_ = 	snop  }
0x3b: {  	_ = 	snop  }
0x3c: {  	p2 =	seq.s32 s10, $0x1;
	s10 =	sld [smem:$0x3FB2]  }
0x3d: {  	_ =	shalt  }
0x3e: {  	_ =	shalt  }
0x3f: {  	_ =	shalt  }
0x40: {  	_ =	shalt  }
0x41: {  	_ =	shalt  }
0x42: {  	_ =	shalt  }
0x43: {  	_ =	shalt  }
0x44: {  	_ =	shalt  }
0x45: {  	_ =	shalt  }
0x46: {  	_ =	shalt  }
0x47: {  	_ =	shalt  }
0x48: {  	_ =	shalt  }
0x49: {  	_ =	shalt  }
0x4a: {  	_ =	shalt  }
0x4b: {  	_ =	shalt  }
0x4c: {  	_ =	shalt  }
0x4d: {  	_ =	shalt  }
0x4e: {  	_ =	shalt  }
0x4f: {  	_ =	shalt  }
0x50: {  	_ =	shalt  }
0x51: {  	_ =	shalt  }
0x52: {  	_ =	shalt  }
0x53: {  	_ =	shalt  }
0x54: {  	_ =	shalt  }
0x55: {  	_ =	shalt  }
0x56: {  	_ =	shalt  }
0x57: {  	_ =	shalt  }
0x58: {  	_ =	shalt  }
0x59: {  	_ =	shalt  }
0x5a: {  	_ =	shalt  }
0x5b: {  	_ =	shalt  }
0x5c: {  	_ =	shalt  }
0x5d: {  	_ =	shalt  }
0x5e: {  	_ =	shalt  }
0x5f: {  	_ =	shalt  }
0x60: {  	_ =	shalt  }
0x61: {  	_ =	shalt  }
0x62: {  	_ =	shalt  }
0x63: {  	_ =	shalt  }
0x64: {  	_ =	shalt  }
0x65: {  	_ =	shalt  }
0x66: {  	_ =	shalt  }
0x67: {  	_ =	shalt  }
0x68: {  	_ =	shalt  }
0x69: {  	_ =	shalt  }
0x6a: {  	_ =	shalt  }
0x6b: {  	_ =	shalt  }
0x6c: {  	_ =	shalt  }
0x6d: {  	_ =	shalt  }
0x6e: {  	_ =	shalt  }
0x6f: {  	_ =	shalt  }
0x70: {  	_ =	shalt  }
0x71: {  	_ =	shalt  }
0x72: {  	_ =	shalt  }
0x73: {  	_ =	shalt  }
0x74: {  	_ =	shalt  }
0x75: {  	_ =	shalt  }
0x76: {  	_ =	shalt  }
0x77: {  	_ =	shalt  }
0x78: {  	_ =	shalt  }
0x79: {  	_ =	shalt  }
0x7a: {  	_ =	shalt  }
0x7b: {  	_ =	shalt  }
0x7c: {  	_ =	shalt  }
0x7d: {  	_ =	shalt  }
0x7e: {  	_ =	shalt  }
0x7f: {  	_ =	shalt  }
0x80: {  	_ =	shalt  }
0x81: {  	_ =	shalt  }
0x82: {  	_ =	shalt  }
0x83: {  	_ =	shalt  }
0x84: {  	_ =	shalt  }
0x85: {  	_ =	shalt  }
0x86: {  	_ =	shalt  }
0x87: {  	_ =	shalt  }
.Lfunc_end0:
.L_simem_size_0:
called_computation.3_lowered:
.L_overlay_start_0:
0x88: {  	s2 =	sld [smem:$0x3FD9]  }
0x89: {  	s3 =	sld [smem:$0x3FFE];
	_ =	sdelay $0x1  }
0x8a: {  	s1 =	srdreg.scid  }
0x8b: {  	s0 =	sand.u32 $0x1, s1  }
0x8c: {  	s14 =	sshll.u32 s0, $0xA;
	s2 =	sadd.s32 s3, s2  }
0x8d: {  	s2 =	sadd.s32 s2, s14  }
0x8e: {  	[smem:$0x3FBE] =	sst s2  }
0x8f: {  	_ = 	snop  }
0x90: {  	s2 =	sld [smem:$0x3FD0];
	_ =	sdelay $0x2  }
0x91: {  	s4 =	simm.s32 $0xD;
	s5 =	simm.s32 $0x10;
	s15 =	sld [smem:$0x3FC7]  }
0x92: {  	[smem:s5], [sflag:s4] =	dma.local [hbm:s2], $0x1  }
0x93: {  	_ =	swait.eq [sflag:s4], $0x1  }
0x94: {  	[sflag:s4] =	ssyncset.done $0x0  }
0x95: {  	[sflag:s4] =	ssyncadd.s32 $0xFFFFFFFF  }
0x96: {  	s16 =	sld [smem:$0x10];
	(tm) =	ssettm $0x1  }
0x97: {  	s17 =	sld [smem:$0x3FFB];
	_ =	sdelay $0x3  }
0x98: {  	_ =	strace s17  }
0x99: {  	s4 =	sld [smem:$0x3FFC];
	_ =	sdelay $0x3  }
0x9a: {  	_ =	strace s4  }
0x9b: {  	s4 =	sld [smem:$0x3FFD];
	_ =	sdelay $0x3  }
0x9c: {  	_ =	strace s4  }
0x9d: {  	_ =	strace $0x8FFFFFFF  }
0x9e: {  	s18 =	sld [smem:$0x3FDB];
	_ =	sdelay $0x1  }
0x9f: {  	s19 =	simm.s32 $_scs_section_size  }
0xa0: {  	s6 =	simm.s32 $_size__tile_overlayer_lowered;
	s7 =	simm.s32 $_tile_overlayer_lowered  }
0xa1: {  	s22 =	simm.s32 $0x1BFF;
	s21 =	sshll.u32 s7, $0x1;
	s4 =	sadd.s32 s19, s18  }
0xa2: {  	s8 =	simm.s32 $0x0;
	s20 =	sshll.u32 s6, $0x1;
	s6 =	sadd.s32 s21, s4  }
0xa3: {  	[timem:s8], [sflag:s22] =	dma.local [hbm:s6], s20  }
0xa4: {  	_ =	swait.ge [sflag:s22], s20  }
0xa5: {  	s5 =	ssub.s32 $0x0, s20;
	[sflag:s22] =	ssyncset.done $0x0  }
0xa6: {  	[sflag:s22] =	ssyncadd.s32 s5;
	_ =	sdelay $0x1  }
0xa7: {  	s23 =	simm.s32 $0x1B8B  }
0xa8: {  	_ =	swait.ge [sflag:s23], $0x1  }
0xa9: {  	[sflag:s23] =	ssyncset.done $0x0  }
0xaa: {  	s25 =	simm.s32 $0x1B8E;
	s24 =	sld [smem:$0x3FFE];
	[sflag:s23] =	ssyncadd.s32 $0xFFFFFFFF  }
0xab: {  	s26 =	simm.s32 $execute0_lowered;
	[smem:$0x3FD2] =	sst s25  }
0xac: {  	s6 =	sshll.u32 s26, $0x1;
	_ =	strace $0x80000046;
	[dreg:$0x1] =	wrdreg $0xFFFFFFFF  }
0xad: {  	s28 =	simm.s32 $_size_execute0_lowered;
	s4 =	sadd.s32 s4, s6;
	[dreg:$0x0] =	wrdreg $0x0  }
0xae: {  	s6 =	sshll.u32 s28, $0x1;
	[dreg:$0x2] =	wrdreg s4  }
0xaf: {  	[dreg:$0x3] =	wrdreg s6  }
0xb0: {  	[dreg:$0x4] =	wrdreg $0xC0  }
0xb1: {  	_ =	task [dreg:s8], $0x5FFFF  }
0xb2: {  	[dreg:$0x1] =	wrdreg $0xFFFFFFFF  }
0xb3: {  	[dreg:$0x0] =	wrdreg $0x60  }
0xb4: {  	[dreg:$0x2] =	wrdreg s16  }
0xb5: {  	[dreg:$0x3] =	wrdreg s24  }
0xb6: {  	[dreg:$0x4] =	wrdreg s15  }
0xb7: {  	[dreg:$0x5] =	wrdreg $0xC  }
0xb8: {  	_ =	task.clear_ibuf [dreg:s8], $0x6FFFF;
	_ =	strace $0x90000046  }
0xb9: {  	s29 =	simm.s32 $0xC;
	_ =	strace $0x80000048  }
0xba: {  	_ =	swait.ge [sflag:s29], $0x1  }
0xbb: {  	[sflag:s29] =	ssyncadd.s32 $0xFFFFFFFF  }
0xbc: {  	_ =	strace $0x90000048  }
0xbd: {  	_ =	sfence  }
0xbe: {  	s30 =	sld [smem:$0x0];
	_ =	sdelay $0x2  }
0xbf: {  	s31 =	sshll.u32 s1, $0xD;
	s1 =	sshrl.u32 s1, $0x2  }
0xc0: {  	s3 =	sand.u32 $0x4000, s31;
	s1 =	sadd.s32 s1, s30  }
0xc1: {  	s0 =	sor.u32 s3, s0;
	s1 =	sshll.u32 s1, $0x11  }
0xc2: {  	s0 =	sor.u32 s1, s0  }
0xc3: {  	s0 =	sadd.s32 $0x8F2B, s0  }
0xc4: {  	[sflag:s0] =	ssyncadd.remote.s32 $0x1  }
0xc5: {  	_ =	sfence.sel $0xFFFF  }
0xc6: {  	[dreg:$0x0] =	wrdreg $0xFFFFFFFF;
	(pc) =	sbr.abs _section_cstart, $3  }
0xc7: {  	[dreg:$0x1] =	wrdreg $0xFFFFFFFF  }
0xc8: {  	_ =	task.clear_ibuf [dreg:s8], $0x2FFFF;
	_ =	strace $0x9FFFFFFF  }
0xc9: {  	(tm) =	ssettm $0x7FFFFFFF  }
tec
execute0_lowered:
.L_overlay_start_1:
0x0: {  	(tag) =	ssettag $0x1  }
0x1: {  	s0 =	rddreg [dreg:$0x0]  }
0x2: {  	s1 =	rddreg [dreg:$0x1]  }
0x3: {  	s2 =	rddreg [dreg:$0x2]  }
0x4: {  	s4 =	srdreg.scid;
	s5 =	stileid.u32;
	s3 =	simm.s32 $0x0  }
0x5: {  	s16 =	simm.s32 $0x28;
	s4 =	sand.u32 $0x1, s4;
	s5 =	sshll.u32 s5, $0x1  }
0x6: {  	s17 =	simm.s32 $0x200;
	s29 =	simm.s32 $0x7A00;
	s5 =	sor.u32 s4, s5  }
0x7: {  	s15 =	simm.s32 $0xC800;
	s18 =	simm.s32 $0x1;
	s6 =	smul.u32 $0x4C0, s5  }
0x8: {  	s19 =	simm.s32 $0x7;
	s28 =	simm.s32 $0x0;
	s10 =	smul.u32 $0x2800, s5  }
0x9: {  	[smem:$0x7FF] =	sst s3;
	s7 =	sadd.s32 $0x4C00, s1;
	s13 =	smul.u32 $0x1400, s5  }
0xa: {  	s12 =	sadd.s32 $0x5E400, s1;
	s8 =	sshllo.u32 s5, $0x1;
	s14 =	smul.u32 $0xA000, s5  }
0xb: {  	s1 =	sadd.s32 $0xE400, s1;
	s4 =	ssub.s32 $0x2, s4;
	s9 =	smul.u32 $0x260, s8  }
0xc: {  	_ =	strace $0x80000047;
	s11 =	sshrl.u32 s4, $0x1;
	s22 =	smul.u32 $0x1400, s8  }
0xd: {  	s20 =	sshll.u32 s5, $0x6;
	s4 =	ssub.s32 s4, s11;
	s25 =	smul.u32 $0x5000, s8  }
0xe: {  	s0 =	sadd.s32 s0, s20;
	s26 =	smul.u32 $0xA00, s8;
	s20 =	simm.s32 $0x2A00  }
0xf: {  	[dreg:$0x4] =	wrdreg s0;
	s21 =	sadd.s32 s7, s6;
	s24 =	sshrl.u32 s14, $0x3  }
0x10: {  	s8 =	sadd.s32 s12, s13;
	s13 =	smax.u32 s4, $0x1;
	s14 =	simm.s32 $0x9  }
0x11: {  	[dreg:$0x5] =	wrdreg s21;
	s23 =	sadd.s32 s7, s9;
	s7 =	sadd.s32 s1, s10  }
0x12: {  	s9 =	sadd.s32 s12, s24;
	s30 =	sshrl.u32 s25, $0x3;
	s10 =	sadd.s32 s1, s22  }
0x13: {  	s11 =	sadd.s32 s12, s26;
	s24 =	simm.s32 $0x5200;
	s1 =	simm.s32 $0x5  }
0x14: {  	s21 =	simm.s32 $0x6;
	s22 =	simm.s32 $0x2;
	s25 =	simm.s32 $0x3  }
0x15: {  	s26 =	simm.s32 $0x4;
	[dreg:$0x6] =	wrdreg s23;
	s31 =	sadd.s32 s12, s30  }
0x16: {  	v0 =	vimm.f32 $0.0e+00;
	v1 =	vimm.f32 $1.000000000e+00;
	v2 =	vimm.f32 $-1.000000000e+00;
	s9 =	sadd.s32 $0x500, s9;
	s23 =	simm.s32 $0x8;
	s12 =	sadd.s32 $0x500, s31  }
.LBB2_1:
0x17: {  	s0 =	rddreg [dreg:$0x4]  }
0x18: {  	[tilespmem:s3], [sflag:$0x9] =	stream.linear.gather [hbm4b:s0+s3], $0x200, $0x38;
	[tilespmem:$0x16800] =	vst v63  }
0x19: {  	_ =	swait.ge [sflag:s14], $0x200  }
0x1a: {  	[sflag:s14] =	ssyncset.done $0x0  }
0x1b: {  	s4 =	simm.s32 $0xA200;
	s5 =	rddreg [dreg:$0x5];
	[sflag:s14] =	ssyncadd.s32 $0xFFFFFE00  }
0x1c: {  	[tilespmem:s4], [sflag:$0x5] =	stream.linear.gather [hbm4b:s5+s3], $0x1300, $0x38;
	[tilespmem:$0x16800] =	vst v63  }
0x1d: {  	_ = 	snop  }
0x1e: {  	[tilespmem:s17], [sflag:$0x1] =	stream.indirect.gather [hbm4b:s2+s16], $0x80, s3, s16, $0xb8;
	[tilespmem:$0x16800] =	vst v63  }
0x1f: {  	s6 =	simm.s32 $0x1600  }
0x20: {  	[tilespmem:s6], [sflag:$0x1] =	stream.indirect.gather [hbm4b:s2+s16], $0x80, s16, s16, $0xb8;
	[tilespmem:$0x16800] =	vst v63  }
0x21: {  	s4 =	simm.s32 $0x80  }
0x22: {  	[tilespmem:s20], [sflag:$0x1] =	stream.indirect.gather [hbm4b:s2+s16], $0x80, s4, s16, $0xb8;
	[tilespmem:$0x16800] =	vst v63  }
0x23: {  	s5 =	simm.s32 $0xA8;
	s6 =	simm.s32 $0x3E00  }
0x24: {  	[tilespmem:s6], [sflag:$0x1] =	stream.indirect.gather [hbm4b:s2+s16], $0x80, s5, s16, $0xb8;
	[tilespmem:$0x16800] =	vst v63  }
0x25: {  	s4 =	simm.s32 $0x100  }
0x26: {  	[tilespmem:s24], [sflag:$0x2] =	stream.indirect.gather [hbm4b:s2+s16], $0x80, s4, s16, $0xb8;
	[tilespmem:$0x16800] =	vst v63  }
0x27: {  	s5 =	simm.s32 $0x128;
	s6 =	simm.s32 $0x6600  }
0x28: {  	[tilespmem:s6], [sflag:$0x2] =	stream.indirect.gather [hbm4b:s2+s16], $0x80, s5, s16, $0xb8;
	[tilespmem:$0x16800] =	vst v63  }
0x29: {  	s4 =	simm.s32 $0x180  }
0x2a: {  	[tilespmem:s29], [sflag:$0x2] =	stream.indirect.gather [hbm4b:s2+s16], $0x80, s4, s16, $0xb8;
	[tilespmem:$0x16800] =	vst v63  }
0x2b: {  	s5 =	simm.s32 $0x1A8;
	s6 =	simm.s32 $0x8E00  }
0x2c: {  	[tilespmem:s6], [sflag:$0x2] =	stream.indirect.gather [hbm4b:s2+s16], $0x80, s5, s16, $0xb8;
	[tilespmem:$0x16800] =	vst v63  }
0x2d: {  	s5 =	sand.u32 $0xF800, s3;
	s6 =	sand.u32 $0x300, s3  }
0x2e: {  	s0 =	sor.u32 s6, s5  }
0x2f: {  	[tilespmem:s0+$0xCC90] =	vst v0  }
0x30: {  	[tilespmem:s0+$0xC800] =	vst v0  }
0x31: {  	[tilespmem:s0+$0xC810] =	vst v0  }
0x32: {  	[tilespmem:s0+$0xC820] =	vst v0  }
0x33: {  	[tilespmem:s0+$0xC830] =	vst v0  }
0x34: {  	[tilespmem:s0+$0xC840] =	vst v0  }
0x35: {  	[tilespmem:s0+$0xC850] =	vst v0  }
0x36: {  	[tilespmem:s0+$0xC860] =	vst v0  }
0x37: {  	[tilespmem:s0+$0xC870] =	vst v0  }
0x38: {  	[tilespmem:s0+$0xCC00] =	vst v0  }
0x39: {  	[tilespmem:s0+$0xCC10] =	vst v0  }
0x3a: {  	[tilespmem:s0+$0xC880] =	vst v0  }
0x3b: {  	[tilespmem:s0+$0xC890] =	vst v0  }
0x3c: {  	[tilespmem:s0+$0xC8A0] =	vst v0  }
0x3d: {  	[tilespmem:s0+$0xC8B0] =	vst v0  }
0x3e: {  	[tilespmem:s0+$0xC8C0] =	vst v0  }
0x3f: {  	[tilespmem:s0+$0xC8D0] =	vst v0  }
0x40: {  	s30 =	simm.s32 $0x0;
	s31 =	simm.s32 $0x100;
	s4 =	simm.s32 $0x200;
	[tilespmem:s0+$0xC8E0] =	vst v0  }
.LBB2_2:
0x41: {  	s5 =	sand.u32 $0xF800, s4;
	s6 =	sand.u32 $0x300, s31;
	s30 =	sadd.s32 $0x2, s30;
	[tilespmem:s0+$0xC8F0] =	vst v0  }
0x42: {  	p0 =	slt.u32 s30, $0x9E;
	[tilespmem:s0+$0xCC80] =	vst v0;
	s0 =	sor.u32 s6, s5  }
0x43: {  	[tilespmem:s0+$0xCC90] =	vst v0  }
0x44: {  	[tilespmem:s0+$0xC800] =	vst v0  }
0x45: {  	[tilespmem:s0+$0xC810] =	vst v0  }
0x46: {  	[tilespmem:s0+$0xC820] =	vst v0  }
0x47: {  	[tilespmem:s0+$0xC830] =	vst v0  }
0x48: {  	[tilespmem:s0+$0xC840] =	vst v0  }
0x49: {  	[tilespmem:s0+$0xC850] =	vst v0  }
0x4a: {  	[tilespmem:s0+$0xC860] =	vst v0  }
0x4b: {  	[tilespmem:s0+$0xC870] =	vst v0  }
0x4c: {  	[tilespmem:s0+$0xCC00] =	vst v0  }
0x4d: {  	[tilespmem:s0+$0xCC10] =	vst v0  }
0x4e: {  	[tilespmem:s0+$0xC880] =	vst v0  }
0x4f: {  	[tilespmem:s0+$0xC890] =	vst v0  }
.Ltmp0:
0x50: {  	[tilespmem:s0+$0xC8A0] =	vst v0;
	(pc) =	sbr.rel @p0 .LBB2_2-.Ltmp0, $4  }
0x51: {  	[tilespmem:s0+$0xC8B0] =	vst v0  }
0x52: {  	[tilespmem:s0+$0xC8C0] =	vst v0  }
0x53: {  	[tilespmem:s0+$0xC8D0] =	vst v0  }
0x54: {  	s31 =	sadd.s32 $0x100, s31;
	s4 =	sadd.s32 $0x200, s4;
	[tilespmem:s0+$0xC8E0] =	vst v0  }
0x55: {  	[tilespmem:s0+$0xC8F0] =	vst v0  }
0x56: {  	[tilespmem:s0+$0xCC80] =	vst v0;
	s30 =	simm.s32 $0x0;
	s6 =	rddreg [dreg:$0x6];
	s4 =	simm.s32 $0xB500  }
0x57: {  	[tilespmem:s4], [sflag:$0x6] =	stream.linear.gather [hbm4b:s6+s30], $0x1300, $0x38;
	[tilespmem:$0x16800] =	vst v63  }
0x58: {  	_ =	swait.ge [sflag:s1], $0x1300  }
0x59: {  	[sflag:s1] =	ssyncset.done $0x0  }
0x5a: {  	s31 =	simm.s32 $0xFFFFFFFB;
	s0 =	simm.s32 $0x40;
	[sflag:s1] =	ssyncadd.s32 $0xFFFFED00  }
.LBB2_4:
0x5b: {  	s4 =	sadd.s32 $0xFFFFFFC0, s0  }
0x5c: {  	s5 =	sand.u32 $0x1F00, s30;
	s4 =	sand.u32 $0x70, s4  }
0x5d: {  	s4 =	sor.u32 s4, s5  }
0x5e: {  	v3 =	vld [tilespmem:s4+$0xA200]  }
0x5f: {  	v4 =	vld [tilespmem:s4+$0xA280];
	_ =	sdelay $0x4  }
0x60: {  	v5 =	vshll.u32 v4, $0x8;
	v6 =	vshll.u32 v3, $0x3  }
0x61: {  	v4 =	vshll.u32 v4, $0x7;
	v5 =	vand.u32 $0xFFFFF800, v5;
	v6 =	vand.u32 $0xFFFFFC00, v6  }
0x62: {  	v4 =	vand.u32 $0x380, v4;
	v5 =	vadd.s32 v6, v5  }
0x63: {  	v3 =	vand.u32 $0x7F, v3;
	v4 =	vor.u32 v4, v5  }
0x64: {  	v3 =	vor.u32 v3, v4;
	_ =	sdelay $0x2  }
0x65: {  	s6 =	sadd.s32 $0x20, s30;
	s5 =	sadd.s32 $0xFFFFFFD0, s0  }
0x66: {  	s4 =	sand.u32 $0x70, s5;
	s5 =	sand.u32 $0x3F00, s6  }
0x67: {  	s4 =	sor.u32 s4, s5;
	[tilespmem:v3+s15+$0x0] =	vst.idx.add.f32.msk $0xffff, v1  }
0x68: {  	v3 =	vld [tilespmem:s4+$0xA200]  }
0x69: {  	v52 =	vld [tilespmem:s4+$0xA280];
	_ =	sdelay $0x4  }
0x6a: {  	v53 =	vshll.u32 v52, $0x8;
	v54 =	vshll.u32 v3, $0x3  }
0x6b: {  	v4 =	vshll.u32 v52, $0x7;
	v5 =	vand.u32 $0xFFFFF800, v53;
	v6 =	vand.u32 $0xFFFFFC00, v54  }
0x6c: {  	v4 =	vand.u32 $0x380, v4;
	v5 =	vadd.s32 v6, v5  }
0x6d: {  	v3 =	vand.u32 $0x7F, v3;
	v4 =	vor.u32 v4, v5  }
0x6e: {  	v3 =	vor.u32 v3, v4;
	_ =	sdelay $0x2  }
0x6f: {  	s6 =	sadd.s32 $0x40, s30;
	s5 =	sadd.s32 $0xFFFFFFE0, s0  }
0x70: {  	s4 =	sand.u32 $0x70, s5;
	s5 =	sand.u32 $0x3F00, s6  }
0x71: {  	s4 =	sor.u32 s4, s5;
	[tilespmem:v3+s15+$0x0] =	vst.idx.add.f32.msk $0xffff, v1  }
0x72: {  	v3 =	vld [tilespmem:s4+$0xA200]  }
0x73: {  	v55 =	vld [tilespmem:s4+$0xA280];
	_ =	sdelay $0x4  }
0x74: {  	v56 =	vshll.u32 v55, $0x8;
	v57 =	vshll.u32 v3, $0x3  }
0x75: {  	v4 =	vshll.u32 v55, $0x7;
	v5 =	vand.u32 $0xFFFFF800, v56;
	v6 =	vand.u32 $0xFFFFFC00, v57  }
0x76: {  	v4 =	vand.u32 $0x380, v4;
	v5 =	vadd.s32 v6, v5  }
0x77: {  	v3 =	vand.u32 $0x7F, v3;
	v4 =	vor.u32 v4, v5  }
0x78: {  	v3 =	vor.u32 v3, v4;
	_ =	sdelay $0x2  }
0x79: {  	s6 =	sadd.s32 $0x60, s30;
	s5 =	sadd.s32 $0xFFFFFFF0, s0  }
0x7a: {  	s4 =	sand.u32 $0x70, s5;
	s5 =	sand.u32 $0x3F00, s6  }
0x7b: {  	s4 =	sor.u32 s4, s5;
	[tilespmem:v3+s15+$0x0] =	vst.idx.add.f32.msk $0xffff, v1  }
0x7c: {  	v3 =	vld [tilespmem:s4+$0xA200]  }
0x7d: {  	v58 =	vld [tilespmem:s4+$0xA280];
	_ =	sdelay $0x4  }
0x7e: {  	v59 =	vshll.u32 v58, $0x8;
	v60 =	vshll.u32 v3, $0x3  }
0x7f: {  	v4 =	vshll.u32 v58, $0x7;
	v5 =	vand.u32 $0xFFFFF800, v59;
	v6 =	vand.u32 $0xFFFFFC00, v60  }
0x80: {  	v4 =	vand.u32 $0x380, v4;
	v5 =	vadd.s32 v6, v5  }
0x81: {  	v3 =	vand.u32 $0x7F, v3;
	v4 =	vor.u32 v4, v5  }
0x82: {  	v3 =	vor.u32 v3, v4;
	_ =	sdelay $0x2  }
0x83: {  	s5 =	sadd.s32 $0x80, s30  }
0x84: {  	s6 =	sand.u32 $0x70, s0;
	s4 =	sand.u32 $0x3F00, s5  }
0x85: {  	s4 =	sor.u32 s6, s4;
	[tilespmem:v3+s15+$0x0] =	vst.idx.add.f32.msk $0xffff, v1  }
0x86: {  	v3 =	vld [tilespmem:s4+$0xA200]  }
0x87: {  	v61 =	vld [tilespmem:s4+$0xA280];
	_ =	sdelay $0x4  }
0x88: {  	v62 =	vshll.u32 v61, $0x8;
	v63 =	vshll.u32 v3, $0x3  }
0x89: {  	v4 =	vshll.u32 v61, $0x7;
	v5 =	vand.u32 $0xFFFFF800, v62;
	v6 =	vand.u32 $0xFFFFFC00, v63  }
0x8a: {  	v4 =	vand.u32 $0x380, v4;
	v5 =	vadd.s32 v6, v5  }
0x8b: {  	s31 =	sadd.s32 $0x5, s31;
	v3 =	vand.u32 $0x7F, v3;
	v4 =	vor.u32 v4, v5  }
0x8c: {  	p0 =	slt.u32 s31, $0x91;
	v3 =	vor.u32 v3, v4  }
.Ltmp1:
0x8d: {  	_ = 	snop;
	(pc) =	sbr.rel @p0 .LBB2_4-.Ltmp1, $2  }
0x8e: {  	_ =	sdelay $0x2  }
0x8f: {  	s0 =	sadd.s32 $0x50, s0;
	s30 =	sadd.s32 $0xA0, s30;
	[tilespmem:v3+s15+$0x0] =	vst.idx.add.f32.msk $0xffff, v1  }
0x90: {  	s30 =	simm.s32 $0x0  }
0x91: {  	[hbm4b:s7+s30] =	stream.linear.scatter [tilespmem:s15], [sflag:$0x7], $0xA000, $0x38;
	[tilespmem:$0x16800] =	vst v63  }
0x92: {  	_ =	swait.ge [sflag:s18], $0x1400  }
0x93: {  	[sflag:s18] =	ssyncset.done $0x0  }
0x94: {  	[sflag:s18] =	ssyncadd.s32 $0xFFFFEC00  }
0x95: {  	_ =	swait.ge [sflag:s18], $0x1400  }
0x96: {  	[sflag:s18] =	ssyncset.done $0x0  }
0x97: {  	[sflag:s18] =	ssyncadd.s32 $0xFFFFEC00  }
0x98: {  	_ =	swait.ge [sflag:s18], $0x1400  }
0x99: {  	[sflag:s18] =	ssyncset.done $0x0  }
0x9a: {  	[sflag:s18] =	ssyncadd.s32 $0xFFFFEC00  }
0x9b: {  	_ =	swait.ge [sflag:s18], $0x1400  }
0x9c: {  	[sflag:s18] =	ssyncset.done $0x0  }
0x9d: {  	[sflag:s18] =	ssyncadd.s32 $0xFFFFEC00  }
0x9e: {  	[hbm4b:s8+s30] =	stream.linear.scatter [tilespmem:s17], [sflag:$0x3], $0x2800, $0x38;
	[tilespmem:$0x16800] =	vst v63  }
0x9f: {  	_ = 	snop  }
0xa0: {  	[hbm4b:s9+s30] =	stream.linear.scatter [tilespmem:s20], [sflag:$0x3], $0x2800, $0x38;
	[tilespmem:$0x16800] =	vst v63  }
0xa1: {  	_ =	swait.ge [sflag:s19], $0xA000  }
0xa2: {  	[sflag:s19] =	ssyncset.done $0x0  }
0xa3: {  	s31 =	simm.s32 $0xFFFFFFFB;
	s0 =	simm.s32 $0x40;
	[sflag:s19] =	ssyncadd.s32 $0xFFFF6000  }
.LBB2_6:
0xa4: {  	s4 =	sadd.s32 $0xFFFFFFC0, s0  }
0xa5: {  	s5 =	sand.u32 $0x1F00, s30;
	s4 =	sand.u32 $0x70, s4  }
0xa6: {  	s4 =	sor.u32 s4, s5  }
0xa7: {  	v3 =	vld [tilespmem:s4+$0xA200]  }
0xa8: {  	v4 =	vld [tilespmem:s4+$0xA280];
	_ =	sdelay $0x4  }
0xa9: {  	v5 =	vshll.u32 v4, $0x8;
	v6 =	vshll.u32 v3, $0x3  }
0xaa: {  	v4 =	vshll.u32 v4, $0x7;
	v5 =	vand.u32 $0xFFFFF800, v5;
	v6 =	vand.u32 $0xFFFFFC00, v6  }
0xab: {  	v4 =	vand.u32 $0x380, v4;
	v5 =	vadd.s32 v6, v5  }
0xac: {  	v3 =	vand.u32 $0x7F, v3;
	v4 =	vor.u32 v4, v5  }
0xad: {  	v3 =	vor.u32 v3, v4;
	_ =	sdelay $0x2  }
0xae: {  	s6 =	sadd.s32 $0x20, s30;
	s5 =	sadd.s32 $0xFFFFFFD0, s0  }
0xaf: {  	s4 =	sand.u32 $0x70, s5;
	s5 =	sand.u32 $0x3F00, s6  }
0xb0: {  	s4 =	sor.u32 s4, s5;
	[tilespmem:v3+s15+$0x0] =	vst.idx.add.f32.msk $0xffff, v2  }
0xb1: {  	v3 =	vld [tilespmem:s4+$0xA200]  }
0xb2: {  	v52 =	vld [tilespmem:s4+$0xA280];
	_ =	sdelay $0x4  }
0xb3: {  	v53 =	vshll.u32 v52, $0x8;
	v54 =	vshll.u32 v3, $0x3  }
0xb4: {  	v4 =	vshll.u32 v52, $0x7;
	v5 =	vand.u32 $0xFFFFF800, v53;
	v6 =	vand.u32 $0xFFFFFC00, v54  }
0xb5: {  	v4 =	vand.u32 $0x380, v4;
	v5 =	vadd.s32 v6, v5  }
0xb6: {  	v3 =	vand.u32 $0x7F, v3;
	v4 =	vor.u32 v4, v5  }
0xb7: {  	v3 =	vor.u32 v3, v4;
	_ =	sdelay $0x2  }
0xb8: {  	s6 =	sadd.s32 $0x40, s30;
	s5 =	sadd.s32 $0xFFFFFFE0, s0  }
0xb9: {  	s4 =	sand.u32 $0x70, s5;
	s5 =	sand.u32 $0x3F00, s6  }
0xba: {  	s4 =	sor.u32 s4, s5;
	[tilespmem:v3+s15+$0x0] =	vst.idx.add.f32.msk $0xffff, v2  }
0xbb: {  	v3 =	vld [tilespmem:s4+$0xA200]  }
0xbc: {  	v55 =	vld [tilespmem:s4+$0xA280];
	_ =	sdelay $0x4  }
0xbd: {  	v56 =	vshll.u32 v55, $0x8;
	v57 =	vshll.u32 v3, $0x3  }
0xbe: {  	v4 =	vshll.u32 v55, $0x7;
	v5 =	vand.u32 $0xFFFFF800, v56;
	v6 =	vand.u32 $0xFFFFFC00, v57  }
0xbf: {  	v4 =	vand.u32 $0x380, v4;
	v5 =	vadd.s32 v6, v5  }
0xc0: {  	v3 =	vand.u32 $0x7F, v3;
	v4 =	vor.u32 v4, v5  }
0xc1: {  	v3 =	vor.u32 v3, v4;
	_ =	sdelay $0x2  }
0xc2: {  	s6 =	sadd.s32 $0x60, s30;
	s5 =	sadd.s32 $0xFFFFFFF0, s0  }
0xc3: {  	s4 =	sand.u32 $0x70, s5;
	s5 =	sand.u32 $0x3F00, s6  }
0xc4: {  	s4 =	sor.u32 s4, s5;
	[tilespmem:v3+s15+$0x0] =	vst.idx.add.f32.msk $0xffff, v2  }
0xc5: {  	v3 =	vld [tilespmem:s4+$0xA200]  }
0xc6: {  	v58 =	vld [tilespmem:s4+$0xA280];
	_ =	sdelay $0x4  }
0xc7: {  	v59 =	vshll.u32 v58, $0x8;
	v60 =	vshll.u32 v3, $0x3  }
0xc8: {  	v4 =	vshll.u32 v58, $0x7;
	v5 =	vand.u32 $0xFFFFF800, v59;
	v6 =	vand.u32 $0xFFFFFC00, v60  }
0xc9: {  	v4 =	vand.u32 $0x380, v4;
	v5 =	vadd.s32 v6, v5  }
0xca: {  	v3 =	vand.u32 $0x7F, v3;
	v4 =	vor.u32 v4, v5  }
0xcb: {  	v3 =	vor.u32 v3, v4;
	_ =	sdelay $0x2  }
0xcc: {  	s5 =	sadd.s32 $0x80, s30  }
0xcd: {  	s6 =	sand.u32 $0x70, s0;
	s4 =	sand.u32 $0x3F00, s5  }
0xce: {  	s4 =	sor.u32 s6, s4;
	[tilespmem:v3+s15+$0x0] =	vst.idx.add.f32.msk $0xffff, v2  }
0xcf: {  	v3 =	vld [tilespmem:s4+$0xA200]  }
0xd0: {  	v61 =	vld [tilespmem:s4+$0xA280];
	_ =	sdelay $0x4  }
0xd1: {  	v62 =	vshll.u32 v61, $0x8;
	v63 =	vshll.u32 v3, $0x3  }
0xd2: {  	v4 =	vshll.u32 v61, $0x7;
	v5 =	vand.u32 $0xFFFFF800, v62;
	v6 =	vand.u32 $0xFFFFFC00, v63  }
0xd3: {  	v4 =	vand.u32 $0x380, v4;
	v5 =	vadd.s32 v6, v5  }
0xd4: {  	s31 =	sadd.s32 $0x5, s31;
	v3 =	vand.u32 $0x7F, v3;
	v4 =	vor.u32 v4, v5  }
0xd5: {  	p0 =	slt.u32 s31, $0x91;
	v3 =	vor.u32 v3, v4  }
.Ltmp2:
0xd6: {  	_ = 	snop;
	(pc) =	sbr.rel @p0 .LBB2_6-.Ltmp2, $2  }
0xd7: {  	_ =	sdelay $0x2  }
0xd8: {  	s0 =	sadd.s32 $0x50, s0;
	s30 =	sadd.s32 $0xA0, s30;
	[tilespmem:v3+s15+$0x0] =	vst.idx.add.f32.msk $0xffff, v2  }
0xd9: {  	_ =	swait.ge [sflag:s21], $0x1300  }
0xda: {  	s30 =	simm.s32 $0xFFFFFFFB;
	[sflag:s21] =	ssyncset.done $0x0  }
0xdb: {  	s31 =	simm.s32 $0x0;
	s0 =	simm.s32 $0x40;
	[sflag:s21] =	ssyncadd.s32 $0xFFFFED00  }
.LBB2_8:
0xdc: {  	s4 =	sadd.s32 $0xFFFFFFC0, s0  }
0xdd: {  	s5 =	sand.u32 $0x1F00, s31;
	s4 =	sand.u32 $0x70, s4  }
0xde: {  	s4 =	sor.u32 s4, s5  }
0xdf: {  	v3 =	vld [tilespmem:s4+$0xB500]  }
0xe0: {  	v4 =	vld [tilespmem:s4+$0xB580];
	_ =	sdelay $0x4  }
0xe1: {  	v5 =	vshll.u32 v4, $0x8;
	v6 =	vshll.u32 v3, $0x3  }
0xe2: {  	v4 =	vshll.u32 v4, $0x7;
	v5 =	vand.u32 $0xFFFFF800, v5;
	v6 =	vand.u32 $0xFFFFFC00, v6  }
0xe3: {  	v4 =	vand.u32 $0x380, v4;
	v5 =	vadd.s32 v6, v5  }
0xe4: {  	v3 =	vand.u32 $0x7F, v3;
	v4 =	vor.u32 v4, v5  }
0xe5: {  	v3 =	vor.u32 v3, v4;
	_ =	sdelay $0x2  }
0xe6: {  	s6 =	sadd.s32 $0x20, s31;
	s5 =	sadd.s32 $0xFFFFFFD0, s0  }
0xe7: {  	s4 =	sand.u32 $0x70, s5;
	s5 =	sand.u32 $0x3F00, s6  }
0xe8: {  	s4 =	sor.u32 s4, s5;
	[tilespmem:v3+s15+$0x0] =	vst.idx.add.f32.msk $0xffff, v1  }
0xe9: {  	v3 =	vld [tilespmem:s4+$0xB500]  }
0xea: {  	v52 =	vld [tilespmem:s4+$0xB580];
	_ =	sdelay $0x4  }
0xeb: {  	v53 =	vshll.u32 v52, $0x8;
	v54 =	vshll.u32 v3, $0x3  }
0xec: {  	v4 =	vshll.u32 v52, $0x7;
	v5 =	vand.u32 $0xFFFFF800, v53;
	v6 =	vand.u32 $0xFFFFFC00, v54  }
0xed: {  	v4 =	vand.u32 $0x380, v4;
	v5 =	vadd.s32 v6, v5  }
0xee: {  	v3 =	vand.u32 $0x7F, v3;
	v4 =	vor.u32 v4, v5  }
0xef: {  	v3 =	vor.u32 v3, v4;
	_ =	sdelay $0x2  }
0xf0: {  	s6 =	sadd.s32 $0x40, s31;
	s5 =	sadd.s32 $0xFFFFFFE0, s0  }
0xf1: {  	s4 =	sand.u32 $0x70, s5;
	s5 =	sand.u32 $0x3F00, s6  }
0xf2: {  	s4 =	sor.u32 s4, s5;
	[tilespmem:v3+s15+$0x0] =	vst.idx.add.f32.msk $0xffff, v1  }
0xf3: {  	v3 =	vld [tilespmem:s4+$0xB500]  }
0xf4: {  	v55 =	vld [tilespmem:s4+$0xB580];
	_ =	sdelay $0x4  }
0xf5: {  	v56 =	vshll.u32 v55, $0x8;
	v57 =	vshll.u32 v3, $0x3  }
0xf6: {  	v4 =	vshll.u32 v55, $0x7;
	v5 =	vand.u32 $0xFFFFF800, v56;
	v6 =	vand.u32 $0xFFFFFC00, v57  }
0xf7: {  	v4 =	vand.u32 $0x380, v4;
	v5 =	vadd.s32 v6, v5  }
0xf8: {  	v3 =	vand.u32 $0x7F, v3;
	v4 =	vor.u32 v4, v5  }
0xf9: {  	v3 =	vor.u32 v3, v4;
	_ =	sdelay $0x2  }
0xfa: {  	s6 =	sadd.s32 $0x60, s31;
	s5 =	sadd.s32 $0xFFFFFFF0, s0  }
0xfb: {  	s4 =	sand.u32 $0x70, s5;
	s5 =	sand.u32 $0x3F00, s6  }
0xfc: {  	s4 =	sor.u32 s4, s5;
	[tilespmem:v3+s15+$0x0] =	vst.idx.add.f32.msk $0xffff, v1  }
0xfd: {  	v3 =	vld [tilespmem:s4+$0xB500]  }
0xfe: {  	v58 =	vld [tilespmem:s4+$0xB580];
	_ =	sdelay $0x4  }
0xff: {  	v59 =	vshll.u32 v58, $0x8;
	v60 =	vshll.u32 v3, $0x3  }
0x100: {  	v4 =	vshll.u32 v58, $0x7;
	v5 =	vand.u32 $0xFFFFF800, v59;
	v6 =	vand.u32 $0xFFFFFC00, v60  }
0x101: {  	v4 =	vand.u32 $0x380, v4;
	v5 =	vadd.s32 v6, v5  }
0x102: {  	v3 =	vand.u32 $0x7F, v3;
	v4 =	vor.u32 v4, v5  }
0x103: {  	v3 =	vor.u32 v3, v4;
	_ =	sdelay $0x2  }
0x104: {  	s5 =	sadd.s32 $0x80, s31  }
0x105: {  	s6 =	sand.u32 $0x70, s0;
	s4 =	sand.u32 $0x3F00, s5  }
0x106: {  	s4 =	sor.u32 s6, s4;
	[tilespmem:v3+s15+$0x0] =	vst.idx.add.f32.msk $0xffff, v1  }
0x107: {  	v3 =	vld [tilespmem:s4+$0xB500]  }
0x108: {  	v61 =	vld [tilespmem:s4+$0xB580];
	_ =	sdelay $0x4  }
0x109: {  	v62 =	vshll.u32 v61, $0x8;
	v63 =	vshll.u32 v3, $0x3  }
0x10a: {  	v4 =	vshll.u32 v61, $0x7;
	v5 =	vand.u32 $0xFFFFF800, v62;
	v6 =	vand.u32 $0xFFFFFC00, v63  }
0x10b: {  	v4 =	vand.u32 $0x380, v4;
	v5 =	vadd.s32 v6, v5  }
0x10c: {  	s30 =	sadd.s32 $0x5, s30;
	v3 =	vand.u32 $0x7F, v3;
	v4 =	vor.u32 v4, v5  }
0x10d: {  	p0 =	slt.u32 s30, $0x91;
	v3 =	vor.u32 v3, v4  }
.Ltmp3:
0x10e: {  	_ = 	snop;
	(pc) =	sbr.rel @p0 .LBB2_8-.Ltmp3, $2  }
0x10f: {  	_ =	sdelay $0x2  }
0x110: {  	s0 =	sadd.s32 $0x50, s0;
	s31 =	sadd.s32 $0xA0, s31;
	[tilespmem:v3+s15+$0x0] =	vst.idx.add.f32.msk $0xffff, v1  }
0x111: {  	[hbm4b:s10+s3] =	stream.linear.scatter [tilespmem:s15], [sflag:$0x8], $0xA000, $0x38;
	[tilespmem:$0x16800] =	vst v63  }
0x112: {  	_ =	swait.ge [sflag:s22], $0x1400  }
0x113: {  	[sflag:s22] =	ssyncset.done $0x0  }
0x114: {  	[sflag:s22] =	ssyncadd.s32 $0xFFFFEC00  }
0x115: {  	_ =	swait.ge [sflag:s22], $0x1400  }
0x116: {  	[sflag:s22] =	ssyncset.done $0x0  }
0x117: {  	[sflag:s22] =	ssyncadd.s32 $0xFFFFEC00  }
0x118: {  	_ =	swait.ge [sflag:s22], $0x1400  }
0x119: {  	[sflag:s22] =	ssyncset.done $0x0  }
0x11a: {  	[sflag:s22] =	ssyncadd.s32 $0xFFFFEC00  }
0x11b: {  	_ =	swait.ge [sflag:s22], $0x1400  }
0x11c: {  	[sflag:s22] =	ssyncset.done $0x0  }
0x11d: {  	[sflag:s22] =	ssyncadd.s32 $0xFFFFEC00  }
0x11e: {  	[hbm4b:s11+s3] =	stream.linear.scatter [tilespmem:s24], [sflag:$0x4], $0x2800, $0x38;
	[tilespmem:$0x16800] =	vst v63  }
0x11f: {  	_ = 	snop  }
0x120: {  	[hbm4b:s12+s3] =	stream.linear.scatter [tilespmem:s29], [sflag:$0x4], $0x2800, $0x38;
	[tilespmem:$0x16800] =	vst v63  }
0x121: {  	_ =	swait.ge [sflag:s23], $0xA000  }
0x122: {  	[sflag:s23] =	ssyncset.done $0x0  }
0x123: {  	[sflag:s23] =	ssyncadd.s32 $0xFFFF6000  }
0x124: {  	_ =	swait.ge [sflag:s25], $0x2800  }
0x125: {  	[sflag:s25] =	ssyncset.done $0x0  }
0x126: {  	[sflag:s25] =	ssyncadd.s32 $0xFFFFD800  }
0x127: {  	_ =	swait.ge [sflag:s25], $0x2800  }
0x128: {  	[sflag:s25] =	ssyncset.done $0x0  }
0x129: {  	s28 =	sadd.s32 $0x1, s28;
	[sflag:s25] =	ssyncadd.s32 $0xFFFFD800  }
0x12a: {  	p0 =	sne.s32 s28, s13;
	_ =	swait.ge [sflag:s26], $0x2800  }
.Ltmp4:
0x12b: {  	[sflag:s26] =	ssyncset.done $0x0;
	(pc) =	sbr.rel @p0 .LBB2_1-.Ltmp4, $4  }
0x12c: {  	[sflag:s26] =	ssyncadd.s32 $0xFFFFD800  }
0x12d: {  	_ =	swait.ge [sflag:s26], $0x2800  }
0x12e: {  	[sflag:s26] =	ssyncset.done $0x0  }
0x12f: {  	[sflag:s26] =	ssyncadd.s32 $0xFFFFD800  }
0x130: {  	_ =	sfence.sel $0x180000  }
0x131: {  	[bflag:$0x0] =	sbarrier.arrive $0xFFFF  }
0x132: {  	_ =	strace $0x90000047  }
0x133: {  	s0 =	stileid.u32;
	[bflag:$0x2] =	sbarrier.arrive $0xFFFF  }
0x134: {  	p0 =	sne.s32 s0, $0x0;
	s0 =	rddreg [dreg:$0x3]  }
0x135: {  	s0 =	sadd.s32 @!p0 $0x100000, s0  }
0x136: {  	[sflag:s0] =	ssyncadd.tile.s32 @!p0 $0x1;
	_ =	shalt  }
.Lfunc_end2:
_tile_overlayer_lowered:
.L_overlay_start_2:
0x137: {  	(tag) =	ssettag $0x2  }
0x138: {  	s0 =	rddreg [dreg:$0x0];
	s2 =	stileid.u32  }
0x139: {  	s1 =	rddreg [dreg:$0x1];
	p0 =	sne.s32 s2, $0x0  }
0x13a: {  	s3 =	rddreg [dreg:$0x2];
	[bflag:$0x3] =	sbarrier.arrive $0xFFFF;
	s2 =	simm.s32 @!p0 $0x1C09  }
0x13b: {  	[timem:s3], [sflag:s2] =	dma.local @!p0 [hbm:s0], s1  }
0x13c: {  	s0 =	simm.s32 @!p0 $0x9  }
0x13d: {  	_ =	swait.ge @!p0 [sflag:s0], s1  }
0x13e: {  	s1 =	ssub.s32 @!p0 $0x0, s1;
	[sflag:s0] =	ssyncset.done @!p0 $0x0  }
0x13f: {  	[sflag:s0] =	ssyncadd.s32 @!p0 s1  }
0x140: {  	[bflag:$0x3] =	sbarrier.arrive $0xFFFF  }
0x141: {  	_ =	shalt  }

</sc_bundles>
